<compile_context>
chip_gen: v7x
topology: tpu7x:2x2x1
jax: 0.10.2.dev20260603
libtpu: 0.0.44.dev20260713+nightly
codegen_flags: <defaults>
</compile_context>

<pallas_src>
import functools

import jax
import jax.numpy as jnp
from jax import lax
from jax.experimental import pallas as pl
from jax.experimental.pallas import tpu as pltpu
from jax.experimental.pallas import tpu_sc as plsc

_KB = 4000


def _topk_body(nsteps, n_keys, d, q_ref, f_ref, sel_ref, maxv_ref, maxi_ref,
               offrep_ref):
    j = pl.program_id(0)
    per_row = 128 // d
    planes = [
        lax.dot_general(
            q_ref[:], f_ref[:, d * p:d * (p + 1)],
            dimension_numbers=(((1,), (1,)), ((), ())),
            preferred_element_type=jnp.float32)
        for p in range(per_row)
    ]
    bmax = planes[0]
    for s in planes[1:]:
        bmax = jnp.maximum(bmax, s)
    bmax = jnp.max(bmax, axis=1, keepdims=True)
    cols = lax.broadcasted_iota(
        jnp.int32, planes[0].shape, 1).astype(jnp.float32) * float(per_row)
    big = float(n_keys)
    bidx = None
    for p, s in enumerate(planes):
        m = jnp.min(jnp.where(s == bmax, cols + float(p), big),
                    axis=1, keepdims=True)
        bidx = m if bidx is None else jnp.minimum(bidx, m)
    bidx = bidx + j * float(_KB)

    @pl.when(j == 0)
    def _():
        maxv_ref[:] = bmax
        maxi_ref[:] = bidx

    @pl.when(j > 0)
    def _():
        upd = bmax > maxv_ref[:]
        maxi_ref[:] = jnp.where(upd, bidx, maxi_ref[:])
        maxv_ref[:] = jnp.where(upd, bmax, maxv_ref[:])

    @pl.when(j == nsteps - 1)
    def _():
        sel = sel_ref[:] != 0
        maxv_ref[:] = jnp.where(sel, maxv_ref[:], -1.0)
        per = 128 // d
        off = jnp.where(sel, maxi_ref[:].astype(jnp.int32) & (per - 1), per)
        offrep_ref[:] = jnp.broadcast_to(off, offrep_ref.shape)


def _scan_topk(q, table128, sel_i32, n_keys, nsteps):
    qn, d = q.shape
    rows = _KB * d // 128
    body = functools.partial(_topk_body, nsteps, n_keys, d)
    return pl.pallas_call(
        body,
        grid=(nsteps,),
        in_specs=[
            pl.BlockSpec((qn, d), lambda j: (0, 0)),
            pl.BlockSpec((rows, 128), lambda j: (j, 0)),
            pl.BlockSpec((qn, 1), lambda j: (0, 0)),
        ],
        out_specs=[
            pl.BlockSpec((qn, 1), lambda j: (0, 0)),
            pl.BlockSpec((qn, 1), lambda j: (0, 0)),
            pl.BlockSpec((qn, 16), lambda j: (0, 0)),
        ],
        out_shape=[
            jax.ShapeDtypeStruct((qn, 1), jnp.float32),
            jax.ShapeDtypeStruct((qn, 1), jnp.float32),
            jax.ShapeDtypeStruct((qn, 16), jnp.int32),
        ],
        compiler_params=pltpu.CompilerParams(
            dimension_semantics=("arbitrary",)),
    )(q, table128, sel_i32)


def _sc_gather(table128, idx, offrep, d):
    b = idx.shape[0]
    per_row = 128 // d
    info = plsc.get_sparse_core_info()
    nc = info.num_cores
    nw = nc * info.num_subcores
    b_per_w = b // nw
    mesh = plsc.VectorSubcoreMesh(core_axis_name="c", subcore_axis_name="s")

    @functools.partial(
        pl.kernel, mesh=mesh,
        out_type=jax.ShapeDtypeStruct((b, d), jnp.float32),
        scratch_types=[
            pltpu.VMEM((b_per_w,), jnp.int32),
            pltpu.VMEM((b_per_w,), jnp.int32),
            pltpu.VMEM((b_per_w, 16), jnp.int32),
            pltpu.VMEM((b_per_w, 128), jnp.float32),
            pltpu.VMEM((b_per_w, d), jnp.float32),
            pltpu.SemaphoreType.DMA,
        ],
    )
    def gather(table_hbm, idx_hbm, off_hbm, out_hbm,
               idx_v, grp_v, offs_v, rows_v, out_v, sem):
        wid = lax.axis_index("s") * nc + lax.axis_index("c")
        base = wid * b_per_w
        pltpu.sync_copy(idx_hbm.at[pl.ds(base, b_per_w)], idx_v)
        for c in range(b_per_w // 16):
            v = idx_v[pl.ds(16 * c, 16)]
            grp_v[pl.ds(16 * c, 16)] = lax.shift_right_logical(v, 2)
        copy = pltpu.async_copy(table_hbm.at[grp_v], rows_v, sem)
        pltpu.sync_copy(off_hbm.at[pl.ds(base, b_per_w)], offs_v)
        copy.wait()
        for i in range(b_per_w):
            off = offs_v[i, :]
            for h in range(d // 16):
                acc = jnp.full((16,), -1.0, jnp.float32)
                for t in range(per_row):
                    acc = jnp.where(off == t,
                                    rows_v[i, pl.ds(d * t + 16 * h, 16)], acc)
                out_v[i, pl.ds(16 * h, 16)] = acc
        pltpu.sync_copy(out_v, out_hbm.at[pl.ds(base, b_per_w)])

    return gather(table128, idx, offrep)


def kernel(query_embeddings, selector, face_feats):
    qn, d = query_embeddings.shape
    n_keys = face_feats.shape[0]
    nsteps = n_keys // _KB
    sel_i32 = selector.astype(jnp.int32)[:, None]
    table128 = face_feats.reshape(-1, 128)
    maxv, maxi_f, offrep = _scan_topk(query_embeddings, table128, sel_i32,
                                      n_keys, nsteps)
    idx = maxi_f.astype(jnp.int32).reshape(qn)
    target_embeddings = _sc_gather(table128, idx, offrep, d)
    similarities = maxv.reshape(qn)
    return (target_embeddings, similarities)

# --- scband reference (transcript-rebuilt; emitter-appended) ---
"""Pipeline reference for scband-face-feats-model-5531917877921 (READ-ONLY COPY).

The authoritative reference and input builder live on the scoring server;
editing this copy changes nothing except your own understanding.
"""

import jax, jax.numpy as jnp
import numpy as np

Q, K, D = 1024, 100000, 32

def setup_inputs(seed: int = 0) -> dict:
    key = jax.random.key(seed)
    k1, k2 = jax.random.split(key)
    query_embeddings = jax.random.normal(k1, (Q, D), dtype=jnp.float32)
    selector = jnp.ones((Q,), dtype=bool)
    face_feats = jax.random.normal(k2, (K, D), dtype=jnp.float32)
    # module normalizes the face-feature database at init time
    face_feats = face_feats / (jnp.linalg.norm(face_feats, axis=-1, keepdims=True) + 1e-12)
    return {"query_embeddings": query_embeddings, "selector": selector, "face_feats": face_feats}

def reference(query_embeddings, selector, face_feats):
    # semantic_search with score_function=dot_score, top_k=1
    sim = query_embeddings @ face_feats.T                  # [Q, K] dot scores
    scores, idx = jax.lax.top_k(sim, 1)                    # top-1 per query
    targets = jnp.take(face_feats, idx[:, 0], axis=0)      # gather matched embeddings [Q, D]
    target_embeddings = jnp.where(selector[:, None], targets, -1.0)
    similarities = jnp.where(selector, scores[:, 0], -1.0)
    return (target_embeddings, similarities)

if __name__ == "__main__":
    import jax
    _d = setup_inputs()
    print(jax.jit(kernel)(*tuple(_d.values())))

</pallas_src>

<mosaic_0001>
#map = affine_map<(d0, d1) -> (0, 0)>
#map1 = affine_map<(d0, d1) -> (0)>
module attributes {stable_mosaic.version = 14 : i64} {
  func.func @gather(%arg0: i32, %arg1: i32, %arg2: memref<25000x128xf32, #tpu.memory_space<hbm>>, %arg3: memref<1024xi32, #tpu.memory_space<hbm>>, %arg4: memref<1024x16xi32, #tpu.memory_space<hbm>>, %arg5: memref<1024x32xf32, #tpu.memory_space<hbm>>, %arg6: memref<32xi32, #tpu.memory_space<vmem>>, %arg7: memref<32xi32, #tpu.memory_space<vmem>>, %arg8: memref<32x16xi32, #tpu.memory_space<vmem>>, %arg9: memref<32x128xf32, #tpu.memory_space<vmem>>, %arg10: memref<32x32xf32, #tpu.memory_space<vmem>>, %arg11: memref<!tpu.dma_semaphore, #tpu.memory_space<semaphore_mem>>) attributes {dimension_semantics = [#tpu.dimension_semantics<core_parallel>, #tpu.dimension_semantics<subcore_parallel>], iteration_bounds = array<i64: 2, 16>, scalar_prefetch = 0 : i64, scratch_operands = 6 : i64, tpu.core_type = #tpu.core_type<sc_vector_subcore>, window_params = [{transform_indices = #map}, {transform_indices = #map1}, {transform_indices = #map}, {transform_indices = #map}]} {
    %mul3A = arith.constant 2 : i32
    %mul3A_0 = arith.muli %arg1, %mul3A : i32
    %add3A = arith.addi %mul3A_0, %arg0 : i32
    %mul3A_1 = arith.constant 32 : i32
    %mul3A_2 = arith.muli %add3A, %mul3A_1 : i32
    "tpu.region"() ({
      %run_scoped3A = tpu.sem_alloc : memref<!tpu.dma_semaphore, #tpu.memory_space<semaphore_mem>>
      %dma_start3A_2997 = tpu.memref_slice %arg3[%mul3A_2] : memref<1024xi32, #tpu.memory_space<hbm>> -> memref<32xi32, #tpu.memory_space<hbm>>
      %dma_start3A_2998 = tpu.memref_slice %arg3[%mul3A_2] : memref<1024xi32, #tpu.memory_space<hbm>> -> memref<32xi32, #tpu.memory_space<hbm>>
      tpu.enqueue_dma source(%dma_start3A_2998 : memref<32xi32, #tpu.memory_space<hbm>>) target(%arg6 : memref<32xi32, #tpu.memory_space<vmem>>) target_semaphore(%run_scoped3A : memref<!tpu.dma_semaphore, #tpu.memory_space<semaphore_mem>>)
      %dma_wait3A_2999 = tpu.memref_slice %arg3[%mul3A_2] : memref<1024xi32, #tpu.memory_space<hbm>> -> memref<32xi32, #tpu.memory_space<hbm>>
      %dma_wait3A_3000 = tpu.memref_slice %arg3[%mul3A_2] : memref<1024xi32, #tpu.memory_space<hbm>> -> memref<32xi32, #tpu.memory_space<hbm>>
      tpu.wait_dma2 semaphore(%run_scoped3A : memref<!tpu.dma_semaphore, #tpu.memory_space<semaphore_mem>>) src(%dma_wait3A_3000 : memref<32xi32, #tpu.memory_space<hbm>>) dst(%arg6 : memref<32xi32, #tpu.memory_space<vmem>>)
      tpu.yield
    }) : () -> ()
    %get3A = arith.constant 0 : index
    %get3A_3 = tpu.vector_load %arg6[%get3A] {strides = array<i32>} : memref<32xi32, #tpu.memory_space<vmem>>, vector<16xi32>,
    %get3A_4 = vector.shape_cast %get3A_3 : vector<16xi32> to vector<16xi32>
    %shift_right_logical3A = arith.constant 2 : i32
    %shift_right_logical3A_5 = vector.broadcast %shift_right_logical3A : i32 to vector<16xi32>
    %shift_right_logical3A_6 = arith.shrui %get3A_4, %shift_right_logical3A_5 : vector<16xi32>
    %swap3A = arith.constant 0 : index
    %swap3A_7 = tpu.vector_load %arg7[%swap3A] {strides = array<i32>} : memref<32xi32, #tpu.memory_space<vmem>>, vector<16xi32>,
    %swap3A_8 = vector.shape_cast %swap3A_7 : vector<16xi32> to vector<16xi32>
    %swap3A_9 = vector.shape_cast %shift_right_logical3A_6 : vector<16xi32> to vector<16xi32>
    tpu.vector_store %arg7[%swap3A], %swap3A_9 {strides = array<i32>} : memref<32xi32, #tpu.memory_space<vmem>>, vector<16xi32>,
    %get3A_10 = arith.constant 16 : index
    %get3A_11 = tpu.vector_load %arg6[%get3A_10] {strides = array<i32>} : memref<32xi32, #tpu.memory_space<vmem>>, vector<16xi32>,
    %get3A_12 = vector.shape_cast %get3A_11 : vector<16xi32> to vector<16xi32>
    %shift_right_logical3A_13 = arith.constant 2 : i32
    %shift_right_logical3A_14 = vector.broadcast %shift_right_logical3A_13 : i32 to vector<16xi32>
    %shift_right_logical3A_15 = arith.shrui %get3A_12, %shift_right_logical3A_14 : vector<16xi32>
    %swap3A_16 = arith.constant 16 : index
    %swap3A_17 = tpu.vector_load %arg7[%swap3A_16] {strides = array<i32>} : memref<32xi32, #tpu.memory_space<vmem>>, vector<16xi32>,
    %swap3A_18 = vector.shape_cast %swap3A_17 : vector<16xi32> to vector<16xi32>
    %swap3A_19 = vector.shape_cast %shift_right_logical3A_15 : vector<16xi32> to vector<16xi32>
    tpu.vector_store %arg7[%swap3A_16], %swap3A_19 {strides = array<i32>} : memref<32xi32, #tpu.memory_space<vmem>>, vector<16xi32>,
    %dma_start3A = arith.constant 0 : i32
    %dma_start3A_20 = arith.constant 0 : i32
    %dma_start3A_21 = tpu.memref_slice %arg2[%dma_start3A, %dma_start3A_20] : memref<25000x128xf32, #tpu.memory_space<hbm>> -> memref<25000x128xf32, #tpu.memory_space<hbm>>
    tpu.enqueue_indirect_dma source(%dma_start3A_21 : memref<25000x128xf32, #tpu.memory_space<hbm>>) target(%arg9 : memref<32x128xf32, #tpu.memory_space<vmem>>) offsets(%arg7 : memref<32xi32, #tpu.memory_space<vmem>>) semaphore(%arg11 : memref<!tpu.dma_semaphore, #tpu.memory_space<semaphore_mem>>)
    "tpu.region"() ({
      %run_scoped3A = tpu.sem_alloc : memref<!tpu.dma_semaphore, #tpu.memory_space<semaphore_mem>>
      %dma_start3A_2997 = arith.constant 0 : i32
      %dma_start3A_2998 = tpu.memref_slice %arg4[%mul3A_2, %dma_start3A_2997] : memref<1024x16xi32, #tpu.memory_space<hbm>> -> memref<32x16xi32, #tpu.memory_space<hbm>>
      %dma_start3A_2999 = arith.constant 0 : i32
      %dma_start3A_3000 = tpu.memref_slice %arg4[%mul3A_2, %dma_start3A_2999] : memref<1024x16xi32, #tpu.memory_space<hbm>> -> memref<32x16xi32, #tpu.memory_space<hbm>>
      tpu.enqueue_dma source(%dma_start3A_3000 : memref<32x16xi32, #tpu.memory_space<hbm>>) target(%arg8 : memref<32x16xi32, #tpu.memory_space<vmem>>) target_semaphore(%run_scoped3A : memref<!tpu.dma_semaphore, #tpu.memory_space<semaphore_mem>>)
      %dma_wait3A_3001 = arith.constant 0 : i32
      %dma_wait3A_3002 = tpu.memref_slice %arg4[%mul3A_2, %dma_wait3A_3001] : memref<1024x16xi32, #tpu.memory_space<hbm>> -> memref<32x16xi32, #tpu.memory_space<hbm>>
      %dma_wait3A_3003 = arith.constant 0 : i32
      %dma_wait3A_3004 = tpu.memref_slice %arg4[%mul3A_2, %dma_wait3A_3003] : memref<1024x16xi32, #tpu.memory_space<hbm>> -> memref<32x16xi32, #tpu.memory_space<hbm>>
      tpu.wait_dma2 semaphore(%run_scoped3A : memref<!tpu.dma_semaphore, #tpu.memory_space<semaphore_mem>>) src(%dma_wait3A_3004 : memref<32x16xi32, #tpu.memory_space<hbm>>) dst(%arg8 : memref<32x16xi32, #tpu.memory_space<vmem>>)
      tpu.yield
    }) : () -> ()
    %dma_wait3A = arith.constant 0 : i32
    %dma_wait3A_22 = arith.constant 0 : i32
    %dma_wait3A_23 = tpu.memref_slice %arg2[%dma_wait3A, %dma_wait3A_22] : memref<25000x128xf32, #tpu.memory_space<hbm>> -> memref<25000x128xf32, #tpu.memory_space<hbm>>
    tpu.wait_indirect_dma semaphore(%arg11 : memref<!tpu.dma_semaphore, #tpu.memory_space<semaphore_mem>>) src(%dma_wait3A_23 : memref<25000x128xf32, #tpu.memory_space<hbm>>) dst(%arg9 : memref<32x128xf32, #tpu.memory_space<vmem>>)
    %get3A_24 = arith.constant 0 : i32
    %get3A_25 = arith.index_cast %get3A_24 : i32 to index
    %get3A_26 = arith.constant 0 : index
    %get3A_27 = tpu.vector_load %arg8[%get3A_25, %get3A_26] {strides = array<i32>} : memref<32x16xi32, #tpu.memory_space<vmem>>, vector<1x16xi32>,
    %get3A_28 = vector.shape_cast %get3A_27 : vector<1x16xi32> to vector<16xi32>
    %broadcast_in_dim3A = arith.constant -1.000000e+00 : f32
    %broadcast_in_dim3A_29 = vector.broadcast %broadcast_in_dim3A : f32 to vector<16xf32>
    %eq3A = arith.constant 0 : i32
    %eq3A_30 = vector.broadcast %eq3A : i32 to vector<16xi32>
    %eq3A_31 = arith.cmpi eq, %get3A_28, %eq3A_30 : vector<16xi32>
    %get3A_32 = arith.constant 0 : i32
    %get3A_33 = arith.index_cast %get3A_32 : i32 to index
    %get3A_34 = arith.constant 0 : index
    %get3A_35 = tpu.vector_load %arg9[%get3A_33, %get3A_34] {strides = array<i32>} : memref<32x128xf32, #tpu.memory_space<vmem>>, vector<1x16xf32>,
    %get3A_36 = vector.shape_cast %get3A_35 : vector<1x16xf32> to vector<16xf32>
    %select_n3A = arith.select %eq3A_31, %get3A_36, %broadcast_in_dim3A_29 : vector<16xi1>, vector<16xf32>
    %eq3A_37 = arith.constant 1 : i32
    %eq3A_38 = vector.broadcast %eq3A_37 : i32 to vector<16xi32>
    %eq3A_39 = arith.cmpi eq, %get3A_28, %eq3A_38 : vector<16xi32>
    %get3A_40 = arith.constant 0 : i32
    %get3A_41 = arith.index_cast %get3A_40 : i32 to index
    %get3A_42 = arith.constant 32 : index
    %get3A_43 = tpu.vector_load %arg9[%get3A_41, %get3A_42] {strides = array<i32>} : memref<32x128xf32, #tpu.memory_space<vmem>>, vector<1x16xf32>,
    %get3A_44 = vector.shape_cast %get3A_43 : vector<1x16xf32> to vector<16xf32>
    %select_n3A_45 = arith.select %eq3A_39, %get3A_44, %select_n3A : vector<16xi1>, vector<16xf32>
    %eq3A_46 = arith.constant 2 : i32
    %eq3A_47 = vector.broadcast %eq3A_46 : i32 to vector<16xi32>
    %eq3A_48 = arith.cmpi eq, %get3A_28, %eq3A_47 : vector<16xi32>
    %get3A_49 = arith.constant 0 : i32
    %get3A_50 = arith.index_cast %get3A_49 : i32 to index
    %get3A_51 = arith.constant 64 : index
    %get3A_52 = tpu.vector_load %arg9[%get3A_50, %get3A_51] {strides = array<i32>} : memref<32x128xf32, #tpu.memory_space<vmem>>, vector<1x16xf32>,
    %get3A_53 = vector.shape_cast %get3A_52 : vector<1x16xf32> to vector<16xf32>
    %select_n3A_54 = arith.select %eq3A_48, %get3A_53, %select_n3A_45 : vector<16xi1>, vector<16xf32>
    %eq3A_55 = arith.constant 3 : i32
    %eq3A_56 = vector.broadcast %eq3A_55 : i32 to vector<16xi32>
    %eq3A_57 = arith.cmpi eq, %get3A_28, %eq3A_56 : vector<16xi32>
    %get3A_58 = arith.constant 0 : i32
    %get3A_59 = arith.index_cast %get3A_58 : i32 to index
    %get3A_60 = arith.constant 96 : index
    %get3A_61 = tpu.vector_load %arg9[%get3A_59, %get3A_60] {strides = array<i32>} : memref<32x128xf32, #tpu.memory_space<vmem>>, vector<1x16xf32>,
    %get3A_62 = vector.shape_cast %get3A_61 : vector<1x16xf32> to vector<16xf32>
    %select_n3A_63 = arith.select %eq3A_57, %get3A_62, %select_n3A_54 : vector<16xi1>, vector<16xf32>
    %swap3A_64 = arith.constant 0 : i32
    %swap3A_65 = arith.index_cast %swap3A_64 : i32 to index
    %swap3A_66 = arith.constant 0 : index
    %swap3A_67 = tpu.vector_load %arg10[%swap3A_65, %swap3A_66] {strides = array<i32>} : memref<32x32xf32, #tpu.memory_space<vmem>>, vector<1x16xf32>,
    %swap3A_68 = vector.shape_cast %swap3A_67 : vector<1x16xf32> to vector<16xf32>
    %swap3A_69 = vector.shape_cast %select_n3A_63 : vector<16xf32> to vector<1x16xf32>
    tpu.vector_store %arg10[%swap3A_65, %swap3A_66], %swap3A_69 {strides = array<i32>} : memref<32x32xf32, #tpu.memory_space<vmem>>, vector<1x16xf32>,
    %broadcast_in_dim3A_70 = arith.constant -1.000000e+00 : f32
    %broadcast_in_dim3A_71 = vector.broadcast %broadcast_in_dim3A_70 : f32 to vector<16xf32>
    %eq3A_72 = arith.constant 0 : i32
    %eq3A_73 = vector.broadcast %eq3A_72 : i32 to vector<16xi32>
    %eq3A_74 = arith.cmpi eq, %get3A_28, %eq3A_73 : vector<16xi32>
    %get3A_75 = arith.constant 0 : i32
    %get3A_76 = arith.index_cast %get3A_75 : i32 to index
    %get3A_77 = arith.constant 16 : index
    %get3A_78 = tpu.vector_load %arg9[%get3A_76, %get3A_77] {strides = array<i32>} : memref<32x128xf32, #tpu.memory_space<vmem>>, vector<1x16xf32>,
    %get3A_79 = vector.shape_cast %get3A_78 : vector<1x16xf32> to vector<16xf32>
    %select_n3A_80 = arith.select %eq3A_74, %get3A_79, %broadcast_in_dim3A_71 : vector<16xi1>, vector<16xf32>
    %eq3A_81 = arith.constant 1 : i32
    %eq3A_82 = vector.broadcast %eq3A_81 : i32 to vector<16xi32>
    %eq3A_83 = arith.cmpi eq, %get3A_28, %eq3A_82 : vector<16xi32>
    %get3A_84 = arith.constant 0 : i32
    %get3A_85 = arith.index_cast %get3A_84 : i32 to index
    %get3A_86 = arith.constant 48 : index
    %get3A_87 = tpu.vector_load %arg9[%get3A_85, %get3A_86] {strides = array<i32>} : memref<32x128xf32, #tpu.memory_space<vmem>>, vector<1x16xf32>,
    %get3A_88 = vector.shape_cast %get3A_87 : vector<1x16xf32> to vector<16xf32>
    %select_n3A_89 = arith.select %eq3A_83, %get3A_88, %select_n3A_80 : vector<16xi1>, vector<16xf32>
    %eq3A_90 = arith.constant 2 : i32
    %eq3A_91 = vector.broadcast %eq3A_90 : i32 to vector<16xi32>
    %eq3A_92 = arith.cmpi eq, %get3A_28, %eq3A_91 : vector<16xi32>
    %get3A_93 = arith.constant 0 : i32
    %get3A_94 = arith.index_cast %get3A_93 : i32 to index
    %get3A_95 = arith.constant 80 : index
    %get3A_96 = tpu.vector_load %arg9[%get3A_94, %get3A_95] {strides = array<i32>} : memref<32x128xf32, #tpu.memory_space<vmem>>, vector<1x16xf32>,
    %get3A_97 = vector.shape_cast %get3A_96 : vector<1x16xf32> to vector<16xf32>
    %select_n3A_98 = arith.select %eq3A_92, %get3A_97, %select_n3A_89 : vector<16xi1>, vector<16xf32>
    %eq3A_99 = arith.constant 3 : i32
    %eq3A_100 = vector.broadcast %eq3A_99 : i32 to vector<16xi32>
    %eq3A_101 = arith.cmpi eq, %get3A_28, %eq3A_100 : vector<16xi32>
    %get3A_102 = arith.constant 0 : i32
    %get3A_103 = arith.index_cast %get3A_102 : i32 to index
    %get3A_104 = arith.constant 112 : index
    %get3A_105 = tpu.vector_load %arg9[%get3A_103, %get3A_104] {strides = array<i32>} : memref<32x128xf32, #tpu.memory_space<vmem>>, vector<1x16xf32>,
    %get3A_106 = vector.shape_cast %get3A_105 : vector<1x16xf32> to vector<16xf32>
    %select_n3A_107 = arith.select %eq3A_101, %get3A_106, %select_n3A_98 : vector<16xi1>, vector<16xf32>
    %swap3A_108 = arith.constant 0 : i32
    %swap3A_109 = arith.index_cast %swap3A_108 : i32 to index
    %swap3A_110 = arith.constant 16 : index
    %swap3A_111 = tpu.vector_load %arg10[%swap3A_109, %swap3A_110] {strides = array<i32>} : memref<32x32xf32, #tpu.memory_space<vmem>>, vector<1x16xf32>,
    %swap3A_112 = vector.shape_cast %swap3A_111 : vector<1x16xf32> to vector<16xf32>
    %swap3A_113 = vector.shape_cast %select_n3A_107 : vector<16xf32> to vector<1x16xf32>
    tpu.vector_store %arg10[%swap3A_109, %swap3A_110], %swap3A_113 {strides = array<i32>} : memref<32x32xf32, #tpu.memory_space<vmem>>, vector<1x16xf32>,
    %get3A_114 = arith.constant 1 : i32
    %get3A_115 = arith.index_cast %get3A_114 : i32 to index
    %get3A_116 = arith.constant 0 : index
    %get3A_117 = tpu.vector_load %arg8[%get3A_115, %get3A_116] {strides = array<i32>} : memref<32x16xi32, #tpu.memory_space<vmem>>, vector<1x16xi32>,
    %get3A_118 = vector.shape_cast %get3A_117 : vector<1x16xi32> to vector<16xi32>
    %broadcast_in_dim3A_119 = arith.constant -1.000000e+00 : f32
    %broadcast_in_dim3A_120 = vector.broadcast %broadcast_in_dim3A_119 : f32 to vector<16xf32>
    %eq3A_121 = arith.constant 0 : i32
    %eq3A_122 = vector.broadcast %eq3A_121 : i32 to vector<16xi32>
    %eq3A_123 = arith.cmpi eq, %get3A_118, %eq3A_122 : vector<16xi32>
    %get3A_124 = arith.constant 1 : i32
    %get3A_125 = arith.index_cast %get3A_124 : i32 to index
    %get3A_126 = arith.constant 0 : index
    %get3A_127 = tpu.vector_load %arg9[%get3A_125, %get3A_126] {strides = array<i32>} : memref<32x128xf32, #tpu.memory_space<vmem>>, vector<1x16xf32>,
    %get3A_128 = vector.shape_cast %get3A_127 : vector<1x16xf32> to vector<16xf32>
    %select_n3A_129 = arith.select %eq3A_123, %get3A_128, %broadcast_in_dim3A_120 : vector<16xi1>, vector<16xf32>
    %eq3A_130 = arith.constant 1 : i32
    %eq3A_131 = vector.broadcast %eq3A_130 : i32 to vector<16xi32>
    %eq3A_132 = arith.cmpi eq, %get3A_118, %eq3A_131 : vector<16xi32>
    %get3A_133 = arith.constant 1 : i32
    %get3A_134 = arith.index_cast %get3A_133 : i32 to index
    %get3A_135 = arith.constant 32 : index
    %get3A_136 = tpu.vector_load %arg9[%get3A_134, %get3A_135] {strides = array<i32>} : memref<32x128xf32, #tpu.memory_space<vmem>>, vector<1x16xf32>,
    %get3A_137 = vector.shape_cast %get3A_136 : vector<1x16xf32> to vector<16xf32>
    %select_n3A_138 = arith.select %eq3A_132, %get3A_137, %select_n3A_129 : vector<16xi1>, vector<16xf32>
    %eq3A_139 = arith.constant 2 : i32
    %eq3A_140 = vector.broadcast %eq3A_139 : i32 to vector<16xi32>
    %eq3A_141 = arith.cmpi eq, %get3A_118, %eq3A_140 : vector<16xi32>
    %get3A_142 = arith.constant 1 : i32
    %get3A_143 = arith.index_cast %get3A_142 : i32 to index
    %get3A_144 = arith.constant 64 : index
    %get3A_145 = tpu.vector_load %arg9[%get3A_143, %get3A_144] {strides = array<i32>} : memref<32x128xf32, #tpu.memory_space<vmem>>, vector<1x16xf32>,
    %get3A_146 = vector.shape_cast %get3A_145 : vector<1x16xf32> to vector<16xf32>
    %select_n3A_147 = arith.select %eq3A_141, %get3A_146, %select_n3A_138 : vector<16xi1>, vector<16xf32>
    %eq3A_148 = arith.constant 3 : i32
    %eq3A_149 = vector.broadcast %eq3A_148 : i32 to vector<16xi32>
    %eq3A_150 = arith.cmpi eq, %get3A_118, %eq3A_149 : vector<16xi32>
    %get3A_151 = arith.constant 1 : i32
    %get3A_152 = arith.index_cast %get3A_151 : i32 to index
    %get3A_153 = arith.constant 96 : index
    %get3A_154 = tpu.vector_load %arg9[%get3A_152, %get3A_153] {strides = array<i32>} : memref<32x128xf32, #tpu.memory_space<vmem>>, vector<1x16xf32>,
    %get3A_155 = vector.shape_cast %get3A_154 : vector<1x16xf32> to vector<16xf32>
    %select_n3A_156 = arith.select %eq3A_150, %get3A_155, %select_n3A_147 : vector<16xi1>, vector<16xf32>
    %swap3A_157 = arith.constant 1 : i32
    %swap3A_158 = arith.index_cast %swap3A_157 : i32 to index
    %swap3A_159 = arith.constant 0 : index
    %swap3A_160 = tpu.vector_load %arg10[%swap3A_158, %swap3A_159] {strides = array<i32>} : memref<32x32xf32, #tpu.memory_space<vmem>>, vector<1x16xf32>,
    %swap3A_161 = vector.shape_cast %swap3A_160 : vector<1x16xf32> to vector<16xf32>
    %swap3A_162 = vector.shape_cast %select_n3A_156 : vector<16xf32> to vector<1x16xf32>
    tpu.vector_store %arg10[%swap3A_158, %swap3A_159], %swap3A_162 {strides = array<i32>} : memref<32x32xf32, #tpu.memory_space<vmem>>, vector<1x16xf32>,
    %broadcast_in_dim3A_163 = arith.constant -1.000000e+00 : f32
    %broadcast_in_dim3A_164 = vector.broadcast %broadcast_in_dim3A_163 : f32 to vector<16xf32>
    %eq3A_165 = arith.constant 0 : i32
    %eq3A_166 = vector.broadcast %eq3A_165 : i32 to vector<16xi32>
    %eq3A_167 = arith.cmpi eq, %get3A_118, %eq3A_166 : vector<16xi32>
    %get3A_168 = arith.constant 1 : i32
    %get3A_169 = arith.index_cast %get3A_168 : i32 to index
    %get3A_170 = arith.constant 16 : index
    %get3A_171 = tpu.vector_load %arg9[%get3A_169, %get3A_170] {strides = array<i32>} : memref<32x128xf32, #tpu.memory_space<vmem>>, vector<1x16xf32>,
    %get3A_172 = vector.shape_cast %get3A_171 : vector<1x16xf32> to vector<16xf32>
    %select_n3A_173 = arith.select %eq3A_167, %get3A_172, %broadcast_in_dim3A_164 : vector<16xi1>, vector<16xf32>
    %eq3A_174 = arith.constant 1 : i32
    %eq3A_175 = vector.broadcast %eq3A_174 : i32 to vector<16xi32>
    %eq3A_176 = arith.cmpi eq, %get3A_118, %eq3A_175 : vector<16xi32>
    %get3A_177 = arith.constant 1 : i32
    %get3A_178 = arith.index_cast %get3A_177 : i32 to index
    %get3A_179 = arith.constant 48 : index
    %get3A_180 = tpu.vector_load %arg9[%get3A_178, %get3A_179] {strides = array<i32>} : memref<32x128xf32, #tpu.memory_space<vmem>>, vector<1x16xf32>,
    %get3A_181 = vector.shape_cast %get3A_180 : vector<1x16xf32> to vector<16xf32>
    %select_n3A_182 = arith.select %eq3A_176, %get3A_181, %select_n3A_173 : vector<16xi1>, vector<16xf32>
    %eq3A_183 = arith.constant 2 : i32
    %eq3A_184 = vector.broadcast %eq3A_183 : i32 to vector<16xi32>
    %eq3A_185 = arith.cmpi eq, %get3A_118, %eq3A_184 : vector<16xi32>
    %get3A_186 = arith.constant 1 : i32
    %get3A_187 = arith.index_cast %get3A_186 : i32 to index
    %get3A_188 = arith.constant 80 : index
    %get3A_189 = tpu.vector_load %arg9[%get3A_187, %get3A_188] {strides = array<i32>} : memref<32x128xf32, #tpu.memory_space<vmem>>, vector<1x16xf32>,
    %get3A_190 = vector.shape_cast %get3A_189 : vector<1x16xf32> to vector<16xf32>
    %select_n3A_191 = arith.select %eq3A_185, %get3A_190, %select_n3A_182 : vector<16xi1>, vector<16xf32>
    %eq3A_192 = arith.constant 3 : i32
    %eq3A_193 = vector.broadcast %eq3A_192 : i32 to vector<16xi32>
    %eq3A_194 = arith.cmpi eq, %get3A_118, %eq3A_193 : vector<16xi32>
    %get3A_195 = arith.constant 1 : i32
    %get3A_196 = arith.index_cast %get3A_195 : i32 to index
    %get3A_197 = arith.constant 112 : index
    %get3A_198 = tpu.vector_load %arg9[%get3A_196, %get3A_197] {strides = array<i32>} : memref<32x128xf32, #tpu.memory_space<vmem>>, vector<1x16xf32>,
    %get3A_199 = vector.shape_cast %get3A_198 : vector<1x16xf32> to vector<16xf32>
    %select_n3A_200 = arith.select %eq3A_194, %get3A_199, %select_n3A_191 : vector<16xi1>, vector<16xf32>
    %swap3A_201 = arith.constant 1 : i32
    %swap3A_202 = arith.index_cast %swap3A_201 : i32 to index
    %swap3A_203 = arith.constant 16 : index
    %swap3A_204 = tpu.vector_load %arg10[%swap3A_202, %swap3A_203] {strides = array<i32>} : memref<32x32xf32, #tpu.memory_space<vmem>>, vector<1x16xf32>,
    %swap3A_205 = vector.shape_cast %swap3A_204 : vector<1x16xf32> to vector<16xf32>
    %swap3A_206 = vector.shape_cast %select_n3A_200 : vector<16xf32> to vector<1x16xf32>
    tpu.vector_store %arg10[%swap3A_202, %swap3A_203], %swap3A_206 {strides = array<i32>} : memref<32x32xf32, #tpu.memory_space<vmem>>, vector<1x16xf32>,
    %get3A_207 = arith.constant 2 : i32
    %get3A_208 = arith.index_cast %get3A_207 : i32 to index
    %get3A_209 = arith.constant 0 : index
    %get3A_210 = tpu.vector_load %arg8[%get3A_208, %get3A_209] {strides = array<i32>} : memref<32x16xi32, #tpu.memory_space<vmem>>, vector<1x16xi32>,
    %get3A_211 = vector.shape_cast %get3A_210 : vector<1x16xi32> to vector<16xi32>
    %broadcast_in_dim3A_212 = arith.constant -1.000000e+00 : f32
    %broadcast_in_dim3A_213 = vector.broadcast %broadcast_in_dim3A_212 : f32 to vector<16xf32>
    %eq3A_214 = arith.constant 0 : i32
    %eq3A_215 = vector.broadcast %eq3A_214 : i32 to vector<16xi32>
    %eq3A_216 = arith.cmpi eq, %get3A_211, %eq3A_215 : vector<16xi32>
    %get3A_217 = arith.constant 2 : i32
    %get3A_218 = arith.index_cast %get3A_217 : i32 to index
    %get3A_219 = arith.constant 0 : index
    %get3A_220 = tpu.vector_load %arg9[%get3A_218, %get3A_219] {strides = array<i32>} : memref<32x128xf32, #tpu.memory_space<vmem>>, vector<1x16xf32>,
    %get3A_221 = vector.shape_cast %get3A_220 : vector<1x16xf32> to vector<16xf32>
    %select_n3A_222 = arith.select %eq3A_216, %get3A_221, %broadcast_in_dim3A_213 : vector<16xi1>, vector<16xf32>
    %eq3A_223 = arith.constant 1 : i32
    %eq3A_224 = vector.broadcast %eq3A_223 : i32 to vector<16xi32>
    %eq3A_225 = arith.cmpi eq, %get3A_211, %eq3A_224 : vector<16xi32>
    %get3A_226 = arith.constant 2 : i32
    %get3A_227 = arith.index_cast %get3A_226 : i32 to index
    %get3A_228 = arith.constant 32 : index
    %get3A_229 = tpu.vector_load %arg9[%get3A_227, %get3A_228] {strides = array<i32>} : memref<32x128xf32, #tpu.memory_space<vmem>>, vector<1x16xf32>,
    %get3A_230 = vector.shape_cast %get3A_229 : vector<1x16xf32> to vector<16xf32>
    %select_n3A_231 = arith.select %eq3A_225, %get3A_230, %select_n3A_222 : vector<16xi1>, vector<16xf32>
    %eq3A_232 = arith.constant 2 : i32
    %eq3A_233 = vector.broadcast %eq3A_232 : i32 to vector<16xi32>
    %eq3A_234 = arith.cmpi eq, %get3A_211, %eq3A_233 : vector<16xi32>
    %get3A_235 = arith.constant 2 : i32
    %get3A_236 = arith.index_cast %get3A_235 : i32 to index
    %get3A_237 = arith.constant 64 : index
    %get3A_238 = tpu.vector_load %arg9[%get3A_236, %get3A_237] {strides = array<i32>} : memref<32x128xf32, #tpu.memory_space<vmem>>, vector<1x16xf32>,
    %get3A_239 = vector.shape_cast %get3A_238 : vector<1x16xf32> to vector<16xf32>
    %select_n3A_240 = arith.select %eq3A_234, %get3A_239, %select_n3A_231 : vector<16xi1>, vector<16xf32>
    %eq3A_241 = arith.constant 3 : i32
    %eq3A_242 = vector.broadcast %eq3A_241 : i32 to vector<16xi32>
    %eq3A_243 = arith.cmpi eq, %get3A_211, %eq3A_242 : vector<16xi32>
    %get3A_244 = arith.constant 2 : i32
    %get3A_245 = arith.index_cast %get3A_244 : i32 to index
    %get3A_246 = arith.constant 96 : index
    %get3A_247 = tpu.vector_load %arg9[%get3A_245, %get3A_246] {strides = array<i32>} : memref<32x128xf32, #tpu.memory_space<vmem>>, vector<1x16xf32>,
    %get3A_248 = vector.shape_cast %get3A_247 : vector<1x16xf32> to vector<16xf32>
    %select_n3A_249 = arith.select %eq3A_243, %get3A_248, %select_n3A_240 : vector<16xi1>, vector<16xf32>
    %swap3A_250 = arith.constant 2 : i32
    %swap3A_251 = arith.index_cast %swap3A_250 : i32 to index
    %swap3A_252 = arith.constant 0 : index
    %swap3A_253 = tpu.vector_load %arg10[%swap3A_251, %swap3A_252] {strides = array<i32>} : memref<32x32xf32, #tpu.memory_space<vmem>>, vector<1x16xf32>,
    %swap3A_254 = vector.shape_cast %swap3A_253 : vector<1x16xf32> to vector<16xf32>
    %swap3A_255 = vector.shape_cast %select_n3A_249 : vector<16xf32> to vector<1x16xf32>
    tpu.vector_store %arg10[%swap3A_251, %swap3A_252], %swap3A_255 {strides = array<i32>} : memref<32x32xf32, #tpu.memory_space<vmem>>, vector<1x16xf32>,
    %broadcast_in_dim3A_256 = arith.constant -1.000000e+00 : f32
    %broadcast_in_dim3A_257 = vector.broadcast %broadcast_in_dim3A_256 : f32 to vector<16xf32>
    %eq3A_258 = arith.constant 0 : i32
    %eq3A_259 = vector.broadcast %eq3A_258 : i32 to vector<16xi32>
    %eq3A_260 = arith.cmpi eq, %get3A_211, %eq3A_259 : vector<16xi32>
    %get3A_261 = arith.constant 2 : i32
    %get3A_262 = arith.index_cast %get3A_261 : i32 to index
    %get3A_263 = arith.constant 16 : index
    %get3A_264 = tpu.vector_load %arg9[%get3A_262, %get3A_263] {strides = array<i32>} : memref<32x128xf32, #tpu.memory_space<vmem>>, vector<1x16xf32>,
    %get3A_265 = vector.shape_cast %get3A_264 : vector<1x16xf32> to vector<16xf32>
    %select_n3A_266 = arith.select %eq3A_260, %get3A_265, %broadcast_in_dim3A_257 : vector<16xi1>, vector<16xf32>
    %eq3A_267 = arith.constant 1 : i32
    %eq3A_268 = vector.broadcast %eq3A_267 : i32 to vector<16xi32>
    %eq3A_269 = arith.cmpi eq, %get3A_211, %eq3A_268 : vector<16xi32>
    %get3A_270 = arith.constant 2 : i32
    %get3A_271 = arith.index_cast %get3A_270 : i32 to index
    %get3A_272 = arith.constant 48 : index
    %get3A_273 = tpu.vector_load %arg9[%get3A_271, %get3A_272] {strides = array<i32>} : memref<32x128xf32, #tpu.memory_space<vmem>>, vector<1x16xf32>,
    %get3A_274 = vector.shape_cast %get3A_273 : vector<1x16xf32> to vector<16xf32>
    %select_n3A_275 = arith.select %eq3A_269, %get3A_274, %select_n3A_266 : vector<16xi1>, vector<16xf32>
    %eq3A_276 = arith.constant 2 : i32
    %eq3A_277 = vector.broadcast %eq3A_276 : i32 to vector<16xi32>
    %eq3A_278 = arith.cmpi eq, %get3A_211, %eq3A_277 : vector<16xi32>
    %get3A_279 = arith.constant 2 : i32
    %get3A_280 = arith.index_cast %get3A_279 : i32 to index
    %get3A_281 = arith.constant 80 : index
    %get3A_282 = tpu.vector_load %arg9[%get3A_280, %get3A_281] {strides = array<i32>} : memref<32x128xf32, #tpu.memory_space<vmem>>, vector<1x16xf32>,
    %get3A_283 = vector.shape_cast %get3A_282 : vector<1x16xf32> to vector<16xf32>
    %select_n3A_284 = arith.select %eq3A_278, %get3A_283, %select_n3A_275 : vector<16xi1>, vector<16xf32>
    %eq3A_285 = arith.constant 3 : i32
    %eq3A_286 = vector.broadcast %eq3A_285 : i32 to vector<16xi32>
    %eq3A_287 = arith.cmpi eq, %get3A_211, %eq3A_286 : vector<16xi32>
    %get3A_288 = arith.constant 2 : i32
    %get3A_289 = arith.index_cast %get3A_288 : i32 to index
    %get3A_290 = arith.constant 112 : index
    %get3A_291 = tpu.vector_load %arg9[%get3A_289, %get3A_290] {strides = array<i32>} : memref<32x128xf32, #tpu.memory_space<vmem>>, vector<1x16xf32>,
    %get3A_292 = vector.shape_cast %get3A_291 : vector<1x16xf32> to vector<16xf32>
    %select_n3A_293 = arith.select %eq3A_287, %get3A_292, %select_n3A_284 : vector<16xi1>, vector<16xf32>
    %swap3A_294 = arith.constant 2 : i32
    %swap3A_295 = arith.index_cast %swap3A_294 : i32 to index
    %swap3A_296 = arith.constant 16 : index
    %swap3A_297 = tpu.vector_load %arg10[%swap3A_295, %swap3A_296] {strides = array<i32>} : memref<32x32xf32, #tpu.memory_space<vmem>>, vector<1x16xf32>,
    %swap3A_298 = vector.shape_cast %swap3A_297 : vector<1x16xf32> to vector<16xf32>
    %swap3A_299 = vector.shape_cast %select_n3A_293 : vector<16xf32> to vector<1x16xf32>
    tpu.vector_store %arg10[%swap3A_295, %swap3A_296], %swap3A_299 {strides = array<i32>} : memref<32x32xf32, #tpu.memory_space<vmem>>, vector<1x16xf32>,
    %get3A_300 = arith.constant 3 : i32
    %get3A_301 = arith.index_cast %get3A_300 : i32 to index
    %get3A_302 = arith.constant 0 : index
    %get3A_303 = tpu.vector_load %arg8[%get3A_301, %get3A_302] {strides = array<i32>} : memref<32x16xi32, #tpu.memory_space<vmem>>, vector<1x16xi32>,
    %get3A_304 = vector.shape_cast %get3A_303 : vector<1x16xi32> to vector<16xi32>
    %broadcast_in_dim3A_305 = arith.constant -1.000000e+00 : f32
    %broadcast_in_dim3A_306 = vector.broadcast %broadcast_in_dim3A_305 : f32 to vector<16xf32>
    %eq3A_307 = arith.constant 0 : i32
    %eq3A_308 = vector.broadcast %eq3A_307 : i32 to vector<16xi32>
    %eq3A_309 = arith.cmpi eq, %get3A_304, %eq3A_308 : vector<16xi32>
    %get3A_310 = arith.constant 3 : i32
    %get3A_311 = arith.index_cast %get3A_310 : i32 to index
    %get3A_312 = arith.constant 0 : index
    %get3A_313 = tpu.vector_load %arg9[%get3A_311, %get3A_312] {strides = array<i32>} : memref<32x128xf32, #tpu.memory_space<vmem>>, vector<1x16xf32>,
    %get3A_314 = vector.shape_cast %get3A_313 : vector<1x16xf32> to vector<16xf32>
    %select_n3A_315 = arith.select %eq3A_309, %get3A_314, %broadcast_in_dim3A_306 : vector<16xi1>, vector<16xf32>
    %eq3A_316 = arith.constant 1 : i32
    %eq3A_317 = vector.broadcast %eq3A_316 : i32 to vector<16xi32>
    %eq3A_318 = arith.cmpi eq, %get3A_304, %eq3A_317 : vector<16xi32>
    %get3A_319 = arith.constant 3 : i32
    %get3A_320 = arith.index_cast %get3A_319 : i32 to index
    %get3A_321 = arith.constant 32 : index
    %get3A_322 = tpu.vector_load %arg9[%get3A_320, %get3A_321] {strides = array<i32>} : memref<32x128xf32, #tpu.memory_space<vmem>>, vector<1x16xf32>,
    %get3A_323 = vector.shape_cast %get3A_322 : vector<1x16xf32> to vector<16xf32>
    %select_n3A_324 = arith.select %eq3A_318, %get3A_323, %select_n3A_315 : vector<16xi1>, vector<16xf32>
    %eq3A_325 = arith.constant 2 : i32
    %eq3A_326 = vector.broadcast %eq3A_325 : i32 to vector<16xi32>
    %eq3A_327 = arith.cmpi eq, %get3A_304, %eq3A_326 : vector<16xi32>
    %get3A_328 = arith.constant 3 : i32
    %get3A_329 = arith.index_cast %get3A_328 : i32 to index
    %get3A_330 = arith.constant 64 : index
    %get3A_331 = tpu.vector_load %arg9[%get3A_329, %get3A_330] {strides = array<i32>} : memref<32x128xf32, #tpu.memory_space<vmem>>, vector<1x16xf32>,
    %get3A_332 = vector.shape_cast %get3A_331 : vector<1x16xf32> to vector<16xf32>
    %select_n3A_333 = arith.select %eq3A_327, %get3A_332, %select_n3A_324 : vector<16xi1>, vector<16xf32>
    %eq3A_334 = arith.constant 3 : i32
    %eq3A_335 = vector.broadcast %eq3A_334 : i32 to vector<16xi32>
    %eq3A_336 = arith.cmpi eq, %get3A_304, %eq3A_335 : vector<16xi32>
    %get3A_337 = arith.constant 3 : i32
    %get3A_338 = arith.index_cast %get3A_337 : i32 to index
    %get3A_339 = arith.constant 96 : index
    %get3A_340 = tpu.vector_load %arg9[%get3A_338, %get3A_339] {strides = array<i32>} : memref<32x128xf32, #tpu.memory_space<vmem>>, vector<1x16xf32>,
    %get3A_341 = vector.shape_cast %get3A_340 : vector<1x16xf32> to vector<16xf32>
    %select_n3A_342 = arith.select %eq3A_336, %get3A_341, %select_n3A_333 : vector<16xi1>, vector<16xf32>
    %swap3A_343 = arith.constant 3 : i32
    %swap3A_344 = arith.index_cast %swap3A_343 : i32 to index
    %swap3A_345 = arith.constant 0 : index
    %swap3A_346 = tpu.vector_load %arg10[%swap3A_344, %swap3A_345] {strides = array<i32>} : memref<32x32xf32, #tpu.memory_space<vmem>>, vector<1x16xf32>,
    %swap3A_347 = vector.shape_cast %swap3A_346 : vector<1x16xf32> to vector<16xf32>
    %swap3A_348 = vector.shape_cast %select_n3A_342 : vector<16xf32> to vector<1x16xf32>
    tpu.vector_store %arg10[%swap3A_344, %swap3A_345], %swap3A_348 {strides = array<i32>} : memref<32x32xf32, #tpu.memory_space<vmem>>, vector<1x16xf32>,
    %broadcast_in_dim3A_349 = arith.constant -1.000000e+00 : f32
    %broadcast_in_dim3A_350 = vector.broadcast %broadcast_in_dim3A_349 : f32 to vector<16xf32>
    %eq3A_351 = arith.constant 0 : i32
    %eq3A_352 = vector.broadcast %eq3A_351 : i32 to vector<16xi32>
    %eq3A_353 = arith.cmpi eq, %get3A_304, %eq3A_352 : vector<16xi32>
    %get3A_354 = arith.constant 3 : i32
    %get3A_355 = arith.index_cast %get3A_354 : i32 to index
    %get3A_356 = arith.constant 16 : index
    %get3A_357 = tpu.vector_load %arg9[%get3A_355, %get3A_356] {strides = array<i32>} : memref<32x128xf32, #tpu.memory_space<vmem>>, vector<1x16xf32>,
    %get3A_358 = vector.shape_cast %get3A_357 : vector<1x16xf32> to vector<16xf32>
    %select_n3A_359 = arith.select %eq3A_353, %get3A_358, %broadcast_in_dim3A_350 : vector<16xi1>, vector<16xf32>
    %eq3A_360 = arith.constant 1 : i32
    %eq3A_361 = vector.broadcast %eq3A_360 : i32 to vector<16xi32>
    %eq3A_362 = arith.cmpi eq, %get3A_304, %eq3A_361 : vector<16xi32>
    %get3A_363 = arith.constant 3 : i32
    %get3A_364 = arith.index_cast %get3A_363 : i32 to index
    %get3A_365 = arith.constant 48 : index
    %get3A_366 = tpu.vector_load %arg9[%get3A_364, %get3A_365] {strides = array<i32>} : memref<32x128xf32, #tpu.memory_space<vmem>>, vector<1x16xf32>,
    %get3A_367 = vector.shape_cast %get3A_366 : vector<1x16xf32> to vector<16xf32>
    %select_n3A_368 = arith.select %eq3A_362, %get3A_367, %select_n3A_359 : vector<16xi1>, vector<16xf32>
    %eq3A_369 = arith.constant 2 : i32
    %eq3A_370 = vector.broadcast %eq3A_369 : i32 to vector<16xi32>
    %eq3A_371 = arith.cmpi eq, %get3A_304, %eq3A_370 : vector<16xi32>
    %get3A_372 = arith.constant 3 : i32
    %get3A_373 = arith.index_cast %get3A_372 : i32 to index
    %get3A_374 = arith.constant 80 : index
    %get3A_375 = tpu.vector_load %arg9[%get3A_373, %get3A_374] {strides = array<i32>} : memref<32x128xf32, #tpu.memory_space<vmem>>, vector<1x16xf32>,
    %get3A_376 = vector.shape_cast %get3A_375 : vector<1x16xf32> to vector<16xf32>
    %select_n3A_377 = arith.select %eq3A_371, %get3A_376, %select_n3A_368 : vector<16xi1>, vector<16xf32>
    %eq3A_378 = arith.constant 3 : i32
    %eq3A_379 = vector.broadcast %eq3A_378 : i32 to vector<16xi32>
    %eq3A_380 = arith.cmpi eq, %get3A_304, %eq3A_379 : vector<16xi32>
    %get3A_381 = arith.constant 3 : i32
    %get3A_382 = arith.index_cast %get3A_381 : i32 to index
    %get3A_383 = arith.constant 112 : index
    %get3A_384 = tpu.vector_load %arg9[%get3A_382, %get3A_383] {strides = array<i32>} : memref<32x128xf32, #tpu.memory_space<vmem>>, vector<1x16xf32>,
    %get3A_385 = vector.shape_cast %get3A_384 : vector<1x16xf32> to vector<16xf32>
    %select_n3A_386 = arith.select %eq3A_380, %get3A_385, %select_n3A_377 : vector<16xi1>, vector<16xf32>
    %swap3A_387 = arith.constant 3 : i32
    %swap3A_388 = arith.index_cast %swap3A_387 : i32 to index
    %swap3A_389 = arith.constant 16 : index
    %swap3A_390 = tpu.vector_load %arg10[%swap3A_388, %swap3A_389] {strides = array<i32>} : memref<32x32xf32, #tpu.memory_space<vmem>>, vector<1x16xf32>,
    %swap3A_391 = vector.shape_cast %swap3A_390 : vector<1x16xf32> to vector<16xf32>
    %swap3A_392 = vector.shape_cast %select_n3A_386 : vector<16xf32> to vector<1x16xf32>
    tpu.vector_store %arg10[%swap3A_388, %swap3A_389], %swap3A_392 {strides = array<i32>} : memref<32x32xf32, #tpu.memory_space<vmem>>, vector<1x16xf32>,
    %get3A_393 = arith.constant 4 : i32
    %get3A_394 = arith.index_cast %get3A_393 : i32 to index
    %get3A_395 = arith.constant 0 : index
    %get3A_396 = tpu.vector_load %arg8[%get3A_394, %get3A_395] {strides = array<i32>} : memref<32x16xi32, #tpu.memory_space<vmem>>, vector<1x16xi32>,
    %get3A_397 = vector.shape_cast %get3A_396 : vector<1x16xi32> to vector<16xi32>
    %broadcast_in_dim3A_398 = arith.constant -1.000000e+00 : f32
    %broadcast_in_dim3A_399 = vector.broadcast %broadcast_in_dim3A_398 : f32 to vector<16xf32>
    %eq3A_400 = arith.constant 0 : i32
    %eq3A_401 = vector.broadcast %eq3A_400 : i32 to vector<16xi32>
    %eq3A_402 = arith.cmpi eq, %get3A_397, %eq3A_401 : vector<16xi32>
    %get3A_403 = arith.constant 4 : i32
    %get3A_404 = arith.index_cast %get3A_403 : i32 to index
    %get3A_405 = arith.constant 0 : index
    %get3A_406 = tpu.vector_load %arg9[%get3A_404, %get3A_405] {strides = array<i32>} : memref<32x128xf32, #tpu.memory_space<vmem>>, vector<1x16xf32>,
    %get3A_407 = vector.shape_cast %get3A_406 : vector<1x16xf32> to vector<16xf32>
    %select_n3A_408 = arith.select %eq3A_402, %get3A_407, %broadcast_in_dim3A_399 : vector<16xi1>, vector<16xf32>
    %eq3A_409 = arith.constant 1 : i32
    %eq3A_410 = vector.broadcast %eq3A_409 : i32 to vector<16xi32>
    %eq3A_411 = arith.cmpi eq, %get3A_397, %eq3A_410 : vector<16xi32>
    %get3A_412 = arith.constant 4 : i32
    %get3A_413 = arith.index_cast %get3A_412 : i32 to index
    %get3A_414 = arith.constant 32 : index
    %get3A_415 = tpu.vector_load %arg9[%get3A_413, %get3A_414] {strides = array<i32>} : memref<32x128xf32, #tpu.memory_space<vmem>>, vector<1x16xf32>,
    %get3A_416 = vector.shape_cast %get3A_415 : vector<1x16xf32> to vector<16xf32>
    %select_n3A_417 = arith.select %eq3A_411, %get3A_416, %select_n3A_408 : vector<16xi1>, vector<16xf32>
    %eq3A_418 = arith.constant 2 : i32
    %eq3A_419 = vector.broadcast %eq3A_418 : i32 to vector<16xi32>
    %eq3A_420 = arith.cmpi eq, %get3A_397, %eq3A_419 : vector<16xi32>
    %get3A_421 = arith.constant 4 : i32
    %get3A_422 = arith.index_cast %get3A_421 : i32 to index
    %get3A_423 = arith.constant 64 : index
    %get3A_424 = tpu.vector_load %arg9[%get3A_422, %get3A_423] {strides = array<i32>} : memref<32x128xf32, #tpu.memory_space<vmem>>, vector<1x16xf32>,
    %get3A_425 = vector.shape_cast %get3A_424 : vector<1x16xf32> to vector<16xf32>
    %select_n3A_426 = arith.select %eq3A_420, %get3A_425, %select_n3A_417 : vector<16xi1>, vector<16xf32>
    %eq3A_427 = arith.constant 3 : i32
    %eq3A_428 = vector.broadcast %eq3A_427 : i32 to vector<16xi32>
    %eq3A_429 = arith.cmpi eq, %get3A_397, %eq3A_428 : vector<16xi32>
    %get3A_430 = arith.constant 4 : i32
    %get3A_431 = arith.index_cast %get3A_430 : i32 to index
    %get3A_432 = arith.constant 96 : index
    %get3A_433 = tpu.vector_load %arg9[%get3A_431, %get3A_432] {strides = array<i32>} : memref<32x128xf32, #tpu.memory_space<vmem>>, vector<1x16xf32>,
    %get3A_434 = vector.shape_cast %get3A_433 : vector<1x16xf32> to vector<16xf32>
    %select_n3A_435 = arith.select %eq3A_429, %get3A_434, %select_n3A_426 : vector<16xi1>, vector<16xf32>
    %swap3A_436 = arith.constant 4 : i32
    %swap3A_437 = arith.index_cast %swap3A_436 : i32 to index
    %swap3A_438 = arith.constant 0 : index
    %swap3A_439 = tpu.vector_load %arg10[%swap3A_437, %swap3A_438] {strides = array<i32>} : memref<32x32xf32, #tpu.memory_space<vmem>>, vector<1x16xf32>,
    %swap3A_440 = vector.shape_cast %swap3A_439 : vector<1x16xf32> to vector<16xf32>
    %swap3A_441 = vector.shape_cast %select_n3A_435 : vector<16xf32> to vector<1x16xf32>
    tpu.vector_store %arg10[%swap3A_437, %swap3A_438], %swap3A_441 {strides = array<i32>} : memref<32x32xf32, #tpu.memory_space<vmem>>, vector<1x16xf32>,
    %broadcast_in_dim3A_442 = arith.constant -1.000000e+00 : f32
    %broadcast_in_dim3A_443 = vector.broadcast %broadcast_in_dim3A_442 : f32 to vector<16xf32>
    %eq3A_444 = arith.constant 0 : i32
    %eq3A_445 = vector.broadcast %eq3A_444 : i32 to vector<16xi32>
    %eq3A_446 = arith.cmpi eq, %get3A_397, %eq3A_445 : vector<16xi32>
    %get3A_447 = arith.constant 4 : i32
    %get3A_448 = arith.index_cast %get3A_447 : i32 to index
    %get3A_449 = arith.constant 16 : index
    %get3A_450 = tpu.vector_load %arg9[%get3A_448, %get3A_449] {strides = array<i32>} : memref<32x128xf32, #tpu.memory_space<vmem>>, vector<1x16xf32>,
    %get3A_451 = vector.shape_cast %get3A_450 : vector<1x16xf32> to vector<16xf32>
    %select_n3A_452 = arith.select %eq3A_446, %get3A_451, %broadcast_in_dim3A_443 : vector<16xi1>, vector<16xf32>
    %eq3A_453 = arith.constant 1 : i32
    %eq3A_454 = vector.broadcast %eq3A_453 : i32 to vector<16xi32>
    %eq3A_455 = arith.cmpi eq, %get3A_397, %eq3A_454 : vector<16xi32>
    %get3A_456 = arith.constant 4 : i32
    %get3A_457 = arith.index_cast %get3A_456 : i32 to index
    %get3A_458 = arith.constant 48 : index
    %get3A_459 = tpu.vector_load %arg9[%get3A_457, %get3A_458] {strides = array<i32>} : memref<32x128xf32, #tpu.memory_space<vmem>>, vector<1x16xf32>,
    %get3A_460 = vector.shape_cast %get3A_459 : vector<1x16xf32> to vector<16xf32>
    %select_n3A_461 = arith.select %eq3A_455, %get3A_460, %select_n3A_452 : vector<16xi1>, vector<16xf32>
    %eq3A_462 = arith.constant 2 : i32
    %eq3A_463 = vector.broadcast %eq3A_462 : i32 to vector<16xi32>
    %eq3A_464 = arith.cmpi eq, %get3A_397, %eq3A_463 : vector<16xi32>
    %get3A_465 = arith.constant 4 : i32
    %get3A_466 = arith.index_cast %get3A_465 : i32 to index
    %get3A_467 = arith.constant 80 : index
    %get3A_468 = tpu.vector_load %arg9[%get3A_466, %get3A_467] {strides = array<i32>} : memref<32x128xf32, #tpu.memory_space<vmem>>, vector<1x16xf32>,
    %get3A_469 = vector.shape_cast %get3A_468 : vector<1x16xf32> to vector<16xf32>
    %select_n3A_470 = arith.select %eq3A_464, %get3A_469, %select_n3A_461 : vector<16xi1>, vector<16xf32>
    %eq3A_471 = arith.constant 3 : i32
    %eq3A_472 = vector.broadcast %eq3A_471 : i32 to vector<16xi32>
    %eq3A_473 = arith.cmpi eq, %get3A_397, %eq3A_472 : vector<16xi32>
    %get3A_474 = arith.constant 4 : i32
    %get3A_475 = arith.index_cast %get3A_474 : i32 to index
    %get3A_476 = arith.constant 112 : index
    %get3A_477 = tpu.vector_load %arg9[%get3A_475, %get3A_476] {strides = array<i32>} : memref<32x128xf32, #tpu.memory_space<vmem>>, vector<1x16xf32>,
    %get3A_478 = vector.shape_cast %get3A_477 : vector<1x16xf32> to vector<16xf32>
    %select_n3A_479 = arith.select %eq3A_473, %get3A_478, %select_n3A_470 : vector<16xi1>, vector<16xf32>
    %swap3A_480 = arith.constant 4 : i32
    %swap3A_481 = arith.index_cast %swap3A_480 : i32 to index
    %swap3A_482 = arith.constant 16 : index
    %swap3A_483 = tpu.vector_load %arg10[%swap3A_481, %swap3A_482] {strides = array<i32>} : memref<32x32xf32, #tpu.memory_space<vmem>>, vector<1x16xf32>,
    %swap3A_484 = vector.shape_cast %swap3A_483 : vector<1x16xf32> to vector<16xf32>
    %swap3A_485 = vector.shape_cast %select_n3A_479 : vector<16xf32> to vector<1x16xf32>
    tpu.vector_store %arg10[%swap3A_481, %swap3A_482], %swap3A_485 {strides = array<i32>} : memref<32x32xf32, #tpu.memory_space<vmem>>, vector<1x16xf32>,
    %get3A_486 = arith.constant 5 : i32
    %get3A_487 = arith.index_cast %get3A_486 : i32 to index
    %get3A_488 = arith.constant 0 : index
    %get3A_489 = tpu.vector_load %arg8[%get3A_487, %get3A_488] {strides = array<i32>} : memref<32x16xi32, #tpu.memory_space<vmem>>, vector<1x16xi32>,
    %get3A_490 = vector.shape_cast %get3A_489 : vector<1x16xi32> to vector<16xi32>
    %broadcast_in_dim3A_491 = arith.constant -1.000000e+00 : f32
    %broadcast_in_dim3A_492 = vector.broadcast %broadcast_in_dim3A_491 : f32 to vector<16xf32>
    %eq3A_493 = arith.constant 0 : i32
    %eq3A_494 = vector.broadcast %eq3A_493 : i32 to vector<16xi32>
    %eq3A_495 = arith.cmpi eq, %get3A_490, %eq3A_494 : vector<16xi32>
    %get3A_496 = arith.constant 5 : i32
    %get3A_497 = arith.index_cast %get3A_496 : i32 to index
    %get3A_498 = arith.constant 0 : index
    %get3A_499 = tpu.vector_load %arg9[%get3A_497, %get3A_498] {strides = array<i32>} : memref<32x128xf32, #tpu.memory_space<vmem>>, vector<1x16xf32>,
    %get3A_500 = vector.shape_cast %get3A_499 : vector<1x16xf32> to vector<16xf32>
    %select_n3A_501 = arith.select %eq3A_495, %get3A_500, %broadcast_in_dim3A_492 : vector<16xi1>, vector<16xf32>
    %eq3A_502 = arith.constant 1 : i32
    %eq3A_503 = vector.broadcast %eq3A_502 : i32 to vector<16xi32>
    %eq3A_504 = arith.cmpi eq, %get3A_490, %eq3A_503 : vector<16xi32>
    %get3A_505 = arith.constant 5 : i32
    %get3A_506 = arith.index_cast %get3A_505 : i32 to index
    %get3A_507 = arith.constant 32 : index
    %get3A_508 = tpu.vector_load %arg9[%get3A_506, %get3A_507] {strides = array<i32>} : memref<32x128xf32, #tpu.memory_space<vmem>>, vector<1x16xf32>,
    %get3A_509 = vector.shape_cast %get3A_508 : vector<1x16xf32> to vector<16xf32>
    %select_n3A_510 = arith.select %eq3A_504, %get3A_509, %select_n3A_501 : vector<16xi1>, vector<16xf32>
    %eq3A_511 = arith.constant 2 : i32
    %eq3A_512 = vector.broadcast %eq3A_511 : i32 to vector<16xi32>
    %eq3A_513 = arith.cmpi eq, %get3A_490, %eq3A_512 : vector<16xi32>
    %get3A_514 = arith.constant 5 : i32
    %get3A_515 = arith.index_cast %get3A_514 : i32 to index
    %get3A_516 = arith.constant 64 : index
    %get3A_517 = tpu.vector_load %arg9[%get3A_515, %get3A_516] {strides = array<i32>} : memref<32x128xf32, #tpu.memory_space<vmem>>, vector<1x16xf32>,
    %get3A_518 = vector.shape_cast %get3A_517 : vector<1x16xf32> to vector<16xf32>
    %select_n3A_519 = arith.select %eq3A_513, %get3A_518, %select_n3A_510 : vector<16xi1>, vector<16xf32>
    %eq3A_520 = arith.constant 3 : i32
    %eq3A_521 = vector.broadcast %eq3A_520 : i32 to vector<16xi32>
    %eq3A_522 = arith.cmpi eq, %get3A_490, %eq3A_521 : vector<16xi32>
    %get3A_523 = arith.constant 5 : i32
    %get3A_524 = arith.index_cast %get3A_523 : i32 to index
    %get3A_525 = arith.constant 96 : index
    %get3A_526 = tpu.vector_load %arg9[%get3A_524, %get3A_525] {strides = array<i32>} : memref<32x128xf32, #tpu.memory_space<vmem>>, vector<1x16xf32>,
    %get3A_527 = vector.shape_cast %get3A_526 : vector<1x16xf32> to vector<16xf32>
    %select_n3A_528 = arith.select %eq3A_522, %get3A_527, %select_n3A_519 : vector<16xi1>, vector<16xf32>
    %swap3A_529 = arith.constant 5 : i32
    %swap3A_530 = arith.index_cast %swap3A_529 : i32 to index
    %swap3A_531 = arith.constant 0 : index
    %swap3A_532 = tpu.vector_load %arg10[%swap3A_530, %swap3A_531] {strides = array<i32>} : memref<32x32xf32, #tpu.memory_space<vmem>>, vector<1x16xf32>,
    %swap3A_533 = vector.shape_cast %swap3A_532 : vector<1x16xf32> to vector<16xf32>
    %swap3A_534 = vector.shape_cast %select_n3A_528 : vector<16xf32> to vector<1x16xf32>
    tpu.vector_store %arg10[%swap3A_530, %swap3A_531], %swap3A_534 {strides = array<i32>} : memref<32x32xf32, #tpu.memory_space<vmem>>, vector<1x16xf32>,
    %broadcast_in_dim3A_535 = arith.constant -1.000000e+00 : f32
    %broadcast_in_dim3A_536 = vector.broadcast %broadcast_in_dim3A_535 : f32 to vector<16xf32>
    %eq3A_537 = arith.constant 0 : i32
    %eq3A_538 = vector.broadcast %eq3A_537 : i32 to vector<16xi32>
    %eq3A_539 = arith.cmpi eq, %get3A_490, %eq3A_538 : vector<16xi32>
    %get3A_540 = arith.constant 5 : i32
    %get3A_541 = arith.index_cast %get3A_540 : i32 to index
    %get3A_542 = arith.constant 16 : index
    %get3A_543 = tpu.vector_load %arg9[%get3A_541, %get3A_542] {strides = array<i32>} : memref<32x128xf32, #tpu.memory_space<vmem>>, vector<1x16xf32>,
    %get3A_544 = vector.shape_cast %get3A_543 : vector<1x16xf32> to vector<16xf32>
    %select_n3A_545 = arith.select %eq3A_539, %get3A_544, %broadcast_in_dim3A_536 : vector<16xi1>, vector<16xf32>
    %eq3A_546 = arith.constant 1 : i32
    %eq3A_547 = vector.broadcast %eq3A_546 : i32 to vector<16xi32>
    %eq3A_548 = arith.cmpi eq, %get3A_490, %eq3A_547 : vector<16xi32>
    %get3A_549 = arith.constant 5 : i32
    %get3A_550 = arith.index_cast %get3A_549 : i32 to index
    %get3A_551 = arith.constant 48 : index
    %get3A_552 = tpu.vector_load %arg9[%get3A_550, %get3A_551] {strides = array<i32>} : memref<32x128xf32, #tpu.memory_space<vmem>>, vector<1x16xf32>,
    %get3A_553 = vector.shape_cast %get3A_552 : vector<1x16xf32> to vector<16xf32>
    %select_n3A_554 = arith.select %eq3A_548, %get3A_553, %select_n3A_545 : vector<16xi1>, vector<16xf32>
    %eq3A_555 = arith.constant 2 : i32
    %eq3A_556 = vector.broadcast %eq3A_555 : i32 to vector<16xi32>
    %eq3A_557 = arith.cmpi eq, %get3A_490, %eq3A_556 : vector<16xi32>
    %get3A_558 = arith.constant 5 : i32
    %get3A_559 = arith.index_cast %get3A_558 : i32 to index
    %get3A_560 = arith.constant 80 : index
    %get3A_561 = tpu.vector_load %arg9[%get3A_559, %get3A_560] {strides = array<i32>} : memref<32x128xf32, #tpu.memory_space<vmem>>, vector<1x16xf32>,
    %get3A_562 = vector.shape_cast %get3A_561 : vector<1x16xf32> to vector<16xf32>
    %select_n3A_563 = arith.select %eq3A_557, %get3A_562, %select_n3A_554 : vector<16xi1>, vector<16xf32>
    %eq3A_564 = arith.constant 3 : i32
    %eq3A_565 = vector.broadcast %eq3A_564 : i32 to vector<16xi32>
    %eq3A_566 = arith.cmpi eq, %get3A_490, %eq3A_565 : vector<16xi32>
    %get3A_567 = arith.constant 5 : i32
    %get3A_568 = arith.index_cast %get3A_567 : i32 to index
    %get3A_569 = arith.constant 112 : index
    %get3A_570 = tpu.vector_load %arg9[%get3A_568, %get3A_569] {strides = array<i32>} : memref<32x128xf32, #tpu.memory_space<vmem>>, vector<1x16xf32>,
    %get3A_571 = vector.shape_cast %get3A_570 : vector<1x16xf32> to vector<16xf32>
    %select_n3A_572 = arith.select %eq3A_566, %get3A_571, %select_n3A_563 : vector<16xi1>, vector<16xf32>
    %swap3A_573 = arith.constant 5 : i32
    %swap3A_574 = arith.index_cast %swap3A_573 : i32 to index
    %swap3A_575 = arith.constant 16 : index
    %swap3A_576 = tpu.vector_load %arg10[%swap3A_574, %swap3A_575] {strides = array<i32>} : memref<32x32xf32, #tpu.memory_space<vmem>>, vector<1x16xf32>,
    %swap3A_577 = vector.shape_cast %swap3A_576 : vector<1x16xf32> to vector<16xf32>
    %swap3A_578 = vector.shape_cast %select_n3A_572 : vector<16xf32> to vector<1x16xf32>
    tpu.vector_store %arg10[%swap3A_574, %swap3A_575], %swap3A_578 {strides = array<i32>} : memref<32x32xf32, #tpu.memory_space<vmem>>, vector<1x16xf32>,
    %get3A_579 = arith.constant 6 : i32
    %get3A_580 = arith.index_cast %get3A_579 : i32 to index
    %get3A_581 = arith.constant 0 : index
    %get3A_582 = tpu.vector_load %arg8[%get3A_580, %get3A_581] {strides = array<i32>} : memref<32x16xi32, #tpu.memory_space<vmem>>, vector<1x16xi32>,
    %get3A_583 = vector.shape_cast %get3A_582 : vector<1x16xi32> to vector<16xi32>
    %broadcast_in_dim3A_584 = arith.constant -1.000000e+00 : f32
    %broadcast_in_dim3A_585 = vector.broadcast %broadcast_in_dim3A_584 : f32 to vector<16xf32>
    %eq3A_586 = arith.constant 0 : i32
    %eq3A_587 = vector.broadcast %eq3A_586 : i32 to vector<16xi32>
    %eq3A_588 = arith.cmpi eq, %get3A_583, %eq3A_587 : vector<16xi32>
    %get3A_589 = arith.constant 6 : i32
    %get3A_590 = arith.index_cast %get3A_589 : i32 to index
    %get3A_591 = arith.constant 0 : index
    %get3A_592 = tpu.vector_load %arg9[%get3A_590, %get3A_591] {strides = array<i32>} : memref<32x128xf32, #tpu.memory_space<vmem>>, vector<1x16xf32>,
    %get3A_593 = vector.shape_cast %get3A_592 : vector<1x16xf32> to vector<16xf32>
    %select_n3A_594 = arith.select %eq3A_588, %get3A_593, %broadcast_in_dim3A_585 : vector<16xi1>, vector<16xf32>
    %eq3A_595 = arith.constant 1 : i32
    %eq3A_596 = vector.broadcast %eq3A_595 : i32 to vector<16xi32>
    %eq3A_597 = arith.cmpi eq, %get3A_583, %eq3A_596 : vector<16xi32>
    %get3A_598 = arith.constant 6 : i32
    %get3A_599 = arith.index_cast %get3A_598 : i32 to index
    %get3A_600 = arith.constant 32 : index
    %get3A_601 = tpu.vector_load %arg9[%get3A_599, %get3A_600] {strides = array<i32>} : memref<32x128xf32, #tpu.memory_space<vmem>>, vector<1x16xf32>,
    %get3A_602 = vector.shape_cast %get3A_601 : vector<1x16xf32> to vector<16xf32>
    %select_n3A_603 = arith.select %eq3A_597, %get3A_602, %select_n3A_594 : vector<16xi1>, vector<16xf32>
    %eq3A_604 = arith.constant 2 : i32
    %eq3A_605 = vector.broadcast %eq3A_604 : i32 to vector<16xi32>
    %eq3A_606 = arith.cmpi eq, %get3A_583, %eq3A_605 : vector<16xi32>
    %get3A_607 = arith.constant 6 : i32
    %get3A_608 = arith.index_cast %get3A_607 : i32 to index
    %get3A_609 = arith.constant 64 : index
    %get3A_610 = tpu.vector_load %arg9[%get3A_608, %get3A_609] {strides = array<i32>} : memref<32x128xf32, #tpu.memory_space<vmem>>, vector<1x16xf32>,
    %get3A_611 = vector.shape_cast %get3A_610 : vector<1x16xf32> to vector<16xf32>
    %select_n3A_612 = arith.select %eq3A_606, %get3A_611, %select_n3A_603 : vector<16xi1>, vector<16xf32>
    %eq3A_613 = arith.constant 3 : i32
    %eq3A_614 = vector.broadcast %eq3A_613 : i32 to vector<16xi32>
    %eq3A_615 = arith.cmpi eq, %get3A_583, %eq3A_614 : vector<16xi32>
    %get3A_616 = arith.constant 6 : i32
    %get3A_617 = arith.index_cast %get3A_616 : i32 to index
    %get3A_618 = arith.constant 96 : index
    %get3A_619 = tpu.vector_load %arg9[%get3A_617, %get3A_618] {strides = array<i32>} : memref<32x128xf32, #tpu.memory_space<vmem>>, vector<1x16xf32>,
    %get3A_620 = vector.shape_cast %get3A_619 : vector<1x16xf32> to vector<16xf32>
    %select_n3A_621 = arith.select %eq3A_615, %get3A_620, %select_n3A_612 : vector<16xi1>, vector<16xf32>
    %swap3A_622 = arith.constant 6 : i32
    %swap3A_623 = arith.index_cast %swap3A_622 : i32 to index
    %swap3A_624 = arith.constant 0 : index
    %swap3A_625 = tpu.vector_load %arg10[%swap3A_623, %swap3A_624] {strides = array<i32>} : memref<32x32xf32, #tpu.memory_space<vmem>>, vector<1x16xf32>,
    %swap3A_626 = vector.shape_cast %swap3A_625 : vector<1x16xf32> to vector<16xf32>
    %swap3A_627 = vector.shape_cast %select_n3A_621 : vector<16xf32> to vector<1x16xf32>
    tpu.vector_store %arg10[%swap3A_623, %swap3A_624], %swap3A_627 {strides = array<i32>} : memref<32x32xf32, #tpu.memory_space<vmem>>, vector<1x16xf32>,
    %broadcast_in_dim3A_628 = arith.constant -1.000000e+00 : f32
    %broadcast_in_dim3A_629 = vector.broadcast %broadcast_in_dim3A_628 : f32 to vector<16xf32>
    %eq3A_630 = arith.constant 0 : i32
    %eq3A_631 = vector.broadcast %eq3A_630 : i32 to vector<16xi32>
    %eq3A_632 = arith.cmpi eq, %get3A_583, %eq3A_631 : vector<16xi32>
    %get3A_633 = arith.constant 6 : i32
    %get3A_634 = arith.index_cast %get3A_633 : i32 to index
    %get3A_635 = arith.constant 16 : index
    %get3A_636 = tpu.vector_load %arg9[%get3A_634, %get3A_635] {strides = array<i32>} : memref<32x128xf32, #tpu.memory_space<vmem>>, vector<1x16xf32>,
    %get3A_637 = vector.shape_cast %get3A_636 : vector<1x16xf32> to vector<16xf32>
    %select_n3A_638 = arith.select %eq3A_632, %get3A_637, %broadcast_in_dim3A_629 : vector<16xi1>, vector<16xf32>
    %eq3A_639 = arith.constant 1 : i32
    %eq3A_640 = vector.broadcast %eq3A_639 : i32 to vector<16xi32>
    %eq3A_641 = arith.cmpi eq, %get3A_583, %eq3A_640 : vector<16xi32>
    %get3A_642 = arith.constant 6 : i32
    %get3A_643 = arith.index_cast %get3A_642 : i32 to index
    %get3A_644 = arith.constant 48 : index
    %get3A_645 = tpu.vector_load %arg9[%get3A_643, %get3A_644] {strides = array<i32>} : memref<32x128xf32, #tpu.memory_space<vmem>>, vector<1x16xf32>,
    %get3A_646 = vector.shape_cast %get3A_645 : vector<1x16xf32> to vector<16xf32>
    %select_n3A_647 = arith.select %eq3A_641, %get3A_646, %select_n3A_638 : vector<16xi1>, vector<16xf32>
    %eq3A_648 = arith.constant 2 : i32
    %eq3A_649 = vector.broadcast %eq3A_648 : i32 to vector<16xi32>
    %eq3A_650 = arith.cmpi eq, %get3A_583, %eq3A_649 : vector<16xi32>
    %get3A_651 = arith.constant 6 : i32
    %get3A_652 = arith.index_cast %get3A_651 : i32 to index
    %get3A_653 = arith.constant 80 : index
    %get3A_654 = tpu.vector_load %arg9[%get3A_652, %get3A_653] {strides = array<i32>} : memref<32x128xf32, #tpu.memory_space<vmem>>, vector<1x16xf32>,
    %get3A_655 = vector.shape_cast %get3A_654 : vector<1x16xf32> to vector<16xf32>
    %select_n3A_656 = arith.select %eq3A_650, %get3A_655, %select_n3A_647 : vector<16xi1>, vector<16xf32>
    %eq3A_657 = arith.constant 3 : i32
    %eq3A_658 = vector.broadcast %eq3A_657 : i32 to vector<16xi32>
    %eq3A_659 = arith.cmpi eq, %get3A_583, %eq3A_658 : vector<16xi32>
    %get3A_660 = arith.constant 6 : i32
    %get3A_661 = arith.index_cast %get3A_660 : i32 to index
    %get3A_662 = arith.constant 112 : index
    %get3A_663 = tpu.vector_load %arg9[%get3A_661, %get3A_662] {strides = array<i32>} : memref<32x128xf32, #tpu.memory_space<vmem>>, vector<1x16xf32>,
    %get3A_664 = vector.shape_cast %get3A_663 : vector<1x16xf32> to vector<16xf32>
    %select_n3A_665 = arith.select %eq3A_659, %get3A_664, %select_n3A_656 : vector<16xi1>, vector<16xf32>
    %swap3A_666 = arith.constant 6 : i32
    %swap3A_667 = arith.index_cast %swap3A_666 : i32 to index
    %swap3A_668 = arith.constant 16 : index
    %swap3A_669 = tpu.vector_load %arg10[%swap3A_667, %swap3A_668] {strides = array<i32>} : memref<32x32xf32, #tpu.memory_space<vmem>>, vector<1x16xf32>,
    %swap3A_670 = vector.shape_cast %swap3A_669 : vector<1x16xf32> to vector<16xf32>
    %swap3A_671 = vector.shape_cast %select_n3A_665 : vector<16xf32> to vector<1x16xf32>
    tpu.vector_store %arg10[%swap3A_667, %swap3A_668], %swap3A_671 {strides = array<i32>} : memref<32x32xf32, #tpu.memory_space<vmem>>, vector<1x16xf32>,
    %get3A_672 = arith.constant 7 : i32
    %get3A_673 = arith.index_cast %get3A_672 : i32 to index
    %get3A_674 = arith.constant 0 : index
    %get3A_675 = tpu.vector_load %arg8[%get3A_673, %get3A_674] {strides = array<i32>} : memref<32x16xi32, #tpu.memory_space<vmem>>, vector<1x16xi32>,
    %get3A_676 = vector.shape_cast %get3A_675 : vector<1x16xi32> to vector<16xi32>
    %broadcast_in_dim3A_677 = arith.constant -1.000000e+00 : f32
    %broadcast_in_dim3A_678 = vector.broadcast %broadcast_in_dim3A_677 : f32 to vector<16xf32>
    %eq3A_679 = arith.constant 0 : i32
    %eq3A_680 = vector.broadcast %eq3A_679 : i32 to vector<16xi32>
    %eq3A_681 = arith.cmpi eq, %get3A_676, %eq3A_680 : vector<16xi32>
    %get3A_682 = arith.constant 7 : i32
    %get3A_683 = arith.index_cast %get3A_682 : i32 to index
    %get3A_684 = arith.constant 0 : index
    %get3A_685 = tpu.vector_load %arg9[%get3A_683, %get3A_684] {strides = array<i32>} : memref<32x128xf32, #tpu.memory_space<vmem>>, vector<1x16xf32>,
    %get3A_686 = vector.shape_cast %get3A_685 : vector<1x16xf32> to vector<16xf32>
    %select_n3A_687 = arith.select %eq3A_681, %get3A_686, %broadcast_in_dim3A_678 : vector<16xi1>, vector<16xf32>
    %eq3A_688 = arith.constant 1 : i32
    %eq3A_689 = vector.broadcast %eq3A_688 : i32 to vector<16xi32>
    %eq3A_690 = arith.cmpi eq, %get3A_676, %eq3A_689 : vector<16xi32>
    %get3A_691 = arith.constant 7 : i32
    %get3A_692 = arith.index_cast %get3A_691 : i32 to index
    %get3A_693 = arith.constant 32 : index
    %get3A_694 = tpu.vector_load %arg9[%get3A_692, %get3A_693] {strides = array<i32>} : memref<32x128xf32, #tpu.memory_space<vmem>>, vector<1x16xf32>,
    %get3A_695 = vector.shape_cast %get3A_694 : vector<1x16xf32> to vector<16xf32>
    %select_n3A_696 = arith.select %eq3A_690, %get3A_695, %select_n3A_687 : vector<16xi1>, vector<16xf32>
    %eq3A_697 = arith.constant 2 : i32
    %eq3A_698 = vector.broadcast %eq3A_697 : i32 to vector<16xi32>
    %eq3A_699 = arith.cmpi eq, %get3A_676, %eq3A_698 : vector<16xi32>
    %get3A_700 = arith.constant 7 : i32
    %get3A_701 = arith.index_cast %get3A_700 : i32 to index
    %get3A_702 = arith.constant 64 : index
    %get3A_703 = tpu.vector_load %arg9[%get3A_701, %get3A_702] {strides = array<i32>} : memref<32x128xf32, #tpu.memory_space<vmem>>, vector<1x16xf32>,
    %get3A_704 = vector.shape_cast %get3A_703 : vector<1x16xf32> to vector<16xf32>
    %select_n3A_705 = arith.select %eq3A_699, %get3A_704, %select_n3A_696 : vector<16xi1>, vector<16xf32>
    %eq3A_706 = arith.constant 3 : i32
    %eq3A_707 = vector.broadcast %eq3A_706 : i32 to vector<16xi32>
    %eq3A_708 = arith.cmpi eq, %get3A_676, %eq3A_707 : vector<16xi32>
    %get3A_709 = arith.constant 7 : i32
    %get3A_710 = arith.index_cast %get3A_709 : i32 to index
    %get3A_711 = arith.constant 96 : index
    %get3A_712 = tpu.vector_load %arg9[%get3A_710, %get3A_711] {strides = array<i32>} : memref<32x128xf32, #tpu.memory_space<vmem>>, vector<1x16xf32>,
    %get3A_713 = vector.shape_cast %get3A_712 : vector<1x16xf32> to vector<16xf32>
    %select_n3A_714 = arith.select %eq3A_708, %get3A_713, %select_n3A_705 : vector<16xi1>, vector<16xf32>
    %swap3A_715 = arith.constant 7 : i32
    %swap3A_716 = arith.index_cast %swap3A_715 : i32 to index
    %swap3A_717 = arith.constant 0 : index
    %swap3A_718 = tpu.vector_load %arg10[%swap3A_716, %swap3A_717] {strides = array<i32>} : memref<32x32xf32, #tpu.memory_space<vmem>>, vector<1x16xf32>,
    %swap3A_719 = vector.shape_cast %swap3A_718 : vector<1x16xf32> to vector<16xf32>
    %swap3A_720 = vector.shape_cast %select_n3A_714 : vector<16xf32> to vector<1x16xf32>
    tpu.vector_store %arg10[%swap3A_716, %swap3A_717], %swap3A_720 {strides = array<i32>} : memref<32x32xf32, #tpu.memory_space<vmem>>, vector<1x16xf32>,
    %broadcast_in_dim3A_721 = arith.constant -1.000000e+00 : f32
    %broadcast_in_dim3A_722 = vector.broadcast %broadcast_in_dim3A_721 : f32 to vector<16xf32>
    %eq3A_723 = arith.constant 0 : i32
    %eq3A_724 = vector.broadcast %eq3A_723 : i32 to vector<16xi32>
    %eq3A_725 = arith.cmpi eq, %get3A_676, %eq3A_724 : vector<16xi32>
    %get3A_726 = arith.constant 7 : i32
    %get3A_727 = arith.index_cast %get3A_726 : i32 to index
    %get3A_728 = arith.constant 16 : index
    %get3A_729 = tpu.vector_load %arg9[%get3A_727, %get3A_728] {strides = array<i32>} : memref<32x128xf32, #tpu.memory_space<vmem>>, vector<1x16xf32>,
    %get3A_730 = vector.shape_cast %get3A_729 : vector<1x16xf32> to vector<16xf32>
    %select_n3A_731 = arith.select %eq3A_725, %get3A_730, %broadcast_in_dim3A_722 : vector<16xi1>, vector<16xf32>
    %eq3A_732 = arith.constant 1 : i32
    %eq3A_733 = vector.broadcast %eq3A_732 : i32 to vector<16xi32>
    %eq3A_734 = arith.cmpi eq, %get3A_676, %eq3A_733 : vector<16xi32>
    %get3A_735 = arith.constant 7 : i32
    %get3A_736 = arith.index_cast %get3A_735 : i32 to index
    %get3A_737 = arith.constant 48 : index
    %get3A_738 = tpu.vector_load %arg9[%get3A_736, %get3A_737] {strides = array<i32>} : memref<32x128xf32, #tpu.memory_space<vmem>>, vector<1x16xf32>,
    %get3A_739 = vector.shape_cast %get3A_738 : vector<1x16xf32> to vector<16xf32>
    %select_n3A_740 = arith.select %eq3A_734, %get3A_739, %select_n3A_731 : vector<16xi1>, vector<16xf32>
    %eq3A_741 = arith.constant 2 : i32
    %eq3A_742 = vector.broadcast %eq3A_741 : i32 to vector<16xi32>
    %eq3A_743 = arith.cmpi eq, %get3A_676, %eq3A_742 : vector<16xi32>
    %get3A_744 = arith.constant 7 : i32
    %get3A_745 = arith.index_cast %get3A_744 : i32 to index
    %get3A_746 = arith.constant 80 : index
    %get3A_747 = tpu.vector_load %arg9[%get3A_745, %get3A_746] {strides = array<i32>} : memref<32x128xf32, #tpu.memory_space<vmem>>, vector<1x16xf32>,
    %get3A_748 = vector.shape_cast %get3A_747 : vector<1x16xf32> to vector<16xf32>
    %select_n3A_749 = arith.select %eq3A_743, %get3A_748, %select_n3A_740 : vector<16xi1>, vector<16xf32>
    %eq3A_750 = arith.constant 3 : i32
    %eq3A_751 = vector.broadcast %eq3A_750 : i32 to vector<16xi32>
    %eq3A_752 = arith.cmpi eq, %get3A_676, %eq3A_751 : vector<16xi32>
    %get3A_753 = arith.constant 7 : i32
    %get3A_754 = arith.index_cast %get3A_753 : i32 to index
    %get3A_755 = arith.constant 112 : index
    %get3A_756 = tpu.vector_load %arg9[%get3A_754, %get3A_755] {strides = array<i32>} : memref<32x128xf32, #tpu.memory_space<vmem>>, vector<1x16xf32>,
    %get3A_757 = vector.shape_cast %get3A_756 : vector<1x16xf32> to vector<16xf32>
    %select_n3A_758 = arith.select %eq3A_752, %get3A_757, %select_n3A_749 : vector<16xi1>, vector<16xf32>
    %swap3A_759 = arith.constant 7 : i32
    %swap3A_760 = arith.index_cast %swap3A_759 : i32 to index
    %swap3A_761 = arith.constant 16 : index
    %swap3A_762 = tpu.vector_load %arg10[%swap3A_760, %swap3A_761] {strides = array<i32>} : memref<32x32xf32, #tpu.memory_space<vmem>>, vector<1x16xf32>,
    %swap3A_763 = vector.shape_cast %swap3A_762 : vector<1x16xf32> to vector<16xf32>
    %swap3A_764 = vector.shape_cast %select_n3A_758 : vector<16xf32> to vector<1x16xf32>
    tpu.vector_store %arg10[%swap3A_760, %swap3A_761], %swap3A_764 {strides = array<i32>} : memref<32x32xf32, #tpu.memory_space<vmem>>, vector<1x16xf32>,
    %get3A_765 = arith.constant 8 : i32
    %get3A_766 = arith.index_cast %get3A_765 : i32 to index
    %get3A_767 = arith.constant 0 : index
    %get3A_768 = tpu.vector_load %arg8[%get3A_766, %get3A_767] {strides = array<i32>} : memref<32x16xi32, #tpu.memory_space<vmem>>, vector<1x16xi32>,
    %get3A_769 = vector.shape_cast %get3A_768 : vector<1x16xi32> to vector<16xi32>
    %broadcast_in_dim3A_770 = arith.constant -1.000000e+00 : f32
    %broadcast_in_dim3A_771 = vector.broadcast %broadcast_in_dim3A_770 : f32 to vector<16xf32>
    %eq3A_772 = arith.constant 0 : i32
    %eq3A_773 = vector.broadcast %eq3A_772 : i32 to vector<16xi32>
    %eq3A_774 = arith.cmpi eq, %get3A_769, %eq3A_773 : vector<16xi32>
    %get3A_775 = arith.constant 8 : i32
    %get3A_776 = arith.index_cast %get3A_775 : i32 to index
    %get3A_777 = arith.constant 0 : index
    %get3A_778 = tpu.vector_load %arg9[%get3A_776, %get3A_777] {strides = array<i32>} : memref<32x128xf32, #tpu.memory_space<vmem>>, vector<1x16xf32>,
    %get3A_779 = vector.shape_cast %get3A_778 : vector<1x16xf32> to vector<16xf32>
    %select_n3A_780 = arith.select %eq3A_774, %get3A_779, %broadcast_in_dim3A_771 : vector<16xi1>, vector<16xf32>
    %eq3A_781 = arith.constant 1 : i32
    %eq3A_782 = vector.broadcast %eq3A_781 : i32 to vector<16xi32>
    %eq3A_783 = arith.cmpi eq, %get3A_769, %eq3A_782 : vector<16xi32>
    %get3A_784 = arith.constant 8 : i32
    %get3A_785 = arith.index_cast %get3A_784 : i32 to index
    %get3A_786 = arith.constant 32 : index
    %get3A_787 = tpu.vector_load %arg9[%get3A_785, %get3A_786] {strides = array<i32>} : memref<32x128xf32, #tpu.memory_space<vmem>>, vector<1x16xf32>,
    %get3A_788 = vector.shape_cast %get3A_787 : vector<1x16xf32> to vector<16xf32>
    %select_n3A_789 = arith.select %eq3A_783, %get3A_788, %select_n3A_780 : vector<16xi1>, vector<16xf32>
    %eq3A_790 = arith.constant 2 : i32
    %eq3A_791 = vector.broadcast %eq3A_790 : i32 to vector<16xi32>
    %eq3A_792 = arith.cmpi eq, %get3A_769, %eq3A_791 : vector<16xi32>
    %get3A_793 = arith.constant 8 : i32
    %get3A_794 = arith.index_cast %get3A_793 : i32 to index
    %get3A_795 = arith.constant 64 : index
    %get3A_796 = tpu.vector_load %arg9[%get3A_794, %get3A_795] {strides = array<i32>} : memref<32x128xf32, #tpu.memory_space<vmem>>, vector<1x16xf32>,
    %get3A_797 = vector.shape_cast %get3A_796 : vector<1x16xf32> to vector<16xf32>
    %select_n3A_798 = arith.select %eq3A_792, %get3A_797, %select_n3A_789 : vector<16xi1>, vector<16xf32>
    %eq3A_799 = arith.constant 3 : i32
    %eq3A_800 = vector.broadcast %eq3A_799 : i32 to vector<16xi32>
    %eq3A_801 = arith.cmpi eq, %get3A_769, %eq3A_800 : vector<16xi32>
    %get3A_802 = arith.constant 8 : i32
    %get3A_803 = arith.index_cast %get3A_802 : i32 to index
    %get3A_804 = arith.constant 96 : index
    %get3A_805 = tpu.vector_load %arg9[%get3A_803, %get3A_804] {strides = array<i32>} : memref<32x128xf32, #tpu.memory_space<vmem>>, vector<1x16xf32>,
    %get3A_806 = vector.shape_cast %get3A_805 : vector<1x16xf32> to vector<16xf32>
    %select_n3A_807 = arith.select %eq3A_801, %get3A_806, %select_n3A_798 : vector<16xi1>, vector<16xf32>
    %swap3A_808 = arith.constant 8 : i32
    %swap3A_809 = arith.index_cast %swap3A_808 : i32 to index
    %swap3A_810 = arith.constant 0 : index
    %swap3A_811 = tpu.vector_load %arg10[%swap3A_809, %swap3A_810] {strides = array<i32>} : memref<32x32xf32, #tpu.memory_space<vmem>>, vector<1x16xf32>,
    %swap3A_812 = vector.shape_cast %swap3A_811 : vector<1x16xf32> to vector<16xf32>
    %swap3A_813 = vector.shape_cast %select_n3A_807 : vector<16xf32> to vector<1x16xf32>
    tpu.vector_store %arg10[%swap3A_809, %swap3A_810], %swap3A_813 {strides = array<i32>} : memref<32x32xf32, #tpu.memory_space<vmem>>, vector<1x16xf32>,
    %broadcast_in_dim3A_814 = arith.constant -1.000000e+00 : f32
    %broadcast_in_dim3A_815 = vector.broadcast %broadcast_in_dim3A_814 : f32 to vector<16xf32>
    %eq3A_816 = arith.constant 0 : i32
    %eq3A_817 = vector.broadcast %eq3A_816 : i32 to vector<16xi32>
    %eq3A_818 = arith.cmpi eq, %get3A_769, %eq3A_817 : vector<16xi32>
    %get3A_819 = arith.constant 8 : i32
    %get3A_820 = arith.index_cast %get3A_819 : i32 to index
    %get3A_821 = arith.constant 16 : index
    %get3A_822 = tpu.vector_load %arg9[%get3A_820, %get3A_821] {strides = array<i32>} : memref<32x128xf32, #tpu.memory_space<vmem>>, vector<1x16xf32>,
    %get3A_823 = vector.shape_cast %get3A_822 : vector<1x16xf32> to vector<16xf32>
    %select_n3A_824 = arith.select %eq3A_818, %get3A_823, %broadcast_in_dim3A_815 : vector<16xi1>, vector<16xf32>
    %eq3A_825 = arith.constant 1 : i32
    %eq3A_826 = vector.broadcast %eq3A_825 : i32 to vector<16xi32>
    %eq3A_827 = arith.cmpi eq, %get3A_769, %eq3A_826 : vector<16xi32>
    %get3A_828 = arith.constant 8 : i32
    %get3A_829 = arith.index_cast %get3A_828 : i32 to index
    %get3A_830 = arith.constant 48 : index
    %get3A_831 = tpu.vector_load %arg9[%get3A_829, %get3A_830] {strides = array<i32>} : memref<32x128xf32, #tpu.memory_space<vmem>>, vector<1x16xf32>,
    %get3A_832 = vector.shape_cast %get3A_831 : vector<1x16xf32> to vector<16xf32>
    %select_n3A_833 = arith.select %eq3A_827, %get3A_832, %select_n3A_824 : vector<16xi1>, vector<16xf32>
    %eq3A_834 = arith.constant 2 : i32
    %eq3A_835 = vector.broadcast %eq3A_834 : i32 to vector<16xi32>
    %eq3A_836 = arith.cmpi eq, %get3A_769, %eq3A_835 : vector<16xi32>
    %get3A_837 = arith.constant 8 : i32
    %get3A_838 = arith.index_cast %get3A_837 : i32 to index
    %get3A_839 = arith.constant 80 : index
    %get3A_840 = tpu.vector_load %arg9[%get3A_838, %get3A_839] {strides = array<i32>} : memref<32x128xf32, #tpu.memory_space<vmem>>, vector<1x16xf32>,
    %get3A_841 = vector.shape_cast %get3A_840 : vector<1x16xf32> to vector<16xf32>
    %select_n3A_842 = arith.select %eq3A_836, %get3A_841, %select_n3A_833 : vector<16xi1>, vector<16xf32>
    %eq3A_843 = arith.constant 3 : i32
    %eq3A_844 = vector.broadcast %eq3A_843 : i32 to vector<16xi32>
    %eq3A_845 = arith.cmpi eq, %get3A_769, %eq3A_844 : vector<16xi32>
    %get3A_846 = arith.constant 8 : i32
    %get3A_847 = arith.index_cast %get3A_846 : i32 to index
    %get3A_848 = arith.constant 112 : index
    %get3A_849 = tpu.vector_load %arg9[%get3A_847, %get3A_848] {strides = array<i32>} : memref<32x128xf32, #tpu.memory_space<vmem>>, vector<1x16xf32>,
    %get3A_850 = vector.shape_cast %get3A_849 : vector<1x16xf32> to vector<16xf32>
    %select_n3A_851 = arith.select %eq3A_845, %get3A_850, %select_n3A_842 : vector<16xi1>, vector<16xf32>
    %swap3A_852 = arith.constant 8 : i32
    %swap3A_853 = arith.index_cast %swap3A_852 : i32 to index
    %swap3A_854 = arith.constant 16 : index
    %swap3A_855 = tpu.vector_load %arg10[%swap3A_853, %swap3A_854] {strides = array<i32>} : memref<32x32xf32, #tpu.memory_space<vmem>>, vector<1x16xf32>,
    %swap3A_856 = vector.shape_cast %swap3A_855 : vector<1x16xf32> to vector<16xf32>
    %swap3A_857 = vector.shape_cast %select_n3A_851 : vector<16xf32> to vector<1x16xf32>
    tpu.vector_store %arg10[%swap3A_853, %swap3A_854], %swap3A_857 {strides = array<i32>} : memref<32x32xf32, #tpu.memory_space<vmem>>, vector<1x16xf32>,
    %get3A_858 = arith.constant 9 : i32
    %get3A_859 = arith.index_cast %get3A_858 : i32 to index
    %get3A_860 = arith.constant 0 : index
    %get3A_861 = tpu.vector_load %arg8[%get3A_859, %get3A_860] {strides = array<i32>} : memref<32x16xi32, #tpu.memory_space<vmem>>, vector<1x16xi32>,
    %get3A_862 = vector.shape_cast %get3A_861 : vector<1x16xi32> to vector<16xi32>
    %broadcast_in_dim3A_863 = arith.constant -1.000000e+00 : f32
    %broadcast_in_dim3A_864 = vector.broadcast %broadcast_in_dim3A_863 : f32 to vector<16xf32>
    %eq3A_865 = arith.constant 0 : i32
    %eq3A_866 = vector.broadcast %eq3A_865 : i32 to vector<16xi32>
    %eq3A_867 = arith.cmpi eq, %get3A_862, %eq3A_866 : vector<16xi32>
    %get3A_868 = arith.constant 9 : i32
    %get3A_869 = arith.index_cast %get3A_868 : i32 to index
    %get3A_870 = arith.constant 0 : index
    %get3A_871 = tpu.vector_load %arg9[%get3A_869, %get3A_870] {strides = array<i32>} : memref<32x128xf32, #tpu.memory_space<vmem>>, vector<1x16xf32>,
    %get3A_872 = vector.shape_cast %get3A_871 : vector<1x16xf32> to vector<16xf32>
    %select_n3A_873 = arith.select %eq3A_867, %get3A_872, %broadcast_in_dim3A_864 : vector<16xi1>, vector<16xf32>
    %eq3A_874 = arith.constant 1 : i32
    %eq3A_875 = vector.broadcast %eq3A_874 : i32 to vector<16xi32>
    %eq3A_876 = arith.cmpi eq, %get3A_862, %eq3A_875 : vector<16xi32>
    %get3A_877 = arith.constant 9 : i32
    %get3A_878 = arith.index_cast %get3A_877 : i32 to index
    %get3A_879 = arith.constant 32 : index
    %get3A_880 = tpu.vector_load %arg9[%get3A_878, %get3A_879] {strides = array<i32>} : memref<32x128xf32, #tpu.memory_space<vmem>>, vector<1x16xf32>,
    %get3A_881 = vector.shape_cast %get3A_880 : vector<1x16xf32> to vector<16xf32>
    %select_n3A_882 = arith.select %eq3A_876, %get3A_881, %select_n3A_873 : vector<16xi1>, vector<16xf32>
    %eq3A_883 = arith.constant 2 : i32
    %eq3A_884 = vector.broadcast %eq3A_883 : i32 to vector<16xi32>
    %eq3A_885 = arith.cmpi eq, %get3A_862, %eq3A_884 : vector<16xi32>
    %get3A_886 = arith.constant 9 : i32
    %get3A_887 = arith.index_cast %get3A_886 : i32 to index
    %get3A_888 = arith.constant 64 : index
    %get3A_889 = tpu.vector_load %arg9[%get3A_887, %get3A_888] {strides = array<i32>} : memref<32x128xf32, #tpu.memory_space<vmem>>, vector<1x16xf32>,
    %get3A_890 = vector.shape_cast %get3A_889 : vector<1x16xf32> to vector<16xf32>
    %select_n3A_891 = arith.select %eq3A_885, %get3A_890, %select_n3A_882 : vector<16xi1>, vector<16xf32>
    %eq3A_892 = arith.constant 3 : i32
    %eq3A_893 = vector.broadcast %eq3A_892 : i32 to vector<16xi32>
    %eq3A_894 = arith.cmpi eq, %get3A_862, %eq3A_893 : vector<16xi32>
    %get3A_895 = arith.constant 9 : i32
    %get3A_896 = arith.index_cast %get3A_895 : i32 to index
    %get3A_897 = arith.constant 96 : index
    %get3A_898 = tpu.vector_load %arg9[%get3A_896, %get3A_897] {strides = array<i32>} : memref<32x128xf32, #tpu.memory_space<vmem>>, vector<1x16xf32>,
    %get3A_899 = vector.shape_cast %get3A_898 : vector<1x16xf32> to vector<16xf32>
    %select_n3A_900 = arith.select %eq3A_894, %get3A_899, %select_n3A_891 : vector<16xi1>, vector<16xf32>
    %swap3A_901 = arith.constant 9 : i32
    %swap3A_902 = arith.index_cast %swap3A_901 : i32 to index
    %swap3A_903 = arith.constant 0 : index
    %swap3A_904 = tpu.vector_load %arg10[%swap3A_902, %swap3A_903] {strides = array<i32>} : memref<32x32xf32, #tpu.memory_space<vmem>>, vector<1x16xf32>,
    %swap3A_905 = vector.shape_cast %swap3A_904 : vector<1x16xf32> to vector<16xf32>
    %swap3A_906 = vector.shape_cast %select_n3A_900 : vector<16xf32> to vector<1x16xf32>
    tpu.vector_store %arg10[%swap3A_902, %swap3A_903], %swap3A_906 {strides = array<i32>} : memref<32x32xf32, #tpu.memory_space<vmem>>, vector<1x16xf32>,
    %broadcast_in_dim3A_907 = arith.constant -1.000000e+00 : f32
    %broadcast_in_dim3A_908 = vector.broadcast %broadcast_in_dim3A_907 : f32 to vector<16xf32>
    %eq3A_909 = arith.constant 0 : i32
    %eq3A_910 = vector.broadcast %eq3A_909 : i32 to vector<16xi32>
    %eq3A_911 = arith.cmpi eq, %get3A_862, %eq3A_910 : vector<16xi32>
    %get3A_912 = arith.constant 9 : i32
    %get3A_913 = arith.index_cast %get3A_912 : i32 to index
    %get3A_914 = arith.constant 16 : index
    %get3A_915 = tpu.vector_load %arg9[%get3A_913, %get3A_914] {strides = array<i32>} : memref<32x128xf32, #tpu.memory_space<vmem>>, vector<1x16xf32>,
    %get3A_916 = vector.shape_cast %get3A_915 : vector<1x16xf32> to vector<16xf32>
    %select_n3A_917 = arith.select %eq3A_911, %get3A_916, %broadcast_in_dim3A_908 : vector<16xi1>, vector<16xf32>
    %eq3A_918 = arith.constant 1 : i32
    %eq3A_919 = vector.broadcast %eq3A_918 : i32 to vector<16xi32>
    %eq3A_920 = arith.cmpi eq, %get3A_862, %eq3A_919 : vector<16xi32>
    %get3A_921 = arith.constant 9 : i32
    %get3A_922 = arith.index_cast %get3A_921 : i32 to index
    %get3A_923 = arith.constant 48 : index
    %get3A_924 = tpu.vector_load %arg9[%get3A_922, %get3A_923] {strides = array<i32>} : memref<32x128xf32, #tpu.memory_space<vmem>>, vector<1x16xf32>,
    %get3A_925 = vector.shape_cast %get3A_924 : vector<1x16xf32> to vector<16xf32>
    %select_n3A_926 = arith.select %eq3A_920, %get3A_925, %select_n3A_917 : vector<16xi1>, vector<16xf32>
    %eq3A_927 = arith.constant 2 : i32
    %eq3A_928 = vector.broadcast %eq3A_927 : i32 to vector<16xi32>
    %eq3A_929 = arith.cmpi eq, %get3A_862, %eq3A_928 : vector<16xi32>
    %get3A_930 = arith.constant 9 : i32
    %get3A_931 = arith.index_cast %get3A_930 : i32 to index
    %get3A_932 = arith.constant 80 : index
    %get3A_933 = tpu.vector_load %arg9[%get3A_931, %get3A_932] {strides = array<i32>} : memref<32x128xf32, #tpu.memory_space<vmem>>, vector<1x16xf32>,
    %get3A_934 = vector.shape_cast %get3A_933 : vector<1x16xf32> to vector<16xf32>
    %select_n3A_935 = arith.select %eq3A_929, %get3A_934, %select_n3A_926 : vector<16xi1>, vector<16xf32>
    %eq3A_936 = arith.constant 3 : i32
    %eq3A_937 = vector.broadcast %eq3A_936 : i32 to vector<16xi32>
    %eq3A_938 = arith.cmpi eq, %get3A_862, %eq3A_937 : vector<16xi32>
    %get3A_939 = arith.constant 9 : i32
    %get3A_940 = arith.index_cast %get3A_939 : i32 to index
    %get3A_941 = arith.constant 112 : index
    %get3A_942 = tpu.vector_load %arg9[%get3A_940, %get3A_941] {strides = array<i32>} : memref<32x128xf32, #tpu.memory_space<vmem>>, vector<1x16xf32>,
    %get3A_943 = vector.shape_cast %get3A_942 : vector<1x16xf32> to vector<16xf32>
    %select_n3A_944 = arith.select %eq3A_938, %get3A_943, %select_n3A_935 : vector<16xi1>, vector<16xf32>
    %swap3A_945 = arith.constant 9 : i32
    %swap3A_946 = arith.index_cast %swap3A_945 : i32 to index
    %swap3A_947 = arith.constant 16 : index
    %swap3A_948 = tpu.vector_load %arg10[%swap3A_946, %swap3A_947] {strides = array<i32>} : memref<32x32xf32, #tpu.memory_space<vmem>>, vector<1x16xf32>,
    %swap3A_949 = vector.shape_cast %swap3A_948 : vector<1x16xf32> to vector<16xf32>
    %swap3A_950 = vector.shape_cast %select_n3A_944 : vector<16xf32> to vector<1x16xf32>
    tpu.vector_store %arg10[%swap3A_946, %swap3A_947], %swap3A_950 {strides = array<i32>} : memref<32x32xf32, #tpu.memory_space<vmem>>, vector<1x16xf32>,
    %get3A_951 = arith.constant 10 : i32
    %get3A_952 = arith.index_cast %get3A_951 : i32 to index
    %get3A_953 = arith.constant 0 : index
    %get3A_954 = tpu.vector_load %arg8[%get3A_952, %get3A_953] {strides = array<i32>} : memref<32x16xi32, #tpu.memory_space<vmem>>, vector<1x16xi32>,
    %get3A_955 = vector.shape_cast %get3A_954 : vector<1x16xi32> to vector<16xi32>
    %broadcast_in_dim3A_956 = arith.constant -1.000000e+00 : f32
    %broadcast_in_dim3A_957 = vector.broadcast %broadcast_in_dim3A_956 : f32 to vector<16xf32>
    %eq3A_958 = arith.constant 0 : i32
    %eq3A_959 = vector.broadcast %eq3A_958 : i32 to vector<16xi32>
    %eq3A_960 = arith.cmpi eq, %get3A_955, %eq3A_959 : vector<16xi32>
    %get3A_961 = arith.constant 10 : i32
    %get3A_962 = arith.index_cast %get3A_961 : i32 to index
    %get3A_963 = arith.constant 0 : index
    %get3A_964 = tpu.vector_load %arg9[%get3A_962, %get3A_963] {strides = array<i32>} : memref<32x128xf32, #tpu.memory_space<vmem>>, vector<1x16xf32>,
    %get3A_965 = vector.shape_cast %get3A_964 : vector<1x16xf32> to vector<16xf32>
    %select_n3A_966 = arith.select %eq3A_960, %get3A_965, %broadcast_in_dim3A_957 : vector<16xi1>, vector<16xf32>
    %eq3A_967 = arith.constant 1 : i32
    %eq3A_968 = vector.broadcast %eq3A_967 : i32 to vector<16xi32>
    %eq3A_969 = arith.cmpi eq, %get3A_955, %eq3A_968 : vector<16xi32>
    %get3A_970 = arith.constant 10 : i32
    %get3A_971 = arith.index_cast %get3A_970 : i32 to index
    %get3A_972 = arith.constant 32 : index
    %get3A_973 = tpu.vector_load %arg9[%get3A_971, %get3A_972] {strides = array<i32>} : memref<32x128xf32, #tpu.memory_space<vmem>>, vector<1x16xf32>,
    %get3A_974 = vector.shape_cast %get3A_973 : vector<1x16xf32> to vector<16xf32>
    %select_n3A_975 = arith.select %eq3A_969, %get3A_974, %select_n3A_966 : vector<16xi1>, vector<16xf32>
    %eq3A_976 = arith.constant 2 : i32
    %eq3A_977 = vector.broadcast %eq3A_976 : i32 to vector<16xi32>
    %eq3A_978 = arith.cmpi eq, %get3A_955, %eq3A_977 : vector<16xi32>
    %get3A_979 = arith.constant 10 : i32
    %get3A_980 = arith.index_cast %get3A_979 : i32 to index
    %get3A_981 = arith.constant 64 : index
    %get3A_982 = tpu.vector_load %arg9[%get3A_980, %get3A_981] {strides = array<i32>} : memref<32x128xf32, #tpu.memory_space<vmem>>, vector<1x16xf32>,
    %get3A_983 = vector.shape_cast %get3A_982 : vector<1x16xf32> to vector<16xf32>
    %select_n3A_984 = arith.select %eq3A_978, %get3A_983, %select_n3A_975 : vector<16xi1>, vector<16xf32>
    %eq3A_985 = arith.constant 3 : i32
    %eq3A_986 = vector.broadcast %eq3A_985 : i32 to vector<16xi32>
    %eq3A_987 = arith.cmpi eq, %get3A_955, %eq3A_986 : vector<16xi32>
    %get3A_988 = arith.constant 10 : i32
    %get3A_989 = arith.index_cast %get3A_988 : i32 to index
    %get3A_990 = arith.constant 96 : index
    %get3A_991 = tpu.vector_load %arg9[%get3A_989, %get3A_990] {strides = array<i32>} : memref<32x128xf32, #tpu.memory_space<vmem>>, vector<1x16xf32>,
    %get3A_992 = vector.shape_cast %get3A_991 : vector<1x16xf32> to vector<16xf32>
    %select_n3A_993 = arith.select %eq3A_987, %get3A_992, %select_n3A_984 : vector<16xi1>, vector<16xf32>
    %swap3A_994 = arith.constant 10 : i32
    %swap3A_995 = arith.index_cast %swap3A_994 : i32 to index
    %swap3A_996 = arith.constant 0 : index
    %swap3A_997 = tpu.vector_load %arg10[%swap3A_995, %swap3A_996] {strides = array<i32>} : memref<32x32xf32, #tpu.memory_space<vmem>>, vector<1x16xf32>,
    %swap3A_998 = vector.shape_cast %swap3A_997 : vector<1x16xf32> to vector<16xf32>
    %swap3A_999 = vector.shape_cast %select_n3A_993 : vector<16xf32> to vector<1x16xf32>
    tpu.vector_store %arg10[%swap3A_995, %swap3A_996], %swap3A_999 {strides = array<i32>} : memref<32x32xf32, #tpu.memory_space<vmem>>, vector<1x16xf32>,
    %broadcast_in_dim3A_1000 = arith.constant -1.000000e+00 : f32
    %broadcast_in_dim3A_1001 = vector.broadcast %broadcast_in_dim3A_1000 : f32 to vector<16xf32>
    %eq3A_1002 = arith.constant 0 : i32
    %eq3A_1003 = vector.broadcast %eq3A_1002 : i32 to vector<16xi32>
    %eq3A_1004 = arith.cmpi eq, %get3A_955, %eq3A_1003 : vector<16xi32>
    %get3A_1005 = arith.constant 10 : i32
    %get3A_1006 = arith.index_cast %get3A_1005 : i32 to index
    %get3A_1007 = arith.constant 16 : index
    %get3A_1008 = tpu.vector_load %arg9[%get3A_1006, %get3A_1007] {strides = array<i32>} : memref<32x128xf32, #tpu.memory_space<vmem>>, vector<1x16xf32>,
    %get3A_1009 = vector.shape_cast %get3A_1008 : vector<1x16xf32> to vector<16xf32>
    %select_n3A_1010 = arith.select %eq3A_1004, %get3A_1009, %broadcast_in_dim3A_1001 : vector<16xi1>, vector<16xf32>
    %eq3A_1011 = arith.constant 1 : i32
    %eq3A_1012 = vector.broadcast %eq3A_1011 : i32 to vector<16xi32>
    %eq3A_1013 = arith.cmpi eq, %get3A_955, %eq3A_1012 : vector<16xi32>
    %get3A_1014 = arith.constant 10 : i32
    %get3A_1015 = arith.index_cast %get3A_1014 : i32 to index
    %get3A_1016 = arith.constant 48 : index
    %get3A_1017 = tpu.vector_load %arg9[%get3A_1015, %get3A_1016] {strides = array<i32>} : memref<32x128xf32, #tpu.memory_space<vmem>>, vector<1x16xf32>,
    %get3A_1018 = vector.shape_cast %get3A_1017 : vector<1x16xf32> to vector<16xf32>
    %select_n3A_1019 = arith.select %eq3A_1013, %get3A_1018, %select_n3A_1010 : vector<16xi1>, vector<16xf32>
    %eq3A_1020 = arith.constant 2 : i32
    %eq3A_1021 = vector.broadcast %eq3A_1020 : i32 to vector<16xi32>
    %eq3A_1022 = arith.cmpi eq, %get3A_955, %eq3A_1021 : vector<16xi32>
    %get3A_1023 = arith.constant 10 : i32
    %get3A_1024 = arith.index_cast %get3A_1023 : i32 to index
    %get3A_1025 = arith.constant 80 : index
    %get3A_1026 = tpu.vector_load %arg9[%get3A_1024, %get3A_1025] {strides = array<i32>} : memref<32x128xf32, #tpu.memory_space<vmem>>, vector<1x16xf32>,
    %get3A_1027 = vector.shape_cast %get3A_1026 : vector<1x16xf32> to vector<16xf32>
    %select_n3A_1028 = arith.select %eq3A_1022, %get3A_1027, %select_n3A_1019 : vector<16xi1>, vector<16xf32>
    %eq3A_1029 = arith.constant 3 : i32
    %eq3A_1030 = vector.broadcast %eq3A_1029 : i32 to vector<16xi32>
    %eq3A_1031 = arith.cmpi eq, %get3A_955, %eq3A_1030 : vector<16xi32>
    %get3A_1032 = arith.constant 10 : i32
    %get3A_1033 = arith.index_cast %get3A_1032 : i32 to index
    %get3A_1034 = arith.constant 112 : index
    %get3A_1035 = tpu.vector_load %arg9[%get3A_1033, %get3A_1034] {strides = array<i32>} : memref<32x128xf32, #tpu.memory_space<vmem>>, vector<1x16xf32>,
    %get3A_1036 = vector.shape_cast %get3A_1035 : vector<1x16xf32> to vector<16xf32>
    %select_n3A_1037 = arith.select %eq3A_1031, %get3A_1036, %select_n3A_1028 : vector<16xi1>, vector<16xf32>
    %swap3A_1038 = arith.constant 10 : i32
    %swap3A_1039 = arith.index_cast %swap3A_1038 : i32 to index
    %swap3A_1040 = arith.constant 16 : index
    %swap3A_1041 = tpu.vector_load %arg10[%swap3A_1039, %swap3A_1040] {strides = array<i32>} : memref<32x32xf32, #tpu.memory_space<vmem>>, vector<1x16xf32>,
    %swap3A_1042 = vector.shape_cast %swap3A_1041 : vector<1x16xf32> to vector<16xf32>
    %swap3A_1043 = vector.shape_cast %select_n3A_1037 : vector<16xf32> to vector<1x16xf32>
    tpu.vector_store %arg10[%swap3A_1039, %swap3A_1040], %swap3A_1043 {strides = array<i32>} : memref<32x32xf32, #tpu.memory_space<vmem>>, vector<1x16xf32>,
    %get3A_1044 = arith.constant 11 : i32
    %get3A_1045 = arith.index_cast %get3A_1044 : i32 to index
    %get3A_1046 = arith.constant 0 : index
    %get3A_1047 = tpu.vector_load %arg8[%get3A_1045, %get3A_1046] {strides = array<i32>} : memref<32x16xi32, #tpu.memory_space<vmem>>, vector<1x16xi32>,
    %get3A_1048 = vector.shape_cast %get3A_1047 : vector<1x16xi32> to vector<16xi32>
    %broadcast_in_dim3A_1049 = arith.constant -1.000000e+00 : f32
    %broadcast_in_dim3A_1050 = vector.broadcast %broadcast_in_dim3A_1049 : f32 to vector<16xf32>
    %eq3A_1051 = arith.constant 0 : i32
    %eq3A_1052 = vector.broadcast %eq3A_1051 : i32 to vector<16xi32>
    %eq3A_1053 = arith.cmpi eq, %get3A_1048, %eq3A_1052 : vector<16xi32>
    %get3A_1054 = arith.constant 11 : i32
    %get3A_1055 = arith.index_cast %get3A_1054 : i32 to index
    %get3A_1056 = arith.constant 0 : index
    %get3A_1057 = tpu.vector_load %arg9[%get3A_1055, %get3A_1056] {strides = array<i32>} : memref<32x128xf32, #tpu.memory_space<vmem>>, vector<1x16xf32>,
    %get3A_1058 = vector.shape_cast %get3A_1057 : vector<1x16xf32> to vector<16xf32>
    %select_n3A_1059 = arith.select %eq3A_1053, %get3A_1058, %broadcast_in_dim3A_1050 : vector<16xi1>, vector<16xf32>
    %eq3A_1060 = arith.constant 1 : i32
    %eq3A_1061 = vector.broadcast %eq3A_1060 : i32 to vector<16xi32>
    %eq3A_1062 = arith.cmpi eq, %get3A_1048, %eq3A_1061 : vector<16xi32>
    %get3A_1063 = arith.constant 11 : i32
    %get3A_1064 = arith.index_cast %get3A_1063 : i32 to index
    %get3A_1065 = arith.constant 32 : index
    %get3A_1066 = tpu.vector_load %arg9[%get3A_1064, %get3A_1065] {strides = array<i32>} : memref<32x128xf32, #tpu.memory_space<vmem>>, vector<1x16xf32>,
    %get3A_1067 = vector.shape_cast %get3A_1066 : vector<1x16xf32> to vector<16xf32>
    %select_n3A_1068 = arith.select %eq3A_1062, %get3A_1067, %select_n3A_1059 : vector<16xi1>, vector<16xf32>
    %eq3A_1069 = arith.constant 2 : i32
    %eq3A_1070 = vector.broadcast %eq3A_1069 : i32 to vector<16xi32>
    %eq3A_1071 = arith.cmpi eq, %get3A_1048, %eq3A_1070 : vector<16xi32>
    %get3A_1072 = arith.constant 11 : i32
    %get3A_1073 = arith.index_cast %get3A_1072 : i32 to index
    %get3A_1074 = arith.constant 64 : index
    %get3A_1075 = tpu.vector_load %arg9[%get3A_1073, %get3A_1074] {strides = array<i32>} : memref<32x128xf32, #tpu.memory_space<vmem>>, vector<1x16xf32>,
    %get3A_1076 = vector.shape_cast %get3A_1075 : vector<1x16xf32> to vector<16xf32>
    %select_n3A_1077 = arith.select %eq3A_1071, %get3A_1076, %select_n3A_1068 : vector<16xi1>, vector<16xf32>
    %eq3A_1078 = arith.constant 3 : i32
    %eq3A_1079 = vector.broadcast %eq3A_1078 : i32 to vector<16xi32>
    %eq3A_1080 = arith.cmpi eq, %get3A_1048, %eq3A_1079 : vector<16xi32>
    %get3A_1081 = arith.constant 11 : i32
    %get3A_1082 = arith.index_cast %get3A_1081 : i32 to index
    %get3A_1083 = arith.constant 96 : index
    %get3A_1084 = tpu.vector_load %arg9[%get3A_1082, %get3A_1083] {strides = array<i32>} : memref<32x128xf32, #tpu.memory_space<vmem>>, vector<1x16xf32>,
    %get3A_1085 = vector.shape_cast %get3A_1084 : vector<1x16xf32> to vector<16xf32>
    %select_n3A_1086 = arith.select %eq3A_1080, %get3A_1085, %select_n3A_1077 : vector<16xi1>, vector<16xf32>
    %swap3A_1087 = arith.constant 11 : i32
    %swap3A_1088 = arith.index_cast %swap3A_1087 : i32 to index
    %swap3A_1089 = arith.constant 0 : index
    %swap3A_1090 = tpu.vector_load %arg10[%swap3A_1088, %swap3A_1089] {strides = array<i32>} : memref<32x32xf32, #tpu.memory_space<vmem>>, vector<1x16xf32>,
    %swap3A_1091 = vector.shape_cast %swap3A_1090 : vector<1x16xf32> to vector<16xf32>
    %swap3A_1092 = vector.shape_cast %select_n3A_1086 : vector<16xf32> to vector<1x16xf32>
    tpu.vector_store %arg10[%swap3A_1088, %swap3A_1089], %swap3A_1092 {strides = array<i32>} : memref<32x32xf32, #tpu.memory_space<vmem>>, vector<1x16xf32>,
    %broadcast_in_dim3A_1093 = arith.constant -1.000000e+00 : f32
    %broadcast_in_dim3A_1094 = vector.broadcast %broadcast_in_dim3A_1093 : f32 to vector<16xf32>
    %eq3A_1095 = arith.constant 0 : i32
    %eq3A_1096 = vector.broadcast %eq3A_1095 : i32 to vector<16xi32>
    %eq3A_1097 = arith.cmpi eq, %get3A_1048, %eq3A_1096 : vector<16xi32>
    %get3A_1098 = arith.constant 11 : i32
    %get3A_1099 = arith.index_cast %get3A_1098 : i32 to index
    %get3A_1100 = arith.constant 16 : index
    %get3A_1101 = tpu.vector_load %arg9[%get3A_1099, %get3A_1100] {strides = array<i32>} : memref<32x128xf32, #tpu.memory_space<vmem>>, vector<1x16xf32>,
    %get3A_1102 = vector.shape_cast %get3A_1101 : vector<1x16xf32> to vector<16xf32>
    %select_n3A_1103 = arith.select %eq3A_1097, %get3A_1102, %broadcast_in_dim3A_1094 : vector<16xi1>, vector<16xf32>
    %eq3A_1104 = arith.constant 1 : i32
    %eq3A_1105 = vector.broadcast %eq3A_1104 : i32 to vector<16xi32>
    %eq3A_1106 = arith.cmpi eq, %get3A_1048, %eq3A_1105 : vector<16xi32>
    %get3A_1107 = arith.constant 11 : i32
    %get3A_1108 = arith.index_cast %get3A_1107 : i32 to index
    %get3A_1109 = arith.constant 48 : index
    %get3A_1110 = tpu.vector_load %arg9[%get3A_1108, %get3A_1109] {strides = array<i32>} : memref<32x128xf32, #tpu.memory_space<vmem>>, vector<1x16xf32>,
    %get3A_1111 = vector.shape_cast %get3A_1110 : vector<1x16xf32> to vector<16xf32>
    %select_n3A_1112 = arith.select %eq3A_1106, %get3A_1111, %select_n3A_1103 : vector<16xi1>, vector<16xf32>
    %eq3A_1113 = arith.constant 2 : i32
    %eq3A_1114 = vector.broadcast %eq3A_1113 : i32 to vector<16xi32>
    %eq3A_1115 = arith.cmpi eq, %get3A_1048, %eq3A_1114 : vector<16xi32>
    %get3A_1116 = arith.constant 11 : i32
    %get3A_1117 = arith.index_cast %get3A_1116 : i32 to index
    %get3A_1118 = arith.constant 80 : index
    %get3A_1119 = tpu.vector_load %arg9[%get3A_1117, %get3A_1118] {strides = array<i32>} : memref<32x128xf32, #tpu.memory_space<vmem>>, vector<1x16xf32>,
    %get3A_1120 = vector.shape_cast %get3A_1119 : vector<1x16xf32> to vector<16xf32>
    %select_n3A_1121 = arith.select %eq3A_1115, %get3A_1120, %select_n3A_1112 : vector<16xi1>, vector<16xf32>
    %eq3A_1122 = arith.constant 3 : i32
    %eq3A_1123 = vector.broadcast %eq3A_1122 : i32 to vector<16xi32>
    %eq3A_1124 = arith.cmpi eq, %get3A_1048, %eq3A_1123 : vector<16xi32>
    %get3A_1125 = arith.constant 11 : i32
    %get3A_1126 = arith.index_cast %get3A_1125 : i32 to index
    %get3A_1127 = arith.constant 112 : index
    %get3A_1128 = tpu.vector_load %arg9[%get3A_1126, %get3A_1127] {strides = array<i32>} : memref<32x128xf32, #tpu.memory_space<vmem>>, vector<1x16xf32>,
    %get3A_1129 = vector.shape_cast %get3A_1128 : vector<1x16xf32> to vector<16xf32>
    %select_n3A_1130 = arith.select %eq3A_1124, %get3A_1129, %select_n3A_1121 : vector<16xi1>, vector<16xf32>
    %swap3A_1131 = arith.constant 11 : i32
    %swap3A_1132 = arith.index_cast %swap3A_1131 : i32 to index
    %swap3A_1133 = arith.constant 16 : index
    %swap3A_1134 = tpu.vector_load %arg10[%swap3A_1132, %swap3A_1133] {strides = array<i32>} : memref<32x32xf32, #tpu.memory_space<vmem>>, vector<1x16xf32>,
    %swap3A_1135 = vector.shape_cast %swap3A_1134 : vector<1x16xf32> to vector<16xf32>
    %swap3A_1136 = vector.shape_cast %select_n3A_1130 : vector<16xf32> to vector<1x16xf32>
    tpu.vector_store %arg10[%swap3A_1132, %swap3A_1133], %swap3A_1136 {strides = array<i32>} : memref<32x32xf32, #tpu.memory_space<vmem>>, vector<1x16xf32>,
    %get3A_1137 = arith.constant 12 : i32
    %get3A_1138 = arith.index_cast %get3A_1137 : i32 to index
    %get3A_1139 = arith.constant 0 : index
    %get3A_1140 = tpu.vector_load %arg8[%get3A_1138, %get3A_1139] {strides = array<i32>} : memref<32x16xi32, #tpu.memory_space<vmem>>, vector<1x16xi32>,
    %get3A_1141 = vector.shape_cast %get3A_1140 : vector<1x16xi32> to vector<16xi32>
    %broadcast_in_dim3A_1142 = arith.constant -1.000000e+00 : f32
    %broadcast_in_dim3A_1143 = vector.broadcast %broadcast_in_dim3A_1142 : f32 to vector<16xf32>
    %eq3A_1144 = arith.constant 0 : i32
    %eq3A_1145 = vector.broadcast %eq3A_1144 : i32 to vector<16xi32>
    %eq3A_1146 = arith.cmpi eq, %get3A_1141, %eq3A_1145 : vector<16xi32>
    %get3A_1147 = arith.constant 12 : i32
    %get3A_1148 = arith.index_cast %get3A_1147 : i32 to index
    %get3A_1149 = arith.constant 0 : index
    %get3A_1150 = tpu.vector_load %arg9[%get3A_1148, %get3A_1149] {strides = array<i32>} : memref<32x128xf32, #tpu.memory_space<vmem>>, vector<1x16xf32>,
    %get3A_1151 = vector.shape_cast %get3A_1150 : vector<1x16xf32> to vector<16xf32>
    %select_n3A_1152 = arith.select %eq3A_1146, %get3A_1151, %broadcast_in_dim3A_1143 : vector<16xi1>, vector<16xf32>
    %eq3A_1153 = arith.constant 1 : i32
    %eq3A_1154 = vector.broadcast %eq3A_1153 : i32 to vector<16xi32>
    %eq3A_1155 = arith.cmpi eq, %get3A_1141, %eq3A_1154 : vector<16xi32>
    %get3A_1156 = arith.constant 12 : i32
    %get3A_1157 = arith.index_cast %get3A_1156 : i32 to index
    %get3A_1158 = arith.constant 32 : index
    %get3A_1159 = tpu.vector_load %arg9[%get3A_1157, %get3A_1158] {strides = array<i32>} : memref<32x128xf32, #tpu.memory_space<vmem>>, vector<1x16xf32>,
    %get3A_1160 = vector.shape_cast %get3A_1159 : vector<1x16xf32> to vector<16xf32>
    %select_n3A_1161 = arith.select %eq3A_1155, %get3A_1160, %select_n3A_1152 : vector<16xi1>, vector<16xf32>
    %eq3A_1162 = arith.constant 2 : i32
    %eq3A_1163 = vector.broadcast %eq3A_1162 : i32 to vector<16xi32>
    %eq3A_1164 = arith.cmpi eq, %get3A_1141, %eq3A_1163 : vector<16xi32>
    %get3A_1165 = arith.constant 12 : i32
    %get3A_1166 = arith.index_cast %get3A_1165 : i32 to index
    %get3A_1167 = arith.constant 64 : index
    %get3A_1168 = tpu.vector_load %arg9[%get3A_1166, %get3A_1167] {strides = array<i32>} : memref<32x128xf32, #tpu.memory_space<vmem>>, vector<1x16xf32>,
    %get3A_1169 = vector.shape_cast %get3A_1168 : vector<1x16xf32> to vector<16xf32>
    %select_n3A_1170 = arith.select %eq3A_1164, %get3A_1169, %select_n3A_1161 : vector<16xi1>, vector<16xf32>
    %eq3A_1171 = arith.constant 3 : i32
    %eq3A_1172 = vector.broadcast %eq3A_1171 : i32 to vector<16xi32>
    %eq3A_1173 = arith.cmpi eq, %get3A_1141, %eq3A_1172 : vector<16xi32>
    %get3A_1174 = arith.constant 12 : i32
    %get3A_1175 = arith.index_cast %get3A_1174 : i32 to index
    %get3A_1176 = arith.constant 96 : index
    %get3A_1177 = tpu.vector_load %arg9[%get3A_1175, %get3A_1176] {strides = array<i32>} : memref<32x128xf32, #tpu.memory_space<vmem>>, vector<1x16xf32>,
    %get3A_1178 = vector.shape_cast %get3A_1177 : vector<1x16xf32> to vector<16xf32>
    %select_n3A_1179 = arith.select %eq3A_1173, %get3A_1178, %select_n3A_1170 : vector<16xi1>, vector<16xf32>
    %swap3A_1180 = arith.constant 12 : i32
    %swap3A_1181 = arith.index_cast %swap3A_1180 : i32 to index
    %swap3A_1182 = arith.constant 0 : index
    %swap3A_1183 = tpu.vector_load %arg10[%swap3A_1181, %swap3A_1182] {strides = array<i32>} : memref<32x32xf32, #tpu.memory_space<vmem>>, vector<1x16xf32>,
    %swap3A_1184 = vector.shape_cast %swap3A_1183 : vector<1x16xf32> to vector<16xf32>
    %swap3A_1185 = vector.shape_cast %select_n3A_1179 : vector<16xf32> to vector<1x16xf32>
    tpu.vector_store %arg10[%swap3A_1181, %swap3A_1182], %swap3A_1185 {strides = array<i32>} : memref<32x32xf32, #tpu.memory_space<vmem>>, vector<1x16xf32>,
    %broadcast_in_dim3A_1186 = arith.constant -1.000000e+00 : f32
    %broadcast_in_dim3A_1187 = vector.broadcast %broadcast_in_dim3A_1186 : f32 to vector<16xf32>
    %eq3A_1188 = arith.constant 0 : i32
    %eq3A_1189 = vector.broadcast %eq3A_1188 : i32 to vector<16xi32>
    %eq3A_1190 = arith.cmpi eq, %get3A_1141, %eq3A_1189 : vector<16xi32>
    %get3A_1191 = arith.constant 12 : i32
    %get3A_1192 = arith.index_cast %get3A_1191 : i32 to index
    %get3A_1193 = arith.constant 16 : index
    %get3A_1194 = tpu.vector_load %arg9[%get3A_1192, %get3A_1193] {strides = array<i32>} : memref<32x128xf32, #tpu.memory_space<vmem>>, vector<1x16xf32>,
    %get3A_1195 = vector.shape_cast %get3A_1194 : vector<1x16xf32> to vector<16xf32>
    %select_n3A_1196 = arith.select %eq3A_1190, %get3A_1195, %broadcast_in_dim3A_1187 : vector<16xi1>, vector<16xf32>
    %eq3A_1197 = arith.constant 1 : i32
    %eq3A_1198 = vector.broadcast %eq3A_1197 : i32 to vector<16xi32>
    %eq3A_1199 = arith.cmpi eq, %get3A_1141, %eq3A_1198 : vector<16xi32>
    %get3A_1200 = arith.constant 12 : i32
    %get3A_1201 = arith.index_cast %get3A_1200 : i32 to index
    %get3A_1202 = arith.constant 48 : index
    %get3A_1203 = tpu.vector_load %arg9[%get3A_1201, %get3A_1202] {strides = array<i32>} : memref<32x128xf32, #tpu.memory_space<vmem>>, vector<1x16xf32>,
    %get3A_1204 = vector.shape_cast %get3A_1203 : vector<1x16xf32> to vector<16xf32>
    %select_n3A_1205 = arith.select %eq3A_1199, %get3A_1204, %select_n3A_1196 : vector<16xi1>, vector<16xf32>
    %eq3A_1206 = arith.constant 2 : i32
    %eq3A_1207 = vector.broadcast %eq3A_1206 : i32 to vector<16xi32>
    %eq3A_1208 = arith.cmpi eq, %get3A_1141, %eq3A_1207 : vector<16xi32>
    %get3A_1209 = arith.constant 12 : i32
    %get3A_1210 = arith.index_cast %get3A_1209 : i32 to index
    %get3A_1211 = arith.constant 80 : index
    %get3A_1212 = tpu.vector_load %arg9[%get3A_1210, %get3A_1211] {strides = array<i32>} : memref<32x128xf32, #tpu.memory_space<vmem>>, vector<1x16xf32>,
    %get3A_1213 = vector.shape_cast %get3A_1212 : vector<1x16xf32> to vector<16xf32>
    %select_n3A_1214 = arith.select %eq3A_1208, %get3A_1213, %select_n3A_1205 : vector<16xi1>, vector<16xf32>
    %eq3A_1215 = arith.constant 3 : i32
    %eq3A_1216 = vector.broadcast %eq3A_1215 : i32 to vector<16xi32>
    %eq3A_1217 = arith.cmpi eq, %get3A_1141, %eq3A_1216 : vector<16xi32>
    %get3A_1218 = arith.constant 12 : i32
    %get3A_1219 = arith.index_cast %get3A_1218 : i32 to index
    %get3A_1220 = arith.constant 112 : index
    %get3A_1221 = tpu.vector_load %arg9[%get3A_1219, %get3A_1220] {strides = array<i32>} : memref<32x128xf32, #tpu.memory_space<vmem>>, vector<1x16xf32>,
    %get3A_1222 = vector.shape_cast %get3A_1221 : vector<1x16xf32> to vector<16xf32>
    %select_n3A_1223 = arith.select %eq3A_1217, %get3A_1222, %select_n3A_1214 : vector<16xi1>, vector<16xf32>
    %swap3A_1224 = arith.constant 12 : i32
    %swap3A_1225 = arith.index_cast %swap3A_1224 : i32 to index
    %swap3A_1226 = arith.constant 16 : index
    %swap3A_1227 = tpu.vector_load %arg10[%swap3A_1225, %swap3A_1226] {strides = array<i32>} : memref<32x32xf32, #tpu.memory_space<vmem>>, vector<1x16xf32>,
    %swap3A_1228 = vector.shape_cast %swap3A_1227 : vector<1x16xf32> to vector<16xf32>
    %swap3A_1229 = vector.shape_cast %select_n3A_1223 : vector<16xf32> to vector<1x16xf32>
    tpu.vector_store %arg10[%swap3A_1225, %swap3A_1226], %swap3A_1229 {strides = array<i32>} : memref<32x32xf32, #tpu.memory_space<vmem>>, vector<1x16xf32>,
    %get3A_1230 = arith.constant 13 : i32
    %get3A_1231 = arith.index_cast %get3A_1230 : i32 to index
    %get3A_1232 = arith.constant 0 : index
    %get3A_1233 = tpu.vector_load %arg8[%get3A_1231, %get3A_1232] {strides = array<i32>} : memref<32x16xi32, #tpu.memory_space<vmem>>, vector<1x16xi32>,
    %get3A_1234 = vector.shape_cast %get3A_1233 : vector<1x16xi32> to vector<16xi32>
    %broadcast_in_dim3A_1235 = arith.constant -1.000000e+00 : f32
    %broadcast_in_dim3A_1236 = vector.broadcast %broadcast_in_dim3A_1235 : f32 to vector<16xf32>
    %eq3A_1237 = arith.constant 0 : i32
    %eq3A_1238 = vector.broadcast %eq3A_1237 : i32 to vector<16xi32>
    %eq3A_1239 = arith.cmpi eq, %get3A_1234, %eq3A_1238 : vector<16xi32>
    %get3A_1240 = arith.constant 13 : i32
    %get3A_1241 = arith.index_cast %get3A_1240 : i32 to index
    %get3A_1242 = arith.constant 0 : index
    %get3A_1243 = tpu.vector_load %arg9[%get3A_1241, %get3A_1242] {strides = array<i32>} : memref<32x128xf32, #tpu.memory_space<vmem>>, vector<1x16xf32>,
    %get3A_1244 = vector.shape_cast %get3A_1243 : vector<1x16xf32> to vector<16xf32>
    %select_n3A_1245 = arith.select %eq3A_1239, %get3A_1244, %broadcast_in_dim3A_1236 : vector<16xi1>, vector<16xf32>
    %eq3A_1246 = arith.constant 1 : i32
    %eq3A_1247 = vector.broadcast %eq3A_1246 : i32 to vector<16xi32>
    %eq3A_1248 = arith.cmpi eq, %get3A_1234, %eq3A_1247 : vector<16xi32>
    %get3A_1249 = arith.constant 13 : i32
    %get3A_1250 = arith.index_cast %get3A_1249 : i32 to index
    %get3A_1251 = arith.constant 32 : index
    %get3A_1252 = tpu.vector_load %arg9[%get3A_1250, %get3A_1251] {strides = array<i32>} : memref<32x128xf32, #tpu.memory_space<vmem>>, vector<1x16xf32>,
    %get3A_1253 = vector.shape_cast %get3A_1252 : vector<1x16xf32> to vector<16xf32>
    %select_n3A_1254 = arith.select %eq3A_1248, %get3A_1253, %select_n3A_1245 : vector<16xi1>, vector<16xf32>
    %eq3A_1255 = arith.constant 2 : i32
    %eq3A_1256 = vector.broadcast %eq3A_1255 : i32 to vector<16xi32>
    %eq3A_1257 = arith.cmpi eq, %get3A_1234, %eq3A_1256 : vector<16xi32>
    %get3A_1258 = arith.constant 13 : i32
    %get3A_1259 = arith.index_cast %get3A_1258 : i32 to index
    %get3A_1260 = arith.constant 64 : index
    %get3A_1261 = tpu.vector_load %arg9[%get3A_1259, %get3A_1260] {strides = array<i32>} : memref<32x128xf32, #tpu.memory_space<vmem>>, vector<1x16xf32>,
    %get3A_1262 = vector.shape_cast %get3A_1261 : vector<1x16xf32> to vector<16xf32>
    %select_n3A_1263 = arith.select %eq3A_1257, %get3A_1262, %select_n3A_1254 : vector<16xi1>, vector<16xf32>
    %eq3A_1264 = arith.constant 3 : i32
    %eq3A_1265 = vector.broadcast %eq3A_1264 : i32 to vector<16xi32>
    %eq3A_1266 = arith.cmpi eq, %get3A_1234, %eq3A_1265 : vector<16xi32>
    %get3A_1267 = arith.constant 13 : i32
    %get3A_1268 = arith.index_cast %get3A_1267 : i32 to index
    %get3A_1269 = arith.constant 96 : index
    %get3A_1270 = tpu.vector_load %arg9[%get3A_1268, %get3A_1269] {strides = array<i32>} : memref<32x128xf32, #tpu.memory_space<vmem>>, vector<1x16xf32>,
    %get3A_1271 = vector.shape_cast %get3A_1270 : vector<1x16xf32> to vector<16xf32>
    %select_n3A_1272 = arith.select %eq3A_1266, %get3A_1271, %select_n3A_1263 : vector<16xi1>, vector<16xf32>
    %swap3A_1273 = arith.constant 13 : i32
    %swap3A_1274 = arith.index_cast %swap3A_1273 : i32 to index
    %swap3A_1275 = arith.constant 0 : index
    %swap3A_1276 = tpu.vector_load %arg10[%swap3A_1274, %swap3A_1275] {strides = array<i32>} : memref<32x32xf32, #tpu.memory_space<vmem>>, vector<1x16xf32>,
    %swap3A_1277 = vector.shape_cast %swap3A_1276 : vector<1x16xf32> to vector<16xf32>
    %swap3A_1278 = vector.shape_cast %select_n3A_1272 : vector<16xf32> to vector<1x16xf32>
    tpu.vector_store %arg10[%swap3A_1274, %swap3A_1275], %swap3A_1278 {strides = array<i32>} : memref<32x32xf32, #tpu.memory_space<vmem>>, vector<1x16xf32>,
    %broadcast_in_dim3A_1279 = arith.constant -1.000000e+00 : f32
    %broadcast_in_dim3A_1280 = vector.broadcast %broadcast_in_dim3A_1279 : f32 to vector<16xf32>
    %eq3A_1281 = arith.constant 0 : i32
    %eq3A_1282 = vector.broadcast %eq3A_1281 : i32 to vector<16xi32>
    %eq3A_1283 = arith.cmpi eq, %get3A_1234, %eq3A_1282 : vector<16xi32>
    %get3A_1284 = arith.constant 13 : i32
    %get3A_1285 = arith.index_cast %get3A_1284 : i32 to index
    %get3A_1286 = arith.constant 16 : index
    %get3A_1287 = tpu.vector_load %arg9[%get3A_1285, %get3A_1286] {strides = array<i32>} : memref<32x128xf32, #tpu.memory_space<vmem>>, vector<1x16xf32>,
    %get3A_1288 = vector.shape_cast %get3A_1287 : vector<1x16xf32> to vector<16xf32>
    %select_n3A_1289 = arith.select %eq3A_1283, %get3A_1288, %broadcast_in_dim3A_1280 : vector<16xi1>, vector<16xf32>
    %eq3A_1290 = arith.constant 1 : i32
    %eq3A_1291 = vector.broadcast %eq3A_1290 : i32 to vector<16xi32>
    %eq3A_1292 = arith.cmpi eq, %get3A_1234, %eq3A_1291 : vector<16xi32>
    %get3A_1293 = arith.constant 13 : i32
    %get3A_1294 = arith.index_cast %get3A_1293 : i32 to index
    %get3A_1295 = arith.constant 48 : index
    %get3A_1296 = tpu.vector_load %arg9[%get3A_1294, %get3A_1295] {strides = array<i32>} : memref<32x128xf32, #tpu.memory_space<vmem>>, vector<1x16xf32>,
    %get3A_1297 = vector.shape_cast %get3A_1296 : vector<1x16xf32> to vector<16xf32>
    %select_n3A_1298 = arith.select %eq3A_1292, %get3A_1297, %select_n3A_1289 : vector<16xi1>, vector<16xf32>
    %eq3A_1299 = arith.constant 2 : i32
    %eq3A_1300 = vector.broadcast %eq3A_1299 : i32 to vector<16xi32>
    %eq3A_1301 = arith.cmpi eq, %get3A_1234, %eq3A_1300 : vector<16xi32>
    %get3A_1302 = arith.constant 13 : i32
    %get3A_1303 = arith.index_cast %get3A_1302 : i32 to index
    %get3A_1304 = arith.constant 80 : index
    %get3A_1305 = tpu.vector_load %arg9[%get3A_1303, %get3A_1304] {strides = array<i32>} : memref<32x128xf32, #tpu.memory_space<vmem>>, vector<1x16xf32>,
    %get3A_1306 = vector.shape_cast %get3A_1305 : vector<1x16xf32> to vector<16xf32>
    %select_n3A_1307 = arith.select %eq3A_1301, %get3A_1306, %select_n3A_1298 : vector<16xi1>, vector<16xf32>
    %eq3A_1308 = arith.constant 3 : i32
    %eq3A_1309 = vector.broadcast %eq3A_1308 : i32 to vector<16xi32>
    %eq3A_1310 = arith.cmpi eq, %get3A_1234, %eq3A_1309 : vector<16xi32>
    %get3A_1311 = arith.constant 13 : i32
    %get3A_1312 = arith.index_cast %get3A_1311 : i32 to index
    %get3A_1313 = arith.constant 112 : index
    %get3A_1314 = tpu.vector_load %arg9[%get3A_1312, %get3A_1313] {strides = array<i32>} : memref<32x128xf32, #tpu.memory_space<vmem>>, vector<1x16xf32>,
    %get3A_1315 = vector.shape_cast %get3A_1314 : vector<1x16xf32> to vector<16xf32>
    %select_n3A_1316 = arith.select %eq3A_1310, %get3A_1315, %select_n3A_1307 : vector<16xi1>, vector<16xf32>
    %swap3A_1317 = arith.constant 13 : i32
    %swap3A_1318 = arith.index_cast %swap3A_1317 : i32 to index
    %swap3A_1319 = arith.constant 16 : index
    %swap3A_1320 = tpu.vector_load %arg10[%swap3A_1318, %swap3A_1319] {strides = array<i32>} : memref<32x32xf32, #tpu.memory_space<vmem>>, vector<1x16xf32>,
    %swap3A_1321 = vector.shape_cast %swap3A_1320 : vector<1x16xf32> to vector<16xf32>
    %swap3A_1322 = vector.shape_cast %select_n3A_1316 : vector<16xf32> to vector<1x16xf32>
    tpu.vector_store %arg10[%swap3A_1318, %swap3A_1319], %swap3A_1322 {strides = array<i32>} : memref<32x32xf32, #tpu.memory_space<vmem>>, vector<1x16xf32>,
    %get3A_1323 = arith.constant 14 : i32
    %get3A_1324 = arith.index_cast %get3A_1323 : i32 to index
    %get3A_1325 = arith.constant 0 : index
    %get3A_1326 = tpu.vector_load %arg8[%get3A_1324, %get3A_1325] {strides = array<i32>} : memref<32x16xi32, #tpu.memory_space<vmem>>, vector<1x16xi32>,
    %get3A_1327 = vector.shape_cast %get3A_1326 : vector<1x16xi32> to vector<16xi32>
    %broadcast_in_dim3A_1328 = arith.constant -1.000000e+00 : f32
    %broadcast_in_dim3A_1329 = vector.broadcast %broadcast_in_dim3A_1328 : f32 to vector<16xf32>
    %eq3A_1330 = arith.constant 0 : i32
    %eq3A_1331 = vector.broadcast %eq3A_1330 : i32 to vector<16xi32>
    %eq3A_1332 = arith.cmpi eq, %get3A_1327, %eq3A_1331 : vector<16xi32>
    %get3A_1333 = arith.constant 14 : i32
    %get3A_1334 = arith.index_cast %get3A_1333 : i32 to index
    %get3A_1335 = arith.constant 0 : index
    %get3A_1336 = tpu.vector_load %arg9[%get3A_1334, %get3A_1335] {strides = array<i32>} : memref<32x128xf32, #tpu.memory_space<vmem>>, vector<1x16xf32>,
    %get3A_1337 = vector.shape_cast %get3A_1336 : vector<1x16xf32> to vector<16xf32>
    %select_n3A_1338 = arith.select %eq3A_1332, %get3A_1337, %broadcast_in_dim3A_1329 : vector<16xi1>, vector<16xf32>
    %eq3A_1339 = arith.constant 1 : i32
    %eq3A_1340 = vector.broadcast %eq3A_1339 : i32 to vector<16xi32>
    %eq3A_1341 = arith.cmpi eq, %get3A_1327, %eq3A_1340 : vector<16xi32>
    %get3A_1342 = arith.constant 14 : i32
    %get3A_1343 = arith.index_cast %get3A_1342 : i32 to index
    %get3A_1344 = arith.constant 32 : index
    %get3A_1345 = tpu.vector_load %arg9[%get3A_1343, %get3A_1344] {strides = array<i32>} : memref<32x128xf32, #tpu.memory_space<vmem>>, vector<1x16xf32>,
    %get3A_1346 = vector.shape_cast %get3A_1345 : vector<1x16xf32> to vector<16xf32>
    %select_n3A_1347 = arith.select %eq3A_1341, %get3A_1346, %select_n3A_1338 : vector<16xi1>, vector<16xf32>
    %eq3A_1348 = arith.constant 2 : i32
    %eq3A_1349 = vector.broadcast %eq3A_1348 : i32 to vector<16xi32>
    %eq3A_1350 = arith.cmpi eq, %get3A_1327, %eq3A_1349 : vector<16xi32>
    %get3A_1351 = arith.constant 14 : i32
    %get3A_1352 = arith.index_cast %get3A_1351 : i32 to index
    %get3A_1353 = arith.constant 64 : index
    %get3A_1354 = tpu.vector_load %arg9[%get3A_1352, %get3A_1353] {strides = array<i32>} : memref<32x128xf32, #tpu.memory_space<vmem>>, vector<1x16xf32>,
    %get3A_1355 = vector.shape_cast %get3A_1354 : vector<1x16xf32> to vector<16xf32>
    %select_n3A_1356 = arith.select %eq3A_1350, %get3A_1355, %select_n3A_1347 : vector<16xi1>, vector<16xf32>
    %eq3A_1357 = arith.constant 3 : i32
    %eq3A_1358 = vector.broadcast %eq3A_1357 : i32 to vector<16xi32>
    %eq3A_1359 = arith.cmpi eq, %get3A_1327, %eq3A_1358 : vector<16xi32>
    %get3A_1360 = arith.constant 14 : i32
    %get3A_1361 = arith.index_cast %get3A_1360 : i32 to index
    %get3A_1362 = arith.constant 96 : index
    %get3A_1363 = tpu.vector_load %arg9[%get3A_1361, %get3A_1362] {strides = array<i32>} : memref<32x128xf32, #tpu.memory_space<vmem>>, vector<1x16xf32>,
    %get3A_1364 = vector.shape_cast %get3A_1363 : vector<1x16xf32> to vector<16xf32>
    %select_n3A_1365 = arith.select %eq3A_1359, %get3A_1364, %select_n3A_1356 : vector<16xi1>, vector<16xf32>
    %swap3A_1366 = arith.constant 14 : i32
    %swap3A_1367 = arith.index_cast %swap3A_1366 : i32 to index
    %swap3A_1368 = arith.constant 0 : index
    %swap3A_1369 = tpu.vector_load %arg10[%swap3A_1367, %swap3A_1368] {strides = array<i32>} : memref<32x32xf32, #tpu.memory_space<vmem>>, vector<1x16xf32>,
    %swap3A_1370 = vector.shape_cast %swap3A_1369 : vector<1x16xf32> to vector<16xf32>
    %swap3A_1371 = vector.shape_cast %select_n3A_1365 : vector<16xf32> to vector<1x16xf32>
    tpu.vector_store %arg10[%swap3A_1367, %swap3A_1368], %swap3A_1371 {strides = array<i32>} : memref<32x32xf32, #tpu.memory_space<vmem>>, vector<1x16xf32>,
    %broadcast_in_dim3A_1372 = arith.constant -1.000000e+00 : f32
    %broadcast_in_dim3A_1373 = vector.broadcast %broadcast_in_dim3A_1372 : f32 to vector<16xf32>
    %eq3A_1374 = arith.constant 0 : i32
    %eq3A_1375 = vector.broadcast %eq3A_1374 : i32 to vector<16xi32>
    %eq3A_1376 = arith.cmpi eq, %get3A_1327, %eq3A_1375 : vector<16xi32>
    %get3A_1377 = arith.constant 14 : i32
    %get3A_1378 = arith.index_cast %get3A_1377 : i32 to index
    %get3A_1379 = arith.constant 16 : index
    %get3A_1380 = tpu.vector_load %arg9[%get3A_1378, %get3A_1379] {strides = array<i32>} : memref<32x128xf32, #tpu.memory_space<vmem>>, vector<1x16xf32>,
    %get3A_1381 = vector.shape_cast %get3A_1380 : vector<1x16xf32> to vector<16xf32>
    %select_n3A_1382 = arith.select %eq3A_1376, %get3A_1381, %broadcast_in_dim3A_1373 : vector<16xi1>, vector<16xf32>
    %eq3A_1383 = arith.constant 1 : i32
    %eq3A_1384 = vector.broadcast %eq3A_1383 : i32 to vector<16xi32>
    %eq3A_1385 = arith.cmpi eq, %get3A_1327, %eq3A_1384 : vector<16xi32>
    %get3A_1386 = arith.constant 14 : i32
    %get3A_1387 = arith.index_cast %get3A_1386 : i32 to index
    %get3A_1388 = arith.constant 48 : index
    %get3A_1389 = tpu.vector_load %arg9[%get3A_1387, %get3A_1388] {strides = array<i32>} : memref<32x128xf32, #tpu.memory_space<vmem>>, vector<1x16xf32>,
    %get3A_1390 = vector.shape_cast %get3A_1389 : vector<1x16xf32> to vector<16xf32>
    %select_n3A_1391 = arith.select %eq3A_1385, %get3A_1390, %select_n3A_1382 : vector<16xi1>, vector<16xf32>
    %eq3A_1392 = arith.constant 2 : i32
    %eq3A_1393 = vector.broadcast %eq3A_1392 : i32 to vector<16xi32>
    %eq3A_1394 = arith.cmpi eq, %get3A_1327, %eq3A_1393 : vector<16xi32>
    %get3A_1395 = arith.constant 14 : i32
    %get3A_1396 = arith.index_cast %get3A_1395 : i32 to index
    %get3A_1397 = arith.constant 80 : index
    %get3A_1398 = tpu.vector_load %arg9[%get3A_1396, %get3A_1397] {strides = array<i32>} : memref<32x128xf32, #tpu.memory_space<vmem>>, vector<1x16xf32>,
    %get3A_1399 = vector.shape_cast %get3A_1398 : vector<1x16xf32> to vector<16xf32>
    %select_n3A_1400 = arith.select %eq3A_1394, %get3A_1399, %select_n3A_1391 : vector<16xi1>, vector<16xf32>
    %eq3A_1401 = arith.constant 3 : i32
    %eq3A_1402 = vector.broadcast %eq3A_1401 : i32 to vector<16xi32>
    %eq3A_1403 = arith.cmpi eq, %get3A_1327, %eq3A_1402 : vector<16xi32>
    %get3A_1404 = arith.constant 14 : i32
    %get3A_1405 = arith.index_cast %get3A_1404 : i32 to index
    %get3A_1406 = arith.constant 112 : index
    %get3A_1407 = tpu.vector_load %arg9[%get3A_1405, %get3A_1406] {strides = array<i32>} : memref<32x128xf32, #tpu.memory_space<vmem>>, vector<1x16xf32>,
    %get3A_1408 = vector.shape_cast %get3A_1407 : vector<1x16xf32> to vector<16xf32>
    %select_n3A_1409 = arith.select %eq3A_1403, %get3A_1408, %select_n3A_1400 : vector<16xi1>, vector<16xf32>
    %swap3A_1410 = arith.constant 14 : i32
    %swap3A_1411 = arith.index_cast %swap3A_1410 : i32 to index
    %swap3A_1412 = arith.constant 16 : index
    %swap3A_1413 = tpu.vector_load %arg10[%swap3A_1411, %swap3A_1412] {strides = array<i32>} : memref<32x32xf32, #tpu.memory_space<vmem>>, vector<1x16xf32>,
    %swap3A_1414 = vector.shape_cast %swap3A_1413 : vector<1x16xf32> to vector<16xf32>
    %swap3A_1415 = vector.shape_cast %select_n3A_1409 : vector<16xf32> to vector<1x16xf32>
    tpu.vector_store %arg10[%swap3A_1411, %swap3A_1412], %swap3A_1415 {strides = array<i32>} : memref<32x32xf32, #tpu.memory_space<vmem>>, vector<1x16xf32>,
    %get3A_1416 = arith.constant 15 : i32
    %get3A_1417 = arith.index_cast %get3A_1416 : i32 to index
    %get3A_1418 = arith.constant 0 : index
    %get3A_1419 = tpu.vector_load %arg8[%get3A_1417, %get3A_1418] {strides = array<i32>} : memref<32x16xi32, #tpu.memory_space<vmem>>, vector<1x16xi32>,
    %get3A_1420 = vector.shape_cast %get3A_1419 : vector<1x16xi32> to vector<16xi32>
    %broadcast_in_dim3A_1421 = arith.constant -1.000000e+00 : f32
    %broadcast_in_dim3A_1422 = vector.broadcast %broadcast_in_dim3A_1421 : f32 to vector<16xf32>
    %eq3A_1423 = arith.constant 0 : i32
    %eq3A_1424 = vector.broadcast %eq3A_1423 : i32 to vector<16xi32>
    %eq3A_1425 = arith.cmpi eq, %get3A_1420, %eq3A_1424 : vector<16xi32>
    %get3A_1426 = arith.constant 15 : i32
    %get3A_1427 = arith.index_cast %get3A_1426 : i32 to index
    %get3A_1428 = arith.constant 0 : index
    %get3A_1429 = tpu.vector_load %arg9[%get3A_1427, %get3A_1428] {strides = array<i32>} : memref<32x128xf32, #tpu.memory_space<vmem>>, vector<1x16xf32>,
    %get3A_1430 = vector.shape_cast %get3A_1429 : vector<1x16xf32> to vector<16xf32>
    %select_n3A_1431 = arith.select %eq3A_1425, %get3A_1430, %broadcast_in_dim3A_1422 : vector<16xi1>, vector<16xf32>
    %eq3A_1432 = arith.constant 1 : i32
    %eq3A_1433 = vector.broadcast %eq3A_1432 : i32 to vector<16xi32>
    %eq3A_1434 = arith.cmpi eq, %get3A_1420, %eq3A_1433 : vector<16xi32>
    %get3A_1435 = arith.constant 15 : i32
    %get3A_1436 = arith.index_cast %get3A_1435 : i32 to index
    %get3A_1437 = arith.constant 32 : index
    %get3A_1438 = tpu.vector_load %arg9[%get3A_1436, %get3A_1437] {strides = array<i32>} : memref<32x128xf32, #tpu.memory_space<vmem>>, vector<1x16xf32>,
    %get3A_1439 = vector.shape_cast %get3A_1438 : vector<1x16xf32> to vector<16xf32>
    %select_n3A_1440 = arith.select %eq3A_1434, %get3A_1439, %select_n3A_1431 : vector<16xi1>, vector<16xf32>
    %eq3A_1441 = arith.constant 2 : i32
    %eq3A_1442 = vector.broadcast %eq3A_1441 : i32 to vector<16xi32>
    %eq3A_1443 = arith.cmpi eq, %get3A_1420, %eq3A_1442 : vector<16xi32>
    %get3A_1444 = arith.constant 15 : i32
    %get3A_1445 = arith.index_cast %get3A_1444 : i32 to index
    %get3A_1446 = arith.constant 64 : index
    %get3A_1447 = tpu.vector_load %arg9[%get3A_1445, %get3A_1446] {strides = array<i32>} : memref<32x128xf32, #tpu.memory_space<vmem>>, vector<1x16xf32>,
    %get3A_1448 = vector.shape_cast %get3A_1447 : vector<1x16xf32> to vector<16xf32>
    %select_n3A_1449 = arith.select %eq3A_1443, %get3A_1448, %select_n3A_1440 : vector<16xi1>, vector<16xf32>
    %eq3A_1450 = arith.constant 3 : i32
    %eq3A_1451 = vector.broadcast %eq3A_1450 : i32 to vector<16xi32>
    %eq3A_1452 = arith.cmpi eq, %get3A_1420, %eq3A_1451 : vector<16xi32>
    %get3A_1453 = arith.constant 15 : i32
    %get3A_1454 = arith.index_cast %get3A_1453 : i32 to index
    %get3A_1455 = arith.constant 96 : index
    %get3A_1456 = tpu.vector_load %arg9[%get3A_1454, %get3A_1455] {strides = array<i32>} : memref<32x128xf32, #tpu.memory_space<vmem>>, vector<1x16xf32>,
    %get3A_1457 = vector.shape_cast %get3A_1456 : vector<1x16xf32> to vector<16xf32>
    %select_n3A_1458 = arith.select %eq3A_1452, %get3A_1457, %select_n3A_1449 : vector<16xi1>, vector<16xf32>
    %swap3A_1459 = arith.constant 15 : i32
    %swap3A_1460 = arith.index_cast %swap3A_1459 : i32 to index
    %swap3A_1461 = arith.constant 0 : index
    %swap3A_1462 = tpu.vector_load %arg10[%swap3A_1460, %swap3A_1461] {strides = array<i32>} : memref<32x32xf32, #tpu.memory_space<vmem>>, vector<1x16xf32>,
    %swap3A_1463 = vector.shape_cast %swap3A_1462 : vector<1x16xf32> to vector<16xf32>
    %swap3A_1464 = vector.shape_cast %select_n3A_1458 : vector<16xf32> to vector<1x16xf32>
    tpu.vector_store %arg10[%swap3A_1460, %swap3A_1461], %swap3A_1464 {strides = array<i32>} : memref<32x32xf32, #tpu.memory_space<vmem>>, vector<1x16xf32>,
    %broadcast_in_dim3A_1465 = arith.constant -1.000000e+00 : f32
    %broadcast_in_dim3A_1466 = vector.broadcast %broadcast_in_dim3A_1465 : f32 to vector<16xf32>
    %eq3A_1467 = arith.constant 0 : i32
    %eq3A_1468 = vector.broadcast %eq3A_1467 : i32 to vector<16xi32>
    %eq3A_1469 = arith.cmpi eq, %get3A_1420, %eq3A_1468 : vector<16xi32>
    %get3A_1470 = arith.constant 15 : i32
    %get3A_1471 = arith.index_cast %get3A_1470 : i32 to index
    %get3A_1472 = arith.constant 16 : index
    %get3A_1473 = tpu.vector_load %arg9[%get3A_1471, %get3A_1472] {strides = array<i32>} : memref<32x128xf32, #tpu.memory_space<vmem>>, vector<1x16xf32>,
    %get3A_1474 = vector.shape_cast %get3A_1473 : vector<1x16xf32> to vector<16xf32>
    %select_n3A_1475 = arith.select %eq3A_1469, %get3A_1474, %broadcast_in_dim3A_1466 : vector<16xi1>, vector<16xf32>
    %eq3A_1476 = arith.constant 1 : i32
    %eq3A_1477 = vector.broadcast %eq3A_1476 : i32 to vector<16xi32>
    %eq3A_1478 = arith.cmpi eq, %get3A_1420, %eq3A_1477 : vector<16xi32>
    %get3A_1479 = arith.constant 15 : i32
    %get3A_1480 = arith.index_cast %get3A_1479 : i32 to index
    %get3A_1481 = arith.constant 48 : index
    %get3A_1482 = tpu.vector_load %arg9[%get3A_1480, %get3A_1481] {strides = array<i32>} : memref<32x128xf32, #tpu.memory_space<vmem>>, vector<1x16xf32>,
    %get3A_1483 = vector.shape_cast %get3A_1482 : vector<1x16xf32> to vector<16xf32>
    %select_n3A_1484 = arith.select %eq3A_1478, %get3A_1483, %select_n3A_1475 : vector<16xi1>, vector<16xf32>
    %eq3A_1485 = arith.constant 2 : i32
    %eq3A_1486 = vector.broadcast %eq3A_1485 : i32 to vector<16xi32>
    %eq3A_1487 = arith.cmpi eq, %get3A_1420, %eq3A_1486 : vector<16xi32>
    %get3A_1488 = arith.constant 15 : i32
    %get3A_1489 = arith.index_cast %get3A_1488 : i32 to index
    %get3A_1490 = arith.constant 80 : index
    %get3A_1491 = tpu.vector_load %arg9[%get3A_1489, %get3A_1490] {strides = array<i32>} : memref<32x128xf32, #tpu.memory_space<vmem>>, vector<1x16xf32>,
    %get3A_1492 = vector.shape_cast %get3A_1491 : vector<1x16xf32> to vector<16xf32>
    %select_n3A_1493 = arith.select %eq3A_1487, %get3A_1492, %select_n3A_1484 : vector<16xi1>, vector<16xf32>
    %eq3A_1494 = arith.constant 3 : i32
    %eq3A_1495 = vector.broadcast %eq3A_1494 : i32 to vector<16xi32>
    %eq3A_1496 = arith.cmpi eq, %get3A_1420, %eq3A_1495 : vector<16xi32>
    %get3A_1497 = arith.constant 15 : i32
    %get3A_1498 = arith.index_cast %get3A_1497 : i32 to index
    %get3A_1499 = arith.constant 112 : index
    %get3A_1500 = tpu.vector_load %arg9[%get3A_1498, %get3A_1499] {strides = array<i32>} : memref<32x128xf32, #tpu.memory_space<vmem>>, vector<1x16xf32>,
    %get3A_1501 = vector.shape_cast %get3A_1500 : vector<1x16xf32> to vector<16xf32>
    %select_n3A_1502 = arith.select %eq3A_1496, %get3A_1501, %select_n3A_1493 : vector<16xi1>, vector<16xf32>
    %swap3A_1503 = arith.constant 15 : i32
    %swap3A_1504 = arith.index_cast %swap3A_1503 : i32 to index
    %swap3A_1505 = arith.constant 16 : index
    %swap3A_1506 = tpu.vector_load %arg10[%swap3A_1504, %swap3A_1505] {strides = array<i32>} : memref<32x32xf32, #tpu.memory_space<vmem>>, vector<1x16xf32>,
    %swap3A_1507 = vector.shape_cast %swap3A_1506 : vector<1x16xf32> to vector<16xf32>
    %swap3A_1508 = vector.shape_cast %select_n3A_1502 : vector<16xf32> to vector<1x16xf32>
    tpu.vector_store %arg10[%swap3A_1504, %swap3A_1505], %swap3A_1508 {strides = array<i32>} : memref<32x32xf32, #tpu.memory_space<vmem>>, vector<1x16xf32>,
    %get3A_1509 = arith.constant 16 : i32
    %get3A_1510 = arith.index_cast %get3A_1509 : i32 to index
    %get3A_1511 = arith.constant 0 : index
    %get3A_1512 = tpu.vector_load %arg8[%get3A_1510, %get3A_1511] {strides = array<i32>} : memref<32x16xi32, #tpu.memory_space<vmem>>, vector<1x16xi32>,
    %get3A_1513 = vector.shape_cast %get3A_1512 : vector<1x16xi32> to vector<16xi32>
    %broadcast_in_dim3A_1514 = arith.constant -1.000000e+00 : f32
    %broadcast_in_dim3A_1515 = vector.broadcast %broadcast_in_dim3A_1514 : f32 to vector<16xf32>
    %eq3A_1516 = arith.constant 0 : i32
    %eq3A_1517 = vector.broadcast %eq3A_1516 : i32 to vector<16xi32>
    %eq3A_1518 = arith.cmpi eq, %get3A_1513, %eq3A_1517 : vector<16xi32>
    %get3A_1519 = arith.constant 16 : i32
    %get3A_1520 = arith.index_cast %get3A_1519 : i32 to index
    %get3A_1521 = arith.constant 0 : index
    %get3A_1522 = tpu.vector_load %arg9[%get3A_1520, %get3A_1521] {strides = array<i32>} : memref<32x128xf32, #tpu.memory_space<vmem>>, vector<1x16xf32>,
    %get3A_1523 = vector.shape_cast %get3A_1522 : vector<1x16xf32> to vector<16xf32>
    %select_n3A_1524 = arith.select %eq3A_1518, %get3A_1523, %broadcast_in_dim3A_1515 : vector<16xi1>, vector<16xf32>
    %eq3A_1525 = arith.constant 1 : i32
    %eq3A_1526 = vector.broadcast %eq3A_1525 : i32 to vector<16xi32>
    %eq3A_1527 = arith.cmpi eq, %get3A_1513, %eq3A_1526 : vector<16xi32>
    %get3A_1528 = arith.constant 16 : i32
    %get3A_1529 = arith.index_cast %get3A_1528 : i32 to index
    %get3A_1530 = arith.constant 32 : index
    %get3A_1531 = tpu.vector_load %arg9[%get3A_1529, %get3A_1530] {strides = array<i32>} : memref<32x128xf32, #tpu.memory_space<vmem>>, vector<1x16xf32>,
    %get3A_1532 = vector.shape_cast %get3A_1531 : vector<1x16xf32> to vector<16xf32>
    %select_n3A_1533 = arith.select %eq3A_1527, %get3A_1532, %select_n3A_1524 : vector<16xi1>, vector<16xf32>
    %eq3A_1534 = arith.constant 2 : i32
    %eq3A_1535 = vector.broadcast %eq3A_1534 : i32 to vector<16xi32>
    %eq3A_1536 = arith.cmpi eq, %get3A_1513, %eq3A_1535 : vector<16xi32>
    %get3A_1537 = arith.constant 16 : i32
    %get3A_1538 = arith.index_cast %get3A_1537 : i32 to index
    %get3A_1539 = arith.constant 64 : index
    %get3A_1540 = tpu.vector_load %arg9[%get3A_1538, %get3A_1539] {strides = array<i32>} : memref<32x128xf32, #tpu.memory_space<vmem>>, vector<1x16xf32>,
    %get3A_1541 = vector.shape_cast %get3A_1540 : vector<1x16xf32> to vector<16xf32>
    %select_n3A_1542 = arith.select %eq3A_1536, %get3A_1541, %select_n3A_1533 : vector<16xi1>, vector<16xf32>
    %eq3A_1543 = arith.constant 3 : i32
    %eq3A_1544 = vector.broadcast %eq3A_1543 : i32 to vector<16xi32>
    %eq3A_1545 = arith.cmpi eq, %get3A_1513, %eq3A_1544 : vector<16xi32>
    %get3A_1546 = arith.constant 16 : i32
    %get3A_1547 = arith.index_cast %get3A_1546 : i32 to index
    %get3A_1548 = arith.constant 96 : index
    %get3A_1549 = tpu.vector_load %arg9[%get3A_1547, %get3A_1548] {strides = array<i32>} : memref<32x128xf32, #tpu.memory_space<vmem>>, vector<1x16xf32>,
    %get3A_1550 = vector.shape_cast %get3A_1549 : vector<1x16xf32> to vector<16xf32>
    %select_n3A_1551 = arith.select %eq3A_1545, %get3A_1550, %select_n3A_1542 : vector<16xi1>, vector<16xf32>
    %swap3A_1552 = arith.constant 16 : i32
    %swap3A_1553 = arith.index_cast %swap3A_1552 : i32 to index
    %swap3A_1554 = arith.constant 0 : index
    %swap3A_1555 = tpu.vector_load %arg10[%swap3A_1553, %swap3A_1554] {strides = array<i32>} : memref<32x32xf32, #tpu.memory_space<vmem>>, vector<1x16xf32>,
    %swap3A_1556 = vector.shape_cast %swap3A_1555 : vector<1x16xf32> to vector<16xf32>
    %swap3A_1557 = vector.shape_cast %select_n3A_1551 : vector<16xf32> to vector<1x16xf32>
    tpu.vector_store %arg10[%swap3A_1553, %swap3A_1554], %swap3A_1557 {strides = array<i32>} : memref<32x32xf32, #tpu.memory_space<vmem>>, vector<1x16xf32>,
    %broadcast_in_dim3A_1558 = arith.constant -1.000000e+00 : f32
    %broadcast_in_dim3A_1559 = vector.broadcast %broadcast_in_dim3A_1558 : f32 to vector<16xf32>
    %eq3A_1560 = arith.constant 0 : i32
    %eq3A_1561 = vector.broadcast %eq3A_1560 : i32 to vector<16xi32>
    %eq3A_1562 = arith.cmpi eq, %get3A_1513, %eq3A_1561 : vector<16xi32>
    %get3A_1563 = arith.constant 16 : i32
    %get3A_1564 = arith.index_cast %get3A_1563 : i32 to index
    %get3A_1565 = arith.constant 16 : index
    %get3A_1566 = tpu.vector_load %arg9[%get3A_1564, %get3A_1565] {strides = array<i32>} : memref<32x128xf32, #tpu.memory_space<vmem>>, vector<1x16xf32>,
    %get3A_1567 = vector.shape_cast %get3A_1566 : vector<1x16xf32> to vector<16xf32>
    %select_n3A_1568 = arith.select %eq3A_1562, %get3A_1567, %broadcast_in_dim3A_1559 : vector<16xi1>, vector<16xf32>
    %eq3A_1569 = arith.constant 1 : i32
    %eq3A_1570 = vector.broadcast %eq3A_1569 : i32 to vector<16xi32>
    %eq3A_1571 = arith.cmpi eq, %get3A_1513, %eq3A_1570 : vector<16xi32>
    %get3A_1572 = arith.constant 16 : i32
    %get3A_1573 = arith.index_cast %get3A_1572 : i32 to index
    %get3A_1574 = arith.constant 48 : index
    %get3A_1575 = tpu.vector_load %arg9[%get3A_1573, %get3A_1574] {strides = array<i32>} : memref<32x128xf32, #tpu.memory_space<vmem>>, vector<1x16xf32>,
    %get3A_1576 = vector.shape_cast %get3A_1575 : vector<1x16xf32> to vector<16xf32>
    %select_n3A_1577 = arith.select %eq3A_1571, %get3A_1576, %select_n3A_1568 : vector<16xi1>, vector<16xf32>
    %eq3A_1578 = arith.constant 2 : i32
    %eq3A_1579 = vector.broadcast %eq3A_1578 : i32 to vector<16xi32>
    %eq3A_1580 = arith.cmpi eq, %get3A_1513, %eq3A_1579 : vector<16xi32>
    %get3A_1581 = arith.constant 16 : i32
    %get3A_1582 = arith.index_cast %get3A_1581 : i32 to index
    %get3A_1583 = arith.constant 80 : index
    %get3A_1584 = tpu.vector_load %arg9[%get3A_1582, %get3A_1583] {strides = array<i32>} : memref<32x128xf32, #tpu.memory_space<vmem>>, vector<1x16xf32>,
    %get3A_1585 = vector.shape_cast %get3A_1584 : vector<1x16xf32> to vector<16xf32>
    %select_n3A_1586 = arith.select %eq3A_1580, %get3A_1585, %select_n3A_1577 : vector<16xi1>, vector<16xf32>
    %eq3A_1587 = arith.constant 3 : i32
    %eq3A_1588 = vector.broadcast %eq3A_1587 : i32 to vector<16xi32>
    %eq3A_1589 = arith.cmpi eq, %get3A_1513, %eq3A_1588 : vector<16xi32>
    %get3A_1590 = arith.constant 16 : i32
    %get3A_1591 = arith.index_cast %get3A_1590 : i32 to index
    %get3A_1592 = arith.constant 112 : index
    %get3A_1593 = tpu.vector_load %arg9[%get3A_1591, %get3A_1592] {strides = array<i32>} : memref<32x128xf32, #tpu.memory_space<vmem>>, vector<1x16xf32>,
    %get3A_1594 = vector.shape_cast %get3A_1593 : vector<1x16xf32> to vector<16xf32>
    %select_n3A_1595 = arith.select %eq3A_1589, %get3A_1594, %select_n3A_1586 : vector<16xi1>, vector<16xf32>
    %swap3A_1596 = arith.constant 16 : i32
    %swap3A_1597 = arith.index_cast %swap3A_1596 : i32 to index
    %swap3A_1598 = arith.constant 16 : index
    %swap3A_1599 = tpu.vector_load %arg10[%swap3A_1597, %swap3A_1598] {strides = array<i32>} : memref<32x32xf32, #tpu.memory_space<vmem>>, vector<1x16xf32>,
    %swap3A_1600 = vector.shape_cast %swap3A_1599 : vector<1x16xf32> to vector<16xf32>
    %swap3A_1601 = vector.shape_cast %select_n3A_1595 : vector<16xf32> to vector<1x16xf32>
    tpu.vector_store %arg10[%swap3A_1597, %swap3A_1598], %swap3A_1601 {strides = array<i32>} : memref<32x32xf32, #tpu.memory_space<vmem>>, vector<1x16xf32>,
    %get3A_1602 = arith.constant 17 : i32
    %get3A_1603 = arith.index_cast %get3A_1602 : i32 to index
    %get3A_1604 = arith.constant 0 : index
    %get3A_1605 = tpu.vector_load %arg8[%get3A_1603, %get3A_1604] {strides = array<i32>} : memref<32x16xi32, #tpu.memory_space<vmem>>, vector<1x16xi32>,
    %get3A_1606 = vector.shape_cast %get3A_1605 : vector<1x16xi32> to vector<16xi32>
    %broadcast_in_dim3A_1607 = arith.constant -1.000000e+00 : f32
    %broadcast_in_dim3A_1608 = vector.broadcast %broadcast_in_dim3A_1607 : f32 to vector<16xf32>
    %eq3A_1609 = arith.constant 0 : i32
    %eq3A_1610 = vector.broadcast %eq3A_1609 : i32 to vector<16xi32>
    %eq3A_1611 = arith.cmpi eq, %get3A_1606, %eq3A_1610 : vector<16xi32>
    %get3A_1612 = arith.constant 17 : i32
    %get3A_1613 = arith.index_cast %get3A_1612 : i32 to index
    %get3A_1614 = arith.constant 0 : index
    %get3A_1615 = tpu.vector_load %arg9[%get3A_1613, %get3A_1614] {strides = array<i32>} : memref<32x128xf32, #tpu.memory_space<vmem>>, vector<1x16xf32>,
    %get3A_1616 = vector.shape_cast %get3A_1615 : vector<1x16xf32> to vector<16xf32>
    %select_n3A_1617 = arith.select %eq3A_1611, %get3A_1616, %broadcast_in_dim3A_1608 : vector<16xi1>, vector<16xf32>
    %eq3A_1618 = arith.constant 1 : i32
    %eq3A_1619 = vector.broadcast %eq3A_1618 : i32 to vector<16xi32>
    %eq3A_1620 = arith.cmpi eq, %get3A_1606, %eq3A_1619 : vector<16xi32>
    %get3A_1621 = arith.constant 17 : i32
    %get3A_1622 = arith.index_cast %get3A_1621 : i32 to index
    %get3A_1623 = arith.constant 32 : index
    %get3A_1624 = tpu.vector_load %arg9[%get3A_1622, %get3A_1623] {strides = array<i32>} : memref<32x128xf32, #tpu.memory_space<vmem>>, vector<1x16xf32>,
    %get3A_1625 = vector.shape_cast %get3A_1624 : vector<1x16xf32> to vector<16xf32>
    %select_n3A_1626 = arith.select %eq3A_1620, %get3A_1625, %select_n3A_1617 : vector<16xi1>, vector<16xf32>
    %eq3A_1627 = arith.constant 2 : i32
    %eq3A_1628 = vector.broadcast %eq3A_1627 : i32 to vector<16xi32>
    %eq3A_1629 = arith.cmpi eq, %get3A_1606, %eq3A_1628 : vector<16xi32>
    %get3A_1630 = arith.constant 17 : i32
    %get3A_1631 = arith.index_cast %get3A_1630 : i32 to index
    %get3A_1632 = arith.constant 64 : index
    %get3A_1633 = tpu.vector_load %arg9[%get3A_1631, %get3A_1632] {strides = array<i32>} : memref<32x128xf32, #tpu.memory_space<vmem>>, vector<1x16xf32>,
    %get3A_1634 = vector.shape_cast %get3A_1633 : vector<1x16xf32> to vector<16xf32>
    %select_n3A_1635 = arith.select %eq3A_1629, %get3A_1634, %select_n3A_1626 : vector<16xi1>, vector<16xf32>
    %eq3A_1636 = arith.constant 3 : i32
    %eq3A_1637 = vector.broadcast %eq3A_1636 : i32 to vector<16xi32>
    %eq3A_1638 = arith.cmpi eq, %get3A_1606, %eq3A_1637 : vector<16xi32>
    %get3A_1639 = arith.constant 17 : i32
    %get3A_1640 = arith.index_cast %get3A_1639 : i32 to index
    %get3A_1641 = arith.constant 96 : index
    %get3A_1642 = tpu.vector_load %arg9[%get3A_1640, %get3A_1641] {strides = array<i32>} : memref<32x128xf32, #tpu.memory_space<vmem>>, vector<1x16xf32>,
    %get3A_1643 = vector.shape_cast %get3A_1642 : vector<1x16xf32> to vector<16xf32>
    %select_n3A_1644 = arith.select %eq3A_1638, %get3A_1643, %select_n3A_1635 : vector<16xi1>, vector<16xf32>
    %swap3A_1645 = arith.constant 17 : i32
    %swap3A_1646 = arith.index_cast %swap3A_1645 : i32 to index
    %swap3A_1647 = arith.constant 0 : index
    %swap3A_1648 = tpu.vector_load %arg10[%swap3A_1646, %swap3A_1647] {strides = array<i32>} : memref<32x32xf32, #tpu.memory_space<vmem>>, vector<1x16xf32>,
    %swap3A_1649 = vector.shape_cast %swap3A_1648 : vector<1x16xf32> to vector<16xf32>
    %swap3A_1650 = vector.shape_cast %select_n3A_1644 : vector<16xf32> to vector<1x16xf32>
    tpu.vector_store %arg10[%swap3A_1646, %swap3A_1647], %swap3A_1650 {strides = array<i32>} : memref<32x32xf32, #tpu.memory_space<vmem>>, vector<1x16xf32>,
    %broadcast_in_dim3A_1651 = arith.constant -1.000000e+00 : f32
    %broadcast_in_dim3A_1652 = vector.broadcast %broadcast_in_dim3A_1651 : f32 to vector<16xf32>
    %eq3A_1653 = arith.constant 0 : i32
    %eq3A_1654 = vector.broadcast %eq3A_1653 : i32 to vector<16xi32>
    %eq3A_1655 = arith.cmpi eq, %get3A_1606, %eq3A_1654 : vector<16xi32>
    %get3A_1656 = arith.constant 17 : i32
    %get3A_1657 = arith.index_cast %get3A_1656 : i32 to index
    %get3A_1658 = arith.constant 16 : index
    %get3A_1659 = tpu.vector_load %arg9[%get3A_1657, %get3A_1658] {strides = array<i32>} : memref<32x128xf32, #tpu.memory_space<vmem>>, vector<1x16xf32>,
    %get3A_1660 = vector.shape_cast %get3A_1659 : vector<1x16xf32> to vector<16xf32>
    %select_n3A_1661 = arith.select %eq3A_1655, %get3A_1660, %broadcast_in_dim3A_1652 : vector<16xi1>, vector<16xf32>
    %eq3A_1662 = arith.constant 1 : i32
    %eq3A_1663 = vector.broadcast %eq3A_1662 : i32 to vector<16xi32>
    %eq3A_1664 = arith.cmpi eq, %get3A_1606, %eq3A_1663 : vector<16xi32>
    %get3A_1665 = arith.constant 17 : i32
    %get3A_1666 = arith.index_cast %get3A_1665 : i32 to index
    %get3A_1667 = arith.constant 48 : index
    %get3A_1668 = tpu.vector_load %arg9[%get3A_1666, %get3A_1667] {strides = array<i32>} : memref<32x128xf32, #tpu.memory_space<vmem>>, vector<1x16xf32>,
    %get3A_1669 = vector.shape_cast %get3A_1668 : vector<1x16xf32> to vector<16xf32>
    %select_n3A_1670 = arith.select %eq3A_1664, %get3A_1669, %select_n3A_1661 : vector<16xi1>, vector<16xf32>
    %eq3A_1671 = arith.constant 2 : i32
    %eq3A_1672 = vector.broadcast %eq3A_1671 : i32 to vector<16xi32>
    %eq3A_1673 = arith.cmpi eq, %get3A_1606, %eq3A_1672 : vector<16xi32>
    %get3A_1674 = arith.constant 17 : i32
    %get3A_1675 = arith.index_cast %get3A_1674 : i32 to index
    %get3A_1676 = arith.constant 80 : index
    %get3A_1677 = tpu.vector_load %arg9[%get3A_1675, %get3A_1676] {strides = array<i32>} : memref<32x128xf32, #tpu.memory_space<vmem>>, vector<1x16xf32>,
    %get3A_1678 = vector.shape_cast %get3A_1677 : vector<1x16xf32> to vector<16xf32>
    %select_n3A_1679 = arith.select %eq3A_1673, %get3A_1678, %select_n3A_1670 : vector<16xi1>, vector<16xf32>
    %eq3A_1680 = arith.constant 3 : i32
    %eq3A_1681 = vector.broadcast %eq3A_1680 : i32 to vector<16xi32>
    %eq3A_1682 = arith.cmpi eq, %get3A_1606, %eq3A_1681 : vector<16xi32>
    %get3A_1683 = arith.constant 17 : i32
    %get3A_1684 = arith.index_cast %get3A_1683 : i32 to index
    %get3A_1685 = arith.constant 112 : index
    %get3A_1686 = tpu.vector_load %arg9[%get3A_1684, %get3A_1685] {strides = array<i32>} : memref<32x128xf32, #tpu.memory_space<vmem>>, vector<1x16xf32>,
    %get3A_1687 = vector.shape_cast %get3A_1686 : vector<1x16xf32> to vector<16xf32>
    %select_n3A_1688 = arith.select %eq3A_1682, %get3A_1687, %select_n3A_1679 : vector<16xi1>, vector<16xf32>
    %swap3A_1689 = arith.constant 17 : i32
    %swap3A_1690 = arith.index_cast %swap3A_1689 : i32 to index
    %swap3A_1691 = arith.constant 16 : index
    %swap3A_1692 = tpu.vector_load %arg10[%swap3A_1690, %swap3A_1691] {strides = array<i32>} : memref<32x32xf32, #tpu.memory_space<vmem>>, vector<1x16xf32>,
    %swap3A_1693 = vector.shape_cast %swap3A_1692 : vector<1x16xf32> to vector<16xf32>
    %swap3A_1694 = vector.shape_cast %select_n3A_1688 : vector<16xf32> to vector<1x16xf32>
    tpu.vector_store %arg10[%swap3A_1690, %swap3A_1691], %swap3A_1694 {strides = array<i32>} : memref<32x32xf32, #tpu.memory_space<vmem>>, vector<1x16xf32>,
    %get3A_1695 = arith.constant 18 : i32
    %get3A_1696 = arith.index_cast %get3A_1695 : i32 to index
    %get3A_1697 = arith.constant 0 : index
    %get3A_1698 = tpu.vector_load %arg8[%get3A_1696, %get3A_1697] {strides = array<i32>} : memref<32x16xi32, #tpu.memory_space<vmem>>, vector<1x16xi32>,
    %get3A_1699 = vector.shape_cast %get3A_1698 : vector<1x16xi32> to vector<16xi32>
    %broadcast_in_dim3A_1700 = arith.constant -1.000000e+00 : f32
    %broadcast_in_dim3A_1701 = vector.broadcast %broadcast_in_dim3A_1700 : f32 to vector<16xf32>
    %eq3A_1702 = arith.constant 0 : i32
    %eq3A_1703 = vector.broadcast %eq3A_1702 : i32 to vector<16xi32>
    %eq3A_1704 = arith.cmpi eq, %get3A_1699, %eq3A_1703 : vector<16xi32>
    %get3A_1705 = arith.constant 18 : i32
    %get3A_1706 = arith.index_cast %get3A_1705 : i32 to index
    %get3A_1707 = arith.constant 0 : index
    %get3A_1708 = tpu.vector_load %arg9[%get3A_1706, %get3A_1707] {strides = array<i32>} : memref<32x128xf32, #tpu.memory_space<vmem>>, vector<1x16xf32>,
    %get3A_1709 = vector.shape_cast %get3A_1708 : vector<1x16xf32> to vector<16xf32>
    %select_n3A_1710 = arith.select %eq3A_1704, %get3A_1709, %broadcast_in_dim3A_1701 : vector<16xi1>, vector<16xf32>
    %eq3A_1711 = arith.constant 1 : i32
    %eq3A_1712 = vector.broadcast %eq3A_1711 : i32 to vector<16xi32>
    %eq3A_1713 = arith.cmpi eq, %get3A_1699, %eq3A_1712 : vector<16xi32>
    %get3A_1714 = arith.constant 18 : i32
    %get3A_1715 = arith.index_cast %get3A_1714 : i32 to index
    %get3A_1716 = arith.constant 32 : index
    %get3A_1717 = tpu.vector_load %arg9[%get3A_1715, %get3A_1716] {strides = array<i32>} : memref<32x128xf32, #tpu.memory_space<vmem>>, vector<1x16xf32>,
    %get3A_1718 = vector.shape_cast %get3A_1717 : vector<1x16xf32> to vector<16xf32>
    %select_n3A_1719 = arith.select %eq3A_1713, %get3A_1718, %select_n3A_1710 : vector<16xi1>, vector<16xf32>
    %eq3A_1720 = arith.constant 2 : i32
    %eq3A_1721 = vector.broadcast %eq3A_1720 : i32 to vector<16xi32>
    %eq3A_1722 = arith.cmpi eq, %get3A_1699, %eq3A_1721 : vector<16xi32>
    %get3A_1723 = arith.constant 18 : i32
    %get3A_1724 = arith.index_cast %get3A_1723 : i32 to index
    %get3A_1725 = arith.constant 64 : index
    %get3A_1726 = tpu.vector_load %arg9[%get3A_1724, %get3A_1725] {strides = array<i32>} : memref<32x128xf32, #tpu.memory_space<vmem>>, vector<1x16xf32>,
    %get3A_1727 = vector.shape_cast %get3A_1726 : vector<1x16xf32> to vector<16xf32>
    %select_n3A_1728 = arith.select %eq3A_1722, %get3A_1727, %select_n3A_1719 : vector<16xi1>, vector<16xf32>
    %eq3A_1729 = arith.constant 3 : i32
    %eq3A_1730 = vector.broadcast %eq3A_1729 : i32 to vector<16xi32>
    %eq3A_1731 = arith.cmpi eq, %get3A_1699, %eq3A_1730 : vector<16xi32>
    %get3A_1732 = arith.constant 18 : i32
    %get3A_1733 = arith.index_cast %get3A_1732 : i32 to index
    %get3A_1734 = arith.constant 96 : index
    %get3A_1735 = tpu.vector_load %arg9[%get3A_1733, %get3A_1734] {strides = array<i32>} : memref<32x128xf32, #tpu.memory_space<vmem>>, vector<1x16xf32>,
    %get3A_1736 = vector.shape_cast %get3A_1735 : vector<1x16xf32> to vector<16xf32>
    %select_n3A_1737 = arith.select %eq3A_1731, %get3A_1736, %select_n3A_1728 : vector<16xi1>, vector<16xf32>
    %swap3A_1738 = arith.constant 18 : i32
    %swap3A_1739 = arith.index_cast %swap3A_1738 : i32 to index
    %swap3A_1740 = arith.constant 0 : index
    %swap3A_1741 = tpu.vector_load %arg10[%swap3A_1739, %swap3A_1740] {strides = array<i32>} : memref<32x32xf32, #tpu.memory_space<vmem>>, vector<1x16xf32>,
    %swap3A_1742 = vector.shape_cast %swap3A_1741 : vector<1x16xf32> to vector<16xf32>
    %swap3A_1743 = vector.shape_cast %select_n3A_1737 : vector<16xf32> to vector<1x16xf32>
    tpu.vector_store %arg10[%swap3A_1739, %swap3A_1740], %swap3A_1743 {strides = array<i32>} : memref<32x32xf32, #tpu.memory_space<vmem>>, vector<1x16xf32>,
    %broadcast_in_dim3A_1744 = arith.constant -1.000000e+00 : f32
    %broadcast_in_dim3A_1745 = vector.broadcast %broadcast_in_dim3A_1744 : f32 to vector<16xf32>
    %eq3A_1746 = arith.constant 0 : i32
    %eq3A_1747 = vector.broadcast %eq3A_1746 : i32 to vector<16xi32>
    %eq3A_1748 = arith.cmpi eq, %get3A_1699, %eq3A_1747 : vector<16xi32>
    %get3A_1749 = arith.constant 18 : i32
    %get3A_1750 = arith.index_cast %get3A_1749 : i32 to index
    %get3A_1751 = arith.constant 16 : index
    %get3A_1752 = tpu.vector_load %arg9[%get3A_1750, %get3A_1751] {strides = array<i32>} : memref<32x128xf32, #tpu.memory_space<vmem>>, vector<1x16xf32>,
    %get3A_1753 = vector.shape_cast %get3A_1752 : vector<1x16xf32> to vector<16xf32>
    %select_n3A_1754 = arith.select %eq3A_1748, %get3A_1753, %broadcast_in_dim3A_1745 : vector<16xi1>, vector<16xf32>
    %eq3A_1755 = arith.constant 1 : i32
    %eq3A_1756 = vector.broadcast %eq3A_1755 : i32 to vector<16xi32>
    %eq3A_1757 = arith.cmpi eq, %get3A_1699, %eq3A_1756 : vector<16xi32>
    %get3A_1758 = arith.constant 18 : i32
    %get3A_1759 = arith.index_cast %get3A_1758 : i32 to index
    %get3A_1760 = arith.constant 48 : index
    %get3A_1761 = tpu.vector_load %arg9[%get3A_1759, %get3A_1760] {strides = array<i32>} : memref<32x128xf32, #tpu.memory_space<vmem>>, vector<1x16xf32>,
    %get3A_1762 = vector.shape_cast %get3A_1761 : vector<1x16xf32> to vector<16xf32>
    %select_n3A_1763 = arith.select %eq3A_1757, %get3A_1762, %select_n3A_1754 : vector<16xi1>, vector<16xf32>
    %eq3A_1764 = arith.constant 2 : i32
    %eq3A_1765 = vector.broadcast %eq3A_1764 : i32 to vector<16xi32>
    %eq3A_1766 = arith.cmpi eq, %get3A_1699, %eq3A_1765 : vector<16xi32>
    %get3A_1767 = arith.constant 18 : i32
    %get3A_1768 = arith.index_cast %get3A_1767 : i32 to index
    %get3A_1769 = arith.constant 80 : index
    %get3A_1770 = tpu.vector_load %arg9[%get3A_1768, %get3A_1769] {strides = array<i32>} : memref<32x128xf32, #tpu.memory_space<vmem>>, vector<1x16xf32>,
    %get3A_1771 = vector.shape_cast %get3A_1770 : vector<1x16xf32> to vector<16xf32>
    %select_n3A_1772 = arith.select %eq3A_1766, %get3A_1771, %select_n3A_1763 : vector<16xi1>, vector<16xf32>
    %eq3A_1773 = arith.constant 3 : i32
    %eq3A_1774 = vector.broadcast %eq3A_1773 : i32 to vector<16xi32>
    %eq3A_1775 = arith.cmpi eq, %get3A_1699, %eq3A_1774 : vector<16xi32>
    %get3A_1776 = arith.constant 18 : i32
    %get3A_1777 = arith.index_cast %get3A_1776 : i32 to index
    %get3A_1778 = arith.constant 112 : index
    %get3A_1779 = tpu.vector_load %arg9[%get3A_1777, %get3A_1778] {strides = array<i32>} : memref<32x128xf32, #tpu.memory_space<vmem>>, vector<1x16xf32>,
    %get3A_1780 = vector.shape_cast %get3A_1779 : vector<1x16xf32> to vector<16xf32>
    %select_n3A_1781 = arith.select %eq3A_1775, %get3A_1780, %select_n3A_1772 : vector<16xi1>, vector<16xf32>
    %swap3A_1782 = arith.constant 18 : i32
    %swap3A_1783 = arith.index_cast %swap3A_1782 : i32 to index
    %swap3A_1784 = arith.constant 16 : index
    %swap3A_1785 = tpu.vector_load %arg10[%swap3A_1783, %swap3A_1784] {strides = array<i32>} : memref<32x32xf32, #tpu.memory_space<vmem>>, vector<1x16xf32>,
    %swap3A_1786 = vector.shape_cast %swap3A_1785 : vector<1x16xf32> to vector<16xf32>
    %swap3A_1787 = vector.shape_cast %select_n3A_1781 : vector<16xf32> to vector<1x16xf32>
    tpu.vector_store %arg10[%swap3A_1783, %swap3A_1784], %swap3A_1787 {strides = array<i32>} : memref<32x32xf32, #tpu.memory_space<vmem>>, vector<1x16xf32>,
    %get3A_1788 = arith.constant 19 : i32
    %get3A_1789 = arith.index_cast %get3A_1788 : i32 to index
    %get3A_1790 = arith.constant 0 : index
    %get3A_1791 = tpu.vector_load %arg8[%get3A_1789, %get3A_1790] {strides = array<i32>} : memref<32x16xi32, #tpu.memory_space<vmem>>, vector<1x16xi32>,
    %get3A_1792 = vector.shape_cast %get3A_1791 : vector<1x16xi32> to vector<16xi32>
    %broadcast_in_dim3A_1793 = arith.constant -1.000000e+00 : f32
    %broadcast_in_dim3A_1794 = vector.broadcast %broadcast_in_dim3A_1793 : f32 to vector<16xf32>
    %eq3A_1795 = arith.constant 0 : i32
    %eq3A_1796 = vector.broadcast %eq3A_1795 : i32 to vector<16xi32>
    %eq3A_1797 = arith.cmpi eq, %get3A_1792, %eq3A_1796 : vector<16xi32>
    %get3A_1798 = arith.constant 19 : i32
    %get3A_1799 = arith.index_cast %get3A_1798 : i32 to index
    %get3A_1800 = arith.constant 0 : index
    %get3A_1801 = tpu.vector_load %arg9[%get3A_1799, %get3A_1800] {strides = array<i32>} : memref<32x128xf32, #tpu.memory_space<vmem>>, vector<1x16xf32>,
    %get3A_1802 = vector.shape_cast %get3A_1801 : vector<1x16xf32> to vector<16xf32>
    %select_n3A_1803 = arith.select %eq3A_1797, %get3A_1802, %broadcast_in_dim3A_1794 : vector<16xi1>, vector<16xf32>
    %eq3A_1804 = arith.constant 1 : i32
    %eq3A_1805 = vector.broadcast %eq3A_1804 : i32 to vector<16xi32>
    %eq3A_1806 = arith.cmpi eq, %get3A_1792, %eq3A_1805 : vector<16xi32>
    %get3A_1807 = arith.constant 19 : i32
    %get3A_1808 = arith.index_cast %get3A_1807 : i32 to index
    %get3A_1809 = arith.constant 32 : index
    %get3A_1810 = tpu.vector_load %arg9[%get3A_1808, %get3A_1809] {strides = array<i32>} : memref<32x128xf32, #tpu.memory_space<vmem>>, vector<1x16xf32>,
    %get3A_1811 = vector.shape_cast %get3A_1810 : vector<1x16xf32> to vector<16xf32>
    %select_n3A_1812 = arith.select %eq3A_1806, %get3A_1811, %select_n3A_1803 : vector<16xi1>, vector<16xf32>
    %eq3A_1813 = arith.constant 2 : i32
    %eq3A_1814 = vector.broadcast %eq3A_1813 : i32 to vector<16xi32>
    %eq3A_1815 = arith.cmpi eq, %get3A_1792, %eq3A_1814 : vector<16xi32>
    %get3A_1816 = arith.constant 19 : i32
    %get3A_1817 = arith.index_cast %get3A_1816 : i32 to index
    %get3A_1818 = arith.constant 64 : index
    %get3A_1819 = tpu.vector_load %arg9[%get3A_1817, %get3A_1818] {strides = array<i32>} : memref<32x128xf32, #tpu.memory_space<vmem>>, vector<1x16xf32>,
    %get3A_1820 = vector.shape_cast %get3A_1819 : vector<1x16xf32> to vector<16xf32>
    %select_n3A_1821 = arith.select %eq3A_1815, %get3A_1820, %select_n3A_1812 : vector<16xi1>, vector<16xf32>
    %eq3A_1822 = arith.constant 3 : i32
    %eq3A_1823 = vector.broadcast %eq3A_1822 : i32 to vector<16xi32>
    %eq3A_1824 = arith.cmpi eq, %get3A_1792, %eq3A_1823 : vector<16xi32>
    %get3A_1825 = arith.constant 19 : i32
    %get3A_1826 = arith.index_cast %get3A_1825 : i32 to index
    %get3A_1827 = arith.constant 96 : index
    %get3A_1828 = tpu.vector_load %arg9[%get3A_1826, %get3A_1827] {strides = array<i32>} : memref<32x128xf32, #tpu.memory_space<vmem>>, vector<1x16xf32>,
    %get3A_1829 = vector.shape_cast %get3A_1828 : vector<1x16xf32> to vector<16xf32>
    %select_n3A_1830 = arith.select %eq3A_1824, %get3A_1829, %select_n3A_1821 : vector<16xi1>, vector<16xf32>
    %swap3A_1831 = arith.constant 19 : i32
    %swap3A_1832 = arith.index_cast %swap3A_1831 : i32 to index
    %swap3A_1833 = arith.constant 0 : index
    %swap3A_1834 = tpu.vector_load %arg10[%swap3A_1832, %swap3A_1833] {strides = array<i32>} : memref<32x32xf32, #tpu.memory_space<vmem>>, vector<1x16xf32>,
    %swap3A_1835 = vector.shape_cast %swap3A_1834 : vector<1x16xf32> to vector<16xf32>
    %swap3A_1836 = vector.shape_cast %select_n3A_1830 : vector<16xf32> to vector<1x16xf32>
    tpu.vector_store %arg10[%swap3A_1832, %swap3A_1833], %swap3A_1836 {strides = array<i32>} : memref<32x32xf32, #tpu.memory_space<vmem>>, vector<1x16xf32>,
    %broadcast_in_dim3A_1837 = arith.constant -1.000000e+00 : f32
    %broadcast_in_dim3A_1838 = vector.broadcast %broadcast_in_dim3A_1837 : f32 to vector<16xf32>
    %eq3A_1839 = arith.constant 0 : i32
    %eq3A_1840 = vector.broadcast %eq3A_1839 : i32 to vector<16xi32>
    %eq3A_1841 = arith.cmpi eq, %get3A_1792, %eq3A_1840 : vector<16xi32>
    %get3A_1842 = arith.constant 19 : i32
    %get3A_1843 = arith.index_cast %get3A_1842 : i32 to index
    %get3A_1844 = arith.constant 16 : index
    %get3A_1845 = tpu.vector_load %arg9[%get3A_1843, %get3A_1844] {strides = array<i32>} : memref<32x128xf32, #tpu.memory_space<vmem>>, vector<1x16xf32>,
    %get3A_1846 = vector.shape_cast %get3A_1845 : vector<1x16xf32> to vector<16xf32>
    %select_n3A_1847 = arith.select %eq3A_1841, %get3A_1846, %broadcast_in_dim3A_1838 : vector<16xi1>, vector<16xf32>
    %eq3A_1848 = arith.constant 1 : i32
    %eq3A_1849 = vector.broadcast %eq3A_1848 : i32 to vector<16xi32>
    %eq3A_1850 = arith.cmpi eq, %get3A_1792, %eq3A_1849 : vector<16xi32>
    %get3A_1851 = arith.constant 19 : i32
    %get3A_1852 = arith.index_cast %get3A_1851 : i32 to index
    %get3A_1853 = arith.constant 48 : index
    %get3A_1854 = tpu.vector_load %arg9[%get3A_1852, %get3A_1853] {strides = array<i32>} : memref<32x128xf32, #tpu.memory_space<vmem>>, vector<1x16xf32>,
    %get3A_1855 = vector.shape_cast %get3A_1854 : vector<1x16xf32> to vector<16xf32>
    %select_n3A_1856 = arith.select %eq3A_1850, %get3A_1855, %select_n3A_1847 : vector<16xi1>, vector<16xf32>
    %eq3A_1857 = arith.constant 2 : i32
    %eq3A_1858 = vector.broadcast %eq3A_1857 : i32 to vector<16xi32>
    %eq3A_1859 = arith.cmpi eq, %get3A_1792, %eq3A_1858 : vector<16xi32>
    %get3A_1860 = arith.constant 19 : i32
    %get3A_1861 = arith.index_cast %get3A_1860 : i32 to index
    %get3A_1862 = arith.constant 80 : index
    %get3A_1863 = tpu.vector_load %arg9[%get3A_1861, %get3A_1862] {strides = array<i32>} : memref<32x128xf32, #tpu.memory_space<vmem>>, vector<1x16xf32>,
    %get3A_1864 = vector.shape_cast %get3A_1863 : vector<1x16xf32> to vector<16xf32>
    %select_n3A_1865 = arith.select %eq3A_1859, %get3A_1864, %select_n3A_1856 : vector<16xi1>, vector<16xf32>
    %eq3A_1866 = arith.constant 3 : i32
    %eq3A_1867 = vector.broadcast %eq3A_1866 : i32 to vector<16xi32>
    %eq3A_1868 = arith.cmpi eq, %get3A_1792, %eq3A_1867 : vector<16xi32>
    %get3A_1869 = arith.constant 19 : i32
    %get3A_1870 = arith.index_cast %get3A_1869 : i32 to index
    %get3A_1871 = arith.constant 112 : index
    %get3A_1872 = tpu.vector_load %arg9[%get3A_1870, %get3A_1871] {strides = array<i32>} : memref<32x128xf32, #tpu.memory_space<vmem>>, vector<1x16xf32>,
    %get3A_1873 = vector.shape_cast %get3A_1872 : vector<1x16xf32> to vector<16xf32>
    %select_n3A_1874 = arith.select %eq3A_1868, %get3A_1873, %select_n3A_1865 : vector<16xi1>, vector<16xf32>
    %swap3A_1875 = arith.constant 19 : i32
    %swap3A_1876 = arith.index_cast %swap3A_1875 : i32 to index
    %swap3A_1877 = arith.constant 16 : index
    %swap3A_1878 = tpu.vector_load %arg10[%swap3A_1876, %swap3A_1877] {strides = array<i32>} : memref<32x32xf32, #tpu.memory_space<vmem>>, vector<1x16xf32>,
    %swap3A_1879 = vector.shape_cast %swap3A_1878 : vector<1x16xf32> to vector<16xf32>
    %swap3A_1880 = vector.shape_cast %select_n3A_1874 : vector<16xf32> to vector<1x16xf32>
    tpu.vector_store %arg10[%swap3A_1876, %swap3A_1877], %swap3A_1880 {strides = array<i32>} : memref<32x32xf32, #tpu.memory_space<vmem>>, vector<1x16xf32>,
    %get3A_1881 = arith.constant 20 : i32
    %get3A_1882 = arith.index_cast %get3A_1881 : i32 to index
    %get3A_1883 = arith.constant 0 : index
    %get3A_1884 = tpu.vector_load %arg8[%get3A_1882, %get3A_1883] {strides = array<i32>} : memref<32x16xi32, #tpu.memory_space<vmem>>, vector<1x16xi32>,
    %get3A_1885 = vector.shape_cast %get3A_1884 : vector<1x16xi32> to vector<16xi32>
    %broadcast_in_dim3A_1886 = arith.constant -1.000000e+00 : f32
    %broadcast_in_dim3A_1887 = vector.broadcast %broadcast_in_dim3A_1886 : f32 to vector<16xf32>
    %eq3A_1888 = arith.constant 0 : i32
    %eq3A_1889 = vector.broadcast %eq3A_1888 : i32 to vector<16xi32>
    %eq3A_1890 = arith.cmpi eq, %get3A_1885, %eq3A_1889 : vector<16xi32>
    %get3A_1891 = arith.constant 20 : i32
    %get3A_1892 = arith.index_cast %get3A_1891 : i32 to index
    %get3A_1893 = arith.constant 0 : index
    %get3A_1894 = tpu.vector_load %arg9[%get3A_1892, %get3A_1893] {strides = array<i32>} : memref<32x128xf32, #tpu.memory_space<vmem>>, vector<1x16xf32>,
    %get3A_1895 = vector.shape_cast %get3A_1894 : vector<1x16xf32> to vector<16xf32>
    %select_n3A_1896 = arith.select %eq3A_1890, %get3A_1895, %broadcast_in_dim3A_1887 : vector<16xi1>, vector<16xf32>
    %eq3A_1897 = arith.constant 1 : i32
    %eq3A_1898 = vector.broadcast %eq3A_1897 : i32 to vector<16xi32>
    %eq3A_1899 = arith.cmpi eq, %get3A_1885, %eq3A_1898 : vector<16xi32>
    %get3A_1900 = arith.constant 20 : i32
    %get3A_1901 = arith.index_cast %get3A_1900 : i32 to index
    %get3A_1902 = arith.constant 32 : index
    %get3A_1903 = tpu.vector_load %arg9[%get3A_1901, %get3A_1902] {strides = array<i32>} : memref<32x128xf32, #tpu.memory_space<vmem>>, vector<1x16xf32>,
    %get3A_1904 = vector.shape_cast %get3A_1903 : vector<1x16xf32> to vector<16xf32>
    %select_n3A_1905 = arith.select %eq3A_1899, %get3A_1904, %select_n3A_1896 : vector<16xi1>, vector<16xf32>
    %eq3A_1906 = arith.constant 2 : i32
    %eq3A_1907 = vector.broadcast %eq3A_1906 : i32 to vector<16xi32>
    %eq3A_1908 = arith.cmpi eq, %get3A_1885, %eq3A_1907 : vector<16xi32>
    %get3A_1909 = arith.constant 20 : i32
    %get3A_1910 = arith.index_cast %get3A_1909 : i32 to index
    %get3A_1911 = arith.constant 64 : index
    %get3A_1912 = tpu.vector_load %arg9[%get3A_1910, %get3A_1911] {strides = array<i32>} : memref<32x128xf32, #tpu.memory_space<vmem>>, vector<1x16xf32>,
    %get3A_1913 = vector.shape_cast %get3A_1912 : vector<1x16xf32> to vector<16xf32>
    %select_n3A_1914 = arith.select %eq3A_1908, %get3A_1913, %select_n3A_1905 : vector<16xi1>, vector<16xf32>
    %eq3A_1915 = arith.constant 3 : i32
    %eq3A_1916 = vector.broadcast %eq3A_1915 : i32 to vector<16xi32>
    %eq3A_1917 = arith.cmpi eq, %get3A_1885, %eq3A_1916 : vector<16xi32>
    %get3A_1918 = arith.constant 20 : i32
    %get3A_1919 = arith.index_cast %get3A_1918 : i32 to index
    %get3A_1920 = arith.constant 96 : index
    %get3A_1921 = tpu.vector_load %arg9[%get3A_1919, %get3A_1920] {strides = array<i32>} : memref<32x128xf32, #tpu.memory_space<vmem>>, vector<1x16xf32>,
    %get3A_1922 = vector.shape_cast %get3A_1921 : vector<1x16xf32> to vector<16xf32>
    %select_n3A_1923 = arith.select %eq3A_1917, %get3A_1922, %select_n3A_1914 : vector<16xi1>, vector<16xf32>
    %swap3A_1924 = arith.constant 20 : i32
    %swap3A_1925 = arith.index_cast %swap3A_1924 : i32 to index
    %swap3A_1926 = arith.constant 0 : index
    %swap3A_1927 = tpu.vector_load %arg10[%swap3A_1925, %swap3A_1926] {strides = array<i32>} : memref<32x32xf32, #tpu.memory_space<vmem>>, vector<1x16xf32>,
    %swap3A_1928 = vector.shape_cast %swap3A_1927 : vector<1x16xf32> to vector<16xf32>
    %swap3A_1929 = vector.shape_cast %select_n3A_1923 : vector<16xf32> to vector<1x16xf32>
    tpu.vector_store %arg10[%swap3A_1925, %swap3A_1926], %swap3A_1929 {strides = array<i32>} : memref<32x32xf32, #tpu.memory_space<vmem>>, vector<1x16xf32>,
    %broadcast_in_dim3A_1930 = arith.constant -1.000000e+00 : f32
    %broadcast_in_dim3A_1931 = vector.broadcast %broadcast_in_dim3A_1930 : f32 to vector<16xf32>
    %eq3A_1932 = arith.constant 0 : i32
    %eq3A_1933 = vector.broadcast %eq3A_1932 : i32 to vector<16xi32>
    %eq3A_1934 = arith.cmpi eq, %get3A_1885, %eq3A_1933 : vector<16xi32>
    %get3A_1935 = arith.constant 20 : i32
    %get3A_1936 = arith.index_cast %get3A_1935 : i32 to index
    %get3A_1937 = arith.constant 16 : index
    %get3A_1938 = tpu.vector_load %arg9[%get3A_1936, %get3A_1937] {strides = array<i32>} : memref<32x128xf32, #tpu.memory_space<vmem>>, vector<1x16xf32>,
    %get3A_1939 = vector.shape_cast %get3A_1938 : vector<1x16xf32> to vector<16xf32>
    %select_n3A_1940 = arith.select %eq3A_1934, %get3A_1939, %broadcast_in_dim3A_1931 : vector<16xi1>, vector<16xf32>
    %eq3A_1941 = arith.constant 1 : i32
    %eq3A_1942 = vector.broadcast %eq3A_1941 : i32 to vector<16xi32>
    %eq3A_1943 = arith.cmpi eq, %get3A_1885, %eq3A_1942 : vector<16xi32>
    %get3A_1944 = arith.constant 20 : i32
    %get3A_1945 = arith.index_cast %get3A_1944 : i32 to index
    %get3A_1946 = arith.constant 48 : index
    %get3A_1947 = tpu.vector_load %arg9[%get3A_1945, %get3A_1946] {strides = array<i32>} : memref<32x128xf32, #tpu.memory_space<vmem>>, vector<1x16xf32>,
    %get3A_1948 = vector.shape_cast %get3A_1947 : vector<1x16xf32> to vector<16xf32>
    %select_n3A_1949 = arith.select %eq3A_1943, %get3A_1948, %select_n3A_1940 : vector<16xi1>, vector<16xf32>
    %eq3A_1950 = arith.constant 2 : i32
    %eq3A_1951 = vector.broadcast %eq3A_1950 : i32 to vector<16xi32>
    %eq3A_1952 = arith.cmpi eq, %get3A_1885, %eq3A_1951 : vector<16xi32>
    %get3A_1953 = arith.constant 20 : i32
    %get3A_1954 = arith.index_cast %get3A_1953 : i32 to index
    %get3A_1955 = arith.constant 80 : index
    %get3A_1956 = tpu.vector_load %arg9[%get3A_1954, %get3A_1955] {strides = array<i32>} : memref<32x128xf32, #tpu.memory_space<vmem>>, vector<1x16xf32>,
    %get3A_1957 = vector.shape_cast %get3A_1956 : vector<1x16xf32> to vector<16xf32>
    %select_n3A_1958 = arith.select %eq3A_1952, %get3A_1957, %select_n3A_1949 : vector<16xi1>, vector<16xf32>
    %eq3A_1959 = arith.constant 3 : i32
    %eq3A_1960 = vector.broadcast %eq3A_1959 : i32 to vector<16xi32>
    %eq3A_1961 = arith.cmpi eq, %get3A_1885, %eq3A_1960 : vector<16xi32>
    %get3A_1962 = arith.constant 20 : i32
    %get3A_1963 = arith.index_cast %get3A_1962 : i32 to index
    %get3A_1964 = arith.constant 112 : index
    %get3A_1965 = tpu.vector_load %arg9[%get3A_1963, %get3A_1964] {strides = array<i32>} : memref<32x128xf32, #tpu.memory_space<vmem>>, vector<1x16xf32>,
    %get3A_1966 = vector.shape_cast %get3A_1965 : vector<1x16xf32> to vector<16xf32>
    %select_n3A_1967 = arith.select %eq3A_1961, %get3A_1966, %select_n3A_1958 : vector<16xi1>, vector<16xf32>
    %swap3A_1968 = arith.constant 20 : i32
    %swap3A_1969 = arith.index_cast %swap3A_1968 : i32 to index
    %swap3A_1970 = arith.constant 16 : index
    %swap3A_1971 = tpu.vector_load %arg10[%swap3A_1969, %swap3A_1970] {strides = array<i32>} : memref<32x32xf32, #tpu.memory_space<vmem>>, vector<1x16xf32>,
    %swap3A_1972 = vector.shape_cast %swap3A_1971 : vector<1x16xf32> to vector<16xf32>
    %swap3A_1973 = vector.shape_cast %select_n3A_1967 : vector<16xf32> to vector<1x16xf32>
    tpu.vector_store %arg10[%swap3A_1969, %swap3A_1970], %swap3A_1973 {strides = array<i32>} : memref<32x32xf32, #tpu.memory_space<vmem>>, vector<1x16xf32>,
    %get3A_1974 = arith.constant 21 : i32
    %get3A_1975 = arith.index_cast %get3A_1974 : i32 to index
    %get3A_1976 = arith.constant 0 : index
    %get3A_1977 = tpu.vector_load %arg8[%get3A_1975, %get3A_1976] {strides = array<i32>} : memref<32x16xi32, #tpu.memory_space<vmem>>, vector<1x16xi32>,
    %get3A_1978 = vector.shape_cast %get3A_1977 : vector<1x16xi32> to vector<16xi32>
    %broadcast_in_dim3A_1979 = arith.constant -1.000000e+00 : f32
    %broadcast_in_dim3A_1980 = vector.broadcast %broadcast_in_dim3A_1979 : f32 to vector<16xf32>
    %eq3A_1981 = arith.constant 0 : i32
    %eq3A_1982 = vector.broadcast %eq3A_1981 : i32 to vector<16xi32>
    %eq3A_1983 = arith.cmpi eq, %get3A_1978, %eq3A_1982 : vector<16xi32>
    %get3A_1984 = arith.constant 21 : i32
    %get3A_1985 = arith.index_cast %get3A_1984 : i32 to index
    %get3A_1986 = arith.constant 0 : index
    %get3A_1987 = tpu.vector_load %arg9[%get3A_1985, %get3A_1986] {strides = array<i32>} : memref<32x128xf32, #tpu.memory_space<vmem>>, vector<1x16xf32>,
    %get3A_1988 = vector.shape_cast %get3A_1987 : vector<1x16xf32> to vector<16xf32>
    %select_n3A_1989 = arith.select %eq3A_1983, %get3A_1988, %broadcast_in_dim3A_1980 : vector<16xi1>, vector<16xf32>
    %eq3A_1990 = arith.constant 1 : i32
    %eq3A_1991 = vector.broadcast %eq3A_1990 : i32 to vector<16xi32>
    %eq3A_1992 = arith.cmpi eq, %get3A_1978, %eq3A_1991 : vector<16xi32>
    %get3A_1993 = arith.constant 21 : i32
    %get3A_1994 = arith.index_cast %get3A_1993 : i32 to index
    %get3A_1995 = arith.constant 32 : index
    %get3A_1996 = tpu.vector_load %arg9[%get3A_1994, %get3A_1995] {strides = array<i32>} : memref<32x128xf32, #tpu.memory_space<vmem>>, vector<1x16xf32>,
    %get3A_1997 = vector.shape_cast %get3A_1996 : vector<1x16xf32> to vector<16xf32>
    %select_n3A_1998 = arith.select %eq3A_1992, %get3A_1997, %select_n3A_1989 : vector<16xi1>, vector<16xf32>
    %eq3A_1999 = arith.constant 2 : i32
    %eq3A_2000 = vector.broadcast %eq3A_1999 : i32 to vector<16xi32>
    %eq3A_2001 = arith.cmpi eq, %get3A_1978, %eq3A_2000 : vector<16xi32>
    %get3A_2002 = arith.constant 21 : i32
    %get3A_2003 = arith.index_cast %get3A_2002 : i32 to index
    %get3A_2004 = arith.constant 64 : index
    %get3A_2005 = tpu.vector_load %arg9[%get3A_2003, %get3A_2004] {strides = array<i32>} : memref<32x128xf32, #tpu.memory_space<vmem>>, vector<1x16xf32>,
    %get3A_2006 = vector.shape_cast %get3A_2005 : vector<1x16xf32> to vector<16xf32>
    %select_n3A_2007 = arith.select %eq3A_2001, %get3A_2006, %select_n3A_1998 : vector<16xi1>, vector<16xf32>
    %eq3A_2008 = arith.constant 3 : i32
    %eq3A_2009 = vector.broadcast %eq3A_2008 : i32 to vector<16xi32>
    %eq3A_2010 = arith.cmpi eq, %get3A_1978, %eq3A_2009 : vector<16xi32>
    %get3A_2011 = arith.constant 21 : i32
    %get3A_2012 = arith.index_cast %get3A_2011 : i32 to index
    %get3A_2013 = arith.constant 96 : index
    %get3A_2014 = tpu.vector_load %arg9[%get3A_2012, %get3A_2013] {strides = array<i32>} : memref<32x128xf32, #tpu.memory_space<vmem>>, vector<1x16xf32>,
    %get3A_2015 = vector.shape_cast %get3A_2014 : vector<1x16xf32> to vector<16xf32>
    %select_n3A_2016 = arith.select %eq3A_2010, %get3A_2015, %select_n3A_2007 : vector<16xi1>, vector<16xf32>
    %swap3A_2017 = arith.constant 21 : i32
    %swap3A_2018 = arith.index_cast %swap3A_2017 : i32 to index
    %swap3A_2019 = arith.constant 0 : index
    %swap3A_2020 = tpu.vector_load %arg10[%swap3A_2018, %swap3A_2019] {strides = array<i32>} : memref<32x32xf32, #tpu.memory_space<vmem>>, vector<1x16xf32>,
    %swap3A_2021 = vector.shape_cast %swap3A_2020 : vector<1x16xf32> to vector<16xf32>
    %swap3A_2022 = vector.shape_cast %select_n3A_2016 : vector<16xf32> to vector<1x16xf32>
    tpu.vector_store %arg10[%swap3A_2018, %swap3A_2019], %swap3A_2022 {strides = array<i32>} : memref<32x32xf32, #tpu.memory_space<vmem>>, vector<1x16xf32>,
    %broadcast_in_dim3A_2023 = arith.constant -1.000000e+00 : f32
    %broadcast_in_dim3A_2024 = vector.broadcast %broadcast_in_dim3A_2023 : f32 to vector<16xf32>
    %eq3A_2025 = arith.constant 0 : i32
    %eq3A_2026 = vector.broadcast %eq3A_2025 : i32 to vector<16xi32>
    %eq3A_2027 = arith.cmpi eq, %get3A_1978, %eq3A_2026 : vector<16xi32>
    %get3A_2028 = arith.constant 21 : i32
    %get3A_2029 = arith.index_cast %get3A_2028 : i32 to index
    %get3A_2030 = arith.constant 16 : index
    %get3A_2031 = tpu.vector_load %arg9[%get3A_2029, %get3A_2030] {strides = array<i32>} : memref<32x128xf32, #tpu.memory_space<vmem>>, vector<1x16xf32>,
    %get3A_2032 = vector.shape_cast %get3A_2031 : vector<1x16xf32> to vector<16xf32>
    %select_n3A_2033 = arith.select %eq3A_2027, %get3A_2032, %broadcast_in_dim3A_2024 : vector<16xi1>, vector<16xf32>
    %eq3A_2034 = arith.constant 1 : i32
    %eq3A_2035 = vector.broadcast %eq3A_2034 : i32 to vector<16xi32>
    %eq3A_2036 = arith.cmpi eq, %get3A_1978, %eq3A_2035 : vector<16xi32>
    %get3A_2037 = arith.constant 21 : i32
    %get3A_2038 = arith.index_cast %get3A_2037 : i32 to index
    %get3A_2039 = arith.constant 48 : index
    %get3A_2040 = tpu.vector_load %arg9[%get3A_2038, %get3A_2039] {strides = array<i32>} : memref<32x128xf32, #tpu.memory_space<vmem>>, vector<1x16xf32>,
    %get3A_2041 = vector.shape_cast %get3A_2040 : vector<1x16xf32> to vector<16xf32>
    %select_n3A_2042 = arith.select %eq3A_2036, %get3A_2041, %select_n3A_2033 : vector<16xi1>, vector<16xf32>
    %eq3A_2043 = arith.constant 2 : i32
    %eq3A_2044 = vector.broadcast %eq3A_2043 : i32 to vector<16xi32>
    %eq3A_2045 = arith.cmpi eq, %get3A_1978, %eq3A_2044 : vector<16xi32>
    %get3A_2046 = arith.constant 21 : i32
    %get3A_2047 = arith.index_cast %get3A_2046 : i32 to index
    %get3A_2048 = arith.constant 80 : index
    %get3A_2049 = tpu.vector_load %arg9[%get3A_2047, %get3A_2048] {strides = array<i32>} : memref<32x128xf32, #tpu.memory_space<vmem>>, vector<1x16xf32>,
    %get3A_2050 = vector.shape_cast %get3A_2049 : vector<1x16xf32> to vector<16xf32>
    %select_n3A_2051 = arith.select %eq3A_2045, %get3A_2050, %select_n3A_2042 : vector<16xi1>, vector<16xf32>
    %eq3A_2052 = arith.constant 3 : i32
    %eq3A_2053 = vector.broadcast %eq3A_2052 : i32 to vector<16xi32>
    %eq3A_2054 = arith.cmpi eq, %get3A_1978, %eq3A_2053 : vector<16xi32>
    %get3A_2055 = arith.constant 21 : i32
    %get3A_2056 = arith.index_cast %get3A_2055 : i32 to index
    %get3A_2057 = arith.constant 112 : index
    %get3A_2058 = tpu.vector_load %arg9[%get3A_2056, %get3A_2057] {strides = array<i32>} : memref<32x128xf32, #tpu.memory_space<vmem>>, vector<1x16xf32>,
    %get3A_2059 = vector.shape_cast %get3A_2058 : vector<1x16xf32> to vector<16xf32>
    %select_n3A_2060 = arith.select %eq3A_2054, %get3A_2059, %select_n3A_2051 : vector<16xi1>, vector<16xf32>
    %swap3A_2061 = arith.constant 21 : i32
    %swap3A_2062 = arith.index_cast %swap3A_2061 : i32 to index
    %swap3A_2063 = arith.constant 16 : index
    %swap3A_2064 = tpu.vector_load %arg10[%swap3A_2062, %swap3A_2063] {strides = array<i32>} : memref<32x32xf32, #tpu.memory_space<vmem>>, vector<1x16xf32>,
    %swap3A_2065 = vector.shape_cast %swap3A_2064 : vector<1x16xf32> to vector<16xf32>
    %swap3A_2066 = vector.shape_cast %select_n3A_2060 : vector<16xf32> to vector<1x16xf32>
    tpu.vector_store %arg10[%swap3A_2062, %swap3A_2063], %swap3A_2066 {strides = array<i32>} : memref<32x32xf32, #tpu.memory_space<vmem>>, vector<1x16xf32>,
    %get3A_2067 = arith.constant 22 : i32
    %get3A_2068 = arith.index_cast %get3A_2067 : i32 to index
    %get3A_2069 = arith.constant 0 : index
    %get3A_2070 = tpu.vector_load %arg8[%get3A_2068, %get3A_2069] {strides = array<i32>} : memref<32x16xi32, #tpu.memory_space<vmem>>, vector<1x16xi32>,
    %get3A_2071 = vector.shape_cast %get3A_2070 : vector<1x16xi32> to vector<16xi32>
    %broadcast_in_dim3A_2072 = arith.constant -1.000000e+00 : f32
    %broadcast_in_dim3A_2073 = vector.broadcast %broadcast_in_dim3A_2072 : f32 to vector<16xf32>
    %eq3A_2074 = arith.constant 0 : i32
    %eq3A_2075 = vector.broadcast %eq3A_2074 : i32 to vector<16xi32>
    %eq3A_2076 = arith.cmpi eq, %get3A_2071, %eq3A_2075 : vector<16xi32>
    %get3A_2077 = arith.constant 22 : i32
    %get3A_2078 = arith.index_cast %get3A_2077 : i32 to index
    %get3A_2079 = arith.constant 0 : index
    %get3A_2080 = tpu.vector_load %arg9[%get3A_2078, %get3A_2079] {strides = array<i32>} : memref<32x128xf32, #tpu.memory_space<vmem>>, vector<1x16xf32>,
    %get3A_2081 = vector.shape_cast %get3A_2080 : vector<1x16xf32> to vector<16xf32>
    %select_n3A_2082 = arith.select %eq3A_2076, %get3A_2081, %broadcast_in_dim3A_2073 : vector<16xi1>, vector<16xf32>
    %eq3A_2083 = arith.constant 1 : i32
    %eq3A_2084 = vector.broadcast %eq3A_2083 : i32 to vector<16xi32>
    %eq3A_2085 = arith.cmpi eq, %get3A_2071, %eq3A_2084 : vector<16xi32>
    %get3A_2086 = arith.constant 22 : i32
    %get3A_2087 = arith.index_cast %get3A_2086 : i32 to index
    %get3A_2088 = arith.constant 32 : index
    %get3A_2089 = tpu.vector_load %arg9[%get3A_2087, %get3A_2088] {strides = array<i32>} : memref<32x128xf32, #tpu.memory_space<vmem>>, vector<1x16xf32>,
    %get3A_2090 = vector.shape_cast %get3A_2089 : vector<1x16xf32> to vector<16xf32>
    %select_n3A_2091 = arith.select %eq3A_2085, %get3A_2090, %select_n3A_2082 : vector<16xi1>, vector<16xf32>
    %eq3A_2092 = arith.constant 2 : i32
    %eq3A_2093 = vector.broadcast %eq3A_2092 : i32 to vector<16xi32>
    %eq3A_2094 = arith.cmpi eq, %get3A_2071, %eq3A_2093 : vector<16xi32>
    %get3A_2095 = arith.constant 22 : i32
    %get3A_2096 = arith.index_cast %get3A_2095 : i32 to index
    %get3A_2097 = arith.constant 64 : index
    %get3A_2098 = tpu.vector_load %arg9[%get3A_2096, %get3A_2097] {strides = array<i32>} : memref<32x128xf32, #tpu.memory_space<vmem>>, vector<1x16xf32>,
    %get3A_2099 = vector.shape_cast %get3A_2098 : vector<1x16xf32> to vector<16xf32>
    %select_n3A_2100 = arith.select %eq3A_2094, %get3A_2099, %select_n3A_2091 : vector<16xi1>, vector<16xf32>
    %eq3A_2101 = arith.constant 3 : i32
    %eq3A_2102 = vector.broadcast %eq3A_2101 : i32 to vector<16xi32>
    %eq3A_2103 = arith.cmpi eq, %get3A_2071, %eq3A_2102 : vector<16xi32>
    %get3A_2104 = arith.constant 22 : i32
    %get3A_2105 = arith.index_cast %get3A_2104 : i32 to index
    %get3A_2106 = arith.constant 96 : index
    %get3A_2107 = tpu.vector_load %arg9[%get3A_2105, %get3A_2106] {strides = array<i32>} : memref<32x128xf32, #tpu.memory_space<vmem>>, vector<1x16xf32>,
    %get3A_2108 = vector.shape_cast %get3A_2107 : vector<1x16xf32> to vector<16xf32>
    %select_n3A_2109 = arith.select %eq3A_2103, %get3A_2108, %select_n3A_2100 : vector<16xi1>, vector<16xf32>
    %swap3A_2110 = arith.constant 22 : i32
    %swap3A_2111 = arith.index_cast %swap3A_2110 : i32 to index
    %swap3A_2112 = arith.constant 0 : index
    %swap3A_2113 = tpu.vector_load %arg10[%swap3A_2111, %swap3A_2112] {strides = array<i32>} : memref<32x32xf32, #tpu.memory_space<vmem>>, vector<1x16xf32>,
    %swap3A_2114 = vector.shape_cast %swap3A_2113 : vector<1x16xf32> to vector<16xf32>
    %swap3A_2115 = vector.shape_cast %select_n3A_2109 : vector<16xf32> to vector<1x16xf32>
    tpu.vector_store %arg10[%swap3A_2111, %swap3A_2112], %swap3A_2115 {strides = array<i32>} : memref<32x32xf32, #tpu.memory_space<vmem>>, vector<1x16xf32>,
    %broadcast_in_dim3A_2116 = arith.constant -1.000000e+00 : f32
    %broadcast_in_dim3A_2117 = vector.broadcast %broadcast_in_dim3A_2116 : f32 to vector<16xf32>
    %eq3A_2118 = arith.constant 0 : i32
    %eq3A_2119 = vector.broadcast %eq3A_2118 : i32 to vector<16xi32>
    %eq3A_2120 = arith.cmpi eq, %get3A_2071, %eq3A_2119 : vector<16xi32>
    %get3A_2121 = arith.constant 22 : i32
    %get3A_2122 = arith.index_cast %get3A_2121 : i32 to index
    %get3A_2123 = arith.constant 16 : index
    %get3A_2124 = tpu.vector_load %arg9[%get3A_2122, %get3A_2123] {strides = array<i32>} : memref<32x128xf32, #tpu.memory_space<vmem>>, vector<1x16xf32>,
    %get3A_2125 = vector.shape_cast %get3A_2124 : vector<1x16xf32> to vector<16xf32>
    %select_n3A_2126 = arith.select %eq3A_2120, %get3A_2125, %broadcast_in_dim3A_2117 : vector<16xi1>, vector<16xf32>
    %eq3A_2127 = arith.constant 1 : i32
    %eq3A_2128 = vector.broadcast %eq3A_2127 : i32 to vector<16xi32>
    %eq3A_2129 = arith.cmpi eq, %get3A_2071, %eq3A_2128 : vector<16xi32>
    %get3A_2130 = arith.constant 22 : i32
    %get3A_2131 = arith.index_cast %get3A_2130 : i32 to index
    %get3A_2132 = arith.constant 48 : index
    %get3A_2133 = tpu.vector_load %arg9[%get3A_2131, %get3A_2132] {strides = array<i32>} : memref<32x128xf32, #tpu.memory_space<vmem>>, vector<1x16xf32>,
    %get3A_2134 = vector.shape_cast %get3A_2133 : vector<1x16xf32> to vector<16xf32>
    %select_n3A_2135 = arith.select %eq3A_2129, %get3A_2134, %select_n3A_2126 : vector<16xi1>, vector<16xf32>
    %eq3A_2136 = arith.constant 2 : i32
    %eq3A_2137 = vector.broadcast %eq3A_2136 : i32 to vector<16xi32>
    %eq3A_2138 = arith.cmpi eq, %get3A_2071, %eq3A_2137 : vector<16xi32>
    %get3A_2139 = arith.constant 22 : i32
    %get3A_2140 = arith.index_cast %get3A_2139 : i32 to index
    %get3A_2141 = arith.constant 80 : index
    %get3A_2142 = tpu.vector_load %arg9[%get3A_2140, %get3A_2141] {strides = array<i32>} : memref<32x128xf32, #tpu.memory_space<vmem>>, vector<1x16xf32>,
    %get3A_2143 = vector.shape_cast %get3A_2142 : vector<1x16xf32> to vector<16xf32>
    %select_n3A_2144 = arith.select %eq3A_2138, %get3A_2143, %select_n3A_2135 : vector<16xi1>, vector<16xf32>
    %eq3A_2145 = arith.constant 3 : i32
    %eq3A_2146 = vector.broadcast %eq3A_2145 : i32 to vector<16xi32>
    %eq3A_2147 = arith.cmpi eq, %get3A_2071, %eq3A_2146 : vector<16xi32>
    %get3A_2148 = arith.constant 22 : i32
    %get3A_2149 = arith.index_cast %get3A_2148 : i32 to index
    %get3A_2150 = arith.constant 112 : index
    %get3A_2151 = tpu.vector_load %arg9[%get3A_2149, %get3A_2150] {strides = array<i32>} : memref<32x128xf32, #tpu.memory_space<vmem>>, vector<1x16xf32>,
    %get3A_2152 = vector.shape_cast %get3A_2151 : vector<1x16xf32> to vector<16xf32>
    %select_n3A_2153 = arith.select %eq3A_2147, %get3A_2152, %select_n3A_2144 : vector<16xi1>, vector<16xf32>
    %swap3A_2154 = arith.constant 22 : i32
    %swap3A_2155 = arith.index_cast %swap3A_2154 : i32 to index
    %swap3A_2156 = arith.constant 16 : index
    %swap3A_2157 = tpu.vector_load %arg10[%swap3A_2155, %swap3A_2156] {strides = array<i32>} : memref<32x32xf32, #tpu.memory_space<vmem>>, vector<1x16xf32>,
    %swap3A_2158 = vector.shape_cast %swap3A_2157 : vector<1x16xf32> to vector<16xf32>
    %swap3A_2159 = vector.shape_cast %select_n3A_2153 : vector<16xf32> to vector<1x16xf32>
    tpu.vector_store %arg10[%swap3A_2155, %swap3A_2156], %swap3A_2159 {strides = array<i32>} : memref<32x32xf32, #tpu.memory_space<vmem>>, vector<1x16xf32>,
    %get3A_2160 = arith.constant 23 : i32
    %get3A_2161 = arith.index_cast %get3A_2160 : i32 to index
    %get3A_2162 = arith.constant 0 : index
    %get3A_2163 = tpu.vector_load %arg8[%get3A_2161, %get3A_2162] {strides = array<i32>} : memref<32x16xi32, #tpu.memory_space<vmem>>, vector<1x16xi32>,
    %get3A_2164 = vector.shape_cast %get3A_2163 : vector<1x16xi32> to vector<16xi32>
    %broadcast_in_dim3A_2165 = arith.constant -1.000000e+00 : f32
    %broadcast_in_dim3A_2166 = vector.broadcast %broadcast_in_dim3A_2165 : f32 to vector<16xf32>
    %eq3A_2167 = arith.constant 0 : i32
    %eq3A_2168 = vector.broadcast %eq3A_2167 : i32 to vector<16xi32>
    %eq3A_2169 = arith.cmpi eq, %get3A_2164, %eq3A_2168 : vector<16xi32>
    %get3A_2170 = arith.constant 23 : i32
    %get3A_2171 = arith.index_cast %get3A_2170 : i32 to index
    %get3A_2172 = arith.constant 0 : index
    %get3A_2173 = tpu.vector_load %arg9[%get3A_2171, %get3A_2172] {strides = array<i32>} : memref<32x128xf32, #tpu.memory_space<vmem>>, vector<1x16xf32>,
    %get3A_2174 = vector.shape_cast %get3A_2173 : vector<1x16xf32> to vector<16xf32>
    %select_n3A_2175 = arith.select %eq3A_2169, %get3A_2174, %broadcast_in_dim3A_2166 : vector<16xi1>, vector<16xf32>
    %eq3A_2176 = arith.constant 1 : i32
    %eq3A_2177 = vector.broadcast %eq3A_2176 : i32 to vector<16xi32>
    %eq3A_2178 = arith.cmpi eq, %get3A_2164, %eq3A_2177 : vector<16xi32>
    %get3A_2179 = arith.constant 23 : i32
    %get3A_2180 = arith.index_cast %get3A_2179 : i32 to index
    %get3A_2181 = arith.constant 32 : index
    %get3A_2182 = tpu.vector_load %arg9[%get3A_2180, %get3A_2181] {strides = array<i32>} : memref<32x128xf32, #tpu.memory_space<vmem>>, vector<1x16xf32>,
    %get3A_2183 = vector.shape_cast %get3A_2182 : vector<1x16xf32> to vector<16xf32>
    %select_n3A_2184 = arith.select %eq3A_2178, %get3A_2183, %select_n3A_2175 : vector<16xi1>, vector<16xf32>
    %eq3A_2185 = arith.constant 2 : i32
    %eq3A_2186 = vector.broadcast %eq3A_2185 : i32 to vector<16xi32>
    %eq3A_2187 = arith.cmpi eq, %get3A_2164, %eq3A_2186 : vector<16xi32>
    %get3A_2188 = arith.constant 23 : i32
    %get3A_2189 = arith.index_cast %get3A_2188 : i32 to index
    %get3A_2190 = arith.constant 64 : index
    %get3A_2191 = tpu.vector_load %arg9[%get3A_2189, %get3A_2190] {strides = array<i32>} : memref<32x128xf32, #tpu.memory_space<vmem>>, vector<1x16xf32>,
    %get3A_2192 = vector.shape_cast %get3A_2191 : vector<1x16xf32> to vector<16xf32>
    %select_n3A_2193 = arith.select %eq3A_2187, %get3A_2192, %select_n3A_2184 : vector<16xi1>, vector<16xf32>
    %eq3A_2194 = arith.constant 3 : i32
    %eq3A_2195 = vector.broadcast %eq3A_2194 : i32 to vector<16xi32>
    %eq3A_2196 = arith.cmpi eq, %get3A_2164, %eq3A_2195 : vector<16xi32>
    %get3A_2197 = arith.constant 23 : i32
    %get3A_2198 = arith.index_cast %get3A_2197 : i32 to index
    %get3A_2199 = arith.constant 96 : index
    %get3A_2200 = tpu.vector_load %arg9[%get3A_2198, %get3A_2199] {strides = array<i32>} : memref<32x128xf32, #tpu.memory_space<vmem>>, vector<1x16xf32>,
    %get3A_2201 = vector.shape_cast %get3A_2200 : vector<1x16xf32> to vector<16xf32>
    %select_n3A_2202 = arith.select %eq3A_2196, %get3A_2201, %select_n3A_2193 : vector<16xi1>, vector<16xf32>
    %swap3A_2203 = arith.constant 23 : i32
    %swap3A_2204 = arith.index_cast %swap3A_2203 : i32 to index
    %swap3A_2205 = arith.constant 0 : index
    %swap3A_2206 = tpu.vector_load %arg10[%swap3A_2204, %swap3A_2205] {strides = array<i32>} : memref<32x32xf32, #tpu.memory_space<vmem>>, vector<1x16xf32>,
    %swap3A_2207 = vector.shape_cast %swap3A_2206 : vector<1x16xf32> to vector<16xf32>
    %swap3A_2208 = vector.shape_cast %select_n3A_2202 : vector<16xf32> to vector<1x16xf32>
    tpu.vector_store %arg10[%swap3A_2204, %swap3A_2205], %swap3A_2208 {strides = array<i32>} : memref<32x32xf32, #tpu.memory_space<vmem>>, vector<1x16xf32>,
    %broadcast_in_dim3A_2209 = arith.constant -1.000000e+00 : f32
    %broadcast_in_dim3A_2210 = vector.broadcast %broadcast_in_dim3A_2209 : f32 to vector<16xf32>
    %eq3A_2211 = arith.constant 0 : i32
    %eq3A_2212 = vector.broadcast %eq3A_2211 : i32 to vector<16xi32>
    %eq3A_2213 = arith.cmpi eq, %get3A_2164, %eq3A_2212 : vector<16xi32>
    %get3A_2214 = arith.constant 23 : i32
    %get3A_2215 = arith.index_cast %get3A_2214 : i32 to index
    %get3A_2216 = arith.constant 16 : index
    %get3A_2217 = tpu.vector_load %arg9[%get3A_2215, %get3A_2216] {strides = array<i32>} : memref<32x128xf32, #tpu.memory_space<vmem>>, vector<1x16xf32>,
    %get3A_2218 = vector.shape_cast %get3A_2217 : vector<1x16xf32> to vector<16xf32>
    %select_n3A_2219 = arith.select %eq3A_2213, %get3A_2218, %broadcast_in_dim3A_2210 : vector<16xi1>, vector<16xf32>
    %eq3A_2220 = arith.constant 1 : i32
    %eq3A_2221 = vector.broadcast %eq3A_2220 : i32 to vector<16xi32>
    %eq3A_2222 = arith.cmpi eq, %get3A_2164, %eq3A_2221 : vector<16xi32>
    %get3A_2223 = arith.constant 23 : i32
    %get3A_2224 = arith.index_cast %get3A_2223 : i32 to index
    %get3A_2225 = arith.constant 48 : index
    %get3A_2226 = tpu.vector_load %arg9[%get3A_2224, %get3A_2225] {strides = array<i32>} : memref<32x128xf32, #tpu.memory_space<vmem>>, vector<1x16xf32>,
    %get3A_2227 = vector.shape_cast %get3A_2226 : vector<1x16xf32> to vector<16xf32>
    %select_n3A_2228 = arith.select %eq3A_2222, %get3A_2227, %select_n3A_2219 : vector<16xi1>, vector<16xf32>
    %eq3A_2229 = arith.constant 2 : i32
    %eq3A_2230 = vector.broadcast %eq3A_2229 : i32 to vector<16xi32>
    %eq3A_2231 = arith.cmpi eq, %get3A_2164, %eq3A_2230 : vector<16xi32>
    %get3A_2232 = arith.constant 23 : i32
    %get3A_2233 = arith.index_cast %get3A_2232 : i32 to index
    %get3A_2234 = arith.constant 80 : index
    %get3A_2235 = tpu.vector_load %arg9[%get3A_2233, %get3A_2234] {strides = array<i32>} : memref<32x128xf32, #tpu.memory_space<vmem>>, vector<1x16xf32>,
    %get3A_2236 = vector.shape_cast %get3A_2235 : vector<1x16xf32> to vector<16xf32>
    %select_n3A_2237 = arith.select %eq3A_2231, %get3A_2236, %select_n3A_2228 : vector<16xi1>, vector<16xf32>
    %eq3A_2238 = arith.constant 3 : i32
    %eq3A_2239 = vector.broadcast %eq3A_2238 : i32 to vector<16xi32>
    %eq3A_2240 = arith.cmpi eq, %get3A_2164, %eq3A_2239 : vector<16xi32>
    %get3A_2241 = arith.constant 23 : i32
    %get3A_2242 = arith.index_cast %get3A_2241 : i32 to index
    %get3A_2243 = arith.constant 112 : index
    %get3A_2244 = tpu.vector_load %arg9[%get3A_2242, %get3A_2243] {strides = array<i32>} : memref<32x128xf32, #tpu.memory_space<vmem>>, vector<1x16xf32>,
    %get3A_2245 = vector.shape_cast %get3A_2244 : vector<1x16xf32> to vector<16xf32>
    %select_n3A_2246 = arith.select %eq3A_2240, %get3A_2245, %select_n3A_2237 : vector<16xi1>, vector<16xf32>
    %swap3A_2247 = arith.constant 23 : i32
    %swap3A_2248 = arith.index_cast %swap3A_2247 : i32 to index
    %swap3A_2249 = arith.constant 16 : index
    %swap3A_2250 = tpu.vector_load %arg10[%swap3A_2248, %swap3A_2249] {strides = array<i32>} : memref<32x32xf32, #tpu.memory_space<vmem>>, vector<1x16xf32>,
    %swap3A_2251 = vector.shape_cast %swap3A_2250 : vector<1x16xf32> to vector<16xf32>
    %swap3A_2252 = vector.shape_cast %select_n3A_2246 : vector<16xf32> to vector<1x16xf32>
    tpu.vector_store %arg10[%swap3A_2248, %swap3A_2249], %swap3A_2252 {strides = array<i32>} : memref<32x32xf32, #tpu.memory_space<vmem>>, vector<1x16xf32>,
    %get3A_2253 = arith.constant 24 : i32
    %get3A_2254 = arith.index_cast %get3A_2253 : i32 to index
    %get3A_2255 = arith.constant 0 : index
    %get3A_2256 = tpu.vector_load %arg8[%get3A_2254, %get3A_2255] {strides = array<i32>} : memref<32x16xi32, #tpu.memory_space<vmem>>, vector<1x16xi32>,
    %get3A_2257 = vector.shape_cast %get3A_2256 : vector<1x16xi32> to vector<16xi32>
    %broadcast_in_dim3A_2258 = arith.constant -1.000000e+00 : f32
    %broadcast_in_dim3A_2259 = vector.broadcast %broadcast_in_dim3A_2258 : f32 to vector<16xf32>
    %eq3A_2260 = arith.constant 0 : i32
    %eq3A_2261 = vector.broadcast %eq3A_2260 : i32 to vector<16xi32>
    %eq3A_2262 = arith.cmpi eq, %get3A_2257, %eq3A_2261 : vector<16xi32>
    %get3A_2263 = arith.constant 24 : i32
    %get3A_2264 = arith.index_cast %get3A_2263 : i32 to index
    %get3A_2265 = arith.constant 0 : index
    %get3A_2266 = tpu.vector_load %arg9[%get3A_2264, %get3A_2265] {strides = array<i32>} : memref<32x128xf32, #tpu.memory_space<vmem>>, vector<1x16xf32>,
    %get3A_2267 = vector.shape_cast %get3A_2266 : vector<1x16xf32> to vector<16xf32>
    %select_n3A_2268 = arith.select %eq3A_2262, %get3A_2267, %broadcast_in_dim3A_2259 : vector<16xi1>, vector<16xf32>
    %eq3A_2269 = arith.constant 1 : i32
    %eq3A_2270 = vector.broadcast %eq3A_2269 : i32 to vector<16xi32>
    %eq3A_2271 = arith.cmpi eq, %get3A_2257, %eq3A_2270 : vector<16xi32>
    %get3A_2272 = arith.constant 24 : i32
    %get3A_2273 = arith.index_cast %get3A_2272 : i32 to index
    %get3A_2274 = arith.constant 32 : index
    %get3A_2275 = tpu.vector_load %arg9[%get3A_2273, %get3A_2274] {strides = array<i32>} : memref<32x128xf32, #tpu.memory_space<vmem>>, vector<1x16xf32>,
    %get3A_2276 = vector.shape_cast %get3A_2275 : vector<1x16xf32> to vector<16xf32>
    %select_n3A_2277 = arith.select %eq3A_2271, %get3A_2276, %select_n3A_2268 : vector<16xi1>, vector<16xf32>
    %eq3A_2278 = arith.constant 2 : i32
    %eq3A_2279 = vector.broadcast %eq3A_2278 : i32 to vector<16xi32>
    %eq3A_2280 = arith.cmpi eq, %get3A_2257, %eq3A_2279 : vector<16xi32>
    %get3A_2281 = arith.constant 24 : i32
    %get3A_2282 = arith.index_cast %get3A_2281 : i32 to index
    %get3A_2283 = arith.constant 64 : index
    %get3A_2284 = tpu.vector_load %arg9[%get3A_2282, %get3A_2283] {strides = array<i32>} : memref<32x128xf32, #tpu.memory_space<vmem>>, vector<1x16xf32>,
    %get3A_2285 = vector.shape_cast %get3A_2284 : vector<1x16xf32> to vector<16xf32>
    %select_n3A_2286 = arith.select %eq3A_2280, %get3A_2285, %select_n3A_2277 : vector<16xi1>, vector<16xf32>
    %eq3A_2287 = arith.constant 3 : i32
    %eq3A_2288 = vector.broadcast %eq3A_2287 : i32 to vector<16xi32>
    %eq3A_2289 = arith.cmpi eq, %get3A_2257, %eq3A_2288 : vector<16xi32>
    %get3A_2290 = arith.constant 24 : i32
    %get3A_2291 = arith.index_cast %get3A_2290 : i32 to index
    %get3A_2292 = arith.constant 96 : index
    %get3A_2293 = tpu.vector_load %arg9[%get3A_2291, %get3A_2292] {strides = array<i32>} : memref<32x128xf32, #tpu.memory_space<vmem>>, vector<1x16xf32>,
    %get3A_2294 = vector.shape_cast %get3A_2293 : vector<1x16xf32> to vector<16xf32>
    %select_n3A_2295 = arith.select %eq3A_2289, %get3A_2294, %select_n3A_2286 : vector<16xi1>, vector<16xf32>
    %swap3A_2296 = arith.constant 24 : i32
    %swap3A_2297 = arith.index_cast %swap3A_2296 : i32 to index
    %swap3A_2298 = arith.constant 0 : index
    %swap3A_2299 = tpu.vector_load %arg10[%swap3A_2297, %swap3A_2298] {strides = array<i32>} : memref<32x32xf32, #tpu.memory_space<vmem>>, vector<1x16xf32>,
    %swap3A_2300 = vector.shape_cast %swap3A_2299 : vector<1x16xf32> to vector<16xf32>
    %swap3A_2301 = vector.shape_cast %select_n3A_2295 : vector<16xf32> to vector<1x16xf32>
    tpu.vector_store %arg10[%swap3A_2297, %swap3A_2298], %swap3A_2301 {strides = array<i32>} : memref<32x32xf32, #tpu.memory_space<vmem>>, vector<1x16xf32>,
    %broadcast_in_dim3A_2302 = arith.constant -1.000000e+00 : f32
    %broadcast_in_dim3A_2303 = vector.broadcast %broadcast_in_dim3A_2302 : f32 to vector<16xf32>
    %eq3A_2304 = arith.constant 0 : i32
    %eq3A_2305 = vector.broadcast %eq3A_2304 : i32 to vector<16xi32>
    %eq3A_2306 = arith.cmpi eq, %get3A_2257, %eq3A_2305 : vector<16xi32>
    %get3A_2307 = arith.constant 24 : i32
    %get3A_2308 = arith.index_cast %get3A_2307 : i32 to index
    %get3A_2309 = arith.constant 16 : index
    %get3A_2310 = tpu.vector_load %arg9[%get3A_2308, %get3A_2309] {strides = array<i32>} : memref<32x128xf32, #tpu.memory_space<vmem>>, vector<1x16xf32>,
    %get3A_2311 = vector.shape_cast %get3A_2310 : vector<1x16xf32> to vector<16xf32>
    %select_n3A_2312 = arith.select %eq3A_2306, %get3A_2311, %broadcast_in_dim3A_2303 : vector<16xi1>, vector<16xf32>
    %eq3A_2313 = arith.constant 1 : i32
    %eq3A_2314 = vector.broadcast %eq3A_2313 : i32 to vector<16xi32>
    %eq3A_2315 = arith.cmpi eq, %get3A_2257, %eq3A_2314 : vector<16xi32>
    %get3A_2316 = arith.constant 24 : i32
    %get3A_2317 = arith.index_cast %get3A_2316 : i32 to index
    %get3A_2318 = arith.constant 48 : index
    %get3A_2319 = tpu.vector_load %arg9[%get3A_2317, %get3A_2318] {strides = array<i32>} : memref<32x128xf32, #tpu.memory_space<vmem>>, vector<1x16xf32>,
    %get3A_2320 = vector.shape_cast %get3A_2319 : vector<1x16xf32> to vector<16xf32>
    %select_n3A_2321 = arith.select %eq3A_2315, %get3A_2320, %select_n3A_2312 : vector<16xi1>, vector<16xf32>
    %eq3A_2322 = arith.constant 2 : i32
    %eq3A_2323 = vector.broadcast %eq3A_2322 : i32 to vector<16xi32>
    %eq3A_2324 = arith.cmpi eq, %get3A_2257, %eq3A_2323 : vector<16xi32>
    %get3A_2325 = arith.constant 24 : i32
    %get3A_2326 = arith.index_cast %get3A_2325 : i32 to index
    %get3A_2327 = arith.constant 80 : index
    %get3A_2328 = tpu.vector_load %arg9[%get3A_2326, %get3A_2327] {strides = array<i32>} : memref<32x128xf32, #tpu.memory_space<vmem>>, vector<1x16xf32>,
    %get3A_2329 = vector.shape_cast %get3A_2328 : vector<1x16xf32> to vector<16xf32>
    %select_n3A_2330 = arith.select %eq3A_2324, %get3A_2329, %select_n3A_2321 : vector<16xi1>, vector<16xf32>
    %eq3A_2331 = arith.constant 3 : i32
    %eq3A_2332 = vector.broadcast %eq3A_2331 : i32 to vector<16xi32>
    %eq3A_2333 = arith.cmpi eq, %get3A_2257, %eq3A_2332 : vector<16xi32>
    %get3A_2334 = arith.constant 24 : i32
    %get3A_2335 = arith.index_cast %get3A_2334 : i32 to index
    %get3A_2336 = arith.constant 112 : index
    %get3A_2337 = tpu.vector_load %arg9[%get3A_2335, %get3A_2336] {strides = array<i32>} : memref<32x128xf32, #tpu.memory_space<vmem>>, vector<1x16xf32>,
    %get3A_2338 = vector.shape_cast %get3A_2337 : vector<1x16xf32> to vector<16xf32>
    %select_n3A_2339 = arith.select %eq3A_2333, %get3A_2338, %select_n3A_2330 : vector<16xi1>, vector<16xf32>
    %swap3A_2340 = arith.constant 24 : i32
    %swap3A_2341 = arith.index_cast %swap3A_2340 : i32 to index
    %swap3A_2342 = arith.constant 16 : index
    %swap3A_2343 = tpu.vector_load %arg10[%swap3A_2341, %swap3A_2342] {strides = array<i32>} : memref<32x32xf32, #tpu.memory_space<vmem>>, vector<1x16xf32>,
    %swap3A_2344 = vector.shape_cast %swap3A_2343 : vector<1x16xf32> to vector<16xf32>
    %swap3A_2345 = vector.shape_cast %select_n3A_2339 : vector<16xf32> to vector<1x16xf32>
    tpu.vector_store %arg10[%swap3A_2341, %swap3A_2342], %swap3A_2345 {strides = array<i32>} : memref<32x32xf32, #tpu.memory_space<vmem>>, vector<1x16xf32>,
    %get3A_2346 = arith.constant 25 : i32
    %get3A_2347 = arith.index_cast %get3A_2346 : i32 to index
    %get3A_2348 = arith.constant 0 : index
    %get3A_2349 = tpu.vector_load %arg8[%get3A_2347, %get3A_2348] {strides = array<i32>} : memref<32x16xi32, #tpu.memory_space<vmem>>, vector<1x16xi32>,
    %get3A_2350 = vector.shape_cast %get3A_2349 : vector<1x16xi32> to vector<16xi32>
    %broadcast_in_dim3A_2351 = arith.constant -1.000000e+00 : f32
    %broadcast_in_dim3A_2352 = vector.broadcast %broadcast_in_dim3A_2351 : f32 to vector<16xf32>
    %eq3A_2353 = arith.constant 0 : i32
    %eq3A_2354 = vector.broadcast %eq3A_2353 : i32 to vector<16xi32>
    %eq3A_2355 = arith.cmpi eq, %get3A_2350, %eq3A_2354 : vector<16xi32>
    %get3A_2356 = arith.constant 25 : i32
    %get3A_2357 = arith.index_cast %get3A_2356 : i32 to index
    %get3A_2358 = arith.constant 0 : index
    %get3A_2359 = tpu.vector_load %arg9[%get3A_2357, %get3A_2358] {strides = array<i32>} : memref<32x128xf32, #tpu.memory_space<vmem>>, vector<1x16xf32>,
    %get3A_2360 = vector.shape_cast %get3A_2359 : vector<1x16xf32> to vector<16xf32>
    %select_n3A_2361 = arith.select %eq3A_2355, %get3A_2360, %broadcast_in_dim3A_2352 : vector<16xi1>, vector<16xf32>
    %eq3A_2362 = arith.constant 1 : i32
    %eq3A_2363 = vector.broadcast %eq3A_2362 : i32 to vector<16xi32>
    %eq3A_2364 = arith.cmpi eq, %get3A_2350, %eq3A_2363 : vector<16xi32>
    %get3A_2365 = arith.constant 25 : i32
    %get3A_2366 = arith.index_cast %get3A_2365 : i32 to index
    %get3A_2367 = arith.constant 32 : index
    %get3A_2368 = tpu.vector_load %arg9[%get3A_2366, %get3A_2367] {strides = array<i32>} : memref<32x128xf32, #tpu.memory_space<vmem>>, vector<1x16xf32>,
    %get3A_2369 = vector.shape_cast %get3A_2368 : vector<1x16xf32> to vector<16xf32>
    %select_n3A_2370 = arith.select %eq3A_2364, %get3A_2369, %select_n3A_2361 : vector<16xi1>, vector<16xf32>
    %eq3A_2371 = arith.constant 2 : i32
    %eq3A_2372 = vector.broadcast %eq3A_2371 : i32 to vector<16xi32>
    %eq3A_2373 = arith.cmpi eq, %get3A_2350, %eq3A_2372 : vector<16xi32>
    %get3A_2374 = arith.constant 25 : i32
    %get3A_2375 = arith.index_cast %get3A_2374 : i32 to index
    %get3A_2376 = arith.constant 64 : index
    %get3A_2377 = tpu.vector_load %arg9[%get3A_2375, %get3A_2376] {strides = array<i32>} : memref<32x128xf32, #tpu.memory_space<vmem>>, vector<1x16xf32>,
    %get3A_2378 = vector.shape_cast %get3A_2377 : vector<1x16xf32> to vector<16xf32>
    %select_n3A_2379 = arith.select %eq3A_2373, %get3A_2378, %select_n3A_2370 : vector<16xi1>, vector<16xf32>
    %eq3A_2380 = arith.constant 3 : i32
    %eq3A_2381 = vector.broadcast %eq3A_2380 : i32 to vector<16xi32>
    %eq3A_2382 = arith.cmpi eq, %get3A_2350, %eq3A_2381 : vector<16xi32>
    %get3A_2383 = arith.constant 25 : i32
    %get3A_2384 = arith.index_cast %get3A_2383 : i32 to index
    %get3A_2385 = arith.constant 96 : index
    %get3A_2386 = tpu.vector_load %arg9[%get3A_2384, %get3A_2385] {strides = array<i32>} : memref<32x128xf32, #tpu.memory_space<vmem>>, vector<1x16xf32>,
    %get3A_2387 = vector.shape_cast %get3A_2386 : vector<1x16xf32> to vector<16xf32>
    %select_n3A_2388 = arith.select %eq3A_2382, %get3A_2387, %select_n3A_2379 : vector<16xi1>, vector<16xf32>
    %swap3A_2389 = arith.constant 25 : i32
    %swap3A_2390 = arith.index_cast %swap3A_2389 : i32 to index
    %swap3A_2391 = arith.constant 0 : index
    %swap3A_2392 = tpu.vector_load %arg10[%swap3A_2390, %swap3A_2391] {strides = array<i32>} : memref<32x32xf32, #tpu.memory_space<vmem>>, vector<1x16xf32>,
    %swap3A_2393 = vector.shape_cast %swap3A_2392 : vector<1x16xf32> to vector<16xf32>
    %swap3A_2394 = vector.shape_cast %select_n3A_2388 : vector<16xf32> to vector<1x16xf32>
    tpu.vector_store %arg10[%swap3A_2390, %swap3A_2391], %swap3A_2394 {strides = array<i32>} : memref<32x32xf32, #tpu.memory_space<vmem>>, vector<1x16xf32>,
    %broadcast_in_dim3A_2395 = arith.constant -1.000000e+00 : f32
    %broadcast_in_dim3A_2396 = vector.broadcast %broadcast_in_dim3A_2395 : f32 to vector<16xf32>
    %eq3A_2397 = arith.constant 0 : i32
    %eq3A_2398 = vector.broadcast %eq3A_2397 : i32 to vector<16xi32>
    %eq3A_2399 = arith.cmpi eq, %get3A_2350, %eq3A_2398 : vector<16xi32>
    %get3A_2400 = arith.constant 25 : i32
    %get3A_2401 = arith.index_cast %get3A_2400 : i32 to index
    %get3A_2402 = arith.constant 16 : index
    %get3A_2403 = tpu.vector_load %arg9[%get3A_2401, %get3A_2402] {strides = array<i32>} : memref<32x128xf32, #tpu.memory_space<vmem>>, vector<1x16xf32>,
    %get3A_2404 = vector.shape_cast %get3A_2403 : vector<1x16xf32> to vector<16xf32>
    %select_n3A_2405 = arith.select %eq3A_2399, %get3A_2404, %broadcast_in_dim3A_2396 : vector<16xi1>, vector<16xf32>
    %eq3A_2406 = arith.constant 1 : i32
    %eq3A_2407 = vector.broadcast %eq3A_2406 : i32 to vector<16xi32>
    %eq3A_2408 = arith.cmpi eq, %get3A_2350, %eq3A_2407 : vector<16xi32>
    %get3A_2409 = arith.constant 25 : i32
    %get3A_2410 = arith.index_cast %get3A_2409 : i32 to index
    %get3A_2411 = arith.constant 48 : index
    %get3A_2412 = tpu.vector_load %arg9[%get3A_2410, %get3A_2411] {strides = array<i32>} : memref<32x128xf32, #tpu.memory_space<vmem>>, vector<1x16xf32>,
    %get3A_2413 = vector.shape_cast %get3A_2412 : vector<1x16xf32> to vector<16xf32>
    %select_n3A_2414 = arith.select %eq3A_2408, %get3A_2413, %select_n3A_2405 : vector<16xi1>, vector<16xf32>
    %eq3A_2415 = arith.constant 2 : i32
    %eq3A_2416 = vector.broadcast %eq3A_2415 : i32 to vector<16xi32>
    %eq3A_2417 = arith.cmpi eq, %get3A_2350, %eq3A_2416 : vector<16xi32>
    %get3A_2418 = arith.constant 25 : i32
    %get3A_2419 = arith.index_cast %get3A_2418 : i32 to index
    %get3A_2420 = arith.constant 80 : index
    %get3A_2421 = tpu.vector_load %arg9[%get3A_2419, %get3A_2420] {strides = array<i32>} : memref<32x128xf32, #tpu.memory_space<vmem>>, vector<1x16xf32>,
    %get3A_2422 = vector.shape_cast %get3A_2421 : vector<1x16xf32> to vector<16xf32>
    %select_n3A_2423 = arith.select %eq3A_2417, %get3A_2422, %select_n3A_2414 : vector<16xi1>, vector<16xf32>
    %eq3A_2424 = arith.constant 3 : i32
    %eq3A_2425 = vector.broadcast %eq3A_2424 : i32 to vector<16xi32>
    %eq3A_2426 = arith.cmpi eq, %get3A_2350, %eq3A_2425 : vector<16xi32>
    %get3A_2427 = arith.constant 25 : i32
    %get3A_2428 = arith.index_cast %get3A_2427 : i32 to index
    %get3A_2429 = arith.constant 112 : index
    %get3A_2430 = tpu.vector_load %arg9[%get3A_2428, %get3A_2429] {strides = array<i32>} : memref<32x128xf32, #tpu.memory_space<vmem>>, vector<1x16xf32>,
    %get3A_2431 = vector.shape_cast %get3A_2430 : vector<1x16xf32> to vector<16xf32>
    %select_n3A_2432 = arith.select %eq3A_2426, %get3A_2431, %select_n3A_2423 : vector<16xi1>, vector<16xf32>
    %swap3A_2433 = arith.constant 25 : i32
    %swap3A_2434 = arith.index_cast %swap3A_2433 : i32 to index
    %swap3A_2435 = arith.constant 16 : index
    %swap3A_2436 = tpu.vector_load %arg10[%swap3A_2434, %swap3A_2435] {strides = array<i32>} : memref<32x32xf32, #tpu.memory_space<vmem>>, vector<1x16xf32>,
    %swap3A_2437 = vector.shape_cast %swap3A_2436 : vector<1x16xf32> to vector<16xf32>
    %swap3A_2438 = vector.shape_cast %select_n3A_2432 : vector<16xf32> to vector<1x16xf32>
    tpu.vector_store %arg10[%swap3A_2434, %swap3A_2435], %swap3A_2438 {strides = array<i32>} : memref<32x32xf32, #tpu.memory_space<vmem>>, vector<1x16xf32>,
    %get3A_2439 = arith.constant 26 : i32
    %get3A_2440 = arith.index_cast %get3A_2439 : i32 to index
    %get3A_2441 = arith.constant 0 : index
    %get3A_2442 = tpu.vector_load %arg8[%get3A_2440, %get3A_2441] {strides = array<i32>} : memref<32x16xi32, #tpu.memory_space<vmem>>, vector<1x16xi32>,
    %get3A_2443 = vector.shape_cast %get3A_2442 : vector<1x16xi32> to vector<16xi32>
    %broadcast_in_dim3A_2444 = arith.constant -1.000000e+00 : f32
    %broadcast_in_dim3A_2445 = vector.broadcast %broadcast_in_dim3A_2444 : f32 to vector<16xf32>
    %eq3A_2446 = arith.constant 0 : i32
    %eq3A_2447 = vector.broadcast %eq3A_2446 : i32 to vector<16xi32>
    %eq3A_2448 = arith.cmpi eq, %get3A_2443, %eq3A_2447 : vector<16xi32>
    %get3A_2449 = arith.constant 26 : i32
    %get3A_2450 = arith.index_cast %get3A_2449 : i32 to index
    %get3A_2451 = arith.constant 0 : index
    %get3A_2452 = tpu.vector_load %arg9[%get3A_2450, %get3A_2451] {strides = array<i32>} : memref<32x128xf32, #tpu.memory_space<vmem>>, vector<1x16xf32>,
    %get3A_2453 = vector.shape_cast %get3A_2452 : vector<1x16xf32> to vector<16xf32>
    %select_n3A_2454 = arith.select %eq3A_2448, %get3A_2453, %broadcast_in_dim3A_2445 : vector<16xi1>, vector<16xf32>
    %eq3A_2455 = arith.constant 1 : i32
    %eq3A_2456 = vector.broadcast %eq3A_2455 : i32 to vector<16xi32>
    %eq3A_2457 = arith.cmpi eq, %get3A_2443, %eq3A_2456 : vector<16xi32>
    %get3A_2458 = arith.constant 26 : i32
    %get3A_2459 = arith.index_cast %get3A_2458 : i32 to index
    %get3A_2460 = arith.constant 32 : index
    %get3A_2461 = tpu.vector_load %arg9[%get3A_2459, %get3A_2460] {strides = array<i32>} : memref<32x128xf32, #tpu.memory_space<vmem>>, vector<1x16xf32>,
    %get3A_2462 = vector.shape_cast %get3A_2461 : vector<1x16xf32> to vector<16xf32>
    %select_n3A_2463 = arith.select %eq3A_2457, %get3A_2462, %select_n3A_2454 : vector<16xi1>, vector<16xf32>
    %eq3A_2464 = arith.constant 2 : i32
    %eq3A_2465 = vector.broadcast %eq3A_2464 : i32 to vector<16xi32>
    %eq3A_2466 = arith.cmpi eq, %get3A_2443, %eq3A_2465 : vector<16xi32>
    %get3A_2467 = arith.constant 26 : i32
    %get3A_2468 = arith.index_cast %get3A_2467 : i32 to index
    %get3A_2469 = arith.constant 64 : index
    %get3A_2470 = tpu.vector_load %arg9[%get3A_2468, %get3A_2469] {strides = array<i32>} : memref<32x128xf32, #tpu.memory_space<vmem>>, vector<1x16xf32>,
    %get3A_2471 = vector.shape_cast %get3A_2470 : vector<1x16xf32> to vector<16xf32>
    %select_n3A_2472 = arith.select %eq3A_2466, %get3A_2471, %select_n3A_2463 : vector<16xi1>, vector<16xf32>
    %eq3A_2473 = arith.constant 3 : i32
    %eq3A_2474 = vector.broadcast %eq3A_2473 : i32 to vector<16xi32>
    %eq3A_2475 = arith.cmpi eq, %get3A_2443, %eq3A_2474 : vector<16xi32>
    %get3A_2476 = arith.constant 26 : i32
    %get3A_2477 = arith.index_cast %get3A_2476 : i32 to index
    %get3A_2478 = arith.constant 96 : index
    %get3A_2479 = tpu.vector_load %arg9[%get3A_2477, %get3A_2478] {strides = array<i32>} : memref<32x128xf32, #tpu.memory_space<vmem>>, vector<1x16xf32>,
    %get3A_2480 = vector.shape_cast %get3A_2479 : vector<1x16xf32> to vector<16xf32>
    %select_n3A_2481 = arith.select %eq3A_2475, %get3A_2480, %select_n3A_2472 : vector<16xi1>, vector<16xf32>
    %swap3A_2482 = arith.constant 26 : i32
    %swap3A_2483 = arith.index_cast %swap3A_2482 : i32 to index
    %swap3A_2484 = arith.constant 0 : index
    %swap3A_2485 = tpu.vector_load %arg10[%swap3A_2483, %swap3A_2484] {strides = array<i32>} : memref<32x32xf32, #tpu.memory_space<vmem>>, vector<1x16xf32>,
    %swap3A_2486 = vector.shape_cast %swap3A_2485 : vector<1x16xf32> to vector<16xf32>
    %swap3A_2487 = vector.shape_cast %select_n3A_2481 : vector<16xf32> to vector<1x16xf32>
    tpu.vector_store %arg10[%swap3A_2483, %swap3A_2484], %swap3A_2487 {strides = array<i32>} : memref<32x32xf32, #tpu.memory_space<vmem>>, vector<1x16xf32>,
    %broadcast_in_dim3A_2488 = arith.constant -1.000000e+00 : f32
    %broadcast_in_dim3A_2489 = vector.broadcast %broadcast_in_dim3A_2488 : f32 to vector<16xf32>
    %eq3A_2490 = arith.constant 0 : i32
    %eq3A_2491 = vector.broadcast %eq3A_2490 : i32 to vector<16xi32>
    %eq3A_2492 = arith.cmpi eq, %get3A_2443, %eq3A_2491 : vector<16xi32>
    %get3A_2493 = arith.constant 26 : i32
    %get3A_2494 = arith.index_cast %get3A_2493 : i32 to index
    %get3A_2495 = arith.constant 16 : index
    %get3A_2496 = tpu.vector_load %arg9[%get3A_2494, %get3A_2495] {strides = array<i32>} : memref<32x128xf32, #tpu.memory_space<vmem>>, vector<1x16xf32>,
    %get3A_2497 = vector.shape_cast %get3A_2496 : vector<1x16xf32> to vector<16xf32>
    %select_n3A_2498 = arith.select %eq3A_2492, %get3A_2497, %broadcast_in_dim3A_2489 : vector<16xi1>, vector<16xf32>
    %eq3A_2499 = arith.constant 1 : i32
    %eq3A_2500 = vector.broadcast %eq3A_2499 : i32 to vector<16xi32>
    %eq3A_2501 = arith.cmpi eq, %get3A_2443, %eq3A_2500 : vector<16xi32>
    %get3A_2502 = arith.constant 26 : i32
    %get3A_2503 = arith.index_cast %get3A_2502 : i32 to index
    %get3A_2504 = arith.constant 48 : index
    %get3A_2505 = tpu.vector_load %arg9[%get3A_2503, %get3A_2504] {strides = array<i32>} : memref<32x128xf32, #tpu.memory_space<vmem>>, vector<1x16xf32>,
    %get3A_2506 = vector.shape_cast %get3A_2505 : vector<1x16xf32> to vector<16xf32>
    %select_n3A_2507 = arith.select %eq3A_2501, %get3A_2506, %select_n3A_2498 : vector<16xi1>, vector<16xf32>
    %eq3A_2508 = arith.constant 2 : i32
    %eq3A_2509 = vector.broadcast %eq3A_2508 : i32 to vector<16xi32>
    %eq3A_2510 = arith.cmpi eq, %get3A_2443, %eq3A_2509 : vector<16xi32>
    %get3A_2511 = arith.constant 26 : i32
    %get3A_2512 = arith.index_cast %get3A_2511 : i32 to index
    %get3A_2513 = arith.constant 80 : index
    %get3A_2514 = tpu.vector_load %arg9[%get3A_2512, %get3A_2513] {strides = array<i32>} : memref<32x128xf32, #tpu.memory_space<vmem>>, vector<1x16xf32>,
    %get3A_2515 = vector.shape_cast %get3A_2514 : vector<1x16xf32> to vector<16xf32>
    %select_n3A_2516 = arith.select %eq3A_2510, %get3A_2515, %select_n3A_2507 : vector<16xi1>, vector<16xf32>
    %eq3A_2517 = arith.constant 3 : i32
    %eq3A_2518 = vector.broadcast %eq3A_2517 : i32 to vector<16xi32>
    %eq3A_2519 = arith.cmpi eq, %get3A_2443, %eq3A_2518 : vector<16xi32>
    %get3A_2520 = arith.constant 26 : i32
    %get3A_2521 = arith.index_cast %get3A_2520 : i32 to index
    %get3A_2522 = arith.constant 112 : index
    %get3A_2523 = tpu.vector_load %arg9[%get3A_2521, %get3A_2522] {strides = array<i32>} : memref<32x128xf32, #tpu.memory_space<vmem>>, vector<1x16xf32>,
    %get3A_2524 = vector.shape_cast %get3A_2523 : vector<1x16xf32> to vector<16xf32>
    %select_n3A_2525 = arith.select %eq3A_2519, %get3A_2524, %select_n3A_2516 : vector<16xi1>, vector<16xf32>
    %swap3A_2526 = arith.constant 26 : i32
    %swap3A_2527 = arith.index_cast %swap3A_2526 : i32 to index
    %swap3A_2528 = arith.constant 16 : index
    %swap3A_2529 = tpu.vector_load %arg10[%swap3A_2527, %swap3A_2528] {strides = array<i32>} : memref<32x32xf32, #tpu.memory_space<vmem>>, vector<1x16xf32>,
    %swap3A_2530 = vector.shape_cast %swap3A_2529 : vector<1x16xf32> to vector<16xf32>
    %swap3A_2531 = vector.shape_cast %select_n3A_2525 : vector<16xf32> to vector<1x16xf32>
    tpu.vector_store %arg10[%swap3A_2527, %swap3A_2528], %swap3A_2531 {strides = array<i32>} : memref<32x32xf32, #tpu.memory_space<vmem>>, vector<1x16xf32>,
    %get3A_2532 = arith.constant 27 : i32
    %get3A_2533 = arith.index_cast %get3A_2532 : i32 to index
    %get3A_2534 = arith.constant 0 : index
    %get3A_2535 = tpu.vector_load %arg8[%get3A_2533, %get3A_2534] {strides = array<i32>} : memref<32x16xi32, #tpu.memory_space<vmem>>, vector<1x16xi32>,
    %get3A_2536 = vector.shape_cast %get3A_2535 : vector<1x16xi32> to vector<16xi32>
    %broadcast_in_dim3A_2537 = arith.constant -1.000000e+00 : f32
    %broadcast_in_dim3A_2538 = vector.broadcast %broadcast_in_dim3A_2537 : f32 to vector<16xf32>
    %eq3A_2539 = arith.constant 0 : i32
    %eq3A_2540 = vector.broadcast %eq3A_2539 : i32 to vector<16xi32>
    %eq3A_2541 = arith.cmpi eq, %get3A_2536, %eq3A_2540 : vector<16xi32>
    %get3A_2542 = arith.constant 27 : i32
    %get3A_2543 = arith.index_cast %get3A_2542 : i32 to index
    %get3A_2544 = arith.constant 0 : index
    %get3A_2545 = tpu.vector_load %arg9[%get3A_2543, %get3A_2544] {strides = array<i32>} : memref<32x128xf32, #tpu.memory_space<vmem>>, vector<1x16xf32>,
    %get3A_2546 = vector.shape_cast %get3A_2545 : vector<1x16xf32> to vector<16xf32>
    %select_n3A_2547 = arith.select %eq3A_2541, %get3A_2546, %broadcast_in_dim3A_2538 : vector<16xi1>, vector<16xf32>
    %eq3A_2548 = arith.constant 1 : i32
    %eq3A_2549 = vector.broadcast %eq3A_2548 : i32 to vector<16xi32>
    %eq3A_2550 = arith.cmpi eq, %get3A_2536, %eq3A_2549 : vector<16xi32>
    %get3A_2551 = arith.constant 27 : i32
    %get3A_2552 = arith.index_cast %get3A_2551 : i32 to index
    %get3A_2553 = arith.constant 32 : index
    %get3A_2554 = tpu.vector_load %arg9[%get3A_2552, %get3A_2553] {strides = array<i32>} : memref<32x128xf32, #tpu.memory_space<vmem>>, vector<1x16xf32>,
    %get3A_2555 = vector.shape_cast %get3A_2554 : vector<1x16xf32> to vector<16xf32>
    %select_n3A_2556 = arith.select %eq3A_2550, %get3A_2555, %select_n3A_2547 : vector<16xi1>, vector<16xf32>
    %eq3A_2557 = arith.constant 2 : i32
    %eq3A_2558 = vector.broadcast %eq3A_2557 : i32 to vector<16xi32>
    %eq3A_2559 = arith.cmpi eq, %get3A_2536, %eq3A_2558 : vector<16xi32>
    %get3A_2560 = arith.constant 27 : i32
    %get3A_2561 = arith.index_cast %get3A_2560 : i32 to index
    %get3A_2562 = arith.constant 64 : index
    %get3A_2563 = tpu.vector_load %arg9[%get3A_2561, %get3A_2562] {strides = array<i32>} : memref<32x128xf32, #tpu.memory_space<vmem>>, vector<1x16xf32>,
    %get3A_2564 = vector.shape_cast %get3A_2563 : vector<1x16xf32> to vector<16xf32>
    %select_n3A_2565 = arith.select %eq3A_2559, %get3A_2564, %select_n3A_2556 : vector<16xi1>, vector<16xf32>
    %eq3A_2566 = arith.constant 3 : i32
    %eq3A_2567 = vector.broadcast %eq3A_2566 : i32 to vector<16xi32>
    %eq3A_2568 = arith.cmpi eq, %get3A_2536, %eq3A_2567 : vector<16xi32>
    %get3A_2569 = arith.constant 27 : i32
    %get3A_2570 = arith.index_cast %get3A_2569 : i32 to index
    %get3A_2571 = arith.constant 96 : index
    %get3A_2572 = tpu.vector_load %arg9[%get3A_2570, %get3A_2571] {strides = array<i32>} : memref<32x128xf32, #tpu.memory_space<vmem>>, vector<1x16xf32>,
    %get3A_2573 = vector.shape_cast %get3A_2572 : vector<1x16xf32> to vector<16xf32>
    %select_n3A_2574 = arith.select %eq3A_2568, %get3A_2573, %select_n3A_2565 : vector<16xi1>, vector<16xf32>
    %swap3A_2575 = arith.constant 27 : i32
    %swap3A_2576 = arith.index_cast %swap3A_2575 : i32 to index
    %swap3A_2577 = arith.constant 0 : index
    %swap3A_2578 = tpu.vector_load %arg10[%swap3A_2576, %swap3A_2577] {strides = array<i32>} : memref<32x32xf32, #tpu.memory_space<vmem>>, vector<1x16xf32>,
    %swap3A_2579 = vector.shape_cast %swap3A_2578 : vector<1x16xf32> to vector<16xf32>
    %swap3A_2580 = vector.shape_cast %select_n3A_2574 : vector<16xf32> to vector<1x16xf32>
    tpu.vector_store %arg10[%swap3A_2576, %swap3A_2577], %swap3A_2580 {strides = array<i32>} : memref<32x32xf32, #tpu.memory_space<vmem>>, vector<1x16xf32>,
    %broadcast_in_dim3A_2581 = arith.constant -1.000000e+00 : f32
    %broadcast_in_dim3A_2582 = vector.broadcast %broadcast_in_dim3A_2581 : f32 to vector<16xf32>
    %eq3A_2583 = arith.constant 0 : i32
    %eq3A_2584 = vector.broadcast %eq3A_2583 : i32 to vector<16xi32>
    %eq3A_2585 = arith.cmpi eq, %get3A_2536, %eq3A_2584 : vector<16xi32>
    %get3A_2586 = arith.constant 27 : i32
    %get3A_2587 = arith.index_cast %get3A_2586 : i32 to index
    %get3A_2588 = arith.constant 16 : index
    %get3A_2589 = tpu.vector_load %arg9[%get3A_2587, %get3A_2588] {strides = array<i32>} : memref<32x128xf32, #tpu.memory_space<vmem>>, vector<1x16xf32>,
    %get3A_2590 = vector.shape_cast %get3A_2589 : vector<1x16xf32> to vector<16xf32>
    %select_n3A_2591 = arith.select %eq3A_2585, %get3A_2590, %broadcast_in_dim3A_2582 : vector<16xi1>, vector<16xf32>
    %eq3A_2592 = arith.constant 1 : i32
    %eq3A_2593 = vector.broadcast %eq3A_2592 : i32 to vector<16xi32>
    %eq3A_2594 = arith.cmpi eq, %get3A_2536, %eq3A_2593 : vector<16xi32>
    %get3A_2595 = arith.constant 27 : i32
    %get3A_2596 = arith.index_cast %get3A_2595 : i32 to index
    %get3A_2597 = arith.constant 48 : index
    %get3A_2598 = tpu.vector_load %arg9[%get3A_2596, %get3A_2597] {strides = array<i32>} : memref<32x128xf32, #tpu.memory_space<vmem>>, vector<1x16xf32>,
    %get3A_2599 = vector.shape_cast %get3A_2598 : vector<1x16xf32> to vector<16xf32>
    %select_n3A_2600 = arith.select %eq3A_2594, %get3A_2599, %select_n3A_2591 : vector<16xi1>, vector<16xf32>
    %eq3A_2601 = arith.constant 2 : i32
    %eq3A_2602 = vector.broadcast %eq3A_2601 : i32 to vector<16xi32>
    %eq3A_2603 = arith.cmpi eq, %get3A_2536, %eq3A_2602 : vector<16xi32>
    %get3A_2604 = arith.constant 27 : i32
    %get3A_2605 = arith.index_cast %get3A_2604 : i32 to index
    %get3A_2606 = arith.constant 80 : index
    %get3A_2607 = tpu.vector_load %arg9[%get3A_2605, %get3A_2606] {strides = array<i32>} : memref<32x128xf32, #tpu.memory_space<vmem>>, vector<1x16xf32>,
    %get3A_2608 = vector.shape_cast %get3A_2607 : vector<1x16xf32> to vector<16xf32>
    %select_n3A_2609 = arith.select %eq3A_2603, %get3A_2608, %select_n3A_2600 : vector<16xi1>, vector<16xf32>
    %eq3A_2610 = arith.constant 3 : i32
    %eq3A_2611 = vector.broadcast %eq3A_2610 : i32 to vector<16xi32>
    %eq3A_2612 = arith.cmpi eq, %get3A_2536, %eq3A_2611 : vector<16xi32>
    %get3A_2613 = arith.constant 27 : i32
    %get3A_2614 = arith.index_cast %get3A_2613 : i32 to index
    %get3A_2615 = arith.constant 112 : index
    %get3A_2616 = tpu.vector_load %arg9[%get3A_2614, %get3A_2615] {strides = array<i32>} : memref<32x128xf32, #tpu.memory_space<vmem>>, vector<1x16xf32>,
    %get3A_2617 = vector.shape_cast %get3A_2616 : vector<1x16xf32> to vector<16xf32>
    %select_n3A_2618 = arith.select %eq3A_2612, %get3A_2617, %select_n3A_2609 : vector<16xi1>, vector<16xf32>
    %swap3A_2619 = arith.constant 27 : i32
    %swap3A_2620 = arith.index_cast %swap3A_2619 : i32 to index
    %swap3A_2621 = arith.constant 16 : index
    %swap3A_2622 = tpu.vector_load %arg10[%swap3A_2620, %swap3A_2621] {strides = array<i32>} : memref<32x32xf32, #tpu.memory_space<vmem>>, vector<1x16xf32>,
    %swap3A_2623 = vector.shape_cast %swap3A_2622 : vector<1x16xf32> to vector<16xf32>
    %swap3A_2624 = vector.shape_cast %select_n3A_2618 : vector<16xf32> to vector<1x16xf32>
    tpu.vector_store %arg10[%swap3A_2620, %swap3A_2621], %swap3A_2624 {strides = array<i32>} : memref<32x32xf32, #tpu.memory_space<vmem>>, vector<1x16xf32>,
    %get3A_2625 = arith.constant 28 : i32
    %get3A_2626 = arith.index_cast %get3A_2625 : i32 to index
    %get3A_2627 = arith.constant 0 : index
    %get3A_2628 = tpu.vector_load %arg8[%get3A_2626, %get3A_2627] {strides = array<i32>} : memref<32x16xi32, #tpu.memory_space<vmem>>, vector<1x16xi32>,
    %get3A_2629 = vector.shape_cast %get3A_2628 : vector<1x16xi32> to vector<16xi32>
    %broadcast_in_dim3A_2630 = arith.constant -1.000000e+00 : f32
    %broadcast_in_dim3A_2631 = vector.broadcast %broadcast_in_dim3A_2630 : f32 to vector<16xf32>
    %eq3A_2632 = arith.constant 0 : i32
    %eq3A_2633 = vector.broadcast %eq3A_2632 : i32 to vector<16xi32>
    %eq3A_2634 = arith.cmpi eq, %get3A_2629, %eq3A_2633 : vector<16xi32>
    %get3A_2635 = arith.constant 28 : i32
    %get3A_2636 = arith.index_cast %get3A_2635 : i32 to index
    %get3A_2637 = arith.constant 0 : index
    %get3A_2638 = tpu.vector_load %arg9[%get3A_2636, %get3A_2637] {strides = array<i32>} : memref<32x128xf32, #tpu.memory_space<vmem>>, vector<1x16xf32>,
    %get3A_2639 = vector.shape_cast %get3A_2638 : vector<1x16xf32> to vector<16xf32>
    %select_n3A_2640 = arith.select %eq3A_2634, %get3A_2639, %broadcast_in_dim3A_2631 : vector<16xi1>, vector<16xf32>
    %eq3A_2641 = arith.constant 1 : i32
    %eq3A_2642 = vector.broadcast %eq3A_2641 : i32 to vector<16xi32>
    %eq3A_2643 = arith.cmpi eq, %get3A_2629, %eq3A_2642 : vector<16xi32>
    %get3A_2644 = arith.constant 28 : i32
    %get3A_2645 = arith.index_cast %get3A_2644 : i32 to index
    %get3A_2646 = arith.constant 32 : index
    %get3A_2647 = tpu.vector_load %arg9[%get3A_2645, %get3A_2646] {strides = array<i32>} : memref<32x128xf32, #tpu.memory_space<vmem>>, vector<1x16xf32>,
    %get3A_2648 = vector.shape_cast %get3A_2647 : vector<1x16xf32> to vector<16xf32>
    %select_n3A_2649 = arith.select %eq3A_2643, %get3A_2648, %select_n3A_2640 : vector<16xi1>, vector<16xf32>
    %eq3A_2650 = arith.constant 2 : i32
    %eq3A_2651 = vector.broadcast %eq3A_2650 : i32 to vector<16xi32>
    %eq3A_2652 = arith.cmpi eq, %get3A_2629, %eq3A_2651 : vector<16xi32>
    %get3A_2653 = arith.constant 28 : i32
    %get3A_2654 = arith.index_cast %get3A_2653 : i32 to index
    %get3A_2655 = arith.constant 64 : index
    %get3A_2656 = tpu.vector_load %arg9[%get3A_2654, %get3A_2655] {strides = array<i32>} : memref<32x128xf32, #tpu.memory_space<vmem>>, vector<1x16xf32>,
    %get3A_2657 = vector.shape_cast %get3A_2656 : vector<1x16xf32> to vector<16xf32>
    %select_n3A_2658 = arith.select %eq3A_2652, %get3A_2657, %select_n3A_2649 : vector<16xi1>, vector<16xf32>
    %eq3A_2659 = arith.constant 3 : i32
    %eq3A_2660 = vector.broadcast %eq3A_2659 : i32 to vector<16xi32>
    %eq3A_2661 = arith.cmpi eq, %get3A_2629, %eq3A_2660 : vector<16xi32>
    %get3A_2662 = arith.constant 28 : i32
    %get3A_2663 = arith.index_cast %get3A_2662 : i32 to index
    %get3A_2664 = arith.constant 96 : index
    %get3A_2665 = tpu.vector_load %arg9[%get3A_2663, %get3A_2664] {strides = array<i32>} : memref<32x128xf32, #tpu.memory_space<vmem>>, vector<1x16xf32>,
    %get3A_2666 = vector.shape_cast %get3A_2665 : vector<1x16xf32> to vector<16xf32>
    %select_n3A_2667 = arith.select %eq3A_2661, %get3A_2666, %select_n3A_2658 : vector<16xi1>, vector<16xf32>
    %swap3A_2668 = arith.constant 28 : i32
    %swap3A_2669 = arith.index_cast %swap3A_2668 : i32 to index
    %swap3A_2670 = arith.constant 0 : index
    %swap3A_2671 = tpu.vector_load %arg10[%swap3A_2669, %swap3A_2670] {strides = array<i32>} : memref<32x32xf32, #tpu.memory_space<vmem>>, vector<1x16xf32>,
    %swap3A_2672 = vector.shape_cast %swap3A_2671 : vector<1x16xf32> to vector<16xf32>
    %swap3A_2673 = vector.shape_cast %select_n3A_2667 : vector<16xf32> to vector<1x16xf32>
    tpu.vector_store %arg10[%swap3A_2669, %swap3A_2670], %swap3A_2673 {strides = array<i32>} : memref<32x32xf32, #tpu.memory_space<vmem>>, vector<1x16xf32>,
    %broadcast_in_dim3A_2674 = arith.constant -1.000000e+00 : f32
    %broadcast_in_dim3A_2675 = vector.broadcast %broadcast_in_dim3A_2674 : f32 to vector<16xf32>
    %eq3A_2676 = arith.constant 0 : i32
    %eq3A_2677 = vector.broadcast %eq3A_2676 : i32 to vector<16xi32>
    %eq3A_2678 = arith.cmpi eq, %get3A_2629, %eq3A_2677 : vector<16xi32>
    %get3A_2679 = arith.constant 28 : i32
    %get3A_2680 = arith.index_cast %get3A_2679 : i32 to index
    %get3A_2681 = arith.constant 16 : index
    %get3A_2682 = tpu.vector_load %arg9[%get3A_2680, %get3A_2681] {strides = array<i32>} : memref<32x128xf32, #tpu.memory_space<vmem>>, vector<1x16xf32>,
    %get3A_2683 = vector.shape_cast %get3A_2682 : vector<1x16xf32> to vector<16xf32>
    %select_n3A_2684 = arith.select %eq3A_2678, %get3A_2683, %broadcast_in_dim3A_2675 : vector<16xi1>, vector<16xf32>
    %eq3A_2685 = arith.constant 1 : i32
    %eq3A_2686 = vector.broadcast %eq3A_2685 : i32 to vector<16xi32>
    %eq3A_2687 = arith.cmpi eq, %get3A_2629, %eq3A_2686 : vector<16xi32>
    %get3A_2688 = arith.constant 28 : i32
    %get3A_2689 = arith.index_cast %get3A_2688 : i32 to index
    %get3A_2690 = arith.constant 48 : index
    %get3A_2691 = tpu.vector_load %arg9[%get3A_2689, %get3A_2690] {strides = array<i32>} : memref<32x128xf32, #tpu.memory_space<vmem>>, vector<1x16xf32>,
    %get3A_2692 = vector.shape_cast %get3A_2691 : vector<1x16xf32> to vector<16xf32>
    %select_n3A_2693 = arith.select %eq3A_2687, %get3A_2692, %select_n3A_2684 : vector<16xi1>, vector<16xf32>
    %eq3A_2694 = arith.constant 2 : i32
    %eq3A_2695 = vector.broadcast %eq3A_2694 : i32 to vector<16xi32>
    %eq3A_2696 = arith.cmpi eq, %get3A_2629, %eq3A_2695 : vector<16xi32>
    %get3A_2697 = arith.constant 28 : i32
    %get3A_2698 = arith.index_cast %get3A_2697 : i32 to index
    %get3A_2699 = arith.constant 80 : index
    %get3A_2700 = tpu.vector_load %arg9[%get3A_2698, %get3A_2699] {strides = array<i32>} : memref<32x128xf32, #tpu.memory_space<vmem>>, vector<1x16xf32>,
    %get3A_2701 = vector.shape_cast %get3A_2700 : vector<1x16xf32> to vector<16xf32>
    %select_n3A_2702 = arith.select %eq3A_2696, %get3A_2701, %select_n3A_2693 : vector<16xi1>, vector<16xf32>
    %eq3A_2703 = arith.constant 3 : i32
    %eq3A_2704 = vector.broadcast %eq3A_2703 : i32 to vector<16xi32>
    %eq3A_2705 = arith.cmpi eq, %get3A_2629, %eq3A_2704 : vector<16xi32>
    %get3A_2706 = arith.constant 28 : i32
    %get3A_2707 = arith.index_cast %get3A_2706 : i32 to index
    %get3A_2708 = arith.constant 112 : index
    %get3A_2709 = tpu.vector_load %arg9[%get3A_2707, %get3A_2708] {strides = array<i32>} : memref<32x128xf32, #tpu.memory_space<vmem>>, vector<1x16xf32>,
    %get3A_2710 = vector.shape_cast %get3A_2709 : vector<1x16xf32> to vector<16xf32>
    %select_n3A_2711 = arith.select %eq3A_2705, %get3A_2710, %select_n3A_2702 : vector<16xi1>, vector<16xf32>
    %swap3A_2712 = arith.constant 28 : i32
    %swap3A_2713 = arith.index_cast %swap3A_2712 : i32 to index
    %swap3A_2714 = arith.constant 16 : index
    %swap3A_2715 = tpu.vector_load %arg10[%swap3A_2713, %swap3A_2714] {strides = array<i32>} : memref<32x32xf32, #tpu.memory_space<vmem>>, vector<1x16xf32>,
    %swap3A_2716 = vector.shape_cast %swap3A_2715 : vector<1x16xf32> to vector<16xf32>
    %swap3A_2717 = vector.shape_cast %select_n3A_2711 : vector<16xf32> to vector<1x16xf32>
    tpu.vector_store %arg10[%swap3A_2713, %swap3A_2714], %swap3A_2717 {strides = array<i32>} : memref<32x32xf32, #tpu.memory_space<vmem>>, vector<1x16xf32>,
    %get3A_2718 = arith.constant 29 : i32
    %get3A_2719 = arith.index_cast %get3A_2718 : i32 to index
    %get3A_2720 = arith.constant 0 : index
    %get3A_2721 = tpu.vector_load %arg8[%get3A_2719, %get3A_2720] {strides = array<i32>} : memref<32x16xi32, #tpu.memory_space<vmem>>, vector<1x16xi32>,
    %get3A_2722 = vector.shape_cast %get3A_2721 : vector<1x16xi32> to vector<16xi32>
    %broadcast_in_dim3A_2723 = arith.constant -1.000000e+00 : f32
    %broadcast_in_dim3A_2724 = vector.broadcast %broadcast_in_dim3A_2723 : f32 to vector<16xf32>
    %eq3A_2725 = arith.constant 0 : i32
    %eq3A_2726 = vector.broadcast %eq3A_2725 : i32 to vector<16xi32>
    %eq3A_2727 = arith.cmpi eq, %get3A_2722, %eq3A_2726 : vector<16xi32>
    %get3A_2728 = arith.constant 29 : i32
    %get3A_2729 = arith.index_cast %get3A_2728 : i32 to index
    %get3A_2730 = arith.constant 0 : index
    %get3A_2731 = tpu.vector_load %arg9[%get3A_2729, %get3A_2730] {strides = array<i32>} : memref<32x128xf32, #tpu.memory_space<vmem>>, vector<1x16xf32>,
    %get3A_2732 = vector.shape_cast %get3A_2731 : vector<1x16xf32> to vector<16xf32>
    %select_n3A_2733 = arith.select %eq3A_2727, %get3A_2732, %broadcast_in_dim3A_2724 : vector<16xi1>, vector<16xf32>
    %eq3A_2734 = arith.constant 1 : i32
    %eq3A_2735 = vector.broadcast %eq3A_2734 : i32 to vector<16xi32>
    %eq3A_2736 = arith.cmpi eq, %get3A_2722, %eq3A_2735 : vector<16xi32>
    %get3A_2737 = arith.constant 29 : i32
    %get3A_2738 = arith.index_cast %get3A_2737 : i32 to index
    %get3A_2739 = arith.constant 32 : index
    %get3A_2740 = tpu.vector_load %arg9[%get3A_2738, %get3A_2739] {strides = array<i32>} : memref<32x128xf32, #tpu.memory_space<vmem>>, vector<1x16xf32>,
    %get3A_2741 = vector.shape_cast %get3A_2740 : vector<1x16xf32> to vector<16xf32>
    %select_n3A_2742 = arith.select %eq3A_2736, %get3A_2741, %select_n3A_2733 : vector<16xi1>, vector<16xf32>
    %eq3A_2743 = arith.constant 2 : i32
    %eq3A_2744 = vector.broadcast %eq3A_2743 : i32 to vector<16xi32>
    %eq3A_2745 = arith.cmpi eq, %get3A_2722, %eq3A_2744 : vector<16xi32>
    %get3A_2746 = arith.constant 29 : i32
    %get3A_2747 = arith.index_cast %get3A_2746 : i32 to index
    %get3A_2748 = arith.constant 64 : index
    %get3A_2749 = tpu.vector_load %arg9[%get3A_2747, %get3A_2748] {strides = array<i32>} : memref<32x128xf32, #tpu.memory_space<vmem>>, vector<1x16xf32>,
    %get3A_2750 = vector.shape_cast %get3A_2749 : vector<1x16xf32> to vector<16xf32>
    %select_n3A_2751 = arith.select %eq3A_2745, %get3A_2750, %select_n3A_2742 : vector<16xi1>, vector<16xf32>
    %eq3A_2752 = arith.constant 3 : i32
    %eq3A_2753 = vector.broadcast %eq3A_2752 : i32 to vector<16xi32>
    %eq3A_2754 = arith.cmpi eq, %get3A_2722, %eq3A_2753 : vector<16xi32>
    %get3A_2755 = arith.constant 29 : i32
    %get3A_2756 = arith.index_cast %get3A_2755 : i32 to index
    %get3A_2757 = arith.constant 96 : index
    %get3A_2758 = tpu.vector_load %arg9[%get3A_2756, %get3A_2757] {strides = array<i32>} : memref<32x128xf32, #tpu.memory_space<vmem>>, vector<1x16xf32>,
    %get3A_2759 = vector.shape_cast %get3A_2758 : vector<1x16xf32> to vector<16xf32>
    %select_n3A_2760 = arith.select %eq3A_2754, %get3A_2759, %select_n3A_2751 : vector<16xi1>, vector<16xf32>
    %swap3A_2761 = arith.constant 29 : i32
    %swap3A_2762 = arith.index_cast %swap3A_2761 : i32 to index
    %swap3A_2763 = arith.constant 0 : index
    %swap3A_2764 = tpu.vector_load %arg10[%swap3A_2762, %swap3A_2763] {strides = array<i32>} : memref<32x32xf32, #tpu.memory_space<vmem>>, vector<1x16xf32>,
    %swap3A_2765 = vector.shape_cast %swap3A_2764 : vector<1x16xf32> to vector<16xf32>
    %swap3A_2766 = vector.shape_cast %select_n3A_2760 : vector<16xf32> to vector<1x16xf32>
    tpu.vector_store %arg10[%swap3A_2762, %swap3A_2763], %swap3A_2766 {strides = array<i32>} : memref<32x32xf32, #tpu.memory_space<vmem>>, vector<1x16xf32>,
    %broadcast_in_dim3A_2767 = arith.constant -1.000000e+00 : f32
    %broadcast_in_dim3A_2768 = vector.broadcast %broadcast_in_dim3A_2767 : f32 to vector<16xf32>
    %eq3A_2769 = arith.constant 0 : i32
    %eq3A_2770 = vector.broadcast %eq3A_2769 : i32 to vector<16xi32>
    %eq3A_2771 = arith.cmpi eq, %get3A_2722, %eq3A_2770 : vector<16xi32>
    %get3A_2772 = arith.constant 29 : i32
    %get3A_2773 = arith.index_cast %get3A_2772 : i32 to index
    %get3A_2774 = arith.constant 16 : index
    %get3A_2775 = tpu.vector_load %arg9[%get3A_2773, %get3A_2774] {strides = array<i32>} : memref<32x128xf32, #tpu.memory_space<vmem>>, vector<1x16xf32>,
    %get3A_2776 = vector.shape_cast %get3A_2775 : vector<1x16xf32> to vector<16xf32>
    %select_n3A_2777 = arith.select %eq3A_2771, %get3A_2776, %broadcast_in_dim3A_2768 : vector<16xi1>, vector<16xf32>
    %eq3A_2778 = arith.constant 1 : i32
    %eq3A_2779 = vector.broadcast %eq3A_2778 : i32 to vector<16xi32>
    %eq3A_2780 = arith.cmpi eq, %get3A_2722, %eq3A_2779 : vector<16xi32>
    %get3A_2781 = arith.constant 29 : i32
    %get3A_2782 = arith.index_cast %get3A_2781 : i32 to index
    %get3A_2783 = arith.constant 48 : index
    %get3A_2784 = tpu.vector_load %arg9[%get3A_2782, %get3A_2783] {strides = array<i32>} : memref<32x128xf32, #tpu.memory_space<vmem>>, vector<1x16xf32>,
    %get3A_2785 = vector.shape_cast %get3A_2784 : vector<1x16xf32> to vector<16xf32>
    %select_n3A_2786 = arith.select %eq3A_2780, %get3A_2785, %select_n3A_2777 : vector<16xi1>, vector<16xf32>
    %eq3A_2787 = arith.constant 2 : i32
    %eq3A_2788 = vector.broadcast %eq3A_2787 : i32 to vector<16xi32>
    %eq3A_2789 = arith.cmpi eq, %get3A_2722, %eq3A_2788 : vector<16xi32>
    %get3A_2790 = arith.constant 29 : i32
    %get3A_2791 = arith.index_cast %get3A_2790 : i32 to index
    %get3A_2792 = arith.constant 80 : index
    %get3A_2793 = tpu.vector_load %arg9[%get3A_2791, %get3A_2792] {strides = array<i32>} : memref<32x128xf32, #tpu.memory_space<vmem>>, vector<1x16xf32>,
    %get3A_2794 = vector.shape_cast %get3A_2793 : vector<1x16xf32> to vector<16xf32>
    %select_n3A_2795 = arith.select %eq3A_2789, %get3A_2794, %select_n3A_2786 : vector<16xi1>, vector<16xf32>
    %eq3A_2796 = arith.constant 3 : i32
    %eq3A_2797 = vector.broadcast %eq3A_2796 : i32 to vector<16xi32>
    %eq3A_2798 = arith.cmpi eq, %get3A_2722, %eq3A_2797 : vector<16xi32>
    %get3A_2799 = arith.constant 29 : i32
    %get3A_2800 = arith.index_cast %get3A_2799 : i32 to index
    %get3A_2801 = arith.constant 112 : index
    %get3A_2802 = tpu.vector_load %arg9[%get3A_2800, %get3A_2801] {strides = array<i32>} : memref<32x128xf32, #tpu.memory_space<vmem>>, vector<1x16xf32>,
    %get3A_2803 = vector.shape_cast %get3A_2802 : vector<1x16xf32> to vector<16xf32>
    %select_n3A_2804 = arith.select %eq3A_2798, %get3A_2803, %select_n3A_2795 : vector<16xi1>, vector<16xf32>
    %swap3A_2805 = arith.constant 29 : i32
    %swap3A_2806 = arith.index_cast %swap3A_2805 : i32 to index
    %swap3A_2807 = arith.constant 16 : index
    %swap3A_2808 = tpu.vector_load %arg10[%swap3A_2806, %swap3A_2807] {strides = array<i32>} : memref<32x32xf32, #tpu.memory_space<vmem>>, vector<1x16xf32>,
    %swap3A_2809 = vector.shape_cast %swap3A_2808 : vector<1x16xf32> to vector<16xf32>
    %swap3A_2810 = vector.shape_cast %select_n3A_2804 : vector<16xf32> to vector<1x16xf32>
    tpu.vector_store %arg10[%swap3A_2806, %swap3A_2807], %swap3A_2810 {strides = array<i32>} : memref<32x32xf32, #tpu.memory_space<vmem>>, vector<1x16xf32>,
    %get3A_2811 = arith.constant 30 : i32
    %get3A_2812 = arith.index_cast %get3A_2811 : i32 to index
    %get3A_2813 = arith.constant 0 : index
    %get3A_2814 = tpu.vector_load %arg8[%get3A_2812, %get3A_2813] {strides = array<i32>} : memref<32x16xi32, #tpu.memory_space<vmem>>, vector<1x16xi32>,
    %get3A_2815 = vector.shape_cast %get3A_2814 : vector<1x16xi32> to vector<16xi32>
    %broadcast_in_dim3A_2816 = arith.constant -1.000000e+00 : f32
    %broadcast_in_dim3A_2817 = vector.broadcast %broadcast_in_dim3A_2816 : f32 to vector<16xf32>
    %eq3A_2818 = arith.constant 0 : i32
    %eq3A_2819 = vector.broadcast %eq3A_2818 : i32 to vector<16xi32>
    %eq3A_2820 = arith.cmpi eq, %get3A_2815, %eq3A_2819 : vector<16xi32>
    %get3A_2821 = arith.constant 30 : i32
    %get3A_2822 = arith.index_cast %get3A_2821 : i32 to index
    %get3A_2823 = arith.constant 0 : index
    %get3A_2824 = tpu.vector_load %arg9[%get3A_2822, %get3A_2823] {strides = array<i32>} : memref<32x128xf32, #tpu.memory_space<vmem>>, vector<1x16xf32>,
    %get3A_2825 = vector.shape_cast %get3A_2824 : vector<1x16xf32> to vector<16xf32>
    %select_n3A_2826 = arith.select %eq3A_2820, %get3A_2825, %broadcast_in_dim3A_2817 : vector<16xi1>, vector<16xf32>
    %eq3A_2827 = arith.constant 1 : i32
    %eq3A_2828 = vector.broadcast %eq3A_2827 : i32 to vector<16xi32>
    %eq3A_2829 = arith.cmpi eq, %get3A_2815, %eq3A_2828 : vector<16xi32>
    %get3A_2830 = arith.constant 30 : i32
    %get3A_2831 = arith.index_cast %get3A_2830 : i32 to index
    %get3A_2832 = arith.constant 32 : index
    %get3A_2833 = tpu.vector_load %arg9[%get3A_2831, %get3A_2832] {strides = array<i32>} : memref<32x128xf32, #tpu.memory_space<vmem>>, vector<1x16xf32>,
    %get3A_2834 = vector.shape_cast %get3A_2833 : vector<1x16xf32> to vector<16xf32>
    %select_n3A_2835 = arith.select %eq3A_2829, %get3A_2834, %select_n3A_2826 : vector<16xi1>, vector<16xf32>
    %eq3A_2836 = arith.constant 2 : i32
    %eq3A_2837 = vector.broadcast %eq3A_2836 : i32 to vector<16xi32>
    %eq3A_2838 = arith.cmpi eq, %get3A_2815, %eq3A_2837 : vector<16xi32>
    %get3A_2839 = arith.constant 30 : i32
    %get3A_2840 = arith.index_cast %get3A_2839 : i32 to index
    %get3A_2841 = arith.constant 64 : index
    %get3A_2842 = tpu.vector_load %arg9[%get3A_2840, %get3A_2841] {strides = array<i32>} : memref<32x128xf32, #tpu.memory_space<vmem>>, vector<1x16xf32>,
    %get3A_2843 = vector.shape_cast %get3A_2842 : vector<1x16xf32> to vector<16xf32>
    %select_n3A_2844 = arith.select %eq3A_2838, %get3A_2843, %select_n3A_2835 : vector<16xi1>, vector<16xf32>
    %eq3A_2845 = arith.constant 3 : i32
    %eq3A_2846 = vector.broadcast %eq3A_2845 : i32 to vector<16xi32>
    %eq3A_2847 = arith.cmpi eq, %get3A_2815, %eq3A_2846 : vector<16xi32>
    %get3A_2848 = arith.constant 30 : i32
    %get3A_2849 = arith.index_cast %get3A_2848 : i32 to index
    %get3A_2850 = arith.constant 96 : index
    %get3A_2851 = tpu.vector_load %arg9[%get3A_2849, %get3A_2850] {strides = array<i32>} : memref<32x128xf32, #tpu.memory_space<vmem>>, vector<1x16xf32>,
    %get3A_2852 = vector.shape_cast %get3A_2851 : vector<1x16xf32> to vector<16xf32>
    %select_n3A_2853 = arith.select %eq3A_2847, %get3A_2852, %select_n3A_2844 : vector<16xi1>, vector<16xf32>
    %swap3A_2854 = arith.constant 30 : i32
    %swap3A_2855 = arith.index_cast %swap3A_2854 : i32 to index
    %swap3A_2856 = arith.constant 0 : index
    %swap3A_2857 = tpu.vector_load %arg10[%swap3A_2855, %swap3A_2856] {strides = array<i32>} : memref<32x32xf32, #tpu.memory_space<vmem>>, vector<1x16xf32>,
    %swap3A_2858 = vector.shape_cast %swap3A_2857 : vector<1x16xf32> to vector<16xf32>
    %swap3A_2859 = vector.shape_cast %select_n3A_2853 : vector<16xf32> to vector<1x16xf32>
    tpu.vector_store %arg10[%swap3A_2855, %swap3A_2856], %swap3A_2859 {strides = array<i32>} : memref<32x32xf32, #tpu.memory_space<vmem>>, vector<1x16xf32>,
    %broadcast_in_dim3A_2860 = arith.constant -1.000000e+00 : f32
    %broadcast_in_dim3A_2861 = vector.broadcast %broadcast_in_dim3A_2860 : f32 to vector<16xf32>
    %eq3A_2862 = arith.constant 0 : i32
    %eq3A_2863 = vector.broadcast %eq3A_2862 : i32 to vector<16xi32>
    %eq3A_2864 = arith.cmpi eq, %get3A_2815, %eq3A_2863 : vector<16xi32>
    %get3A_2865 = arith.constant 30 : i32
    %get3A_2866 = arith.index_cast %get3A_2865 : i32 to index
    %get3A_2867 = arith.constant 16 : index
    %get3A_2868 = tpu.vector_load %arg9[%get3A_2866, %get3A_2867] {strides = array<i32>} : memref<32x128xf32, #tpu.memory_space<vmem>>, vector<1x16xf32>,
    %get3A_2869 = vector.shape_cast %get3A_2868 : vector<1x16xf32> to vector<16xf32>
    %select_n3A_2870 = arith.select %eq3A_2864, %get3A_2869, %broadcast_in_dim3A_2861 : vector<16xi1>, vector<16xf32>
    %eq3A_2871 = arith.constant 1 : i32
    %eq3A_2872 = vector.broadcast %eq3A_2871 : i32 to vector<16xi32>
    %eq3A_2873 = arith.cmpi eq, %get3A_2815, %eq3A_2872 : vector<16xi32>
    %get3A_2874 = arith.constant 30 : i32
    %get3A_2875 = arith.index_cast %get3A_2874 : i32 to index
    %get3A_2876 = arith.constant 48 : index
    %get3A_2877 = tpu.vector_load %arg9[%get3A_2875, %get3A_2876] {strides = array<i32>} : memref<32x128xf32, #tpu.memory_space<vmem>>, vector<1x16xf32>,
    %get3A_2878 = vector.shape_cast %get3A_2877 : vector<1x16xf32> to vector<16xf32>
    %select_n3A_2879 = arith.select %eq3A_2873, %get3A_2878, %select_n3A_2870 : vector<16xi1>, vector<16xf32>
    %eq3A_2880 = arith.constant 2 : i32
    %eq3A_2881 = vector.broadcast %eq3A_2880 : i32 to vector<16xi32>
    %eq3A_2882 = arith.cmpi eq, %get3A_2815, %eq3A_2881 : vector<16xi32>
    %get3A_2883 = arith.constant 30 : i32
    %get3A_2884 = arith.index_cast %get3A_2883 : i32 to index
    %get3A_2885 = arith.constant 80 : index
    %get3A_2886 = tpu.vector_load %arg9[%get3A_2884, %get3A_2885] {strides = array<i32>} : memref<32x128xf32, #tpu.memory_space<vmem>>, vector<1x16xf32>,
    %get3A_2887 = vector.shape_cast %get3A_2886 : vector<1x16xf32> to vector<16xf32>
    %select_n3A_2888 = arith.select %eq3A_2882, %get3A_2887, %select_n3A_2879 : vector<16xi1>, vector<16xf32>
    %eq3A_2889 = arith.constant 3 : i32
    %eq3A_2890 = vector.broadcast %eq3A_2889 : i32 to vector<16xi32>
    %eq3A_2891 = arith.cmpi eq, %get3A_2815, %eq3A_2890 : vector<16xi32>
    %get3A_2892 = arith.constant 30 : i32
    %get3A_2893 = arith.index_cast %get3A_2892 : i32 to index
    %get3A_2894 = arith.constant 112 : index
    %get3A_2895 = tpu.vector_load %arg9[%get3A_2893, %get3A_2894] {strides = array<i32>} : memref<32x128xf32, #tpu.memory_space<vmem>>, vector<1x16xf32>,
    %get3A_2896 = vector.shape_cast %get3A_2895 : vector<1x16xf32> to vector<16xf32>
    %select_n3A_2897 = arith.select %eq3A_2891, %get3A_2896, %select_n3A_2888 : vector<16xi1>, vector<16xf32>
    %swap3A_2898 = arith.constant 30 : i32
    %swap3A_2899 = arith.index_cast %swap3A_2898 : i32 to index
    %swap3A_2900 = arith.constant 16 : index
    %swap3A_2901 = tpu.vector_load %arg10[%swap3A_2899, %swap3A_2900] {strides = array<i32>} : memref<32x32xf32, #tpu.memory_space<vmem>>, vector<1x16xf32>,
    %swap3A_2902 = vector.shape_cast %swap3A_2901 : vector<1x16xf32> to vector<16xf32>
    %swap3A_2903 = vector.shape_cast %select_n3A_2897 : vector<16xf32> to vector<1x16xf32>
    tpu.vector_store %arg10[%swap3A_2899, %swap3A_2900], %swap3A_2903 {strides = array<i32>} : memref<32x32xf32, #tpu.memory_space<vmem>>, vector<1x16xf32>,
    %get3A_2904 = arith.constant 31 : i32
    %get3A_2905 = arith.index_cast %get3A_2904 : i32 to index
    %get3A_2906 = arith.constant 0 : index
    %get3A_2907 = tpu.vector_load %arg8[%get3A_2905, %get3A_2906] {strides = array<i32>} : memref<32x16xi32, #tpu.memory_space<vmem>>, vector<1x16xi32>,
    %get3A_2908 = vector.shape_cast %get3A_2907 : vector<1x16xi32> to vector<16xi32>
    %broadcast_in_dim3A_2909 = arith.constant -1.000000e+00 : f32
    %broadcast_in_dim3A_2910 = vector.broadcast %broadcast_in_dim3A_2909 : f32 to vector<16xf32>
    %eq3A_2911 = arith.constant 0 : i32
    %eq3A_2912 = vector.broadcast %eq3A_2911 : i32 to vector<16xi32>
    %eq3A_2913 = arith.cmpi eq, %get3A_2908, %eq3A_2912 : vector<16xi32>
    %get3A_2914 = arith.constant 31 : i32
    %get3A_2915 = arith.index_cast %get3A_2914 : i32 to index
    %get3A_2916 = arith.constant 0 : index
    %get3A_2917 = tpu.vector_load %arg9[%get3A_2915, %get3A_2916] {strides = array<i32>} : memref<32x128xf32, #tpu.memory_space<vmem>>, vector<1x16xf32>,
    %get3A_2918 = vector.shape_cast %get3A_2917 : vector<1x16xf32> to vector<16xf32>
    %select_n3A_2919 = arith.select %eq3A_2913, %get3A_2918, %broadcast_in_dim3A_2910 : vector<16xi1>, vector<16xf32>
    %eq3A_2920 = arith.constant 1 : i32
    %eq3A_2921 = vector.broadcast %eq3A_2920 : i32 to vector<16xi32>
    %eq3A_2922 = arith.cmpi eq, %get3A_2908, %eq3A_2921 : vector<16xi32>
    %get3A_2923 = arith.constant 31 : i32
    %get3A_2924 = arith.index_cast %get3A_2923 : i32 to index
    %get3A_2925 = arith.constant 32 : index
    %get3A_2926 = tpu.vector_load %arg9[%get3A_2924, %get3A_2925] {strides = array<i32>} : memref<32x128xf32, #tpu.memory_space<vmem>>, vector<1x16xf32>,
    %get3A_2927 = vector.shape_cast %get3A_2926 : vector<1x16xf32> to vector<16xf32>
    %select_n3A_2928 = arith.select %eq3A_2922, %get3A_2927, %select_n3A_2919 : vector<16xi1>, vector<16xf32>
    %eq3A_2929 = arith.constant 2 : i32
    %eq3A_2930 = vector.broadcast %eq3A_2929 : i32 to vector<16xi32>
    %eq3A_2931 = arith.cmpi eq, %get3A_2908, %eq3A_2930 : vector<16xi32>
    %get3A_2932 = arith.constant 31 : i32
    %get3A_2933 = arith.index_cast %get3A_2932 : i32 to index
    %get3A_2934 = arith.constant 64 : index
    %get3A_2935 = tpu.vector_load %arg9[%get3A_2933, %get3A_2934] {strides = array<i32>} : memref<32x128xf32, #tpu.memory_space<vmem>>, vector<1x16xf32>,
    %get3A_2936 = vector.shape_cast %get3A_2935 : vector<1x16xf32> to vector<16xf32>
    %select_n3A_2937 = arith.select %eq3A_2931, %get3A_2936, %select_n3A_2928 : vector<16xi1>, vector<16xf32>
    %eq3A_2938 = arith.constant 3 : i32
    %eq3A_2939 = vector.broadcast %eq3A_2938 : i32 to vector<16xi32>
    %eq3A_2940 = arith.cmpi eq, %get3A_2908, %eq3A_2939 : vector<16xi32>
    %get3A_2941 = arith.constant 31 : i32
    %get3A_2942 = arith.index_cast %get3A_2941 : i32 to index
    %get3A_2943 = arith.constant 96 : index
    %get3A_2944 = tpu.vector_load %arg9[%get3A_2942, %get3A_2943] {strides = array<i32>} : memref<32x128xf32, #tpu.memory_space<vmem>>, vector<1x16xf32>,
    %get3A_2945 = vector.shape_cast %get3A_2944 : vector<1x16xf32> to vector<16xf32>
    %select_n3A_2946 = arith.select %eq3A_2940, %get3A_2945, %select_n3A_2937 : vector<16xi1>, vector<16xf32>
    %swap3A_2947 = arith.constant 31 : i32
    %swap3A_2948 = arith.index_cast %swap3A_2947 : i32 to index
    %swap3A_2949 = arith.constant 0 : index
    %swap3A_2950 = tpu.vector_load %arg10[%swap3A_2948, %swap3A_2949] {strides = array<i32>} : memref<32x32xf32, #tpu.memory_space<vmem>>, vector<1x16xf32>,
    %swap3A_2951 = vector.shape_cast %swap3A_2950 : vector<1x16xf32> to vector<16xf32>
    %swap3A_2952 = vector.shape_cast %select_n3A_2946 : vector<16xf32> to vector<1x16xf32>
    tpu.vector_store %arg10[%swap3A_2948, %swap3A_2949], %swap3A_2952 {strides = array<i32>} : memref<32x32xf32, #tpu.memory_space<vmem>>, vector<1x16xf32>,
    %broadcast_in_dim3A_2953 = arith.constant -1.000000e+00 : f32
    %broadcast_in_dim3A_2954 = vector.broadcast %broadcast_in_dim3A_2953 : f32 to vector<16xf32>
    %eq3A_2955 = arith.constant 0 : i32
    %eq3A_2956 = vector.broadcast %eq3A_2955 : i32 to vector<16xi32>
    %eq3A_2957 = arith.cmpi eq, %get3A_2908, %eq3A_2956 : vector<16xi32>
    %get3A_2958 = arith.constant 31 : i32
    %get3A_2959 = arith.index_cast %get3A_2958 : i32 to index
    %get3A_2960 = arith.constant 16 : index
    %get3A_2961 = tpu.vector_load %arg9[%get3A_2959, %get3A_2960] {strides = array<i32>} : memref<32x128xf32, #tpu.memory_space<vmem>>, vector<1x16xf32>,
    %get3A_2962 = vector.shape_cast %get3A_2961 : vector<1x16xf32> to vector<16xf32>
    %select_n3A_2963 = arith.select %eq3A_2957, %get3A_2962, %broadcast_in_dim3A_2954 : vector<16xi1>, vector<16xf32>
    %eq3A_2964 = arith.constant 1 : i32
    %eq3A_2965 = vector.broadcast %eq3A_2964 : i32 to vector<16xi32>
    %eq3A_2966 = arith.cmpi eq, %get3A_2908, %eq3A_2965 : vector<16xi32>
    %get3A_2967 = arith.constant 31 : i32
    %get3A_2968 = arith.index_cast %get3A_2967 : i32 to index
    %get3A_2969 = arith.constant 48 : index
    %get3A_2970 = tpu.vector_load %arg9[%get3A_2968, %get3A_2969] {strides = array<i32>} : memref<32x128xf32, #tpu.memory_space<vmem>>, vector<1x16xf32>,
    %get3A_2971 = vector.shape_cast %get3A_2970 : vector<1x16xf32> to vector<16xf32>
    %select_n3A_2972 = arith.select %eq3A_2966, %get3A_2971, %select_n3A_2963 : vector<16xi1>, vector<16xf32>
    %eq3A_2973 = arith.constant 2 : i32
    %eq3A_2974 = vector.broadcast %eq3A_2973 : i32 to vector<16xi32>
    %eq3A_2975 = arith.cmpi eq, %get3A_2908, %eq3A_2974 : vector<16xi32>
    %get3A_2976 = arith.constant 31 : i32
    %get3A_2977 = arith.index_cast %get3A_2976 : i32 to index
    %get3A_2978 = arith.constant 80 : index
    %get3A_2979 = tpu.vector_load %arg9[%get3A_2977, %get3A_2978] {strides = array<i32>} : memref<32x128xf32, #tpu.memory_space<vmem>>, vector<1x16xf32>,
    %get3A_2980 = vector.shape_cast %get3A_2979 : vector<1x16xf32> to vector<16xf32>
    %select_n3A_2981 = arith.select %eq3A_2975, %get3A_2980, %select_n3A_2972 : vector<16xi1>, vector<16xf32>
    %eq3A_2982 = arith.constant 3 : i32
    %eq3A_2983 = vector.broadcast %eq3A_2982 : i32 to vector<16xi32>
    %eq3A_2984 = arith.cmpi eq, %get3A_2908, %eq3A_2983 : vector<16xi32>
    %get3A_2985 = arith.constant 31 : i32
    %get3A_2986 = arith.index_cast %get3A_2985 : i32 to index
    %get3A_2987 = arith.constant 112 : index
    %get3A_2988 = tpu.vector_load %arg9[%get3A_2986, %get3A_2987] {strides = array<i32>} : memref<32x128xf32, #tpu.memory_space<vmem>>, vector<1x16xf32>,
    %get3A_2989 = vector.shape_cast %get3A_2988 : vector<1x16xf32> to vector<16xf32>
    %select_n3A_2990 = arith.select %eq3A_2984, %get3A_2989, %select_n3A_2981 : vector<16xi1>, vector<16xf32>
    %swap3A_2991 = arith.constant 31 : i32
    %swap3A_2992 = arith.index_cast %swap3A_2991 : i32 to index
    %swap3A_2993 = arith.constant 16 : index
    %swap3A_2994 = tpu.vector_load %arg10[%swap3A_2992, %swap3A_2993] {strides = array<i32>} : memref<32x32xf32, #tpu.memory_space<vmem>>, vector<1x16xf32>,
    %swap3A_2995 = vector.shape_cast %swap3A_2994 : vector<1x16xf32> to vector<16xf32>
    %swap3A_2996 = vector.shape_cast %select_n3A_2990 : vector<16xf32> to vector<1x16xf32>
    tpu.vector_store %arg10[%swap3A_2992, %swap3A_2993], %swap3A_2996 {strides = array<i32>} : memref<32x32xf32, #tpu.memory_space<vmem>>, vector<1x16xf32>,
    "tpu.region"() ({
      %run_scoped3A = tpu.sem_alloc : memref<!tpu.dma_semaphore, #tpu.memory_space<semaphore_mem>>
      %dma_start3A_2997 = arith.constant 0 : i32
      %dma_start3A_2998 = tpu.memref_slice %arg5[%mul3A_2, %dma_start3A_2997] : memref<1024x32xf32, #tpu.memory_space<hbm>> -> memref<32x32xf32, #tpu.memory_space<hbm>>
      %dma_start3A_2999 = arith.constant 0 : i32
      %dma_start3A_3000 = tpu.memref_slice %arg5[%mul3A_2, %dma_start3A_2999] : memref<1024x32xf32, #tpu.memory_space<hbm>> -> memref<32x32xf32, #tpu.memory_space<hbm>>
      tpu.enqueue_dma source(%arg10 : memref<32x32xf32, #tpu.memory_space<vmem>>) target(%dma_start3A_3000 : memref<32x32xf32, #tpu.memory_space<hbm>>) target_semaphore(%run_scoped3A : memref<!tpu.dma_semaphore, #tpu.memory_space<semaphore_mem>>)
      %dma_wait3A_3001 = arith.constant 0 : i32
      %dma_wait3A_3002 = tpu.memref_slice %arg5[%mul3A_2, %dma_wait3A_3001] : memref<1024x32xf32, #tpu.memory_space<hbm>> -> memref<32x32xf32, #tpu.memory_space<hbm>>
      %dma_wait3A_3003 = arith.constant 0 : i32
      %dma_wait3A_3004 = tpu.memref_slice %arg5[%mul3A_2, %dma_wait3A_3003] : memref<1024x32xf32, #tpu.memory_space<hbm>> -> memref<32x32xf32, #tpu.memory_space<hbm>>
      tpu.wait_dma2 semaphore(%run_scoped3A : memref<!tpu.dma_semaphore, #tpu.memory_space<semaphore_mem>>) src(%arg10 : memref<32x32xf32, #tpu.memory_space<vmem>>) dst(%dma_wait3A_3004 : memref<32x32xf32, #tpu.memory_space<hbm>>)
      tpu.yield
    }) : () -> ()
    return
  }
}

module attributes {stable_mosaic.version = 14 : i64} {
  func.func @_topk_body(%arg0: i32, %arg1: memref<1024x32xf32, #tpu.memory_space<vmem>>, %arg2: memref<1000x128xf32, #tpu.memory_space<vmem>>, %arg3: memref<1024x1xi32, #tpu.memory_space<vmem>>, %arg4: memref<1024x1xf32, #tpu.memory_space<vmem>>, %arg5: memref<1024x1xf32, #tpu.memory_space<vmem>>, %arg6: memref<1024x16xi32, #tpu.memory_space<vmem>>) attributes {dimension_semantics = [#tpu.dimension_semantics<arbitrary>], iteration_bounds = array<i64: 25>, scalar_prefetch = 0 : i64, scratch_operands = 0 : i64, tpu.core_type = #tpu.core_type<tc>, window_params = [{pipeline_mode = #tpu.pipeline_mode<synchronous>, transform_indices = @transform_0, window_bounds = array<i64: 1024, 32>}, {transform_indices = @transform_1, window_bounds = array<i64: 1000, 128>}, {pipeline_mode = #tpu.pipeline_mode<synchronous>, transform_indices = @transform_2, window_bounds = array<i64: 1024, 1>}, {pipeline_mode = #tpu.pipeline_mode<synchronous>, transform_indices = @transform_3, window_bounds = array<i64: 1024, 1>}, {pipeline_mode = #tpu.pipeline_mode<synchronous>, transform_indices = @transform_4, window_bounds = array<i64: 1024, 1>}, {pipeline_mode = #tpu.pipeline_mode<synchronous>, transform_indices = @transform_5, window_bounds = array<i64: 1024, 16>}]} {
    %get3A = arith.constant 0 : index
    %get3A_0 = arith.constant 0 : index
    %get3A_1 = vector.load %arg1[%get3A, %get3A_0] : memref<1024x32xf32, #tpu.memory_space<vmem>>, vector<1024x32xf32>
    %get3A_2 = arith.constant 0 : index
    %get3A_3 = arith.constant 0 : index
    %get3A_4 = vector.load %arg2[%get3A_2, %get3A_3] : memref<1000x128xf32, #tpu.memory_space<vmem>>, vector<1000x32xf32>
    %dot_general3A = arith.constant dense<0.000000e+00> : vector<1024x1000xf32>
    %dot_general3A_5 = tpu.matmul %get3A_1, %get3A_4, %dot_general3A {dimension_numbers = #tpu.dot_dimension_numbers<[1], [1], [0], [0], [0, 0, 1, 0], [], []>, transpose_lhs_hint = false} : vector<1024x32xf32>, vector<1000x32xf32>, vector<1024x1000xf32> -> vector<1024x1000xf32>
    %get3A_6 = arith.constant 0 : index
    %get3A_7 = arith.constant 0 : index
    %get3A_8 = vector.load %arg1[%get3A_6, %get3A_7] : memref<1024x32xf32, #tpu.memory_space<vmem>>, vector<1024x32xf32>
    %get3A_9 = arith.constant 0 : index
    %get3A_10 = arith.constant 32 : index
    %get3A_11 = vector.load %arg2[%get3A_9, %get3A_10] : memref<1000x128xf32, #tpu.memory_space<vmem>>, vector<1000x32xf32>
    %dot_general3A_12 = arith.constant dense<0.000000e+00> : vector<1024x1000xf32>
    %dot_general3A_13 = tpu.matmul %get3A_8, %get3A_11, %dot_general3A_12 {dimension_numbers = #tpu.dot_dimension_numbers<[1], [1], [0], [0], [0, 0, 1, 0], [], []>, transpose_lhs_hint = false} : vector<1024x32xf32>, vector<1000x32xf32>, vector<1024x1000xf32> -> vector<1024x1000xf32>
    %get3A_14 = arith.constant 0 : index
    %get3A_15 = arith.constant 0 : index
    %get3A_16 = vector.load %arg1[%get3A_14, %get3A_15] : memref<1024x32xf32, #tpu.memory_space<vmem>>, vector<1024x32xf32>
    %get3A_17 = arith.constant 0 : index
    %get3A_18 = arith.constant 64 : index
    %get3A_19 = vector.load %arg2[%get3A_17, %get3A_18] : memref<1000x128xf32, #tpu.memory_space<vmem>>, vector<1000x32xf32>
    %dot_general3A_20 = arith.constant dense<0.000000e+00> : vector<1024x1000xf32>
    %dot_general3A_21 = tpu.matmul %get3A_16, %get3A_19, %dot_general3A_20 {dimension_numbers = #tpu.dot_dimension_numbers<[1], [1], [0], [0], [0, 0, 1, 0], [], []>, transpose_lhs_hint = false} : vector<1024x32xf32>, vector<1000x32xf32>, vector<1024x1000xf32> -> vector<1024x1000xf32>
    %get3A_22 = arith.constant 0 : index
    %get3A_23 = arith.constant 0 : index
    %get3A_24 = vector.load %arg1[%get3A_22, %get3A_23] : memref<1024x32xf32, #tpu.memory_space<vmem>>, vector<1024x32xf32>
    %get3A_25 = arith.constant 0 : index
    %get3A_26 = arith.constant 96 : index
    %get3A_27 = vector.load %arg2[%get3A_25, %get3A_26] : memref<1000x128xf32, #tpu.memory_space<vmem>>, vector<1000x32xf32>
    %dot_general3A_28 = arith.constant dense<0.000000e+00> : vector<1024x1000xf32>
    %dot_general3A_29 = tpu.matmul %get3A_24, %get3A_27, %dot_general3A_28 {dimension_numbers = #tpu.dot_dimension_numbers<[1], [1], [0], [0], [0, 0, 1, 0], [], []>, transpose_lhs_hint = false} : vector<1024x32xf32>, vector<1000x32xf32>, vector<1024x1000xf32> -> vector<1024x1000xf32>
    %max3A = arith.maximumf %dot_general3A_5, %dot_general3A_13 : vector<1024x1000xf32>
    %max3A_30 = arith.maximumf %max3A, %dot_general3A_21 : vector<1024x1000xf32>
    %max3A_31 = arith.maximumf %max3A_30, %dot_general3A_29 : vector<1024x1000xf32>
    %reduce_max3A = arith.constant dense<0xFF800000> : vector<1024xf32>
    %reduce_max3A_32 = vector.multi_reduction <maximumf>, %max3A_31, %reduce_max3A [1] : vector<1024x1000xf32> to vector<1024xf32>
    %broadcast_in_dim3A = vector.shape_cast %reduce_max3A_32 : vector<1024xf32> to vector<1024x1xf32>
    %iota3A = tpu.iota {dimensions = array<i32: 1>} : vector<1024x1000xi32>
    %convert_element_type3A = arith.sitofp %iota3A : vector<1024x1000xi32> to vector<1024x1000xf32>
    %mul3A = arith.constant 4.000000e+00 : f32
    %mul3A_33 = vector.broadcast %mul3A : f32 to vector<1024x1000xf32>
    %mul3A_34 = arith.mulf %convert_element_type3A, %mul3A_33 : vector<1024x1000xf32>
    %eq3A = vector.broadcast %broadcast_in_dim3A : vector<1024x1xf32> to vector<1024x1000xf32>
    %eq3A_35 = arith.cmpf oeq, %dot_general3A_5, %eq3A : vector<1024x1000xf32>
    %add3A = arith.constant 0.000000e+00 : f32
    %add3A_36 = vector.broadcast %add3A : f32 to vector<1024x1000xf32>
    %add3A_37 = arith.addf %mul3A_34, %add3A_36 : vector<1024x1000xf32>
    %jit3A = arith.constant 1.000000e+05 : f32
    %broadcast_in_dim3A_38 = vector.broadcast %jit3A : f32 to vector<1024x1000xf32>
    %select_n3A = arith.select %eq3A_35, %add3A_37, %broadcast_in_dim3A_38 : vector<1024x1000xi1>, vector<1024x1000xf32>
    %reduce_min3A = arith.constant dense<0x7F800000> : vector<1024xf32>
    %reduce_min3A_39 = vector.multi_reduction <minimumf>, %select_n3A, %reduce_min3A [1] : vector<1024x1000xf32> to vector<1024xf32>
    %broadcast_in_dim3A_40 = vector.shape_cast %reduce_min3A_39 : vector<1024xf32> to vector<1024x1xf32>
    %eq3A_41 = vector.broadcast %broadcast_in_dim3A : vector<1024x1xf32> to vector<1024x1000xf32>
    %eq3A_42 = arith.cmpf oeq, %dot_general3A_13, %eq3A_41 : vector<1024x1000xf32>
    %add3A_43 = arith.constant 1.000000e+00 : f32
    %add3A_44 = vector.broadcast %add3A_43 : f32 to vector<1024x1000xf32>
    %add3A_45 = arith.addf %mul3A_34, %add3A_44 : vector<1024x1000xf32>
    %jit3A_46 = arith.constant 1.000000e+05 : f32
    %broadcast_in_dim3A_47 = vector.broadcast %jit3A_46 : f32 to vector<1024x1000xf32>
    %select_n3A_48 = arith.select %eq3A_42, %add3A_45, %broadcast_in_dim3A_47 : vector<1024x1000xi1>, vector<1024x1000xf32>
    %reduce_min3A_49 = arith.constant dense<0x7F800000> : vector<1024xf32>
    %reduce_min3A_50 = vector.multi_reduction <minimumf>, %select_n3A_48, %reduce_min3A_49 [1] : vector<1024x1000xf32> to vector<1024xf32>
    %broadcast_in_dim3A_51 = vector.shape_cast %reduce_min3A_50 : vector<1024xf32> to vector<1024x1xf32>
    %min3A = arith.minimumf %broadcast_in_dim3A_40, %broadcast_in_dim3A_51 : vector<1024x1xf32>
    %eq3A_52 = vector.broadcast %broadcast_in_dim3A : vector<1024x1xf32> to vector<1024x1000xf32>
    %eq3A_53 = arith.cmpf oeq, %dot_general3A_21, %eq3A_52 : vector<1024x1000xf32>
    %add3A_54 = arith.constant 2.000000e+00 : f32
    %add3A_55 = vector.broadcast %add3A_54 : f32 to vector<1024x1000xf32>
    %add3A_56 = arith.addf %mul3A_34, %add3A_55 : vector<1024x1000xf32>
    %jit3A_57 = arith.constant 1.000000e+05 : f32
    %broadcast_in_dim3A_58 = vector.broadcast %jit3A_57 : f32 to vector<1024x1000xf32>
    %select_n3A_59 = arith.select %eq3A_53, %add3A_56, %broadcast_in_dim3A_58 : vector<1024x1000xi1>, vector<1024x1000xf32>
    %reduce_min3A_60 = arith.constant dense<0x7F800000> : vector<1024xf32>
    %reduce_min3A_61 = vector.multi_reduction <minimumf>, %select_n3A_59, %reduce_min3A_60 [1] : vector<1024x1000xf32> to vector<1024xf32>
    %broadcast_in_dim3A_62 = vector.shape_cast %reduce_min3A_61 : vector<1024xf32> to vector<1024x1xf32>
    %min3A_63 = arith.minimumf %min3A, %broadcast_in_dim3A_62 : vector<1024x1xf32>
    %eq3A_64 = vector.broadcast %broadcast_in_dim3A : vector<1024x1xf32> to vector<1024x1000xf32>
    %eq3A_65 = arith.cmpf oeq, %dot_general3A_29, %eq3A_64 : vector<1024x1000xf32>
    %add3A_66 = arith.constant 3.000000e+00 : f32
    %add3A_67 = vector.broadcast %add3A_66 : f32 to vector<1024x1000xf32>
    %add3A_68 = arith.addf %mul3A_34, %add3A_67 : vector<1024x1000xf32>
    %jit3A_69 = arith.constant 1.000000e+05 : f32
    %broadcast_in_dim3A_70 = vector.broadcast %jit3A_69 : f32 to vector<1024x1000xf32>
    %select_n3A_71 = arith.select %eq3A_65, %add3A_68, %broadcast_in_dim3A_70 : vector<1024x1000xi1>, vector<1024x1000xf32>
    %reduce_min3A_72 = arith.constant dense<0x7F800000> : vector<1024xf32>
    %reduce_min3A_73 = vector.multi_reduction <minimumf>, %select_n3A_71, %reduce_min3A_72 [1] : vector<1024x1000xf32> to vector<1024xf32>
    %broadcast_in_dim3A_74 = vector.shape_cast %reduce_min3A_73 : vector<1024xf32> to vector<1024x1xf32>
    %min3A_75 = arith.minimumf %min3A_63, %broadcast_in_dim3A_74 : vector<1024x1xf32>
    %convert_element_type3A_76 = arith.sitofp %arg0 : i32 to f32
    %mul3A_77 = arith.constant 4.000000e+03 : f32
    %mul3A_78 = arith.mulf %convert_element_type3A_76, %mul3A_77 : f32
    %add3A_79 = vector.broadcast %mul3A_78 : f32 to vector<1024x1xf32>
    %add3A_80 = arith.addf %min3A_75, %add3A_79 : vector<1024x1xf32>
    %eq3A_81 = arith.constant 0 : i32
    %eq3A_82 = arith.cmpi eq, %arg0, %eq3A_81 : i32
    %convert_element_type3A_83 = arith.extui %eq3A_82 : i1 to i32
    %cond3A = arith.constant 0 : i32
    %cond3A_84 = arith.cmpi ne, %convert_element_type3A_83, %cond3A : i32
    scf.if %cond3A_84 {
      %swap3A = arith.constant 0 : index
      %swap3A_94 = arith.constant 0 : index
      %swap3A_95 = vector.load %arg4[%swap3A, %swap3A_94] : memref<1024x1xf32, #tpu.memory_space<vmem>>, vector<1024x1xf32>
      tpu.vector_store %arg4[%swap3A, %swap3A_94], %broadcast_in_dim3A {strides = array<i32>} : memref<1024x1xf32, #tpu.memory_space<vmem>>, vector<1024x1xf32>,
      %swap3A_96 = arith.constant 0 : index
      %swap3A_97 = arith.constant 0 : index
      %swap3A_98 = vector.load %arg5[%swap3A_96, %swap3A_97] : memref<1024x1xf32, #tpu.memory_space<vmem>>, vector<1024x1xf32>
      tpu.vector_store %arg5[%swap3A_96, %swap3A_97], %add3A_80 {strides = array<i32>} : memref<1024x1xf32, #tpu.memory_space<vmem>>, vector<1024x1xf32>,
    } else {
    }
    %gt3A = arith.constant 0 : i32
    %gt3A_85 = arith.cmpi sgt, %arg0, %gt3A : i32
    %convert_element_type3A_86 = arith.extui %gt3A_85 : i1 to i32
    %cond3A_87 = arith.constant 0 : i32
    %cond3A_88 = arith.cmpi ne, %convert_element_type3A_86, %cond3A_87 : i32
    scf.if %cond3A_88 {
      %get3A_94 = arith.constant 0 : index
      %get3A_95 = arith.constant 0 : index
      %get3A_96 = vector.load %arg4[%get3A_94, %get3A_95] : memref<1024x1xf32, #tpu.memory_space<vmem>>, vector<1024x1xf32>
      %gt3A_97 = arith.cmpf ogt, %broadcast_in_dim3A, %get3A_96 : vector<1024x1xf32>
      %get3A_98 = arith.constant 0 : index
      %get3A_99 = arith.constant 0 : index
      %get3A_100 = vector.load %arg5[%get3A_98, %get3A_99] : memref<1024x1xf32, #tpu.memory_space<vmem>>, vector<1024x1xf32>
      %select_n3A_101 = arith.select %gt3A_97, %add3A_80, %get3A_100 : vector<1024x1xi1>, vector<1024x1xf32>
      %swap3A = arith.constant 0 : index
      %swap3A_102 = arith.constant 0 : index
      %swap3A_103 = vector.load %arg5[%swap3A, %swap3A_102] : memref<1024x1xf32, #tpu.memory_space<vmem>>, vector<1024x1xf32>
      tpu.vector_store %arg5[%swap3A, %swap3A_102], %select_n3A_101 {strides = array<i32>} : memref<1024x1xf32, #tpu.memory_space<vmem>>, vector<1024x1xf32>,
      %get3A_104 = arith.constant 0 : index
      %get3A_105 = arith.constant 0 : index
      %get3A_106 = vector.load %arg4[%get3A_104, %get3A_105] : memref<1024x1xf32, #tpu.memory_space<vmem>>, vector<1024x1xf32>
      %select_n3A_107 = arith.select %gt3A_97, %broadcast_in_dim3A, %get3A_106 : vector<1024x1xi1>, vector<1024x1xf32>
      %swap3A_108 = arith.constant 0 : index
      %swap3A_109 = arith.constant 0 : index
      %swap3A_110 = vector.load %arg4[%swap3A_108, %swap3A_109] : memref<1024x1xf32, #tpu.memory_space<vmem>>, vector<1024x1xf32>
      tpu.vector_store %arg4[%swap3A_108, %swap3A_109], %select_n3A_107 {strides = array<i32>} : memref<1024x1xf32, #tpu.memory_space<vmem>>, vector<1024x1xf32>,
    } else {
    }
    %eq3A_89 = arith.constant 24 : i32
    %eq3A_90 = arith.cmpi eq, %arg0, %eq3A_89 : i32
    %convert_element_type3A_91 = arith.extui %eq3A_90 : i1 to i32
    %cond3A_92 = arith.constant 0 : i32
    %cond3A_93 = arith.cmpi ne, %convert_element_type3A_91, %cond3A_92 : i32
    scf.if %cond3A_93 {
      %get3A_94 = arith.constant 0 : index
      %get3A_95 = arith.constant 0 : index
      %get3A_96 = vector.load %arg3[%get3A_94, %get3A_95] : memref<1024x1xi32, #tpu.memory_space<vmem>>, vector<1024x1xi32>
      %ne3A = arith.constant 0 : i32
      %ne3A_97 = vector.broadcast %ne3A : i32 to vector<1024x1xi32>
      %ne3A_98 = arith.cmpi ne, %get3A_96, %ne3A_97 : vector<1024x1xi32>
      %get3A_99 = arith.constant 0 : index
      %get3A_100 = arith.constant 0 : index
      %get3A_101 = vector.load %arg4[%get3A_99, %get3A_100] : memref<1024x1xf32, #tpu.memory_space<vmem>>, vector<1024x1xf32>
      %jit3A_102 = arith.constant -1.000000e+00 : f32
      %broadcast_in_dim3A_103 = vector.broadcast %jit3A_102 : f32 to vector<1024x1xf32>
      %select_n3A_104 = arith.select %ne3A_98, %get3A_101, %broadcast_in_dim3A_103 : vector<1024x1xi1>, vector<1024x1xf32>
      %swap3A = arith.constant 0 : index
      %swap3A_105 = arith.constant 0 : index
      %swap3A_106 = vector.load %arg4[%swap3A, %swap3A_105] : memref<1024x1xf32, #tpu.memory_space<vmem>>, vector<1024x1xf32>
      tpu.vector_store %arg4[%swap3A, %swap3A_105], %select_n3A_104 {strides = array<i32>} : memref<1024x1xf32, #tpu.memory_space<vmem>>, vector<1024x1xf32>,
      %get3A_107 = arith.constant 0 : index
      %get3A_108 = arith.constant 0 : index
      %get3A_109 = vector.load %arg5[%get3A_107, %get3A_108] : memref<1024x1xf32, #tpu.memory_space<vmem>>, vector<1024x1xf32>
      %convert_element_type3A_110 = arith.fptosi %get3A_109 : vector<1024x1xf32> to vector<1024x1xi32>
      %and3A = arith.constant 3 : i32
      %and3A_111 = vector.broadcast %and3A : i32 to vector<1024x1xi32>
      %and3A_112 = arith.andi %convert_element_type3A_110, %and3A_111 : vector<1024x1xi32>
      %jit3A_113 = arith.constant 4 : i32
      %broadcast_in_dim3A_114 = vector.broadcast %jit3A_113 : i32 to vector<1024x1xi32>
      %select_n3A_115 = arith.select %ne3A_98, %and3A_112, %broadcast_in_dim3A_114 : vector<1024x1xi1>, vector<1024x1xi32>
      %broadcast_in_dim3A_116 = vector.shape_cast %select_n3A_115 : vector<1024x1xi32> to vector<1024x1xi32>
      %broadcast_in_dim3A_117 = vector.broadcast %broadcast_in_dim3A_116 : vector<1024x1xi32> to vector<1024x16xi32>
      %swap3A_118 = arith.constant 0 : index
      %swap3A_119 = arith.constant 0 : index
      %swap3A_120 = vector.load %arg6[%swap3A_118, %swap3A_119] : memref<1024x16xi32, #tpu.memory_space<vmem>>, vector<1024x16xi32>
      tpu.vector_store %arg6[%swap3A_118, %swap3A_119], %broadcast_in_dim3A_117 {strides = array<i32>} : memref<1024x16xi32, #tpu.memory_space<vmem>>, vector<1024x16xi32>,
    } else {
    }
    return
  }
  func.func @transform_0(%arg0: i32) -> (i32, i32) {
    %c0_i32 = arith.constant 0 : i32
    %c0_i32_0 = arith.constant 0 : i32
    %c0_i32_1 = arith.constant 0 : i32
    return %c0_i32, %c0_i32_0 : i32, i32
  }
  func.func @transform_1(%arg0: i32) -> (i32, i32) {
    %c0_i32 = arith.constant 0 : i32
    %c0_i32_0 = arith.constant 0 : i32
    return %arg0, %c0_i32 : i32, i32
  }
  func.func @transform_2(%arg0: i32) -> (i32, i32) {
    %c0_i32 = arith.constant 0 : i32
    %c0_i32_0 = arith.constant 0 : i32
    %c0_i32_1 = arith.constant 0 : i32
    return %c0_i32, %c0_i32_0 : i32, i32
  }
  func.func @transform_3(%arg0: i32) -> (i32, i32) {
    %c0_i32 = arith.constant 0 : i32
    %c0_i32_0 = arith.constant 0 : i32
    %c0_i32_1 = arith.constant 0 : i32
    return %c0_i32, %c0_i32_0 : i32, i32
  }
  func.func @transform_4(%arg0: i32) -> (i32, i32) {
    %c0_i32 = arith.constant 0 : i32
    %c0_i32_0 = arith.constant 0 : i32
    %c0_i32_1 = arith.constant 0 : i32
    return %c0_i32, %c0_i32_0 : i32, i32
  }
  func.func @transform_5(%arg0: i32) -> (i32, i32) {
    %c0_i32 = arith.constant 0 : i32
    %c0_i32_0 = arith.constant 0 : i32
    %c0_i32_1 = arith.constant 0 : i32
    return %c0_i32, %c0_i32_0 : i32, i32
  }
}

</mosaic_0001>

<sc_bundles>
// kernel: kernel.4.cloned.1.call-start
scs
__scs_entry_jumppad:
0x0: {  	(pc) =	sbr.rel $0x88, $3  }
0x1: {  	(tag) =	ssettag $0x0;
	lr =	simm.s32 $0x1  }
0x2: {  	[smem:$0x3F9E] =	sst lr;
	_ =	strace $0xD0000000  }
0x3: {  	_ = 	snop  }
0x4: {  	_ = 	snop  }
0x5: {  	_ = 	snop  }
0x6: {  	_ = 	snop  }
0x7: {  	_ = 	snop  }
__scs_overlays_trampoline_lowered:
0x8: {  	[smem:$0x3FAD] =	sst s0  }
0x9: {  	[smem:$0x3FAE] =	sst s1  }
0xa: {  	[smem:$0x3FAF] =	sst s2  }
0xb: {  	[smem:$0x3FB0] =	sst s3  }
0xc: {  	[smem:$0x3FB1] =	sst s4  }
0xd: {  	[smem:$0x3FB2] =	sst s5  }
0xe: {  	[smem:$0x3FB3] =	sst s6  }
0xf: {  	[smem:$0x3FB4] =	sst s7  }
0x10: {  	[smem:$0x3FB5] =	sst s8  }
0x11: {  	[smem:$0x3FB6] =	sst s9;
	s0 =	simm.s32 @!p0 $0x0  }
0x12: {  	s1 =	sld [smem:$0x3F9C];
	s0 =	simm.s32 @p0 $0x1  }
0x13: {  	[smem:$0x3FB7] =	sst s0;
	s0 =	simm.s32 @!p1 $0x0  }
0x14: {  	s2 =	sld [smem:$0x3F9B];
	s0 =	simm.s32 @p1 $0x1  }
0x15: {  	[smem:$0x3FB8] =	sst s0;
	s0 =	simm.s32 @!p2 $0x0  }
0x16: {  	s3 =	sld [smem:$0x3FDB];
	s0 =	simm.s32 @p2 $0x1  }
0x17: {  	s4 =	simm.s32 $0x1BF5;
	[smem:$0x3FBA] =	sst s0  }
0x18: {  	s0 =	sld [smem:$0x3F9D];
	_ =	swait.ge [sflag:s4], $0x0  }
0x19: {  	s7 =	sld [smem:$0x3F9E]  }
0x1a: {  	s8 =	sadd.s32 $0xFFFFE003, lr  }
0x1b: {  	s9 =	sadd.s32 $0xFFFFFEF7, lr;
	s5 =	simm.s32 $0xFFFFFFFF;
	p2 =	slt.u32 s8, $0xFFFFF086  }
0x1c: {  	p1 =	slt.u32 s9, $0xF7A;
	s5 =	simm.s32 @!p2 $0x0  }
0x1d: {  	s5 =	simm.s32 @p1 $0x1;
	p0 =	seq.s32 s7, s2  }
0x1e: {  	s7 =	smul.u32 @!p0 $0xF7A, s2;
	p2 =	seq.s32 @!p0 s5, $0x0  }
0x1f: {  	s9 =	smul.u32 $0xF7A, s1;
	s8 =	simm.s32 @!p0 $0x1BF5;
	p2 =	por !p2, p0  }
0x20: {  	[sflag:s8] =	ssyncset.s32 @!p0 $0xFFFFF086;
	s6 =	sadd.s32 @!p0 s3, s7;
	s7 =	simm.s32 @!p0 $0x108  }
0x21: {  	s3 =	sadd.s32 s3, s9;
	s6 =	sadd.s32 @!p0 $0x88, s6;
	s7 =	simm.s32 @p2 $0x1082  }
0x22: {  	[simem:s7], [sflag:s8] =	dma.local @!p0 [hbm:s6], $0xF7A  }
0x23: {  	s9 =	sor.u32 $0xD0000000, s2;
	s6 =	simm.s32 $0x108;
	_ =	swait.ge @!p0 [sflag:s8], $0x0  }
0x24: {  	s3 =	sadd.s32 $0x88, s3;
	s6 =	simm.s32 @!p1 $0x1082;
	[sflag:s4] =	ssyncset.s32 $0xFFFFF086  }
0x25: {  	[simem:s6], [sflag:s4] =	dma.local [hbm:s3], $0xF7A  }
0x26: {  	[smem:$0x3F9E] =	sst s1;
	(tag) =	ssettag s2;
	_ =	strace s9  }
0x27: {  	s1 =	sld [smem:$0x3FAE]  }
0x28: {  	s2 =	sld [smem:$0x3FAF]  }
0x29: {  	s4 =	sld [smem:$0x3FB1]  }
0x2a: {  	p0 =	seq.s32 s5, $0x0;
	s5 =	sld [smem:$0x3FB2]  }
0x2b: {  	s6 =	sld [smem:$0x3FB3]  }
0x2c: {  	s7 =	sld [smem:$0x3FB4]  }
0x2d: {  	s3 =	simm.s32 $0x108;
	s8 =	sld [smem:$0x3FB5]  }
0x2e: {  	s3 =	simm.s32 @!p0 $0x1082;
	s9 =	sld [smem:$0x3FB6]  }
0x2f: {  	lr =	sadd.s32 s0, s3;
	s0 =	sld [smem:$0x3FAD]  }
0x30: {  	s3 =	sld [smem:$0x3FB0]  }
0x31: {  	[smem:$0x3FB9] =	sst s10  }
0x32: {  	s10 =	sld [smem:$0x3FB7];
	_ =	sdelay $0x3  }
0x33: {  	p0 =	seq.s32 s10, $0x1;
	s10 =	sld [smem:$0x3FB9];
	_ =	sdelay $0x3  }
0x34: {  	[smem:$0x3FB9] =	sst s10  }
0x35: {  	s10 =	sld [smem:$0x3FB8];
	_ =	sdelay $0x3  }
0x36: {  	p1 =	seq.s32 s10, $0x1;
	s10 =	sld [smem:$0x3FB9];
	_ =	sdelay $0x3  }
0x37: {  	[smem:$0x3FB9] =	sst s10  }
0x38: {  	s10 =	sld [smem:$0x3FBA]  }
0x39: {  	_ = 	snop;
	(pc) =	sbr.ind lr, $3  }
0x3a: {  	_ = 	snop  }
0x3b: {  	_ = 	snop  }
0x3c: {  	p2 =	seq.s32 s10, $0x1;
	s10 =	sld [smem:$0x3FB9]  }
0x3d: {  	_ =	shalt  }
0x3e: {  	_ =	shalt  }
0x3f: {  	_ =	shalt  }
0x40: {  	_ =	shalt  }
0x41: {  	_ =	shalt  }
0x42: {  	_ =	shalt  }
0x43: {  	_ =	shalt  }
0x44: {  	_ =	shalt  }
0x45: {  	_ =	shalt  }
0x46: {  	_ =	shalt  }
0x47: {  	_ =	shalt  }
0x48: {  	_ =	shalt  }
0x49: {  	_ =	shalt  }
0x4a: {  	_ =	shalt  }
0x4b: {  	_ =	shalt  }
0x4c: {  	_ =	shalt  }
0x4d: {  	_ =	shalt  }
0x4e: {  	_ =	shalt  }
0x4f: {  	_ =	shalt  }
0x50: {  	_ =	shalt  }
0x51: {  	_ =	shalt  }
0x52: {  	_ =	shalt  }
0x53: {  	_ =	shalt  }
0x54: {  	_ =	shalt  }
0x55: {  	_ =	shalt  }
0x56: {  	_ =	shalt  }
0x57: {  	_ =	shalt  }
0x58: {  	_ =	shalt  }
0x59: {  	_ =	shalt  }
0x5a: {  	_ =	shalt  }
0x5b: {  	_ =	shalt  }
0x5c: {  	_ =	shalt  }
0x5d: {  	_ =	shalt  }
0x5e: {  	_ =	shalt  }
0x5f: {  	_ =	shalt  }
0x60: {  	_ =	shalt  }
0x61: {  	_ =	shalt  }
0x62: {  	_ =	shalt  }
0x63: {  	_ =	shalt  }
0x64: {  	_ =	shalt  }
0x65: {  	_ =	shalt  }
0x66: {  	_ =	shalt  }
0x67: {  	_ =	shalt  }
0x68: {  	_ =	shalt  }
0x69: {  	_ =	shalt  }
0x6a: {  	_ =	shalt  }
0x6b: {  	_ =	shalt  }
0x6c: {  	_ =	shalt  }
0x6d: {  	_ =	shalt  }
0x6e: {  	_ =	shalt  }
0x6f: {  	_ =	shalt  }
0x70: {  	_ =	shalt  }
0x71: {  	_ =	shalt  }
0x72: {  	_ =	shalt  }
0x73: {  	_ =	shalt  }
0x74: {  	_ =	shalt  }
0x75: {  	_ =	shalt  }
0x76: {  	_ =	shalt  }
0x77: {  	_ =	shalt  }
0x78: {  	_ =	shalt  }
0x79: {  	_ =	shalt  }
0x7a: {  	_ =	shalt  }
0x7b: {  	_ =	shalt  }
0x7c: {  	_ =	shalt  }
0x7d: {  	_ =	shalt  }
0x7e: {  	_ =	shalt  }
0x7f: {  	_ =	shalt  }
0x80: {  	_ =	shalt  }
0x81: {  	_ =	shalt  }
0x82: {  	_ =	shalt  }
0x83: {  	_ =	shalt  }
0x84: {  	_ =	shalt  }
0x85: {  	_ =	shalt  }
0x86: {  	_ =	shalt  }
0x87: {  	_ =	shalt  }
.Lfunc_end0:
.L_simem_size_0:
called_computation_lowered:
.L_overlay_start_0:
0x88: {  	s2 =	sld [smem:$0x3FD9]  }
0x89: {  	s3 =	sld [smem:$0x3FFE];
	_ =	sdelay $0x1  }
0x8a: {  	s1 =	srdreg.scid  }
0x8b: {  	s0 =	sand.u32 $0x1, s1  }
0x8c: {  	s14 =	sshll.u32 s0, $0xA;
	s2 =	sadd.s32 s3, s2  }
0x8d: {  	s2 =	sadd.s32 s2, s14  }
0x8e: {  	[smem:$0x3FC5] =	sst s2  }
0x8f: {  	_ = 	snop  }
0x90: {  	s2 =	sld [smem:$0x3FD0];
	_ =	sdelay $0x2  }
0x91: {  	s15 =	simm.s32 $0xA;
	s4 =	simm.s32 $0x10  }
0x92: {  	[smem:s4], [sflag:s15] =	dma.local [hbm:s2], $0x1  }
0x93: {  	_ =	swait.eq [sflag:s15], $0x1  }
0x94: {  	[sflag:s15] =	ssyncset.done $0x0  }
0x95: {  	[sflag:s15] =	ssyncadd.s32 $0xFFFFFFFF  }
0x96: {  	s16 =	sld [smem:$0x10];
	(tm) =	ssettm $0x1  }
0x97: {  	s17 =	sld [smem:$0x3FFB];
	_ =	sdelay $0x3  }
0x98: {  	_ =	strace s17  }
0x99: {  	s3 =	sld [smem:$0x3FFC];
	_ =	sdelay $0x3  }
0x9a: {  	_ =	strace s3  }
0x9b: {  	s3 =	sld [smem:$0x3FFD];
	_ =	sdelay $0x3  }
0x9c: {  	_ =	strace s3  }
0x9d: {  	_ =	strace $0x8FFFFFFF  }
0x9e: {  	s18 =	sld [smem:$0x3FDB];
	_ =	sdelay $0x1  }
0x9f: {  	s19 =	simm.s32 $_scs_section_size  }
0xa0: {  	s5 =	simm.s32 $_size__tile_overlayer_lowered;
	s6 =	simm.s32 $_tile_overlayer_lowered  }
0xa1: {  	s22 =	simm.s32 $0x1BFF;
	s21 =	sshll.u32 s6, $0x1;
	s3 =	sadd.s32 s19, s18  }
0xa2: {  	s7 =	simm.s32 $0x0;
	s20 =	sshll.u32 s5, $0x1;
	s5 =	sadd.s32 s21, s3  }
0xa3: {  	[timem:s7], [sflag:s22] =	dma.local [hbm:s5], s20  }
0xa4: {  	_ =	swait.ge [sflag:s22], s20  }
0xa5: {  	s4 =	ssub.s32 $0x0, s20;
	[sflag:s22] =	ssyncset.done $0x0  }
0xa6: {  	[sflag:s22] =	ssyncadd.s32 s4;
	_ =	sdelay $0x1  }
0xa7: {  	s23 =	simm.s32 $0x1B8B  }
0xa8: {  	_ =	swait.ge [sflag:s23], $0x1  }
0xa9: {  	[sflag:s23] =	ssyncset.done $0x0  }
0xaa: {  	s25 =	simm.s32 $0x1B8E;
	s24 =	sld [smem:$0x3FFE];
	[sflag:s23] =	ssyncadd.s32 $0xFFFFFFFF  }
0xab: {  	s26 =	simm.s32 $execute0_lowered;
	[smem:$0x3FD2] =	sst s25  }
0xac: {  	s5 =	sshll.u32 s26, $0x1;
	_ =	strace $0x80000046;
	[dreg:$0x1] =	wrdreg $0xFFFFFFFF  }
0xad: {  	s28 =	simm.s32 $_size_execute0_lowered;
	s3 =	sadd.s32 s3, s5;
	[dreg:$0x0] =	wrdreg $0x0  }
0xae: {  	s5 =	sshll.u32 s28, $0x1;
	[dreg:$0x2] =	wrdreg s3  }
0xaf: {  	[dreg:$0x3] =	wrdreg s5  }
0xb0: {  	[dreg:$0x4] =	wrdreg $0xC0  }
0xb1: {  	_ =	task [dreg:s7], $0x5FFFF  }
0xb2: {  	[dreg:$0x1] =	wrdreg $0xFFFFFFFF  }
0xb3: {  	[dreg:$0x0] =	wrdreg $0x60  }
0xb4: {  	[dreg:$0x2] =	wrdreg s24  }
0xb5: {  	[dreg:$0x3] =	wrdreg s16  }
0xb6: {  	[dreg:$0x4] =	wrdreg $0x9  }
0xb7: {  	_ =	task.clear_ibuf [dreg:s7], $0x5FFFF;
	_ =	strace $0x90000046  }
0xb8: {  	s29 =	simm.s32 $0x9;
	_ =	strace $0x80000048  }
0xb9: {  	_ =	swait.ge [sflag:s29], $0x1  }
0xba: {  	[sflag:s29] =	ssyncadd.s32 $0xFFFFFFFF  }
0xbb: {  	_ =	strace $0x90000048  }
0xbc: {  	_ =	sfence  }
0xbd: {  	s30 =	sld [smem:$0x0];
	_ =	sdelay $0x2  }
0xbe: {  	s31 =	sshll.u32 s1, $0xD;
	s1 =	sshrl.u32 s1, $0x2  }
0xbf: {  	s3 =	sand.u32 $0x4000, s31;
	s1 =	sadd.s32 s1, s30  }
0xc0: {  	s0 =	sor.u32 s3, s0;
	s1 =	sshll.u32 s1, $0x11  }
0xc1: {  	s0 =	sor.u32 s1, s0  }
0xc2: {  	s0 =	sadd.s32 $0x8F2B, s0  }
0xc3: {  	[sflag:s0] =	ssyncadd.remote.s32 $0x1  }
0xc4: {  	_ =	sfence.sel $0xFFFF  }
0xc5: {  	[dreg:$0x0] =	wrdreg $0xFFFFFFFF;
	(pc) =	sbr.abs _section_cstart, $3  }
0xc6: {  	[dreg:$0x1] =	wrdreg $0xFFFFFFFF  }
0xc7: {  	_ =	task.clear_ibuf [dreg:s7], $0x2FFFF;
	_ =	strace $0x9FFFFFFF  }
0xc8: {  	(tm) =	ssettm $0x7FFFFFFF  }
0xc9: {  	_ =	shalt  }
tec
execute0_lowered:
.L_overlay_start_1:
0x0: {  	(tag) =	ssettag $0x1  }
0x1: {  	s4 =	rddreg [dreg:$0x0]  }
0x2: {  	s5 =	rddreg [dreg:$0x1]  }
0x3: {  	s0 =	rddreg [dreg:$0x2]  }
0x4: {  	s3 =	srdreg.scid;
	s2 =	simm.s32 $0x0;
	s1 =	stileid.u32  }
0x5: {  	s10 =	simm.s32 $0x80;
	s11 =	simm.s32 $0x1100;
	s12 =	simm.s32 $0x100  }
0x6: {  	s13 =	simm.s32 $0x1;
	s14 =	simm.s32 $0x2100;
	s6 =	sand.u32 $0x1, s3  }
0x7: {  	[smem:$0x7FF] =	sst s2;
	s30 =	sshll.u32 s1, $0x6;
	s7 =	sshll.u32 s6, $0x5  }
0x8: {  	s3 =	sadd.s32 $0x400, s4;
	s6 =	ssub.s32 $0x2, s6;
	s7 =	sor.u32 s7, s30  }
0x9: {  	_ =	strace $0x80000047;
	s31 =	sshrl.u32 s6, $0x1;
	s8 =	sshll.u32 s7, $0x4  }
0xa: {  	s7 =	sshrl.u32 s7, $0x3;
	s9 =	ssub.s32 s6, s31;
	s8 =	sadd.s32 s8, s4  }
0xb: {  	s4 =	sadd.s32 s5, s7;
	s7 =	smax.u32 s9, $0x1;
	s9 =	simm.s32 $0x20  }
0xc: {  	s5 =	sadd.s32 $0x62000, s8;
	s6 =	sadd.s32 $0x66000, s8;
	s8 =	simm.s32 $0x2  }
.LBB2_1:
0xd: {  	[tilespmem:s2], [sflag:$0x2] =	stream.linear.gather [hbm4b:s4+s2], $0x20, $0x38;
	[tilespmem:$0x3100] =	vst v63  }
0xe: {  	_ =	swait.ge [sflag:s8], $0x20  }
0xf: {  	[sflag:s8] =	ssyncset.done $0x0  }
0x10: {  	[sflag:s8] =	ssyncadd.s32 $0xFFFFFFE0  }
0x11: {  	v0 =	vld [tilespmem:$0x0]  }
0x12: {  	v1 =	vld [tilespmem:$0x10];
	_ =	sdelay $0x3  }
0x13: {  	v0 =	vshrl.u32 v0, $0x2  }
0x14: {  	v37 =	vshrl.u32 v1, $0x2;
	[tilespmem:$0x80] =	vst v0  }
0x15: {  	[tilespmem:$0x90] =	vst v37  }
0x16: {  	[tilespmem:s11], [sflag:$0x1] =	stream.indirect.gather [hbm4b:s3+s9], $0x80, s10, s9, $0xb8;
	[tilespmem:$0x3100] =	vst v63  }
0x17: {  	_ = 	snop  }
0x18: {  	[tilespmem:s12], [sflag:$0x2] =	stream.linear.gather [hbm4b:s5+s2], $0x1000, $0x38;
	[tilespmem:$0x3100] =	vst v63  }
0x19: {  	_ =	swait.ge [sflag:s8], $0x1000  }
0x1a: {  	[sflag:s8] =	ssyncset.done $0x0  }
0x1b: {  	[sflag:s8] =	ssyncadd.s32 $0xFFFFF000  }
0x1c: {  	_ =	swait.ge [sflag:s13], $0x1000  }
0x1d: {  	[sflag:s13] =	ssyncset.done $0x0  }
0x1e: {  	[sflag:s13] =	ssyncadd.s32 $0xFFFFF000  }
0x1f: {  	v0 =	vld [tilespmem:$0x100]  }
0x20: {  	v11 =	vld [tilespmem:$0x1100]  }
0x21: {  	v13 =	vld [tilespmem:$0x1120]  }
0x22: {  	v16 =	vld [tilespmem:$0x1140]  }
0x23: {  	v20 =	vld [tilespmem:$0x1160]  }
0x24: {  	v12 =	vld [tilespmem:$0x1110]  }
0x25: {  	v14 =	vld [tilespmem:$0x1130]  }
0x26: {  	v17 =	vld [tilespmem:$0x1150]  }
0x27: {  	v21 =	vld [tilespmem:$0x1170]  }
0x28: {  	v8 =	vld [tilespmem:$0x180]  }
0x29: {  	v18 =	vld [tilespmem:$0x1180]  }
0x2a: {  	v23 =	vld [tilespmem:$0x11A0]  }
0x2b: {  	v25 =	vld [tilespmem:$0x11C0]  }
0x2c: {  	v33 =	vld [tilespmem:$0x11E0]  }
0x2d: {  	v19 =	vld [tilespmem:$0x1190]  }
0x2e: {  	v24 =	vld [tilespmem:$0x11B0]  }
0x2f: {  	v26 =	vld [tilespmem:$0x11D0]  }
0x30: {  	v31 =	vld [tilespmem:$0x11F0]  }
0x31: {  	v1 =	vld [tilespmem:$0x200]  }
0x32: {  	v28 =	vld [tilespmem:$0x1200]  }
0x33: {  	v34 =	vld [tilespmem:$0x1220]  }
0x34: {  	v36 =	vld [tilespmem:$0x1240]  }
0x35: {  	v43 =	vld [tilespmem:$0x1260]  }
0x36: {  	v27 =	vld [tilespmem:$0x1210]  }
0x37: {  	v35 =	vld [tilespmem:$0x1230]  }
0x38: {  	v37 =	vld [tilespmem:$0x1250]  }
0x39: {  	v41 =	vld [tilespmem:$0x1270]  }
0x3a: {  	v29 =	vld [tilespmem:$0x280]  }
0x3b: {  	v40 =	vld [tilespmem:$0x1280]  }
0x3c: {  	v44 =	vld [tilespmem:$0x12A0]  }
0x3d: {  	v46 =	vld [tilespmem:$0x12C0]  }
0x3e: {  	v62 =	vld [tilespmem:$0x12E0]  }
0x3f: {  	v39 =	vld [tilespmem:$0x1290]  }
0x40: {  	v45 =	vld [tilespmem:$0x12B0]  }
0x41: {  	v47 =	vld [tilespmem:$0x12D0]  }
0x42: {  	v50 =	vld [tilespmem:$0x12F0]  }
0x43: {  	v42 =	vld [tilespmem:$0x300]  }
0x44: {  	v48 =	vld [tilespmem:$0x1300]  }
0x45: {  	v51 =	vld [tilespmem:$0x1320]  }
0x46: {  	v54 =	vld [tilespmem:$0x1340]  }
0x47: {  	v59 =	vld [tilespmem:$0x1360]  }
0x48: {  	v49 =	vld [tilespmem:$0x1310]  }
0x49: {  	v52 =	vld [tilespmem:$0x1330]  }
0x4a: {  	v55 =	vld [tilespmem:$0x1350]  }
0x4b: {  	v58 =	vld [tilespmem:$0x1370]  }
0x4c: {  	v22 =	vld [tilespmem:$0x380]  }
0x4d: {  	v57 =	vld [tilespmem:$0x1380]  }
0x4e: {  	v60 =	vld [tilespmem:$0x13A0]  }
0x4f: {  	v2 =	vld [tilespmem:$0x13C0]  }
0x50: {  	v38 =	vld [tilespmem:$0x13E0]  }
0x51: {  	v56 =	vld [tilespmem:$0x1390]  }
0x52: {  	v61 =	vld [tilespmem:$0x13B0]  }
0x53: {  	v53 =	vld [tilespmem:$0x13D0]  }
0x54: {  	v63 =	vld [tilespmem:$0x13F0]  }
0x55: {  	v7 =	vld [tilespmem:$0x400]  }
0x56: {  	v4 =	vld [tilespmem:$0x1400]  }
0x57: {  	v5 =	vld [tilespmem:$0x1420];
	[tilespmem:$0x1F6C0] =	vst v2  }
0x58: {  	v6 =	vld [tilespmem:$0x1440];
	[tilespmem:$0x1F6D0] =	vst v38  }
0x59: {  	v9 =	vld [tilespmem:$0x1460];
	[tilespmem:$0x1F6E0] =	vst v53  }
0x5a: {  	v10 =	vld [tilespmem:$0x1410];
	[tilespmem:$0x1F6F0] =	vst v63  }
0x5b: {  	v15 =	vld [tilespmem:$0x1430];
	[tilespmem:$0x1F700] =	vst v4  }
0x5c: {  	v30 =	vld [tilespmem:$0x1450];
	[tilespmem:$0x1F710] =	vst v5  }
0x5d: {  	v32 =	vld [tilespmem:$0x1470];
	[tilespmem:$0x1F730] =	vst v6  }
0x5e: {  	v3 =	vld [tilespmem:$0x1500];
	[tilespmem:$0x1F750] =	vst v9  }
0x5f: {  	[tilespmem:$0x1F720] =	vst v10;
	v38 =	vld [tilespmem:$0x1480]  }
0x60: {  	[tilespmem:$0x1F740] =	vst v15;
	v53 =	vld [tilespmem:$0x14A0]  }
0x61: {  	[tilespmem:$0x1F760] =	vst v30;
	v63 =	vld [tilespmem:$0x14C0]  }
0x62: {  	[tilespmem:$0x1F770] =	vst v32;
	v4 =	vld [tilespmem:$0x14E0]  }
0x63: {  	v5 =	vld [tilespmem:$0x1490];
	[tilespmem:$0x1F800] =	vst v3  }
0x64: {  	v6 =	vld [tilespmem:$0x14B0];
	[tilespmem:$0x1F780] =	vst v38  }
0x65: {  	v9 =	vld [tilespmem:$0x14D0];
	[tilespmem:$0x1F790] =	vst v53  }
0x66: {  	v10 =	vld [tilespmem:$0x14F0];
	[tilespmem:$0x1F7B0] =	vst v63  }
0x67: {  	v15 =	vld [tilespmem:$0x1520];
	[tilespmem:$0x1F7D0] =	vst v4  }
0x68: {  	v30 =	vld [tilespmem:$0x1540];
	[tilespmem:$0x1F7A0] =	vst v5  }
0x69: {  	[tilespmem:$0x1F7C0] =	vst v6;
	v38 =	vld [tilespmem:$0x1560]  }
0x6a: {  	[tilespmem:$0x1F7E0] =	vst v9;
	v53 =	vld [tilespmem:$0x1510]  }
0x6b: {  	[tilespmem:$0x1F7F0] =	vst v10;
	v63 =	vld [tilespmem:$0x1530]  }
0x6c: {  	[tilespmem:$0x1F810] =	vst v15;
	v6 =	vld [tilespmem:$0x1550]  }
0x6d: {  	[tilespmem:$0x1F830] =	vst v30;
	v9 =	vld [tilespmem:$0x1570]  }
0x6e: {  	v4 =	vld [tilespmem:$0x1580];
	[tilespmem:$0x1F850] =	vst v38  }
0x6f: {  	v10 =	vld [tilespmem:$0x15A0];
	[tilespmem:$0x1F820] =	vst v53  }
0x70: {  	v15 =	vld [tilespmem:$0x15C0];
	[tilespmem:$0x1F840] =	vst v63  }
0x71: {  	v30 =	vld [tilespmem:$0x15E0];
	[tilespmem:$0x1F860] =	vst v6  }
0x72: {  	v5 =	vld [tilespmem:$0x1600];
	[tilespmem:$0x1F870] =	vst v9  }
0x73: {  	[tilespmem:$0x1F880] =	vst v4;
	v38 =	vld [tilespmem:$0x1590]  }
0x74: {  	[tilespmem:$0x1F890] =	vst v10;
	v53 =	vld [tilespmem:$0x15B0]  }
0x75: {  	[tilespmem:$0x1F8B0] =	vst v15;
	v63 =	vld [tilespmem:$0x15D0]  }
0x76: {  	[tilespmem:$0x1F8D0] =	vst v30;
	v9 =	vld [tilespmem:$0x15F0]  }
0x77: {  	[tilespmem:$0x1F900] =	vst v5;
	v10 =	vld [tilespmem:$0x1620]  }
0x78: {  	v15 =	vld [tilespmem:$0x1640];
	[tilespmem:$0x1F8A0] =	vst v38  }
0x79: {  	v30 =	vld [tilespmem:$0x1660];
	[tilespmem:$0x1F8C0] =	vst v53  }
0x7a: {  	[tilespmem:$0x1F8E0] =	vst v63;
	v38 =	vld [tilespmem:$0x1610]  }
0x7b: {  	[tilespmem:$0x1F8F0] =	vst v9;
	v53 =	vld [tilespmem:$0x1630]  }
0x7c: {  	[tilespmem:$0x1F910] =	vst v10;
	v63 =	vld [tilespmem:$0x1650]  }
0x7d: {  	[tilespmem:$0x1F930] =	vst v15;
	v9 =	vld [tilespmem:$0x1670]  }
0x7e: {  	[tilespmem:$0x1F950] =	vst v30;
	v10 =	vld [tilespmem:$0x1680]  }
0x7f: {  	v15 =	vld [tilespmem:$0x16A0];
	[tilespmem:$0x1F920] =	vst v38  }
0x80: {  	v30 =	vld [tilespmem:$0x16C0];
	[tilespmem:$0x1F940] =	vst v53  }
0x81: {  	[tilespmem:$0x1F960] =	vst v63;
	v38 =	vld [tilespmem:$0x16E0]  }
0x82: {  	v32 =	vld [tilespmem:$0x480];
	[tilespmem:$0x1F970] =	vst v9  }
0x83: {  	v2 =	vld [tilespmem:$0x500];
	[tilespmem:$0x1F980] =	vst v10  }
0x84: {  	v3 =	vld [tilespmem:$0x580];
	[tilespmem:$0x1F990] =	vst v15  }
0x85: {  	v4 =	vld [tilespmem:$0x600];
	[tilespmem:$0x1F9B0] =	vst v30  }
0x86: {  	v63 =	vld [tilespmem:$0x680];
	[tilespmem:$0x1F9D0] =	vst v38  }
0x87: {  	v5 =	vld [tilespmem:$0x1690]  }
0x88: {  	v53 =	vld [tilespmem:$0x16B0]  }
0x89: {  	v9 =	vld [tilespmem:$0x16D0]  }
0x8a: {  	v10 =	vld [tilespmem:$0x16F0]  }
0x8b: {  	v6 =	vld [tilespmem:$0x700]  }
0x8c: {  	v15 =	vld [tilespmem:$0x1700]  }
0x8d: {  	vm0 =	veq.s32 v0, $0x0;
	vm1 =	veq.s32 v0, $0x1;
	vm11 =	veq.s32 v0, $0x2;
	v30 =	vld [tilespmem:$0x1720]  }
0x8e: {  	vm12 =	veq.s32 v0, $0x3;
	v11 =	vnsel vm0, $0xBF800000, v11;
	v12 =	vnsel vm0, $0xBF800000, v12;
	v38 =	vld [tilespmem:$0x1740]  }
0x8f: {  	vm13 =	veq.s32 v8, $0x0;
	v11 =	vsel vm1, v13, v11;
	v12 =	vsel vm1, v14, v12;
	v14 =	vld [tilespmem:$0x1A60]  }
0x90: {  	vm14 =	veq.s32 v8, $0x1;
	v11 =	vsel vm11, v16, v11;
	v12 =	vsel vm11, v17, v12;
	v17 =	vld [tilespmem:$0x1A10]  }
0x91: {  	vm15 =	veq.s32 v8, $0x2;
	v16 =	vnsel vm13, $0xBF800000, v18;
	v13 =	vsel vm12, v20, v11;
	v20 =	vld [tilespmem:$0x1A30]  }
0x92: {  	v12 =	vsel vm12, v21, v12;
	v0 =	vsel vm14, v23, v16;
	v21 =	vnsel vm13, $0xBF800000, v19;
	v23 =	vld [tilespmem:$0x1A50]  }
0x93: {  	vm4 =	veq.s32 v8, $0x3;
	v0 =	vsel vm15, v25, v0;
	v11 =	vsel vm14, v24, v21;
	v25 =	vld [tilespmem:$0x1A70]  }
0x94: {  	vm5 =	veq.s32 v1, $0x0;
	vm6 =	veq.s32 v1, $0x1;
	v26 =	vsel vm15, v26, v11;
	v8 =	vld [tilespmem:$0xA80]  }
0x95: {  	vm7 =	veq.s32 v1, $0x2;
	v28 =	vnsel vm5, $0xBF800000, v28;
	v19 =	vsel vm4, v31, v26;
	v31 =	vld [tilespmem:$0x1A80]  }
0x96: {  	v16 =	vsel vm4, v33, v0;
	v0 =	vsel vm6, v34, v28;
	v33 =	vnsel vm5, $0xBF800000, v27;
	v34 =	vld [tilespmem:$0x1AA0]  }
0x97: {  	vm8 =	veq.s32 v1, $0x3;
	vm9 =	veq.s32 v29, $0x0;
	v11 =	vsel vm6, v35, v33;
	v35 =	vld [tilespmem:$0x1AC0]  }
0x98: {  	vm10 =	veq.s32 v29, $0x1;
	v0 =	vsel vm7, v36, v0;
	v36 =	vsel vm7, v37, v11;
	v37 =	vld [tilespmem:$0x1AE0]  }
0x99: {  	v40 =	vnsel vm9, $0xBF800000, v40;
	v0 =	vsel vm8, v43, v0;
	v11 =	vsel vm8, v41, v36;
	v41 =	vld [tilespmem:$0x1A90]  }
0x9a: {  	v43 =	vnsel vm9, $0xBF800000, v39;
	[tilespmem:$0x1FCB0] =	vst v0;
	v0 =	vsel vm10, v44, v40;
	v44 =	vld [tilespmem:$0x1AB0]  }
0x9b: {  	vm11 =	veq.s32 v29, $0x2;
	v1 =	vsel vm10, v45, v43;
	v45 =	vld [tilespmem:$0x1AD0]  }
0x9c: {  	v0 =	vsel vm11, v46, v0;
	v46 =	vsel vm11, v47, v1;
	v47 =	vld [tilespmem:$0x1AF0]  }
0x9d: {  	vm12 =	veq.s32 v29, $0x3;
	v29 =	vld [tilespmem:$0xB00]  }
0x9e: {  	v18 =	vld [tilespmem:$0x1B60]  }
0x9f: {  	v24 =	vld [tilespmem:$0x1F6C0]  }
0xa0: {  	v26 =	vld [tilespmem:$0x1F6D0]  }
0xa1: {  	v27 =	vld [tilespmem:$0x1F6E0]  }
0xa2: {  	v28 =	vld [tilespmem:$0x1B50]  }
0xa3: {  	v33 =	vld [tilespmem:$0x1F700]  }
0xa4: {  	v36 =	vld [tilespmem:$0x1F720]  }
0xa5: {  	v39 =	vld [tilespmem:$0x1F740]  }
0xa6: {  	v40 =	vld [tilespmem:$0x1B80]  }
0xa7: {  	vm5 =	veq.s32 v22, $0x0;
	v43 =	vld [tilespmem:$0x1F760]  }
0xa8: {  	v21 =	vnsel vm5, $0xBF800000, v56;
	v56 =	vld [tilespmem:$0x1F7D0]  }
0xa9: {  	vm6 =	veq.s32 v22, $0x1;
	vm7 =	veq.s32 v22, $0x2;
	vm8 =	veq.s32 v22, $0x3;
	v22 =	vld [tilespmem:$0x1BF0]  }
0xaa: {  	vm13 =	veq.s32 v42, $0x0;
	v0 =	vsel vm12, v62, v0;
	v62 =	vld [tilespmem:$0x1B40]  }
0xab: {  	v48 =	vnsel vm13, $0xBF800000, v48;
	[tilespmem:$0x1FD00] =	vst v0;
	v0 =	vsel vm12, v50, v46;
	v46 =	vld [tilespmem:$0x1F780]  }
0xac: {  	vm14 =	veq.s32 v42, $0x1;
	vm9 =	veq.s32 v7, $0x0;
	v50 =	vnsel vm13, $0xBF800000, v49;
	v49 =	vld [tilespmem:$0x1F7A0]  }
0xad: {  	vm10 =	veq.s32 v7, $0x1;
	vm11 =	veq.s32 v7, $0x2;
	vm12 =	veq.s32 v7, $0x3;
	v7 =	vld [tilespmem:$0x1F810]  }
0xae: {  	[tilespmem:$0x1FD30] =	vst v0;
	v0 =	vsel vm14, v51, v48;
	v51 =	vld [tilespmem:$0x1B00]  }
0xaf: {  	v48 =	vld [tilespmem:$0x1F790]  }
0xb0: {  	v1 =	vsel vm14, v52, v50;
	v50 =	vld [tilespmem:$0x1BE0]  }
0xb1: {  	vm15 =	veq.s32 v42, $0x2;
	v52 =	vld [tilespmem:$0x1F7B0]  }
0xb2: {  	v0 =	vsel vm15, v54, v0;
	v54 =	vld [tilespmem:$0x1B20]  }
0xb3: {  	[tilespmem:$0x1F9C0] =	vst v53;
	v53 =	vld [tilespmem:$0x1760]  }
0xb4: {  	[tilespmem:$0x1F9E0] =	vst v9;
	v9 =	vld [tilespmem:$0x1710]  }
0xb5: {  	[tilespmem:$0x1F9F0] =	vst v10;
	v10 =	vld [tilespmem:$0x1730]  }
0xb6: {  	[tilespmem:$0x1FA00] =	vst v15;
	v15 =	vld [tilespmem:$0x1750]  }
0xb7: {  	[tilespmem:$0x1FA10] =	vst v30;
	v30 =	vld [tilespmem:$0x1770]  }
0xb8: {  	[tilespmem:$0x1FA30] =	vst v38;
	v38 =	vld [tilespmem:$0x1780]  }
0xb9: {  	[tilespmem:$0x1F9A0] =	vst v5;
	v5 =	vld [tilespmem:$0x19F0]  }
0xba: {  	[tilespmem:$0x1FD80] =	vst v23;
	v23 =	vld [tilespmem:$0x1B10]  }
0xbb: {  	[tilespmem:$0x1FD90] =	vst v25;
	v25 =	vld [tilespmem:$0x1B30]  }
0xbc: {  	[tilespmem:$0x1FDA0] =	vst v31;
	v31 =	vld [tilespmem:$0x1F6F0]  }
0xbd: {  	[tilespmem:$0x1FDB0] =	vst v34;
	v34 =	vld [tilespmem:$0x1B70]  }
0xbe: {  	[tilespmem:$0x1FDD0] =	vst v35;
	v35 =	vld [tilespmem:$0x1F710]  }
0xbf: {  	[tilespmem:$0x1FDF0] =	vst v37;
	v37 =	vld [tilespmem:$0x1F730]  }
0xc0: {  	[tilespmem:$0x1FDC0] =	vst v41;
	v41 =	vld [tilespmem:$0x1F750]  }
0xc1: {  	[tilespmem:$0x1FDE0] =	vst v44;
	v44 =	vld [tilespmem:$0x1BA0]  }
0xc2: {  	[tilespmem:$0x1FE00] =	vst v45;
	v45 =	vld [tilespmem:$0x1F770]  }
0xc3: {  	vm4 =	veq.s32 v42, $0x3;
	[tilespmem:$0x1FE10] =	vst v47;
	v47 =	vld [tilespmem:$0x1BC0]  }
0xc4: {  	v0 =	vsel vm4, v59, v0;
	v59 =	vsel vm15, v55, v1;
	v55 =	vld [tilespmem:$0x1B90]  }
0xc5: {  	v1 =	vsel vm6, v61, v21;
	v61 =	vld [tilespmem:$0x1F800]  }
0xc6: {  	[tilespmem:$0x1FE70] =	vst v18;
	v18 =	vld [tilespmem:$0x1F820]  }
0xc7: {  	[tilespmem:$0x1FE80] =	vst v28;
	v28 =	vld [tilespmem:$0x1F860]  }
0xc8: {  	[tilespmem:$0x1FEA0] =	vst v40;
	v40 =	vld [tilespmem:$0x1F8B0]  }
0xc9: {  	[tilespmem:$0x1FD50] =	vst v0;
	v0 =	vsel vm4, v58, v59;
	v58 =	vld [tilespmem:$0xB80]  }
0xca: {  	vm13 =	veq.s32 v32, $0x0;
	v59 =	vld [tilespmem:$0x1BB0]  }
0xcb: {  	vm14 =	veq.s32 v32, $0x1;
	vm15 =	veq.s32 v32, $0x2;
	vm4 =	veq.s32 v32, $0x3;
	v32 =	vld [tilespmem:$0x1F870]  }
0xcc: {  	[tilespmem:$0x1FF10] =	vst v22;
	v22 =	vld [tilespmem:$0x1F9A0]  }
0xcd: {  	[tilespmem:$0x1FEF0] =	vst v50;
	v50 =	vld [tilespmem:$0x1F910]  }
0xce: {  	[tilespmem:$0x1FE30] =	vst v54;
	v54 =	vld [tilespmem:$0x1F7C0]  }
0xcf: {  	[tilespmem:$0x1FA50] =	vst v53;
	v53 =	vld [tilespmem:$0x780]  }
0xd0: {  	[tilespmem:$0x1FA20] =	vst v9;
	v9 =	vld [tilespmem:$0x17A0]  }
0xd1: {  	[tilespmem:$0x1FA40] =	vst v10;
	v10 =	vld [tilespmem:$0x17C0]  }
0xd2: {  	[tilespmem:$0x1FA60] =	vst v15;
	v15 =	vld [tilespmem:$0x17E0]  }
0xd3: {  	[tilespmem:$0x1FA70] =	vst v30;
	v30 =	vld [tilespmem:$0x1790]  }
0xd4: {  	[tilespmem:$0x1FA80] =	vst v38;
	v38 =	vld [tilespmem:$0x17B0]  }
0xd5: {  	[tilespmem:$0x1FD10] =	vst v5;
	v5 =	vld [tilespmem:$0x1A00]  }
0xd6: {  	[tilespmem:$0x1FE60] =	vst v25;
	v25 =	vld [tilespmem:$0x1F830]  }
0xd7: {  	[tilespmem:$0x1FE90] =	vst v34;
	v34 =	vld [tilespmem:$0x1F880]  }
0xd8: {  	[tilespmem:$0x1FEB0] =	vst v44;
	v44 =	vld [tilespmem:$0x1F8D0]  }
0xd9: {  	[tilespmem:$0x1FED0] =	vst v47;
	v47 =	vld [tilespmem:$0x1F8F0]  }
0xda: {  	[tilespmem:$0x1FEC0] =	vst v55;
	v55 =	vld [tilespmem:$0x1F930]  }
0xdb: {  	[tilespmem:$0x1FEE0] =	vst v59;
	v59 =	vld [tilespmem:$0x1F950]  }
0xdc: {  	[tilespmem:$0x1FA90] =	vst v9;
	v9 =	vld [tilespmem:$0x17D0]  }
0xdd: {  	[tilespmem:$0x1FAB0] =	vst v10;
	v10 =	vld [tilespmem:$0x17F0]  }
0xde: {  	[tilespmem:$0x1FAC0] =	vst v38;
	v38 =	vld [tilespmem:$0x800]  }
0xdf: {  	[tilespmem:$0x1FAA0] =	vst v30;
	v30 =	vld [tilespmem:$0x1820]  }
0xe0: {  	[tilespmem:$0x1FAD0] =	vst v15;
	v15 =	vld [tilespmem:$0x1800]  }
0xe1: {  	[tilespmem:$0x1FD20] =	vst v5;
	v5 =	vld [tilespmem:$0x1A20]  }
0xe2: {  	[tilespmem:$0x1FAE0] =	vst v9;
	v9 =	vld [tilespmem:$0x1840]  }
0xe3: {  	[tilespmem:$0x1FAF0] =	vst v10;
	v10 =	vld [tilespmem:$0x1860]  }
0xe4: {  	[tilespmem:$0x1FB10] =	vst v30;
	v30 =	vld [tilespmem:$0x1830]  }
0xe5: {  	[tilespmem:$0x1FB00] =	vst v15;
	v15 =	vld [tilespmem:$0x1810]  }
0xe6: {  	[tilespmem:$0x1FD40] =	vst v5;
	v5 =	vld [tilespmem:$0x1A40]  }
0xe7: {  	[tilespmem:$0x1FB30] =	vst v9;
	v9 =	vld [tilespmem:$0x1850]  }
0xe8: {  	[tilespmem:$0x1FB50] =	vst v10;
	v10 =	vld [tilespmem:$0x1870]  }
0xe9: {  	[tilespmem:$0x1FB40] =	vst v30;
	v30 =	vld [tilespmem:$0x880]  }
0xea: {  	[tilespmem:$0x1FB20] =	vst v15;
	v15 =	vld [tilespmem:$0x1880]  }
0xeb: {  	[tilespmem:$0x1FD60] =	vst v5;
	v5 =	vnsel vm5, $0xBF800000, v57;
	v57 =	vld [tilespmem:$0x1F7E0]  }
0xec: {  	[tilespmem:$0x1FD70] =	vst v0;
	v0 =	vsel vm6, v60, v5;
	v60 =	vld [tilespmem:$0x1F7F0]  }
0xed: {  	v5 =	vld [tilespmem:$0x1BD0];
	v0 =	vsel vm7, v24, v0  }
0xee: {  	v42 =	vsel vm8, v26, v0;
	v26 =	vld [tilespmem:$0x1F840]  }
0xef: {  	v0 =	vsel vm7, v27, v1;
	v27 =	vld [tilespmem:$0x1F850]  }
0xf0: {  	v1 =	vnsel vm9, $0xBF800000, v36;
	v36 =	vld [tilespmem:$0x1F890]  }
0xf1: {  	[tilespmem:$0x1FE20] =	vst v51;
	v51 =	vsel vm8, v31, v0;
	v31 =	vld [tilespmem:$0x1C00]  }
0xf2: {  	vm5 =	veq.s32 v2, $0x0;
	v1 =	vsel vm10, v39, v1;
	v39 =	vld [tilespmem:$0x1C40]  }
0xf3: {  	vm6 =	veq.s32 v2, $0x1;
	vm7 =	veq.s32 v2, $0x2;
	vm8 =	veq.s32 v2, $0x3;
	v2 =	vld [tilespmem:$0xC80]  }
0xf4: {  	[tilespmem:$0x2380] =	vst v42;
	v42 =	vld [tilespmem:$0x1FDA0]  }
0xf5: {  	[tilespmem:$0x1FB60] =	vst v9;
	v9 =	vld [tilespmem:$0x18A0]  }
0xf6: {  	[tilespmem:$0x1FB70] =	vst v10;
	v10 =	vld [tilespmem:$0x18C0]  }
0xf7: {  	v0 =	vnsel vm9, $0xBF800000, v33;
	[tilespmem:$0x1FB80] =	vst v15;
	v15 =	vld [tilespmem:$0x18E0]  }
0xf8: {  	v0 =	vsel vm10, v35, v0;
	v35 =	vld [tilespmem:$0x1C20]  }
0xf9: {  	[tilespmem:$0x2390] =	vst v51;
	v51 =	vld [tilespmem:$0x1E50]  }
0xfa: {  	[tilespmem:$0x1FF00] =	vst v5;
	v5 =	vld [tilespmem:$0xC00]  }
0xfb: {  	v0 =	vsel vm11, v37, v0;
	v37 =	vld [tilespmem:$0x1F8A0]  }
0xfc: {  	v21 =	vsel vm12, v41, v0;
	v41 =	vld [tilespmem:$0x1F8C0]  }
0xfd: {  	v0 =	vsel vm11, v43, v1;
	v43 =	vld [tilespmem:$0x1C60]  }
0xfe: {  	v1 =	vnsel vm13, $0xBF800000, v49;
	v49 =	vld [tilespmem:$0x1C30]  }
0xff: {  	[tilespmem:$0x1FE50] =	vst v62;
	v62 =	vsel vm12, v45, v0;
	v45 =	vld [tilespmem:$0x1F8E0]  }
0x100: {  	v0 =	vnsel vm13, $0xBF800000, v46;
	v46 =	vld [tilespmem:$0x1C10]  }
0x101: {  	v1 =	vsel vm14, v54, v1;
	v54 =	vld [tilespmem:$0x1C50]  }
0x102: {  	[tilespmem:$0x2400] =	vst v21;
	v21 =	vld [tilespmem:$0x1FDD0]  }
0x103: {  	v0 =	vsel vm14, v48, v0;
	v48 =	vld [tilespmem:$0x1F900]  }
0x104: {  	[tilespmem:$0x1FF50] =	vst v39;
	v39 =	vld [tilespmem:$0x1FA00]  }
0x105: {  	[tilespmem:$0x2410] =	vst v62;
	v62 =	vld [tilespmem:$0x1FE00]  }
0x106: {  	[tilespmem:$0x1FB90] =	vst v9;
	v9 =	vld [tilespmem:$0x1890]  }
0x107: {  	[tilespmem:$0x1FBB0] =	vst v10;
	v10 =	vld [tilespmem:$0x18B0]  }
0x108: {  	[tilespmem:$0x1FBD0] =	vst v15;
	v15 =	vld [tilespmem:$0x18D0]  }
0x109: {  	v0 =	vsel vm15, v52, v0;
	v52 =	vld [tilespmem:$0x1F920]  }
0x10a: {  	[tilespmem:$0x1FF30] =	vst v35;
	v35 =	vld [tilespmem:$0x1F9E0]  }
0x10b: {  	[tilespmem:$0x1FE40] =	vst v23;
	v23 =	vsel vm4, v56, v0;
	v56 =	vld [tilespmem:$0x1F940]  }
0x10c: {  	v0 =	vsel vm15, v57, v1;
	v57 =	vld [tilespmem:$0x1C70]  }
0x10d: {  	v1 =	vnsel vm5, $0xBF800000, v18;
	v18 =	vld [tilespmem:$0x1F990]  }
0x10e: {  	v24 =	vsel vm4, v60, v0;
	v60 =	vld [tilespmem:$0x1F960]  }
0x10f: {  	vm13 =	veq.s32 v4, $0x0;
	v0 =	vnsel vm5, $0xBF800000, v61;
	v61 =	vld [tilespmem:$0x1F970]  }
0x110: {  	vm14 =	veq.s32 v4, $0x1;
	vm15 =	veq.s32 v4, $0x2;
	vm4 =	veq.s32 v4, $0x3;
	v4 =	vld [tilespmem:$0x1F980]  }
0x111: {  	v1 =	vsel vm6, v26, v1;
	v26 =	vld [tilespmem:$0x1CA0]  }
0x112: {  	[tilespmem:$0x1FF60] =	vst v49;
	v49 =	vld [tilespmem:$0x1D10]  }
0x113: {  	[tilespmem:$0x2480] =	vst v23;
	v23 =	vld [tilespmem:$0x1FE20]  }
0x114: {  	v0 =	vsel vm6, v7, v0;
	v7 =	vld [tilespmem:$0x1C80]  }
0x115: {  	vm5 =	veq.s32 v63, $0x0;
	[tilespmem:$0x2490] =	vst v24;
	v24 =	vld [tilespmem:$0x1FE30]  }
0x116: {  	v0 =	vsel vm7, v25, v0;
	v25 =	vnsel vm5, $0xBF800000, v22;
	v22 =	vld [tilespmem:$0x1FAB0]  }
0x117: {  	[tilespmem:$0x1FBA0] =	vst v9;
	v9 =	vld [tilespmem:$0x18F0]  }
0x118: {  	[tilespmem:$0x1FBE0] =	vst v15;
	v15 =	vld [tilespmem:$0x900]  }
0x119: {  	[tilespmem:$0x1FBC0] =	vst v10;
	v10 =	vld [tilespmem:$0x1900]  }
0x11a: {  	v33 =	vsel vm8, v27, v0;
	v27 =	vld [tilespmem:$0x1F9B0]  }
0x11b: {  	vm9 =	veq.s32 v3, $0x0;
	v0 =	vsel vm7, v28, v1;
	v28 =	vld [tilespmem:$0x1F9C0]  }
0x11c: {  	v1 =	vnsel vm9, $0xBF800000, v37;
	v37 =	vld [tilespmem:$0x1F9F0]  }
0x11d: {  	[tilespmem:$0x1FF20] =	vst v31;
	v31 =	vsel vm8, v32, v0;
	v32 =	vld [tilespmem:$0x1CC0]  }
0x11e: {  	vm10 =	veq.s32 v3, $0x1;
	v0 =	vnsel vm9, $0xBF800000, v34;
	v34 =	vld [tilespmem:$0x1F9D0]  }
0x11f: {  	v1 =	vsel vm10, v41, v1;
	v41 =	vld [tilespmem:$0x1FA20]  }
0x120: {  	[tilespmem:$0x1FF90] =	vst v57;
	v57 =	vld [tilespmem:$0x1FA50]  }
0x121: {  	vm6 =	veq.s32 v63, $0x1;
	vm7 =	veq.s32 v63, $0x2;
	vm8 =	veq.s32 v63, $0x3;
	v63 =	vld [tilespmem:$0x1FA70]  }
0x122: {  	[tilespmem:$0x2500] =	vst v33;
	v33 =	vld [tilespmem:$0x1FE50]  }
0x123: {  	v0 =	vsel vm10, v36, v0;
	v36 =	vld [tilespmem:$0x1CE0]  }
0x124: {  	[tilespmem:$0x1FFB0] =	vst v26;
	v26 =	vld [tilespmem:$0x1FAD0]  }
0x125: {  	vm11 =	veq.s32 v3, $0x2;
	[tilespmem:$0x2510] =	vst v31;
	v31 =	vld [tilespmem:$0x1FE70]  }
0x126: {  	v0 =	vsel vm11, v40, v0;
	v40 =	vld [tilespmem:$0x1FA10]  }
0x127: {  	[tilespmem:$0x1FFA0] =	vst v7;
	v7 =	vld [tilespmem:$0x1FAA0]  }
0x128: {  	vm12 =	veq.s32 v3, $0x3;
	[tilespmem:$0x1FBF0] =	vst v9;
	v9 =	vld [tilespmem:$0x1920]  }
0x129: {  	v44 =	vsel vm12, v44, v0;
	v0 =	vsel vm11, v45, v1;
	[tilespmem:$0x1FC00] =	vst v10;
	v10 =	vld [tilespmem:$0x1940]  }
0x12a: {  	[tilespmem:$0x1FF70] =	vst v43;
	v1 =	vnsel vm13, $0xBF800000, v52;
	v43 =	vsel vm12, v47, v0;
	v0 =	vnsel vm13, $0xBF800000, v48;
	v48 =	vld [tilespmem:$0x1CB0]  }
0x12b: {  	vm9 =	veq.s32 v6, $0x0;
	v1 =	vsel vm14, v56, v1;
	v56 =	vld [tilespmem:$0x1CD0]  }
0x12c: {  	vm10 =	veq.s32 v6, $0x1;
	vm11 =	veq.s32 v6, $0x2;
	vm12 =	veq.s32 v6, $0x3;
	v6 =	vld [tilespmem:$0x1FA90]  }
0x12d: {  	v3 =	vsel vm6, v28, v25;
	v25 =	vld [tilespmem:$0x1FAC0]  }
0x12e: {  	v28 =	vld [tilespmem:$0x1FAF0]  }
0x12f: {  	[tilespmem:$0x2580] =	vst v44;
	v44 =	vld [tilespmem:$0x1FE90]  }
0x130: {  	v0 =	vsel vm14, v50, v0;
	v50 =	vld [tilespmem:$0x1FA30]  }
0x131: {  	[tilespmem:$0x1FFC0] =	vst v32;
	v32 =	vld [tilespmem:$0x1FB00]  }
0x132: {  	v47 =	vnsel vm9, $0xBF800000, v41;
	v41 =	vld [tilespmem:$0x1D60]  }
0x133: {  	[tilespmem:$0x2590] =	vst v43;
	v43 =	vld [tilespmem:$0x1FEB0]  }
0x134: {  	v0 =	vsel vm15, v55, v0;
	v55 =	vld [tilespmem:$0x1FA40]  }
0x135: {  	[tilespmem:$0x1FF40] =	vst v46;
	v46 =	vsel vm4, v59, v0;
	v0 =	vsel vm15, v60, v1;
	v60 =	vld [tilespmem:$0x1C90]  }
0x136: {  	v59 =	vld [tilespmem:$0x1FA60]  }
0x137: {  	v45 =	vsel vm4, v61, v0;
	v61 =	vld [tilespmem:$0x1CF0]  }
0x138: {  	vm13 =	veq.s32 v53, $0x0;
	v0 =	vnsel vm5, $0xBF800000, v4;
	v4 =	vld [tilespmem:$0x1FA80]  }
0x139: {  	vm14 =	veq.s32 v53, $0x1;
	vm15 =	veq.s32 v53, $0x2;
	vm4 =	veq.s32 v53, $0x3;
	v53 =	vld [tilespmem:$0x1FB50]  }
0x13a: {  	[tilespmem:$0x2600] =	vst v46;
	v46 =	vld [tilespmem:$0x1FED0]  }
0x13b: {  	[tilespmem:$0x1FC10] =	vst v9;
	v9 =	vld [tilespmem:$0x1960]  }
0x13c: {  	[tilespmem:$0x1FC30] =	vst v10;
	v10 =	vld [tilespmem:$0x1910]  }
0x13d: {  	v0 =	vsel vm6, v18, v0;
	v18 =	vnsel vm13, $0xBF800000, v7;
	v7 =	vld [tilespmem:$0x1FB90]  }
0x13e: {  	v0 =	vsel vm7, v27, v0;
	v27 =	vld [tilespmem:$0x1FAE0]  }
0x13f: {  	[tilespmem:$0x1FF80] =	vst v54;
	v54 =	vsel vm8, v34, v0;
	v34 =	vld [tilespmem:$0x1FB10]  }
0x140: {  	v0 =	vsel vm7, v35, v3;
	v35 =	vld [tilespmem:$0x1FB20]  }
0x141: {  	[tilespmem:$0x1FC20] =	vst v10;
	v10 =	vld [tilespmem:$0x1950]  }
0x142: {  	v3 =	vsel vm10, v55, v47;
	v47 =	vld [tilespmem:$0x1FB30]  }
0x143: {  	v55 =	vld [tilespmem:$0x1FB60];
	v52 =	vsel vm8, v37, v0;
	v0 =	vnsel vm9, $0xBF800000, v39  }
0x144: {  	v0 =	vsel vm10, v40, v0;
	[tilespmem:$0x1FC50] =	vst v9;
	v9 =	vld [tilespmem:$0x1930]  }
0x145: {  	v0 =	vsel vm11, v50, v0;
	v50 =	vld [tilespmem:$0x1FB40]  }
0x146: {  	[tilespmem:$0x1FC60] =	vst v10;
	v10 =	vld [tilespmem:$0x1980]  }
0x147: {  	v57 =	vsel vm12, v57, v0;
	v0 =	vsel vm11, v59, v3;
	v3 =	vsel vm14, v25, v18;
	v18 =	vld [tilespmem:$0x1FBA0]  }
0x148: {  	v25 =	vld [tilespmem:$0x1FBB0]  }
0x149: {  	[tilespmem:$0x1FFE0] =	vst v56;
	vm9 =	veq.s32 v30, $0x0;
	v56 =	vsel vm12, v63, v0;
	v63 =	vld [tilespmem:$0x1FB70]  }
0x14a: {  	vm10 =	veq.s32 v30, $0x1;
	vm11 =	veq.s32 v30, $0x2;
	vm12 =	veq.s32 v30, $0x3;
	v30 =	vld [tilespmem:$0x1FBD0]  }
0x14b: {  	v0 =	vnsel vm13, $0xBF800000, v4;
	[tilespmem:$0x1FC80] =	vst v10;
	v10 =	vld [tilespmem:$0x19A0]  }
0x14c: {  	[tilespmem:$0x1FFD0] =	vst v36;
	vm5 =	veq.s32 v38, $0x0;
	v0 =	vsel vm14, v6, v0;
	v6 =	vld [tilespmem:$0x1FB80]  }
0x14d: {  	vm6 =	veq.s32 v38, $0x1;
	v36 =	vnsel vm5, $0xBF800000, v35;
	v0 =	vsel vm15, v22, v0;
	[tilespmem:$0x1FC40] =	vst v9;
	v9 =	vld [tilespmem:$0x1970]  }
0x14e: {  	[tilespmem:$0x1FFF0] =	vst v61;
	v61 =	vsel vm4, v26, v0;
	v0 =	vsel vm15, v27, v3;
	v3 =	vsel vm6, v50, v36;
	v36 =	vld [tilespmem:$0x1FC00]  }
0x14f: {  	v59 =	vsel vm4, v28, v0;
	v28 =	vld [tilespmem:$0x1FBC0]  }
0x150: {  	v0 =	vnsel vm5, $0xBF800000, v32;
	[tilespmem:$0x1FC90] =	vst v10;
	v10 =	vld [tilespmem:$0x19C0]  }
0x151: {  	vm7 =	veq.s32 v38, $0x2;
	v32 =	vld [tilespmem:$0x1FBE0];
	v0 =	vsel vm6, v34, v0  }
0x152: {  	vm8 =	veq.s32 v38, $0x3;
	v34 =	vld [tilespmem:$0x1FBF0];
	v0 =	vsel vm7, v47, v0  }
0x153: {  	v26 =	vsel vm8, v53, v0;
	v0 =	vsel vm7, v55, v3;
	[tilespmem:$0x1FC70] =	vst v9;
	v9 =	vld [tilespmem:$0x980]  }
0x154: {  	v27 =	vsel vm8, v63, v0;
	v63 =	vld [tilespmem:$0x1FC10]  }
0x155: {  	[tilespmem:$0x1FCC0] =	vst v10;
	v10 =	vld [tilespmem:$0x19E0]  }
0x156: {  	v22 =	vnsel vm9, $0xBF800000, v18;
	v0 =	vnsel vm9, $0xBF800000, v6;
	v6 =	vld [tilespmem:$0x1FC20]  }
0x157: {  	v0 =	vsel vm10, v7, v0;
	v3 =	vsel vm10, v28, v22;
	v22 =	vld [tilespmem:$0x1FC30]  }
0x158: {  	v28 =	vld [tilespmem:$0x1FC40];
	v0 =	vsel vm11, v25, v0  }
0x159: {  	vm13 =	veq.s32 v15, $0x0;
	v18 =	vsel vm12, v30, v0;
	v0 =	vsel vm11, v32, v3;
	v30 =	vld [tilespmem:$0x1FC50]  }
0x15a: {  	vm14 =	veq.s32 v15, $0x1;
	v25 =	vsel vm12, v34, v0;
	v0 =	vnsel vm13, $0xBF800000, v36;
	[tilespmem:$0x1FCE0] =	vst v10;
	v10 =	vld [tilespmem:$0x1990]  }
0x15b: {  	v0 =	vsel vm14, v63, v0;
	v63 =	vld [tilespmem:$0x1FC60]  }
0x15c: {  	v7 =	vnsel vm13, $0xBF800000, v6;
	v6 =	vld [tilespmem:$0x1FC70]  }
0x15d: {  	v39 =	vld [tilespmem:$0x1D00]  }
0x15e: {  	vm15 =	veq.s32 v15, $0x2;
	v3 =	vsel vm14, v28, v7;
	v7 =	vld [tilespmem:$0x1FC80]  }
0x15f: {  	vm4 =	veq.s32 v15, $0x3;
	v0 =	vsel vm15, v22, v0;
	[tilespmem:$0x1FCA0] =	vst v10;
	v10 =	vld [tilespmem:$0x19B0]  }
0x160: {  	[tilespmem:$0x2110] =	vst v12;
	v12 =	vld [tilespmem:$0x1FC90];
	v15 =	vsel vm4, v30, v0;
	v0 =	vsel vm15, v63, v3  }
0x161: {  	[tilespmem:$0x2180] =	vst v16;
	vm5 =	veq.s32 v9, $0x0;
	v16 =	vsel vm4, v6, v0;
	v6 =	vld [tilespmem:$0x1FCC0]  }
0x162: {  	vm6 =	veq.s32 v9, $0x1;
	vm7 =	veq.s32 v9, $0x2;
	vm8 =	veq.s32 v9, $0x3;
	v9 =	vld [tilespmem:$0x1FCE0]  }
0x163: {  	[tilespmem:$0x2100] =	vst v13;
	v13 =	vld [tilespmem:$0x1FCA0]  }
0x164: {  	v0 =	vnsel vm5, $0xBF800000, v7;
	[tilespmem:$0x1FCD0] =	vst v10;
	v10 =	vld [tilespmem:$0x19D0]  }
0x165: {  	v37 =	vld [tilespmem:$0x1D40];
	v0 =	vsel vm6, v12, v0  }
0x166: {  	v0 =	vsel vm7, v6, v0;
	v7 =	vld [tilespmem:$0x1FCD0]  }
0x167: {  	v12 =	vsel vm8, v9, v0;
	v9 =	vld [tilespmem:$0x1FD30]  }
0x168: {  	[tilespmem:$0x2190] =	vst v19;
	v19 =	vnsel vm5, $0xBF800000, v13;
	v13 =	vld [tilespmem:$0x1FD00]  }
0x169: {  	[tilespmem:$0x1FCF0] =	vst v10;
	v10 =	vld [tilespmem:$0xA00]  }
0x16a: {  	[tilespmem:$0x2210] =	vst v11;
	v11 =	vld [tilespmem:$0x1FCF0]  }
0x16b: {  	v3 =	vsel vm6, v7, v19;
	v19 =	vld [tilespmem:$0x1FD10]  }
0x16c: {  	v7 =	vld [tilespmem:$0x1FD20]  }
0x16d: {  	v38 =	vld [tilespmem:$0x1D50]  }
0x16e: {  	v40 =	vld [tilespmem:$0x1D20]  }
0x16f: {  	[tilespmem:$0x2690] =	vst v52;
	v52 =	vld [tilespmem:$0x1FF30]  }
0x170: {  	[tilespmem:$0x2290] =	vst v9;
	vm9 =	veq.s32 v10, $0x0;
	vm10 =	veq.s32 v10, $0x1;
	v0 =	vsel vm7, v11, v3;
	v11 =	vld [tilespmem:$0x1FD40]  }
0x171: {  	v9 =	vld [tilespmem:$0x1FD50];
	[tilespmem:$0x2280] =	vst v13;
	v13 =	vsel vm8, v19, v0;
	v0 =	vnsel vm9, $0xBF800000, v7;
	v7 =	vnsel vm9, $0xBF800000, v17  }
0x172: {  	v3 =	vsel vm10, v20, v7;
	v7 =	vld [tilespmem:$0x1FD70]  }
0x173: {  	v4 =	vld [tilespmem:$0xD00]  }
0x174: {  	v35 =	vld [tilespmem:$0xD80]  }
0x175: {  	v0 =	vsel vm10, v11, v0;
	v11 =	vld [tilespmem:$0x1FD60]  }
0x176: {  	[tilespmem:$0x2300] =	vst v9;
	v9 =	vld [tilespmem:$0x1FD80]  }
0x177: {  	[tilespmem:$0x2310] =	vst v7;
	v7 =	vld [tilespmem:$0x1FDB0]  }
0x178: {  	[tilespmem:$0x2700] =	vst v57;
	v57 =	vld [tilespmem:$0x1FF50]  }
0x179: {  	[tilespmem:$0x2710] =	vst v56;
	v56 =	vld [tilespmem:$0x1FF70];
	vm13 =	veq.s32 v8, $0x0;
	vm11 =	veq.s32 v10, $0x2  }
0x17a: {  	v50 =	vld [tilespmem:$0x1D30];
	vm14 =	veq.s32 v8, $0x1;
	vm12 =	veq.s32 v10, $0x3;
	v0 =	vsel vm11, v11, v0  }
0x17b: {  	v3 =	vsel vm11, v9, v3;
	v9 =	vld [tilespmem:$0x1FDC0];
	v10 =	vsel vm12, v14, v0;
	v0 =	vnsel vm13, $0xBF800000, v42  }
0x17c: {  	v0 =	vsel vm14, v7, v0;
	v7 =	vld [tilespmem:$0x1FDE0]  }
0x17d: {  	[tilespmem:$0x2780] =	vst v61;
	v61 =	vld [tilespmem:$0x1FF90]  }
0x17e: {  	[tilespmem:$0x2790] =	vst v59;
	v59 =	vld [tilespmem:$0x1FFB0]  }
0x17f: {  	v47 =	vld [tilespmem:$0x1D70]  }
0x180: {  	v53 =	vld [tilespmem:$0x1D80];
	v1 =	vnsel vm13, $0xBF800000, v9  }
0x181: {  	v55 =	vld [tilespmem:$0x1DA0];
	vm15 =	veq.s32 v8, $0x2;
	vm5 =	veq.s32 v29, $0x0;
	v1 =	vsel vm14, v7, v1  }
0x182: {  	vm6 =	veq.s32 v29, $0x1;
	v9 =	vld [tilespmem:$0x1FDF0];
	v1 =	vsel vm15, v62, v1;
	v62 =	vnsel vm5, $0xBF800000, v23  }
0x183: {  	vm2 =	veq.s32 v29, $0x2;
	v62 =	vsel vm6, v24, v62;
	v24 =	vld [tilespmem:$0x1FE40]  }
0x184: {  	v33 =	vsel vm2, v33, v62;
	v62 =	vld [tilespmem:$0x1FE60]  }
0x185: {  	[tilespmem:$0x2800] =	vst v26;
	v26 =	vld [tilespmem:$0x1FFC0]  }
0x186: {  	v32 =	vld [tilespmem:$0x1D90]  }
0x187: {  	v34 =	vld [tilespmem:$0x1DC0];
	vm4 =	veq.s32 v8, $0x3;
	v0 =	vsel vm15, v21, v0  }
0x188: {  	v36 =	vld [tilespmem:$0x1DE0];
	vm7 =	veq.s32 v29, $0x3;
	v9 =	vsel vm4, v9, v0;
	v0 =	vnsel vm5, $0xBF800000, v24  }
0x189: {  	v0 =	vsel vm6, v62, v0;
	v62 =	vsel vm7, v31, v33;
	v33 =	vld [tilespmem:$0x1FE80]  }
0x18a: {  	[tilespmem:$0x2890] =	vst v25;
	v25 =	vld [tilespmem:$0x1FA0]  }
0x18b: {  	v22 =	vld [tilespmem:$0x1FCB0]  }
0x18c: {  	v28 =	vld [tilespmem:$0x1DF0]  }
0x18d: {  	v30 =	vld [tilespmem:$0x1DD0]  }
0x18e: {  	v0 =	vsel vm2, v33, v0;
	v33 =	vld [tilespmem:$0x1FEA0]  }
0x18f: {  	v63 =	vld [tilespmem:$0x1DB0]  }
0x190: {  	[tilespmem:$0x2200] =	vst v22;
	v22 =	vld [tilespmem:$0x1E00];
	vm8 =	veq.s32 v58, $0x0  }
0x191: {  	vm9 =	veq.s32 v58, $0x1;
	vm10 =	veq.s32 v58, $0x2;
	vm11 =	veq.s32 v58, $0x3;
	v58 =	vld [tilespmem:$0x1FEF0]  }
0x192: {  	v8 =	vld [tilespmem:$0xE80]  }
0x193: {  	[tilespmem:$0x2910] =	vst v16;
	v16 =	vld [tilespmem:$0x1F90];
	v33 =	vnsel vm8, $0xBF800000, v33  }
0x194: {  	v33 =	vsel vm9, v43, v33;
	v43 =	vld [tilespmem:$0x1FEC0]  }
0x195: {  	v33 =	vsel vm10, v46, v33;
	v46 =	vld [tilespmem:$0x1FEE0]  }
0x196: {  	[tilespmem:$0x2610] =	vst v45;
	v45 =	vsel vm11, v58, v33;
	v33 =	vld [tilespmem:$0x1FF00]  }
0x197: {  	v58 =	vld [tilespmem:$0x1FF10]  }
0x198: {  	v6 =	vld [tilespmem:$0xE00]  }
0x199: {  	v29 =	vld [tilespmem:$0x1EC0];
	v43 =	vnsel vm8, $0xBF800000, v43  }
0x19a: {  	v19 =	vld [tilespmem:$0x1E20];
	v43 =	vsel vm9, v46, v43  }
0x19b: {  	v11 =	vld [tilespmem:$0x1FD90];
	v33 =	vsel vm10, v33, v43  }
0x19c: {  	[tilespmem:$0x2680] =	vst v54;
	v54 =	vsel vm11, v58, v33;
	v33 =	vld [tilespmem:$0x1FF20]  }
0x19d: {  	v17 =	vld [tilespmem:$0x1E40]  }
0x19e: {  	v20 =	vld [tilespmem:$0x1E60]  }
0x19f: {  	[tilespmem:$0x2990] =	vst v13;
	v13 =	vld [tilespmem:$0x1FB0]  }
0x1a0: {  	v14 =	vld [tilespmem:$0x1E10];
	v11 =	vsel vm12, v11, v3;
	vm12 =	veq.s32 v5, $0x0  }
0x1a1: {  	v42 =	vld [tilespmem:$0x1E30];
	vm13 =	veq.s32 v5, $0x1;
	v58 =	vnsel vm12, $0xBF800000, v33  }
0x1a2: {  	vm14 =	veq.s32 v5, $0x2;
	v52 =	vsel vm13, v52, v58;
	v58 =	vld [tilespmem:$0x1FF40]  }
0x1a3: {  	vm15 =	veq.s32 v5, $0x3;
	v52 =	vsel vm14, v57, v52;
	v57 =	vld [tilespmem:$0x1FF60]  }
0x1a4: {  	v52 =	vsel vm15, v56, v52;
	v56 =	vld [tilespmem:$0x1FF80]  }
0x1a5: {  	v21 =	vld [tilespmem:$0x1E70]  }
0x1a6: {  	v3 =	vld [tilespmem:$0x1EB0]  }
0x1a7: {  	v7 =	vld [tilespmem:$0x1FE10];
	v58 =	vnsel vm12, $0xBF800000, v58  }
0x1a8: {  	v23 =	vld [tilespmem:$0x1E80];
	v57 =	vsel vm13, v57, v58  }
0x1a9: {  	v5 =	vld [tilespmem:$0x1F20];
	v56 =	vsel vm14, v56, v57  }
0x1aa: {  	v56 =	vsel vm15, v61, v56;
	v61 =	vld [tilespmem:$0x1FFA0]  }
0x1ab: {  	v24 =	vld [tilespmem:$0x1EA0]  }
0x1ac: {  	v31 =	vld [tilespmem:$0x1EE0]  }
0x1ad: {  	v7 =	vsel vm4, v7, v1;
	v1 =	vsel vm7, v44, v0;
	v44 =	vld [tilespmem:$0x1E90]  }
0x1ae: {  	vm4 =	veq.s32 v2, $0x0;
	vm5 =	veq.s32 v2, $0x1;
	v0 =	vld [tilespmem:$0x1F00]  }
0x1af: {  	vm6 =	veq.s32 v2, $0x2;
	vm7 =	veq.s32 v2, $0x3;
	v2 =	vld [tilespmem:$0x1F30];
	v58 =	vnsel vm4, $0xBF800000, v61  }
0x1b0: {  	v46 =	vld [tilespmem:$0x1ED0];
	v58 =	vsel vm5, v59, v58  }
0x1b1: {  	v26 =	vsel vm6, v26, v58;
	v58 =	vld [tilespmem:$0x1FFD0]  }
0x1b2: {  	vm8 =	veq.s32 v4, $0x0;
	v43 =	vld [tilespmem:$0x1EF0]  }
0x1b3: {  	vm9 =	veq.s32 v4, $0x1;
	vm10 =	veq.s32 v4, $0x2;
	vm11 =	veq.s32 v4, $0x3;
	v4 =	vld [tilespmem:$0x1F80]  }
0x1b4: {  	[tilespmem:$0x2B90] =	vst v54;
	v54 =	vld [tilespmem:$0x20D0];
	v59 =	vnsel vm4, $0xBF800000, v60  }
0x1b5: {  	v48 =	vsel vm5, v48, v59;
	v59 =	vld [tilespmem:$0x1FFE0]  }
0x1b6: {  	v26 =	vsel vm7, v58, v26;
	v58 =	vld [tilespmem:$0x1FFF0]  }
0x1b7: {  	v33 =	vld [tilespmem:$0xF00];
	vm12 =	veq.s32 v35, $0x0  }
0x1b8: {  	v53 =	vnsel vm12, $0xBF800000, v53;
	vm13 =	veq.s32 v35, $0x1;
	v57 =	vld [tilespmem:$0x1F40];
	vm14 =	veq.s32 v35, $0x2  }
0x1b9: {  	vm15 =	veq.s32 v35, $0x3;
	[tilespmem:$0x2C10] =	vst v56;
	v56 =	vld [tilespmem:$0x20F0];
	vm4 =	veq.s32 v6, $0x0;
	vm5 =	veq.s32 v6, $0x1  }
0x1ba: {  	[tilespmem:$0x2810] =	vst v27;
	v61 =	vld [tilespmem:$0x1F60];
	v27 =	vsel vm6, v59, v48;
	v59 =	vnsel vm8, $0xBF800000, v39;
	vm6 =	veq.s32 v6, $0x2  }
0x1bb: {  	[tilespmem:$0x2880] =	vst v18;
	v60 =	vld [tilespmem:$0x1F10];
	v18 =	vsel vm7, v58, v27;
	v58 =	vsel vm9, v40, v59;
	v59 =	vnsel vm8, $0xBF800000, v49  }
0x1bc: {  	v48 =	vld [tilespmem:$0x1F50];
	vm7 =	veq.s32 v6, $0x3;
	vm8 =	veq.s32 v8, $0x0;
	v37 =	vsel vm10, v37, v58  }
0x1bd: {  	[tilespmem:$0x2900] =	vst v15;
	v39 =	vld [tilespmem:$0x1F70];
	v49 =	vsel vm9, v50, v59;
	v58 =	vsel vm13, v55, v53;
	v59 =	vnsel vm12, $0xBF800000, v32  }
0x1be: {  	[tilespmem:$0x2B00] =	vst v62;
	v40 =	vld [tilespmem:$0xF80];
	v62 =	vnsel vm8, $0xBF800000, v23;
	vm9 =	veq.s32 v8, $0x1;
	vm12 =	veq.s32 v33, $0x0  }
0x1bf: {  	[tilespmem:$0x2980] =	vst v12;
	v27 =	vld [tilespmem:$0x1FC0];
	v15 =	vsel vm11, v41, v37;
	v50 =	vsel vm10, v38, v49;
	v34 =	vsel vm14, v34, v58  }
0x1c0: {  	[tilespmem:$0x2A00] =	vst v10;
	v6 =	vld [tilespmem:$0x1000];
	v37 =	vsel vm13, v63, v59;
	v41 =	vnsel vm4, $0xBF800000, v22;
	vm10 =	veq.s32 v8, $0x2  }
0x1c1: {  	[tilespmem:$0x2A80] =	vst v9;
	v32 =	vld [tilespmem:$0x1FE0];
	v0 =	vnsel vm12, $0xBF800000, v0;
	vm13 =	veq.s32 v33, $0x1;
	v35 =	vnsel vm12, $0xBF800000, v60  }
0x1c2: {  	[tilespmem:$0x2A10] =	vst v11;
	v53 =	vld [tilespmem:$0x1FF0];
	v12 =	vsel vm11, v47, v50;
	v10 =	vsel vm15, v36, v34;
	v38 =	vsel vm14, v30, v37  }
0x1c3: {  	[tilespmem:$0x2A90] =	vst v7;
	v59 =	vld [tilespmem:$0x2000];
	v49 =	vsel vm5, v19, v41;
	v50 =	vnsel vm4, $0xBF800000, v14;
	vm11 =	veq.s32 v8, $0x3  }
0x1c4: {  	[tilespmem:$0x2B10] =	vst v1;
	v63 =	vld [tilespmem:$0x2020];
	v0 =	vsel vm13, v5, v0;
	vm14 =	veq.s32 v33, $0x2;
	v2 =	vsel vm13, v2, v35  }
0x1c5: {  	[tilespmem:$0x2B80] =	vst v45;
	v47 =	vld [tilespmem:$0x1FD0];
	v9 =	vsel vm15, v28, v38;
	v7 =	vsel vm6, v17, v49;
	v11 =	vsel vm5, v42, v50  }
0x1c6: {  	[tilespmem:$0x2C00] =	vst v52;
	v30 =	vld [tilespmem:$0x2060];
	v17 =	vsel vm9, v24, v62;
	v24 =	vnsel vm8, $0xBF800000, v44;
	v0 =	vsel vm14, v57, v0  }
0x1c7: {  	[tilespmem:$0x2C80] =	vst v26;
	v34 =	vld [tilespmem:$0x2030];
	vm15 =	veq.s32 v33, $0x3;
	v2 =	vsel vm14, v48, v2;
	v55 =	vsel vm7, v20, v7  }
0x1c8: {  	[tilespmem:$0x2C90] =	vst v18;
	v36 =	vld [tilespmem:$0x2050];
	v58 =	vsel vm6, v51, v11;
	v17 =	vsel vm10, v29, v17;
	v3 =	vsel vm9, v3, v24  }
0x1c9: {  	[tilespmem:$0x2D00] =	vst v15;
	v37 =	vld [tilespmem:$0x2070];
	v0 =	vsel vm15, v61, v0;
	vm4 =	veq.s32 v40, $0x0;
	v2 =	vsel vm15, v39, v2  }
0x1ca: {  	v28 =	vld [tilespmem:$0x2040];
	[tilespmem:$0x2D10] =	vst v12;
	vm5 =	veq.s32 v40, $0x1;
	vm6 =	veq.s32 v40, $0x2;
	vm8 =	veq.s32 v6, $0x0  }
0x1cb: {  	v38 =	vld [tilespmem:$0x1080];
	[tilespmem:$0x2D80] =	vst v10;
	vm9 =	veq.s32 v6, $0x1;
	v7 =	vsel vm7, v21, v58;
	v17 =	vsel vm11, v31, v17  }
0x1cc: {  	v48 =	vld [tilespmem:$0x2090];
	[tilespmem:$0x2D90] =	vst v9;
	v3 =	vsel vm10, v46, v3;
	v4 =	vnsel vm4, $0xBF800000, v4;
	v42 =	vnsel vm4, $0xBF800000, v16  }
0x1cd: {  	v51 =	vld [tilespmem:$0x20B0];
	[tilespmem:$0x2E00] =	vst v55;
	vm7 =	veq.s32 v40, $0x3;
	vm10 =	veq.s32 v6, $0x2;
	v3 =	vsel vm11, v43, v3  }
0x1ce: {  	v31 =	vld [tilespmem:$0x2010];
	[tilespmem:$0x2F00] =	vst v0;
	v4 =	vsel vm5, v25, v4;
	v45 =	vsel vm5, v13, v42;
	v11 =	vnsel vm8, $0xBF800000, v59  }
0x1cf: {  	v41 =	vld [tilespmem:$0x2080];
	[tilespmem:$0x2F10] =	vst v2;
	vm11 =	veq.s32 v6, $0x3;
	v44 =	vsel vm6, v27, v4;
	v4 =	vsel vm6, v47, v45  }
0x1d0: {  	v43 =	vld [tilespmem:$0x20A0];
	[tilespmem:$0x2E10] =	vst v7;
	v49 =	vsel vm9, v63, v11;
	v1 =	vsel vm7, v32, v44;
	v4 =	vsel vm7, v53, v4  }
0x1d1: {  	v46 =	vld [tilespmem:$0x20C0];
	[tilespmem:$0x2E80] =	vst v17;
	v52 =	vsel vm10, v28, v49;
	vm12 =	veq.s32 v38, $0x0;
	vm13 =	veq.s32 v38, $0x1  }
0x1d2: {  	v47 =	vld [tilespmem:$0x20E0];
	[tilespmem:$0x2E90] =	vst v3;
	vm14 =	veq.s32 v38, $0x2;
	vm15 =	veq.s32 v38, $0x3;
	v59 =	vnsel vm12, $0xBF800000, v48  }
0x1d3: {  	v0 =	vsel vm11, v30, v52;
	[tilespmem:$0x2F80] =	vst v1;
	v50 =	vnsel vm8, $0xBF800000, v31;
	v61 =	vsel vm13, v51, v59  }
0x1d4: {  	v58 =	vnsel vm12, $0xBF800000, v41;
	[tilespmem:$0x2F90] =	vst v4;
	v53 =	vsel vm9, v34, v50;
	v62 =	vsel vm14, v54, v61  }
0x1d5: {  	[tilespmem:$0x3000] =	vst v0;
	v2 =	vsel vm13, v43, v58;
	v55 =	vsel vm10, v36, v53;
	v63 =	vsel vm15, v56, v62  }
0x1d6: {  	v60 =	vsel vm14, v46, v2;
	v57 =	vsel vm11, v37, v55;
	[tilespmem:$0x3090] =	vst v63  }
0x1d7: {  	p0 =	sne.s32 s7, $0x1;
	v0 =	vsel vm15, v47, v60;
	[tilespmem:$0x3010] =	vst v57  }
.Ltmp0:
0x1d8: {  	[tilespmem:$0x3080] =	vst v0;
	(pc) =	sbr.rel @p0 .LBB2_1-.Ltmp0, $4  }
0x1d9: {  	[hbm4b:s6+s2] =	stream.linear.scatter [tilespmem:s14], [sflag:$0x2], $0x1000, $0x38;
	[tilespmem:$0x3100] =	vst v63  }
0x1da: {  	_ =	swait.ge [sflag:s8], $0x1000  }
0x1db: {  	[sflag:s8] =	ssyncset.done $0x0  }
0x1dc: {  	s7 =	sadd.s32 $0xFFFFFFFF, s7;
	[sflag:s8] =	ssyncadd.s32 $0xFFFFF000  }
0x1dd: {  	_ =	sfence.sel $0x180000  }
0x1de: {  	[bflag:$0x0] =	sbarrier.arrive $0xFFFF  }
0x1df: {  	p0 =	sne.s32 s1, $0x0;
	_ =	strace $0x90000047  }
0x1e0: {  	s0 =	sadd.s32 @!p0 $0x100000, s0;
	[bflag:$0x2] =	sbarrier.arrive $0xFFFF  }
0x1e1: {  	[sflag:s0] =	ssyncadd.tile.s32 @!p0 $0x1;
	_ =	shalt  }
.Lfunc_end2:
_tile_overlayer_lowered:
.L_overlay_start_2:
0x1e2: {  	(tag) =	ssettag $0x2  }
0x1e3: {  	s0 =	rddreg [dreg:$0x0];
	s2 =	stileid.u32  }
0x1e4: {  	s1 =	rddreg [dreg:$0x1];
	p0 =	sne.s32 s2, $0x0  }
0x1e5: {  	s3 =	rddreg [dreg:$0x2];
	[bflag:$0x3] =	sbarrier.arrive $0xFFFF;
	s2 =	simm.s32 @!p0 $0x1C02  }
0x1e6: {  	[timem:s3], [sflag:s2] =	dma.local @!p0 [hbm:s0], s1  }
0x1e7: {  	s0 =	simm.s32 @!p0 $0x2  }
0x1e8: {  	_ =	swait.ge @!p0 [sflag:s0], s1  }
0x1e9: {  	s1 =	ssub.s32 @!p0 $0x0, s1;
	[sflag:s0] =	ssyncset.done @!p0 $0x0  }
0x1ea: {  	[sflag:s0] =	ssyncadd.s32 @!p0 s1  }
0x1eb: {  	[bflag:$0x3] =	sbarrier.arrive $0xFFFF  }
0x1ec: {  	_ =	shalt  }

</sc_bundles>
